<compile_context>
chip_gen: v7x
topology: tpu7x:2x2x1
jax: 0.10.2.dev20260603
libtpu: 0.0.44.dev20260713+nightly
codegen_flags: <defaults>
</compile_context>

<pallas_src>
import functools

import jax
import jax.numpy as jnp
from jax import lax
from jax.experimental import pallas as pl
from jax.experimental.pallas import tpu as pltpu
from jax.experimental.pallas import tpu_sc as plsc

N = 10000
DEG = 32
F = 128
GW = 4 * F

NC = 5
CN = N // NC
BC = CN * DEG

NB = 2000
CNT = CN // NB

NW = 32
RPW = BC // NW
CH = 400
NCHUNK = RPW // CH


def _sc_gather(table, idx_flat):
    mesh = plsc.VectorSubcoreMesh(core_axis_name="c", subcore_axis_name="s")

    @functools.partial(
        pl.kernel,
        mesh=mesh,
        out_type=jax.ShapeDtypeStruct((BC, F), jnp.float32),
        scratch_types=[
            pltpu.VMEM((CH,), jnp.int32),
            pltpu.VMEM((CH, F), jnp.float32),
            pltpu.SemaphoreType.DMA,
        ],
    )
    def gather_kernel(table_hbm, idx_hbm, out_hbm, idx_v, rows_v, sem):
        wid = lax.axis_index("s") * 2 + lax.axis_index("c")
        base = wid * RPW

        def body(k, carry):
            off = pl.multiple_of(base + k * CH, 8)
            pltpu.sync_copy(idx_hbm.at[pl.ds(off, CH)], idx_v)
            pltpu.async_copy(table_hbm.at[idx_v], rows_v, sem).wait()
            pltpu.sync_copy(rows_v, out_hbm.at[pl.ds(off, CH)])
            return carry

        lax.fori_loop(0, NCHUNK, body, 0)

    return gather_kernel(table, idx_flat)


def _lstm_step(xh_ref, c, wcat_ref, b_ref):
    gates = (
        jnp.dot(xh_ref[...], wcat_ref[...], preferred_element_type=jnp.float32)
        + b_ref[...]
    )
    tg = jnp.tanh(gates)
    ts = [tg[:, k * F:(k + 1) * F] for k in range(4)]
    i = 0.5 * ts[0] + 0.5
    f = 0.5 * ts[1] + 0.5
    g = ts[2]
    o = 0.5 * ts[3] + 0.5
    c2 = f * c + i * g
    h2 = o * jnp.tanh(c2)
    return h2, c2


def _layer1_body(g_ref, feat_ref, wcat_ref, wself_ref, wneigh_ref,
                 b_ref, bo_ref, out_ref, xh_ref, c_ref):
    t = pl.program_id(1)

    @pl.when(t == 0)
    def _():
        xh_ref[:, F:] = jnp.zeros((NB, F), jnp.float32)
        c_ref[...] = jnp.zeros_like(c_ref)

    xh_ref[:, :F] = g_ref[0]
    h2, c2 = _lstm_step(xh_ref, c_ref[...], wcat_ref, b_ref)
    xh_ref[:, F:] = h2
    c_ref[...] = c2

    @pl.when(t == DEG - 1)
    def _():
        out = (
            jnp.dot(feat_ref[...], wself_ref[...],
                    preferred_element_type=jnp.float32)
            + jnp.dot(h2, wneigh_ref[...],
                      preferred_element_type=jnp.float32)
            + bo_ref[...]
        )
        out_ref[...] = jnp.maximum(out, 0.0)


def _layer1(g, feat, wcat, wself_t, wneigh_t, bvec, bout):
    return pl.pallas_call(
        _layer1_body,
        grid=(CNT, DEG),
        in_specs=[
            pl.BlockSpec((1, NB, F), lambda i, t: (t, i, 0)),
            pl.BlockSpec((NB, F), lambda i, t: (i, 0)),
            pl.BlockSpec((2 * F, GW), lambda i, t: (0, 0)),
            pl.BlockSpec((F, F), lambda i, t: (0, 0)),
            pl.BlockSpec((F, F), lambda i, t: (0, 0)),
            pl.BlockSpec((1, GW), lambda i, t: (0, 0)),
            pl.BlockSpec((1, F), lambda i, t: (0, 0)),
        ],
        out_specs=pl.BlockSpec((NB, F), lambda i, t: (i, 0)),
        out_shape=jax.ShapeDtypeStruct((CN, F), jnp.float32),
        scratch_shapes=[
            pltpu.VMEM((NB, 2 * F), jnp.float32),
            pltpu.VMEM((NB, F), jnp.float32),
        ],
    )(g, feat, wcat, wself_t, wneigh_t, bvec, bout)


def _layer2_body(g_ref, feat_ref, wcat_ref, wself_ref, wneigh_ref,
                 b_ref, bo_ref, sum_ref, xh_ref, c_ref, acc_ref):
    i_ = pl.program_id(0)
    t = pl.program_id(1)

    @pl.when(jnp.logical_and(i_ == 0, t == 0))
    def _():
        acc_ref[...] = jnp.zeros_like(acc_ref)

    @pl.when(t == 0)
    def _():
        xh_ref[:, F:] = jnp.zeros((NB, F), jnp.float32)
        c_ref[...] = jnp.zeros_like(c_ref)

    xh_ref[:, :F] = g_ref[0]
    h2, c2 = _lstm_step(xh_ref, c_ref[...], wcat_ref, b_ref)
    xh_ref[:, F:] = h2
    c_ref[...] = c2

    @pl.when(t == DEG - 1)
    def _():
        out = (
            jnp.dot(feat_ref[...], wself_ref[...],
                    preferred_element_type=jnp.float32)
            + jnp.dot(h2, wneigh_ref[...],
                      preferred_element_type=jnp.float32)
            + bo_ref[...]
        )
        acc_ref[...] += jnp.sum(out, axis=0, keepdims=True)

    @pl.when(jnp.logical_and(i_ == CNT - 1, t == DEG - 1))
    def _():
        sum_ref[...] = acc_ref[...]


def _layer2(g, feat, wcat, wself_t, wneigh_t, bvec, bout):
    return pl.pallas_call(
        _layer2_body,
        grid=(CNT, DEG),
        in_specs=[
            pl.BlockSpec((1, NB, F), lambda i, t: (t, i, 0)),
            pl.BlockSpec((NB, F), lambda i, t: (i, 0)),
            pl.BlockSpec((2 * F, GW), lambda i, t: (0, 0)),
            pl.BlockSpec((F, F), lambda i, t: (0, 0)),
            pl.BlockSpec((F, F), lambda i, t: (0, 0)),
            pl.BlockSpec((1, GW), lambda i, t: (0, 0)),
            pl.BlockSpec((1, F), lambda i, t: (0, 0)),
        ],
        out_specs=pl.BlockSpec((1, F), lambda i, t: (0, 0)),
        out_shape=jax.ShapeDtypeStruct((1, F), jnp.float32),
        scratch_shapes=[
            pltpu.VMEM((NB, 2 * F), jnp.float32),
            pltpu.VMEM((NB, F), jnp.float32),
            pltpu.VMEM((1, F), jnp.float32),
        ],
    )(g, feat, wcat, wself_t, wneigh_t, bvec, bout)


def _heads_body(parts_ref, muw_ref, mub_ref, sgw_ref, sgb_ref, mu_ref, sg_ref):
    x = jnp.sum(parts_ref[...], axis=0, keepdims=True) * (1.0 / N)
    mu_ref[...] = (
        jnp.dot(x, muw_ref[...], preferred_element_type=jnp.float32)
        + mub_ref[...]
    )
    sg_ref[...] = (
        jnp.dot(x, sgw_ref[...], preferred_element_type=jnp.float32)
        + sgb_ref[...]
    )


def _heads(parts, muw_t, mub, sgw_t, sgb):
    rep = muw_t.shape[1]
    return pl.pallas_call(
        _heads_body,
        out_shape=[
            jax.ShapeDtypeStruct((1, rep), jnp.float32),
            jax.ShapeDtypeStruct((1, rep), jnp.float32),
        ],
    )(parts, muw_t, mub, sgw_t, sgb)


def kernel(in_feat, edge_src, lstm1_Wih, lstm1_Whh, lstm1_bih, lstm1_bhh,
           fc_self1, fc_neigh1, bias1, lstm2_Wih, lstm2_Whh, lstm2_bih,
           lstm2_bhh, fc_self2, fc_neigh2, bias2, mu_W, mu_b, sigma_W, sigma_b):
    idxc = [edge_src[c * CN:(c + 1) * CN].T.reshape(-1) for c in range(NC)]
    featc = [in_feat[c * CN:(c + 1) * CN] for c in range(NC)]

    gsc = jnp.concatenate([jnp.full((1, F), 0.5), jnp.full((1, F), 0.5),
                           jnp.ones((1, F)), jnp.full((1, F), 0.5)], axis=1)
    w1 = (jnp.concatenate([lstm1_Wih.T, lstm1_Whh.T], axis=0) * gsc,
          fc_self1.T, fc_neigh1.T,
          ((lstm1_bih + lstm1_bhh).reshape(1, GW)) * gsc, bias1.reshape(1, F))
    w2 = (jnp.concatenate([lstm2_Wih.T, lstm2_Whh.T], axis=0) * gsc,
          fc_self2.T, fc_neigh2.T,
          ((lstm2_bih + lstm2_bhh).reshape(1, GW)) * gsc, bias2.reshape(1, F))

    g1 = [None] * NC
    g1[0] = _sc_gather(in_feat, idxc[0])
    outs1 = []
    for c in range(NC):
        if c + 1 < NC:
            g1[c + 1] = _sc_gather(in_feat, idxc[c + 1])
        outs1.append(_layer1(g1[c].reshape(DEG, CN, F), featc[c], *w1))
    out1 = jnp.concatenate(outs1, axis=0)

    g2 = [None] * NC
    g2[0] = _sc_gather(out1, idxc[0])
    parts = []
    for c in range(NC):
        if c + 1 < NC:
            g2[c + 1] = _sc_gather(out1, idxc[c + 1])
        parts.append(_layer2(g2[c].reshape(DEG, CN, F),
                             outs1[c], *w2))
    mu, sigma = _heads(jnp.concatenate(parts, axis=0),
                       mu_W.T, mu_b.reshape(1, -1),
                       sigma_W.T, sigma_b.reshape(1, -1))
    return (mu, sigma)

# --- scband reference (transcript-rebuilt; emitter-appended) ---
"""Pipeline reference for scband-gcnencoder-86328842649875 (READ-ONLY COPY).

The authoritative reference and input builder live on the scoring server;
editing this copy changes nothing except your own understanding.
"""

import jax, jax.numpy as jnp
import numpy as np

N = 10000
D = 32
D_IN = 128
FEAT = 128
HID = 128
REP = 64


def setup_inputs(seed: int = 0) -> dict:
    key = jax.random.key(seed)
    ks = [jax.random.fold_in(key, i) for i in range(32)]

    def w(k, shape):
        return jax.random.normal(k, shape, dtype=jnp.float32) * 0.05

    inp = {}
    inp["in_feat"] = jax.random.normal(ks[0], (N, D_IN), dtype=jnp.float32)
    # fixed in-degree graph: node i has D random source neighbors (row i of edge_src)
    inp["edge_src"] = jax.random.randint(ks[1], (N, D), 0, N, dtype=jnp.int32)
    # SAGEConv layer 1 (lstm aggregator, lstm hidden = in_feats per DGL)
    inp["lstm1_Wih"] = w(ks[2], (4 * D_IN, D_IN))
    inp["lstm1_Whh"] = w(ks[3], (4 * D_IN, D_IN))
    inp["lstm1_bih"] = jnp.zeros((4 * D_IN,), jnp.float32)
    inp["lstm1_bhh"] = jnp.zeros((4 * D_IN,), jnp.float32)
    inp["fc_self1"] = w(ks[4], (FEAT, D_IN))
    inp["fc_neigh1"] = w(ks[5], (FEAT, D_IN))
    inp["bias1"] = jnp.zeros((FEAT,), jnp.float32)
    # SAGEConv layer 2
    inp["lstm2_Wih"] = w(ks[6], (4 * FEAT, FEAT))
    inp["lstm2_Whh"] = w(ks[7], (4 * FEAT, FEAT))
    inp["lstm2_bih"] = jnp.zeros((4 * FEAT,), jnp.float32)
    inp["lstm2_bhh"] = jnp.zeros((4 * FEAT,), jnp.float32)
    inp["fc_self2"] = w(ks[8], (HID, FEAT))
    inp["fc_neigh2"] = w(ks[9], (HID, FEAT))
    inp["bias2"] = jnp.zeros((HID,), jnp.float32)
    # mu / sigma heads
    inp["mu_W"] = w(ks[10], (REP, HID))
    inp["mu_b"] = jnp.zeros((REP,), jnp.float32)
    inp["sigma_W"] = w(ks[11], (REP, HID))
    inp["sigma_b"] = jnp.zeros((REP,), jnp.float32)
    return inp


def _lstm_agg(msgs, Wih, Whh, bih, bhh):
    # msgs: [N, D, d]; PyTorch LSTM gate order i, f, g, o; h0 = c0 = 0
    n, d = msgs.shape[0], msgs.shape[2]

    def step(carry, x_t):
        h, c = carry
        gates = x_t @ Wih.T + h @ Whh.T + bih + bhh
        i, f, g, o = jnp.split(gates, 4, axis=-1)
        i = jax.nn.sigmoid(i)
        f = jax.nn.sigmoid(f)
        g = jnp.tanh(g)
        o = jax.nn.sigmoid(o)
        c2 = f * c + i * g
        h2 = o * jnp.tanh(c2)
        return (h2, c2), None

    init = (jnp.zeros((n, d), msgs.dtype), jnp.zeros((n, d), msgs.dtype))
    (h, c), _ = jax.lax.scan(step, init, jnp.transpose(msgs, (1, 0, 2)))
    return h


def _sage(feat, edge_src, Wih, Whh, bih, bhh, Wself, Wneigh, b):
    msgs = jnp.take(feat, edge_src, axis=0)  # gather neighbor feats: [N, D, d_in]
    h_neigh = _lstm_agg(msgs, Wih, Whh, bih, bhh)
    return feat @ Wself.T + h_neigh @ Wneigh.T + b


def reference(in_feat, edge_src, lstm1_Wih, lstm1_Whh, lstm1_bih, lstm1_bhh, fc_self1, fc_neigh1, bias1, lstm2_Wih, lstm2_Whh, lstm2_bih, lstm2_bhh, fc_self2, fc_neigh2, bias2, mu_W, mu_b, sigma_W, sigma_b):
    h = _sage(in_feat, edge_src, lstm1_Wih, lstm1_Whh, lstm1_bih, lstm1_bhh, fc_self1, fc_neigh1, bias1)
    h = jax.nn.relu(h)
    h = _sage(h, edge_src, lstm2_Wih, lstm2_Whh, lstm2_bih, lstm2_bhh, fc_self2, fc_neigh2, bias2)
    x = jnp.mean(h, axis=0, keepdims=True)  # dgl.mean_nodes with a single graph
    mu = x @ mu_W.T + mu_b
    sigma = x @ sigma_W.T + sigma_b
    return (mu, sigma)

if __name__ == "__main__":
    import jax
    _d = setup_inputs()
    print(jax.jit(kernel)(*tuple(_d.values())))

</pallas_src>

<mosaic_0001>
#map = affine_map<(d0, d1) -> (0, 0)>
#map1 = affine_map<(d0, d1) -> (0)>
module attributes {stable_mosaic.version = 14 : i64} {
  func.func @gather_kernel(%arg0: i32, %arg1: i32, %arg2: memref<10000x128xf32, #tpu.memory_space<hbm>>, %arg3: memref<64000xi32, #tpu.memory_space<hbm>>, %arg4: memref<64000x128xf32, #tpu.memory_space<hbm>>, %arg5: memref<400xi32, #tpu.memory_space<vmem>>, %arg6: memref<400x128xf32, #tpu.memory_space<vmem>>, %arg7: memref<!tpu.dma_semaphore, #tpu.memory_space<semaphore_mem>>) attributes {dimension_semantics = [#tpu.dimension_semantics<core_parallel>, #tpu.dimension_semantics<subcore_parallel>], iteration_bounds = array<i64: 2, 16>, scalar_prefetch = 0 : i64, scratch_operands = 3 : i64, tpu.core_type = #tpu.core_type<sc_vector_subcore>, window_params = [{transform_indices = #map}, {transform_indices = #map1}, {transform_indices = #map}]} {
    %mul3A = arith.constant 2 : i32
    %mul3A_0 = arith.muli %arg1, %mul3A : i32
    %add3A = arith.addi %mul3A_0, %arg0 : i32
    %mul3A_1 = arith.constant 2000 : i32
    %mul3A_2 = arith.muli %add3A, %mul3A_1 : i32
    %scan3A = arith.constant 0 : i32
    %scan3A_3 = arith.constant 0 : i32
    %scan3A_4 = arith.constant 5 : i32
    %scan3A_5 = arith.addi %scan3A_3, %scan3A_4 : i32
    %scan3A_6 = arith.constant 1 : i32
    scf.for %scan3A_8 = %scan3A_3 to %scan3A_5 step %scan3A_6  : i32 {
      %mul3A_9 = arith.constant 400 : i32
      %mul3A_10 = arith.muli %scan3A_8, %mul3A_9 : i32
      %add3A_11 = arith.addi %mul3A_2, %mul3A_10 : i32
      %multiple_of3A = tpu.assume_multiple %add3A_11, 8 : i32
      "tpu.region"() ({
        %run_scoped3A = tpu.sem_alloc : memref<!tpu.dma_semaphore, #tpu.memory_space<semaphore_mem>>
        %dma_start3A_16 = tpu.memref_slice %arg3[%multiple_of3A] : memref<64000xi32, #tpu.memory_space<hbm>> -> memref<400xi32, #tpu.memory_space<hbm>>
        %dma_start3A_17 = tpu.memref_slice %arg3[%multiple_of3A] : memref<64000xi32, #tpu.memory_space<hbm>> -> memref<400xi32, #tpu.memory_space<hbm>>
        tpu.enqueue_dma source(%dma_start3A_17 : memref<400xi32, #tpu.memory_space<hbm>>) target(%arg5 : memref<400xi32, #tpu.memory_space<vmem>>) target_semaphore(%run_scoped3A : memref<!tpu.dma_semaphore, #tpu.memory_space<semaphore_mem>>)
        %dma_wait3A_18 = tpu.memref_slice %arg3[%multiple_of3A] : memref<64000xi32, #tpu.memory_space<hbm>> -> memref<400xi32, #tpu.memory_space<hbm>>
        %dma_wait3A_19 = tpu.memref_slice %arg3[%multiple_of3A] : memref<64000xi32, #tpu.memory_space<hbm>> -> memref<400xi32, #tpu.memory_space<hbm>>
        tpu.wait_dma2 semaphore(%run_scoped3A : memref<!tpu.dma_semaphore, #tpu.memory_space<semaphore_mem>>) src(%dma_wait3A_19 : memref<400xi32, #tpu.memory_space<hbm>>) dst(%arg5 : memref<400xi32, #tpu.memory_space<vmem>>)
        tpu.yield
      }) : () -> ()
      %dma_start3A = arith.constant 0 : i32
      %dma_start3A_12 = arith.constant 0 : i32
      %dma_start3A_13 = tpu.memref_slice %arg2[%dma_start3A, %dma_start3A_12] : memref<10000x128xf32, #tpu.memory_space<hbm>> -> memref<10000x128xf32, #tpu.memory_space<hbm>>
      tpu.enqueue_indirect_dma source(%dma_start3A_13 : memref<10000x128xf32, #tpu.memory_space<hbm>>) target(%arg6 : memref<400x128xf32, #tpu.memory_space<vmem>>) offsets(%arg5 : memref<400xi32, #tpu.memory_space<vmem>>) semaphore(%arg7 : memref<!tpu.dma_semaphore, #tpu.memory_space<semaphore_mem>>)
      %dma_wait3A = arith.constant 0 : i32
      %dma_wait3A_14 = arith.constant 0 : i32
      %dma_wait3A_15 = tpu.memref_slice %arg2[%dma_wait3A, %dma_wait3A_14] : memref<10000x128xf32, #tpu.memory_space<hbm>> -> memref<10000x128xf32, #tpu.memory_space<hbm>>
      tpu.wait_indirect_dma semaphore(%arg7 : memref<!tpu.dma_semaphore, #tpu.memory_space<semaphore_mem>>) src(%dma_wait3A_15 : memref<10000x128xf32, #tpu.memory_space<hbm>>) dst(%arg6 : memref<400x128xf32, #tpu.memory_space<vmem>>)
      "tpu.region"() ({
        %run_scoped3A = tpu.sem_alloc : memref<!tpu.dma_semaphore, #tpu.memory_space<semaphore_mem>>
        %dma_start3A_16 = arith.constant 0 : i32
        %dma_start3A_17 = tpu.memref_slice %arg4[%multiple_of3A, %dma_start3A_16] : memref<64000x128xf32, #tpu.memory_space<hbm>> -> memref<400x128xf32, #tpu.memory_space<hbm>>
        %dma_start3A_18 = arith.constant 0 : i32
        %dma_start3A_19 = tpu.memref_slice %arg4[%multiple_of3A, %dma_start3A_18] : memref<64000x128xf32, #tpu.memory_space<hbm>> -> memref<400x128xf32, #tpu.memory_space<hbm>>
        tpu.enqueue_dma source(%arg6 : memref<400x128xf32, #tpu.memory_space<vmem>>) target(%dma_start3A_19 : memref<400x128xf32, #tpu.memory_space<hbm>>) target_semaphore(%run_scoped3A : memref<!tpu.dma_semaphore, #tpu.memory_space<semaphore_mem>>)
        %dma_wait3A_20 = arith.constant 0 : i32
        %dma_wait3A_21 = tpu.memref_slice %arg4[%multiple_of3A, %dma_wait3A_20] : memref<64000x128xf32, #tpu.memory_space<hbm>> -> memref<400x128xf32, #tpu.memory_space<hbm>>
        %dma_wait3A_22 = arith.constant 0 : i32
        %dma_wait3A_23 = tpu.memref_slice %arg4[%multiple_of3A, %dma_wait3A_22] : memref<64000x128xf32, #tpu.memory_space<hbm>> -> memref<400x128xf32, #tpu.memory_space<hbm>>
        tpu.wait_dma2 semaphore(%run_scoped3A : memref<!tpu.dma_semaphore, #tpu.memory_space<semaphore_mem>>) src(%arg6 : memref<400x128xf32, #tpu.memory_space<vmem>>) dst(%dma_wait3A_23 : memref<400x128xf32, #tpu.memory_space<hbm>>)
        tpu.yield
      }) : () -> ()
    }
    %scan3A_7 = arith.constant 5 : i32
    return
  }
}

#map = affine_map<(d0, d1) -> (0, 0)>
#map1 = affine_map<(d0, d1) -> (0)>
module attributes {stable_mosaic.version = 14 : i64} {
  func.func @gather_kernel(%arg0: i32, %arg1: i32, %arg2: memref<10000x128xf32, #tpu.memory_space<hbm>>, %arg3: memref<64000xi32, #tpu.memory_space<hbm>>, %arg4: memref<64000x128xf32, #tpu.memory_space<hbm>>, %arg5: memref<400xi32, #tpu.memory_space<vmem>>, %arg6: memref<400x128xf32, #tpu.memory_space<vmem>>, %arg7: memref<!tpu.dma_semaphore, #tpu.memory_space<semaphore_mem>>) attributes {dimension_semantics = [#tpu.dimension_semantics<core_parallel>, #tpu.dimension_semantics<subcore_parallel>], iteration_bounds = array<i64: 2, 16>, scalar_prefetch = 0 : i64, scratch_operands = 3 : i64, tpu.core_type = #tpu.core_type<sc_vector_subcore>, window_params = [{transform_indices = #map}, {transform_indices = #map1}, {transform_indices = #map}]} {
    %mul3A = arith.constant 2 : i32
    %mul3A_0 = arith.muli %arg1, %mul3A : i32
    %add3A = arith.addi %mul3A_0, %arg0 : i32
    %mul3A_1 = arith.constant 2000 : i32
    %mul3A_2 = arith.muli %add3A, %mul3A_1 : i32
    %scan3A = arith.constant 0 : i32
    %scan3A_3 = arith.constant 0 : i32
    %scan3A_4 = arith.constant 5 : i32
    %scan3A_5 = arith.addi %scan3A_3, %scan3A_4 : i32
    %scan3A_6 = arith.constant 1 : i32
    scf.for %scan3A_8 = %scan3A_3 to %scan3A_5 step %scan3A_6  : i32 {
      %mul3A_9 = arith.constant 400 : i32
      %mul3A_10 = arith.muli %scan3A_8, %mul3A_9 : i32
      %add3A_11 = arith.addi %mul3A_2, %mul3A_10 : i32
      %multiple_of3A = tpu.assume_multiple %add3A_11, 8 : i32
      "tpu.region"() ({
        %run_scoped3A = tpu.sem_alloc : memref<!tpu.dma_semaphore, #tpu.memory_space<semaphore_mem>>
        %dma_start3A_16 = tpu.memref_slice %arg3[%multiple_of3A] : memref<64000xi32, #tpu.memory_space<hbm>> -> memref<400xi32, #tpu.memory_space<hbm>>
        %dma_start3A_17 = tpu.memref_slice %arg3[%multiple_of3A] : memref<64000xi32, #tpu.memory_space<hbm>> -> memref<400xi32, #tpu.memory_space<hbm>>
        tpu.enqueue_dma source(%dma_start3A_17 : memref<400xi32, #tpu.memory_space<hbm>>) target(%arg5 : memref<400xi32, #tpu.memory_space<vmem>>) target_semaphore(%run_scoped3A : memref<!tpu.dma_semaphore, #tpu.memory_space<semaphore_mem>>)
        %dma_wait3A_18 = tpu.memref_slice %arg3[%multiple_of3A] : memref<64000xi32, #tpu.memory_space<hbm>> -> memref<400xi32, #tpu.memory_space<hbm>>
        %dma_wait3A_19 = tpu.memref_slice %arg3[%multiple_of3A] : memref<64000xi32, #tpu.memory_space<hbm>> -> memref<400xi32, #tpu.memory_space<hbm>>
        tpu.wait_dma2 semaphore(%run_scoped3A : memref<!tpu.dma_semaphore, #tpu.memory_space<semaphore_mem>>) src(%dma_wait3A_19 : memref<400xi32, #tpu.memory_space<hbm>>) dst(%arg5 : memref<400xi32, #tpu.memory_space<vmem>>)
        tpu.yield
      }) : () -> ()
      %dma_start3A = arith.constant 0 : i32
      %dma_start3A_12 = arith.constant 0 : i32
      %dma_start3A_13 = tpu.memref_slice %arg2[%dma_start3A, %dma_start3A_12] : memref<10000x128xf32, #tpu.memory_space<hbm>> -> memref<10000x128xf32, #tpu.memory_space<hbm>>
      tpu.enqueue_indirect_dma source(%dma_start3A_13 : memref<10000x128xf32, #tpu.memory_space<hbm>>) target(%arg6 : memref<400x128xf32, #tpu.memory_space<vmem>>) offsets(%arg5 : memref<400xi32, #tpu.memory_space<vmem>>) semaphore(%arg7 : memref<!tpu.dma_semaphore, #tpu.memory_space<semaphore_mem>>)
      %dma_wait3A = arith.constant 0 : i32
      %dma_wait3A_14 = arith.constant 0 : i32
      %dma_wait3A_15 = tpu.memref_slice %arg2[%dma_wait3A, %dma_wait3A_14] : memref<10000x128xf32, #tpu.memory_space<hbm>> -> memref<10000x128xf32, #tpu.memory_space<hbm>>
      tpu.wait_indirect_dma semaphore(%arg7 : memref<!tpu.dma_semaphore, #tpu.memory_space<semaphore_mem>>) src(%dma_wait3A_15 : memref<10000x128xf32, #tpu.memory_space<hbm>>) dst(%arg6 : memref<400x128xf32, #tpu.memory_space<vmem>>)
      "tpu.region"() ({
        %run_scoped3A = tpu.sem_alloc : memref<!tpu.dma_semaphore, #tpu.memory_space<semaphore_mem>>
        %dma_start3A_16 = arith.constant 0 : i32
        %dma_start3A_17 = tpu.memref_slice %arg4[%multiple_of3A, %dma_start3A_16] : memref<64000x128xf32, #tpu.memory_space<hbm>> -> memref<400x128xf32, #tpu.memory_space<hbm>>
        %dma_start3A_18 = arith.constant 0 : i32
        %dma_start3A_19 = tpu.memref_slice %arg4[%multiple_of3A, %dma_start3A_18] : memref<64000x128xf32, #tpu.memory_space<hbm>> -> memref<400x128xf32, #tpu.memory_space<hbm>>
        tpu.enqueue_dma source(%arg6 : memref<400x128xf32, #tpu.memory_space<vmem>>) target(%dma_start3A_19 : memref<400x128xf32, #tpu.memory_space<hbm>>) target_semaphore(%run_scoped3A : memref<!tpu.dma_semaphore, #tpu.memory_space<semaphore_mem>>)
        %dma_wait3A_20 = arith.constant 0 : i32
        %dma_wait3A_21 = tpu.memref_slice %arg4[%multiple_of3A, %dma_wait3A_20] : memref<64000x128xf32, #tpu.memory_space<hbm>> -> memref<400x128xf32, #tpu.memory_space<hbm>>
        %dma_wait3A_22 = arith.constant 0 : i32
        %dma_wait3A_23 = tpu.memref_slice %arg4[%multiple_of3A, %dma_wait3A_22] : memref<64000x128xf32, #tpu.memory_space<hbm>> -> memref<400x128xf32, #tpu.memory_space<hbm>>
        tpu.wait_dma2 semaphore(%run_scoped3A : memref<!tpu.dma_semaphore, #tpu.memory_space<semaphore_mem>>) src(%arg6 : memref<400x128xf32, #tpu.memory_space<vmem>>) dst(%dma_wait3A_23 : memref<400x128xf32, #tpu.memory_space<hbm>>)
        tpu.yield
      }) : () -> ()
    }
    %scan3A_7 = arith.constant 5 : i32
    return
  }
}

#map = affine_map<(d0, d1) -> (0, 0)>
#map1 = affine_map<(d0, d1) -> (0)>
module attributes {stable_mosaic.version = 14 : i64} {
  func.func @gather_kernel(%arg0: i32, %arg1: i32, %arg2: memref<10000x128xf32, #tpu.memory_space<hbm>>, %arg3: memref<64000xi32, #tpu.memory_space<hbm>>, %arg4: memref<64000x128xf32, #tpu.memory_space<hbm>>, %arg5: memref<400xi32, #tpu.memory_space<vmem>>, %arg6: memref<400x128xf32, #tpu.memory_space<vmem>>, %arg7: memref<!tpu.dma_semaphore, #tpu.memory_space<semaphore_mem>>) attributes {dimension_semantics = [#tpu.dimension_semantics<core_parallel>, #tpu.dimension_semantics<subcore_parallel>], iteration_bounds = array<i64: 2, 16>, scalar_prefetch = 0 : i64, scratch_operands = 3 : i64, tpu.core_type = #tpu.core_type<sc_vector_subcore>, window_params = [{transform_indices = #map}, {transform_indices = #map1}, {transform_indices = #map}]} {
    %mul3A = arith.constant 2 : i32
    %mul3A_0 = arith.muli %arg1, %mul3A : i32
    %add3A = arith.addi %mul3A_0, %arg0 : i32
    %mul3A_1 = arith.constant 2000 : i32
    %mul3A_2 = arith.muli %add3A, %mul3A_1 : i32
    %scan3A = arith.constant 0 : i32
    %scan3A_3 = arith.constant 0 : i32
    %scan3A_4 = arith.constant 5 : i32
    %scan3A_5 = arith.addi %scan3A_3, %scan3A_4 : i32
    %scan3A_6 = arith.constant 1 : i32
    scf.for %scan3A_8 = %scan3A_3 to %scan3A_5 step %scan3A_6  : i32 {
      %mul3A_9 = arith.constant 400 : i32
      %mul3A_10 = arith.muli %scan3A_8, %mul3A_9 : i32
      %add3A_11 = arith.addi %mul3A_2, %mul3A_10 : i32
      %multiple_of3A = tpu.assume_multiple %add3A_11, 8 : i32
      "tpu.region"() ({
        %run_scoped3A = tpu.sem_alloc : memref<!tpu.dma_semaphore, #tpu.memory_space<semaphore_mem>>
        %dma_start3A_16 = tpu.memref_slice %arg3[%multiple_of3A] : memref<64000xi32, #tpu.memory_space<hbm>> -> memref<400xi32, #tpu.memory_space<hbm>>
        %dma_start3A_17 = tpu.memref_slice %arg3[%multiple_of3A] : memref<64000xi32, #tpu.memory_space<hbm>> -> memref<400xi32, #tpu.memory_space<hbm>>
        tpu.enqueue_dma source(%dma_start3A_17 : memref<400xi32, #tpu.memory_space<hbm>>) target(%arg5 : memref<400xi32, #tpu.memory_space<vmem>>) target_semaphore(%run_scoped3A : memref<!tpu.dma_semaphore, #tpu.memory_space<semaphore_mem>>)
        %dma_wait3A_18 = tpu.memref_slice %arg3[%multiple_of3A] : memref<64000xi32, #tpu.memory_space<hbm>> -> memref<400xi32, #tpu.memory_space<hbm>>
        %dma_wait3A_19 = tpu.memref_slice %arg3[%multiple_of3A] : memref<64000xi32, #tpu.memory_space<hbm>> -> memref<400xi32, #tpu.memory_space<hbm>>
        tpu.wait_dma2 semaphore(%run_scoped3A : memref<!tpu.dma_semaphore, #tpu.memory_space<semaphore_mem>>) src(%dma_wait3A_19 : memref<400xi32, #tpu.memory_space<hbm>>) dst(%arg5 : memref<400xi32, #tpu.memory_space<vmem>>)
        tpu.yield
      }) : () -> ()
      %dma_start3A = arith.constant 0 : i32
      %dma_start3A_12 = arith.constant 0 : i32
      %dma_start3A_13 = tpu.memref_slice %arg2[%dma_start3A, %dma_start3A_12] : memref<10000x128xf32, #tpu.memory_space<hbm>> -> memref<10000x128xf32, #tpu.memory_space<hbm>>
      tpu.enqueue_indirect_dma source(%dma_start3A_13 : memref<10000x128xf32, #tpu.memory_space<hbm>>) target(%arg6 : memref<400x128xf32, #tpu.memory_space<vmem>>) offsets(%arg5 : memref<400xi32, #tpu.memory_space<vmem>>) semaphore(%arg7 : memref<!tpu.dma_semaphore, #tpu.memory_space<semaphore_mem>>)
      %dma_wait3A = arith.constant 0 : i32
      %dma_wait3A_14 = arith.constant 0 : i32
      %dma_wait3A_15 = tpu.memref_slice %arg2[%dma_wait3A, %dma_wait3A_14] : memref<10000x128xf32, #tpu.memory_space<hbm>> -> memref<10000x128xf32, #tpu.memory_space<hbm>>
      tpu.wait_indirect_dma semaphore(%arg7 : memref<!tpu.dma_semaphore, #tpu.memory_space<semaphore_mem>>) src(%dma_wait3A_15 : memref<10000x128xf32, #tpu.memory_space<hbm>>) dst(%arg6 : memref<400x128xf32, #tpu.memory_space<vmem>>)
      "tpu.region"() ({
        %run_scoped3A = tpu.sem_alloc : memref<!tpu.dma_semaphore, #tpu.memory_space<semaphore_mem>>
        %dma_start3A_16 = arith.constant 0 : i32
        %dma_start3A_17 = tpu.memref_slice %arg4[%multiple_of3A, %dma_start3A_16] : memref<64000x128xf32, #tpu.memory_space<hbm>> -> memref<400x128xf32, #tpu.memory_space<hbm>>
        %dma_start3A_18 = arith.constant 0 : i32
        %dma_start3A_19 = tpu.memref_slice %arg4[%multiple_of3A, %dma_start3A_18] : memref<64000x128xf32, #tpu.memory_space<hbm>> -> memref<400x128xf32, #tpu.memory_space<hbm>>
        tpu.enqueue_dma source(%arg6 : memref<400x128xf32, #tpu.memory_space<vmem>>) target(%dma_start3A_19 : memref<400x128xf32, #tpu.memory_space<hbm>>) target_semaphore(%run_scoped3A : memref<!tpu.dma_semaphore, #tpu.memory_space<semaphore_mem>>)
        %dma_wait3A_20 = arith.constant 0 : i32
        %dma_wait3A_21 = tpu.memref_slice %arg4[%multiple_of3A, %dma_wait3A_20] : memref<64000x128xf32, #tpu.memory_space<hbm>> -> memref<400x128xf32, #tpu.memory_space<hbm>>
        %dma_wait3A_22 = arith.constant 0 : i32
        %dma_wait3A_23 = tpu.memref_slice %arg4[%multiple_of3A, %dma_wait3A_22] : memref<64000x128xf32, #tpu.memory_space<hbm>> -> memref<400x128xf32, #tpu.memory_space<hbm>>
        tpu.wait_dma2 semaphore(%run_scoped3A : memref<!tpu.dma_semaphore, #tpu.memory_space<semaphore_mem>>) src(%arg6 : memref<400x128xf32, #tpu.memory_space<vmem>>) dst(%dma_wait3A_23 : memref<400x128xf32, #tpu.memory_space<hbm>>)
        tpu.yield
      }) : () -> ()
    }
    %scan3A_7 = arith.constant 5 : i32
    return
  }
}

#map = affine_map<(d0, d1) -> (0, 0)>
#map1 = affine_map<(d0, d1) -> (0)>
module attributes {stable_mosaic.version = 14 : i64} {
  func.func @gather_kernel(%arg0: i32, %arg1: i32, %arg2: memref<10000x128xf32, #tpu.memory_space<hbm>>, %arg3: memref<64000xi32, #tpu.memory_space<hbm>>, %arg4: memref<64000x128xf32, #tpu.memory_space<hbm>>, %arg5: memref<400xi32, #tpu.memory_space<vmem>>, %arg6: memref<400x128xf32, #tpu.memory_space<vmem>>, %arg7: memref<!tpu.dma_semaphore, #tpu.memory_space<semaphore_mem>>) attributes {dimension_semantics = [#tpu.dimension_semantics<core_parallel>, #tpu.dimension_semantics<subcore_parallel>], iteration_bounds = array<i64: 2, 16>, scalar_prefetch = 0 : i64, scratch_operands = 3 : i64, tpu.core_type = #tpu.core_type<sc_vector_subcore>, window_params = [{transform_indices = #map}, {transform_indices = #map1}, {transform_indices = #map}]} {
    %mul3A = arith.constant 2 : i32
    %mul3A_0 = arith.muli %arg1, %mul3A : i32
    %add3A = arith.addi %mul3A_0, %arg0 : i32
    %mul3A_1 = arith.constant 2000 : i32
    %mul3A_2 = arith.muli %add3A, %mul3A_1 : i32
    %scan3A = arith.constant 0 : i32
    %scan3A_3 = arith.constant 0 : i32
    %scan3A_4 = arith.constant 5 : i32
    %scan3A_5 = arith.addi %scan3A_3, %scan3A_4 : i32
    %scan3A_6 = arith.constant 1 : i32
    scf.for %scan3A_8 = %scan3A_3 to %scan3A_5 step %scan3A_6  : i32 {
      %mul3A_9 = arith.constant 400 : i32
      %mul3A_10 = arith.muli %scan3A_8, %mul3A_9 : i32
      %add3A_11 = arith.addi %mul3A_2, %mul3A_10 : i32
      %multiple_of3A = tpu.assume_multiple %add3A_11, 8 : i32
      "tpu.region"() ({
        %run_scoped3A = tpu.sem_alloc : memref<!tpu.dma_semaphore, #tpu.memory_space<semaphore_mem>>
        %dma_start3A_16 = tpu.memref_slice %arg3[%multiple_of3A] : memref<64000xi32, #tpu.memory_space<hbm>> -> memref<400xi32, #tpu.memory_space<hbm>>
        %dma_start3A_17 = tpu.memref_slice %arg3[%multiple_of3A] : memref<64000xi32, #tpu.memory_space<hbm>> -> memref<400xi32, #tpu.memory_space<hbm>>
        tpu.enqueue_dma source(%dma_start3A_17 : memref<400xi32, #tpu.memory_space<hbm>>) target(%arg5 : memref<400xi32, #tpu.memory_space<vmem>>) target_semaphore(%run_scoped3A : memref<!tpu.dma_semaphore, #tpu.memory_space<semaphore_mem>>)
        %dma_wait3A_18 = tpu.memref_slice %arg3[%multiple_of3A] : memref<64000xi32, #tpu.memory_space<hbm>> -> memref<400xi32, #tpu.memory_space<hbm>>
        %dma_wait3A_19 = tpu.memref_slice %arg3[%multiple_of3A] : memref<64000xi32, #tpu.memory_space<hbm>> -> memref<400xi32, #tpu.memory_space<hbm>>
        tpu.wait_dma2 semaphore(%run_scoped3A : memref<!tpu.dma_semaphore, #tpu.memory_space<semaphore_mem>>) src(%dma_wait3A_19 : memref<400xi32, #tpu.memory_space<hbm>>) dst(%arg5 : memref<400xi32, #tpu.memory_space<vmem>>)
        tpu.yield
      }) : () -> ()
      %dma_start3A = arith.constant 0 : i32
      %dma_start3A_12 = arith.constant 0 : i32
      %dma_start3A_13 = tpu.memref_slice %arg2[%dma_start3A, %dma_start3A_12] : memref<10000x128xf32, #tpu.memory_space<hbm>> -> memref<10000x128xf32, #tpu.memory_space<hbm>>
      tpu.enqueue_indirect_dma source(%dma_start3A_13 : memref<10000x128xf32, #tpu.memory_space<hbm>>) target(%arg6 : memref<400x128xf32, #tpu.memory_space<vmem>>) offsets(%arg5 : memref<400xi32, #tpu.memory_space<vmem>>) semaphore(%arg7 : memref<!tpu.dma_semaphore, #tpu.memory_space<semaphore_mem>>)
      %dma_wait3A = arith.constant 0 : i32
      %dma_wait3A_14 = arith.constant 0 : i32
      %dma_wait3A_15 = tpu.memref_slice %arg2[%dma_wait3A, %dma_wait3A_14] : memref<10000x128xf32, #tpu.memory_space<hbm>> -> memref<10000x128xf32, #tpu.memory_space<hbm>>
      tpu.wait_indirect_dma semaphore(%arg7 : memref<!tpu.dma_semaphore, #tpu.memory_space<semaphore_mem>>) src(%dma_wait3A_15 : memref<10000x128xf32, #tpu.memory_space<hbm>>) dst(%arg6 : memref<400x128xf32, #tpu.memory_space<vmem>>)
      "tpu.region"() ({
        %run_scoped3A = tpu.sem_alloc : memref<!tpu.dma_semaphore, #tpu.memory_space<semaphore_mem>>
        %dma_start3A_16 = arith.constant 0 : i32
        %dma_start3A_17 = tpu.memref_slice %arg4[%multiple_of3A, %dma_start3A_16] : memref<64000x128xf32, #tpu.memory_space<hbm>> -> memref<400x128xf32, #tpu.memory_space<hbm>>
        %dma_start3A_18 = arith.constant 0 : i32
        %dma_start3A_19 = tpu.memref_slice %arg4[%multiple_of3A, %dma_start3A_18] : memref<64000x128xf32, #tpu.memory_space<hbm>> -> memref<400x128xf32, #tpu.memory_space<hbm>>
        tpu.enqueue_dma source(%arg6 : memref<400x128xf32, #tpu.memory_space<vmem>>) target(%dma_start3A_19 : memref<400x128xf32, #tpu.memory_space<hbm>>) target_semaphore(%run_scoped3A : memref<!tpu.dma_semaphore, #tpu.memory_space<semaphore_mem>>)
        %dma_wait3A_20 = arith.constant 0 : i32
        %dma_wait3A_21 = tpu.memref_slice %arg4[%multiple_of3A, %dma_wait3A_20] : memref<64000x128xf32, #tpu.memory_space<hbm>> -> memref<400x128xf32, #tpu.memory_space<hbm>>
        %dma_wait3A_22 = arith.constant 0 : i32
        %dma_wait3A_23 = tpu.memref_slice %arg4[%multiple_of3A, %dma_wait3A_22] : memref<64000x128xf32, #tpu.memory_space<hbm>> -> memref<400x128xf32, #tpu.memory_space<hbm>>
        tpu.wait_dma2 semaphore(%run_scoped3A : memref<!tpu.dma_semaphore, #tpu.memory_space<semaphore_mem>>) src(%arg6 : memref<400x128xf32, #tpu.memory_space<vmem>>) dst(%dma_wait3A_23 : memref<400x128xf32, #tpu.memory_space<hbm>>)
        tpu.yield
      }) : () -> ()
    }
    %scan3A_7 = arith.constant 5 : i32
    return
  }
}

#map = affine_map<(d0, d1) -> (0, 0)>
#map1 = affine_map<(d0, d1) -> (0)>
module attributes {stable_mosaic.version = 14 : i64} {
  func.func @gather_kernel(%arg0: i32, %arg1: i32, %arg2: memref<10000x128xf32, #tpu.memory_space<hbm>>, %arg3: memref<64000xi32, #tpu.memory_space<hbm>>, %arg4: memref<64000x128xf32, #tpu.memory_space<hbm>>, %arg5: memref<400xi32, #tpu.memory_space<vmem>>, %arg6: memref<400x128xf32, #tpu.memory_space<vmem>>, %arg7: memref<!tpu.dma_semaphore, #tpu.memory_space<semaphore_mem>>) attributes {dimension_semantics = [#tpu.dimension_semantics<core_parallel>, #tpu.dimension_semantics<subcore_parallel>], iteration_bounds = array<i64: 2, 16>, scalar_prefetch = 0 : i64, scratch_operands = 3 : i64, tpu.core_type = #tpu.core_type<sc_vector_subcore>, window_params = [{transform_indices = #map}, {transform_indices = #map1}, {transform_indices = #map}]} {
    %mul3A = arith.constant 2 : i32
    %mul3A_0 = arith.muli %arg1, %mul3A : i32
    %add3A = arith.addi %mul3A_0, %arg0 : i32
    %mul3A_1 = arith.constant 2000 : i32
    %mul3A_2 = arith.muli %add3A, %mul3A_1 : i32
    %scan3A = arith.constant 0 : i32
    %scan3A_3 = arith.constant 0 : i32
    %scan3A_4 = arith.constant 5 : i32
    %scan3A_5 = arith.addi %scan3A_3, %scan3A_4 : i32
    %scan3A_6 = arith.constant 1 : i32
    scf.for %scan3A_8 = %scan3A_3 to %scan3A_5 step %scan3A_6  : i32 {
      %mul3A_9 = arith.constant 400 : i32
      %mul3A_10 = arith.muli %scan3A_8, %mul3A_9 : i32
      %add3A_11 = arith.addi %mul3A_2, %mul3A_10 : i32
      %multiple_of3A = tpu.assume_multiple %add3A_11, 8 : i32
      "tpu.region"() ({
        %run_scoped3A = tpu.sem_alloc : memref<!tpu.dma_semaphore, #tpu.memory_space<semaphore_mem>>
        %dma_start3A_16 = tpu.memref_slice %arg3[%multiple_of3A] : memref<64000xi32, #tpu.memory_space<hbm>> -> memref<400xi32, #tpu.memory_space<hbm>>
        %dma_start3A_17 = tpu.memref_slice %arg3[%multiple_of3A] : memref<64000xi32, #tpu.memory_space<hbm>> -> memref<400xi32, #tpu.memory_space<hbm>>
        tpu.enqueue_dma source(%dma_start3A_17 : memref<400xi32, #tpu.memory_space<hbm>>) target(%arg5 : memref<400xi32, #tpu.memory_space<vmem>>) target_semaphore(%run_scoped3A : memref<!tpu.dma_semaphore, #tpu.memory_space<semaphore_mem>>)
        %dma_wait3A_18 = tpu.memref_slice %arg3[%multiple_of3A] : memref<64000xi32, #tpu.memory_space<hbm>> -> memref<400xi32, #tpu.memory_space<hbm>>
        %dma_wait3A_19 = tpu.memref_slice %arg3[%multiple_of3A] : memref<64000xi32, #tpu.memory_space<hbm>> -> memref<400xi32, #tpu.memory_space<hbm>>
        tpu.wait_dma2 semaphore(%run_scoped3A : memref<!tpu.dma_semaphore, #tpu.memory_space<semaphore_mem>>) src(%dma_wait3A_19 : memref<400xi32, #tpu.memory_space<hbm>>) dst(%arg5 : memref<400xi32, #tpu.memory_space<vmem>>)
        tpu.yield
      }) : () -> ()
      %dma_start3A = arith.constant 0 : i32
      %dma_start3A_12 = arith.constant 0 : i32
      %dma_start3A_13 = tpu.memref_slice %arg2[%dma_start3A, %dma_start3A_12] : memref<10000x128xf32, #tpu.memory_space<hbm>> -> memref<10000x128xf32, #tpu.memory_space<hbm>>
      tpu.enqueue_indirect_dma source(%dma_start3A_13 : memref<10000x128xf32, #tpu.memory_space<hbm>>) target(%arg6 : memref<400x128xf32, #tpu.memory_space<vmem>>) offsets(%arg5 : memref<400xi32, #tpu.memory_space<vmem>>) semaphore(%arg7 : memref<!tpu.dma_semaphore, #tpu.memory_space<semaphore_mem>>)
      %dma_wait3A = arith.constant 0 : i32
      %dma_wait3A_14 = arith.constant 0 : i32
      %dma_wait3A_15 = tpu.memref_slice %arg2[%dma_wait3A, %dma_wait3A_14] : memref<10000x128xf32, #tpu.memory_space<hbm>> -> memref<10000x128xf32, #tpu.memory_space<hbm>>
      tpu.wait_indirect_dma semaphore(%arg7 : memref<!tpu.dma_semaphore, #tpu.memory_space<semaphore_mem>>) src(%dma_wait3A_15 : memref<10000x128xf32, #tpu.memory_space<hbm>>) dst(%arg6 : memref<400x128xf32, #tpu.memory_space<vmem>>)
      "tpu.region"() ({
        %run_scoped3A = tpu.sem_alloc : memref<!tpu.dma_semaphore, #tpu.memory_space<semaphore_mem>>
        %dma_start3A_16 = arith.constant 0 : i32
        %dma_start3A_17 = tpu.memref_slice %arg4[%multiple_of3A, %dma_start3A_16] : memref<64000x128xf32, #tpu.memory_space<hbm>> -> memref<400x128xf32, #tpu.memory_space<hbm>>
        %dma_start3A_18 = arith.constant 0 : i32
        %dma_start3A_19 = tpu.memref_slice %arg4[%multiple_of3A, %dma_start3A_18] : memref<64000x128xf32, #tpu.memory_space<hbm>> -> memref<400x128xf32, #tpu.memory_space<hbm>>
        tpu.enqueue_dma source(%arg6 : memref<400x128xf32, #tpu.memory_space<vmem>>) target(%dma_start3A_19 : memref<400x128xf32, #tpu.memory_space<hbm>>) target_semaphore(%run_scoped3A : memref<!tpu.dma_semaphore, #tpu.memory_space<semaphore_mem>>)
        %dma_wait3A_20 = arith.constant 0 : i32
        %dma_wait3A_21 = tpu.memref_slice %arg4[%multiple_of3A, %dma_wait3A_20] : memref<64000x128xf32, #tpu.memory_space<hbm>> -> memref<400x128xf32, #tpu.memory_space<hbm>>
        %dma_wait3A_22 = arith.constant 0 : i32
        %dma_wait3A_23 = tpu.memref_slice %arg4[%multiple_of3A, %dma_wait3A_22] : memref<64000x128xf32, #tpu.memory_space<hbm>> -> memref<400x128xf32, #tpu.memory_space<hbm>>
        tpu.wait_dma2 semaphore(%run_scoped3A : memref<!tpu.dma_semaphore, #tpu.memory_space<semaphore_mem>>) src(%arg6 : memref<400x128xf32, #tpu.memory_space<vmem>>) dst(%dma_wait3A_23 : memref<400x128xf32, #tpu.memory_space<hbm>>)
        tpu.yield
      }) : () -> ()
    }
    %scan3A_7 = arith.constant 5 : i32
    return
  }
}

#map = affine_map<(d0, d1) -> (0, 0)>
#map1 = affine_map<(d0, d1) -> (0)>
module attributes {stable_mosaic.version = 14 : i64} {
  func.func @gather_kernel(%arg0: i32, %arg1: i32, %arg2: memref<10000x128xf32, #tpu.memory_space<hbm>>, %arg3: memref<64000xi32, #tpu.memory_space<hbm>>, %arg4: memref<64000x128xf32, #tpu.memory_space<hbm>>, %arg5: memref<400xi32, #tpu.memory_space<vmem>>, %arg6: memref<400x128xf32, #tpu.memory_space<vmem>>, %arg7: memref<!tpu.dma_semaphore, #tpu.memory_space<semaphore_mem>>) attributes {dimension_semantics = [#tpu.dimension_semantics<core_parallel>, #tpu.dimension_semantics<subcore_parallel>], iteration_bounds = array<i64: 2, 16>, scalar_prefetch = 0 : i64, scratch_operands = 3 : i64, tpu.core_type = #tpu.core_type<sc_vector_subcore>, window_params = [{transform_indices = #map}, {transform_indices = #map1}, {transform_indices = #map}]} {
    %mul3A = arith.constant 2 : i32
    %mul3A_0 = arith.muli %arg1, %mul3A : i32
    %add3A = arith.addi %mul3A_0, %arg0 : i32
    %mul3A_1 = arith.constant 2000 : i32
    %mul3A_2 = arith.muli %add3A, %mul3A_1 : i32
    %scan3A = arith.constant 0 : i32
    %scan3A_3 = arith.constant 0 : i32
    %scan3A_4 = arith.constant 5 : i32
    %scan3A_5 = arith.addi %scan3A_3, %scan3A_4 : i32
    %scan3A_6 = arith.constant 1 : i32
    scf.for %scan3A_8 = %scan3A_3 to %scan3A_5 step %scan3A_6  : i32 {
      %mul3A_9 = arith.constant 400 : i32
      %mul3A_10 = arith.muli %scan3A_8, %mul3A_9 : i32
      %add3A_11 = arith.addi %mul3A_2, %mul3A_10 : i32
      %multiple_of3A = tpu.assume_multiple %add3A_11, 8 : i32
      "tpu.region"() ({
        %run_scoped3A = tpu.sem_alloc : memref<!tpu.dma_semaphore, #tpu.memory_space<semaphore_mem>>
        %dma_start3A_16 = tpu.memref_slice %arg3[%multiple_of3A] : memref<64000xi32, #tpu.memory_space<hbm>> -> memref<400xi32, #tpu.memory_space<hbm>>
        %dma_start3A_17 = tpu.memref_slice %arg3[%multiple_of3A] : memref<64000xi32, #tpu.memory_space<hbm>> -> memref<400xi32, #tpu.memory_space<hbm>>
        tpu.enqueue_dma source(%dma_start3A_17 : memref<400xi32, #tpu.memory_space<hbm>>) target(%arg5 : memref<400xi32, #tpu.memory_space<vmem>>) target_semaphore(%run_scoped3A : memref<!tpu.dma_semaphore, #tpu.memory_space<semaphore_mem>>)
        %dma_wait3A_18 = tpu.memref_slice %arg3[%multiple_of3A] : memref<64000xi32, #tpu.memory_space<hbm>> -> memref<400xi32, #tpu.memory_space<hbm>>
        %dma_wait3A_19 = tpu.memref_slice %arg3[%multiple_of3A] : memref<64000xi32, #tpu.memory_space<hbm>> -> memref<400xi32, #tpu.memory_space<hbm>>
        tpu.wait_dma2 semaphore(%run_scoped3A : memref<!tpu.dma_semaphore, #tpu.memory_space<semaphore_mem>>) src(%dma_wait3A_19 : memref<400xi32, #tpu.memory_space<hbm>>) dst(%arg5 : memref<400xi32, #tpu.memory_space<vmem>>)
        tpu.yield
      }) : () -> ()
      %dma_start3A = arith.constant 0 : i32
      %dma_start3A_12 = arith.constant 0 : i32
      %dma_start3A_13 = tpu.memref_slice %arg2[%dma_start3A, %dma_start3A_12] : memref<10000x128xf32, #tpu.memory_space<hbm>> -> memref<10000x128xf32, #tpu.memory_space<hbm>>
      tpu.enqueue_indirect_dma source(%dma_start3A_13 : memref<10000x128xf32, #tpu.memory_space<hbm>>) target(%arg6 : memref<400x128xf32, #tpu.memory_space<vmem>>) offsets(%arg5 : memref<400xi32, #tpu.memory_space<vmem>>) semaphore(%arg7 : memref<!tpu.dma_semaphore, #tpu.memory_space<semaphore_mem>>)
      %dma_wait3A = arith.constant 0 : i32
      %dma_wait3A_14 = arith.constant 0 : i32
      %dma_wait3A_15 = tpu.memref_slice %arg2[%dma_wait3A, %dma_wait3A_14] : memref<10000x128xf32, #tpu.memory_space<hbm>> -> memref<10000x128xf32, #tpu.memory_space<hbm>>
      tpu.wait_indirect_dma semaphore(%arg7 : memref<!tpu.dma_semaphore, #tpu.memory_space<semaphore_mem>>) src(%dma_wait3A_15 : memref<10000x128xf32, #tpu.memory_space<hbm>>) dst(%arg6 : memref<400x128xf32, #tpu.memory_space<vmem>>)
      "tpu.region"() ({
        %run_scoped3A = tpu.sem_alloc : memref<!tpu.dma_semaphore, #tpu.memory_space<semaphore_mem>>
        %dma_start3A_16 = arith.constant 0 : i32
        %dma_start3A_17 = tpu.memref_slice %arg4[%multiple_of3A, %dma_start3A_16] : memref<64000x128xf32, #tpu.memory_space<hbm>> -> memref<400x128xf32, #tpu.memory_space<hbm>>
        %dma_start3A_18 = arith.constant 0 : i32
        %dma_start3A_19 = tpu.memref_slice %arg4[%multiple_of3A, %dma_start3A_18] : memref<64000x128xf32, #tpu.memory_space<hbm>> -> memref<400x128xf32, #tpu.memory_space<hbm>>
        tpu.enqueue_dma source(%arg6 : memref<400x128xf32, #tpu.memory_space<vmem>>) target(%dma_start3A_19 : memref<400x128xf32, #tpu.memory_space<hbm>>) target_semaphore(%run_scoped3A : memref<!tpu.dma_semaphore, #tpu.memory_space<semaphore_mem>>)
        %dma_wait3A_20 = arith.constant 0 : i32
        %dma_wait3A_21 = tpu.memref_slice %arg4[%multiple_of3A, %dma_wait3A_20] : memref<64000x128xf32, #tpu.memory_space<hbm>> -> memref<400x128xf32, #tpu.memory_space<hbm>>
        %dma_wait3A_22 = arith.constant 0 : i32
        %dma_wait3A_23 = tpu.memref_slice %arg4[%multiple_of3A, %dma_wait3A_22] : memref<64000x128xf32, #tpu.memory_space<hbm>> -> memref<400x128xf32, #tpu.memory_space<hbm>>
        tpu.wait_dma2 semaphore(%run_scoped3A : memref<!tpu.dma_semaphore, #tpu.memory_space<semaphore_mem>>) src(%arg6 : memref<400x128xf32, #tpu.memory_space<vmem>>) dst(%dma_wait3A_23 : memref<400x128xf32, #tpu.memory_space<hbm>>)
        tpu.yield
      }) : () -> ()
    }
    %scan3A_7 = arith.constant 5 : i32
    return
  }
}

#map = affine_map<(d0, d1) -> (0, 0)>
#map1 = affine_map<(d0, d1) -> (0)>
module attributes {stable_mosaic.version = 14 : i64} {
  func.func @gather_kernel(%arg0: i32, %arg1: i32, %arg2: memref<10000x128xf32, #tpu.memory_space<hbm>>, %arg3: memref<64000xi32, #tpu.memory_space<hbm>>, %arg4: memref<64000x128xf32, #tpu.memory_space<hbm>>, %arg5: memref<400xi32, #tpu.memory_space<vmem>>, %arg6: memref<400x128xf32, #tpu.memory_space<vmem>>, %arg7: memref<!tpu.dma_semaphore, #tpu.memory_space<semaphore_mem>>) attributes {dimension_semantics = [#tpu.dimension_semantics<core_parallel>, #tpu.dimension_semantics<subcore_parallel>], iteration_bounds = array<i64: 2, 16>, scalar_prefetch = 0 : i64, scratch_operands = 3 : i64, tpu.core_type = #tpu.core_type<sc_vector_subcore>, window_params = [{transform_indices = #map}, {transform_indices = #map1}, {transform_indices = #map}]} {
    %mul3A = arith.constant 2 : i32
    %mul3A_0 = arith.muli %arg1, %mul3A : i32
    %add3A = arith.addi %mul3A_0, %arg0 : i32
    %mul3A_1 = arith.constant 2000 : i32
    %mul3A_2 = arith.muli %add3A, %mul3A_1 : i32
    %scan3A = arith.constant 0 : i32
    %scan3A_3 = arith.constant 0 : i32
    %scan3A_4 = arith.constant 5 : i32
    %scan3A_5 = arith.addi %scan3A_3, %scan3A_4 : i32
    %scan3A_6 = arith.constant 1 : i32
    scf.for %scan3A_8 = %scan3A_3 to %scan3A_5 step %scan3A_6  : i32 {
      %mul3A_9 = arith.constant 400 : i32
      %mul3A_10 = arith.muli %scan3A_8, %mul3A_9 : i32
      %add3A_11 = arith.addi %mul3A_2, %mul3A_10 : i32
      %multiple_of3A = tpu.assume_multiple %add3A_11, 8 : i32
      "tpu.region"() ({
        %run_scoped3A = tpu.sem_alloc : memref<!tpu.dma_semaphore, #tpu.memory_space<semaphore_mem>>
        %dma_start3A_16 = tpu.memref_slice %arg3[%multiple_of3A] : memref<64000xi32, #tpu.memory_space<hbm>> -> memref<400xi32, #tpu.memory_space<hbm>>
        %dma_start3A_17 = tpu.memref_slice %arg3[%multiple_of3A] : memref<64000xi32, #tpu.memory_space<hbm>> -> memref<400xi32, #tpu.memory_space<hbm>>
        tpu.enqueue_dma source(%dma_start3A_17 : memref<400xi32, #tpu.memory_space<hbm>>) target(%arg5 : memref<400xi32, #tpu.memory_space<vmem>>) target_semaphore(%run_scoped3A : memref<!tpu.dma_semaphore, #tpu.memory_space<semaphore_mem>>)
        %dma_wait3A_18 = tpu.memref_slice %arg3[%multiple_of3A] : memref<64000xi32, #tpu.memory_space<hbm>> -> memref<400xi32, #tpu.memory_space<hbm>>
        %dma_wait3A_19 = tpu.memref_slice %arg3[%multiple_of3A] : memref<64000xi32, #tpu.memory_space<hbm>> -> memref<400xi32, #tpu.memory_space<hbm>>
        tpu.wait_dma2 semaphore(%run_scoped3A : memref<!tpu.dma_semaphore, #tpu.memory_space<semaphore_mem>>) src(%dma_wait3A_19 : memref<400xi32, #tpu.memory_space<hbm>>) dst(%arg5 : memref<400xi32, #tpu.memory_space<vmem>>)
        tpu.yield
      }) : () -> ()
      %dma_start3A = arith.constant 0 : i32
      %dma_start3A_12 = arith.constant 0 : i32
      %dma_start3A_13 = tpu.memref_slice %arg2[%dma_start3A, %dma_start3A_12] : memref<10000x128xf32, #tpu.memory_space<hbm>> -> memref<10000x128xf32, #tpu.memory_space<hbm>>
      tpu.enqueue_indirect_dma source(%dma_start3A_13 : memref<10000x128xf32, #tpu.memory_space<hbm>>) target(%arg6 : memref<400x128xf32, #tpu.memory_space<vmem>>) offsets(%arg5 : memref<400xi32, #tpu.memory_space<vmem>>) semaphore(%arg7 : memref<!tpu.dma_semaphore, #tpu.memory_space<semaphore_mem>>)
      %dma_wait3A = arith.constant 0 : i32
      %dma_wait3A_14 = arith.constant 0 : i32
      %dma_wait3A_15 = tpu.memref_slice %arg2[%dma_wait3A, %dma_wait3A_14] : memref<10000x128xf32, #tpu.memory_space<hbm>> -> memref<10000x128xf32, #tpu.memory_space<hbm>>
      tpu.wait_indirect_dma semaphore(%arg7 : memref<!tpu.dma_semaphore, #tpu.memory_space<semaphore_mem>>) src(%dma_wait3A_15 : memref<10000x128xf32, #tpu.memory_space<hbm>>) dst(%arg6 : memref<400x128xf32, #tpu.memory_space<vmem>>)
      "tpu.region"() ({
        %run_scoped3A = tpu.sem_alloc : memref<!tpu.dma_semaphore, #tpu.memory_space<semaphore_mem>>
        %dma_start3A_16 = arith.constant 0 : i32
        %dma_start3A_17 = tpu.memref_slice %arg4[%multiple_of3A, %dma_start3A_16] : memref<64000x128xf32, #tpu.memory_space<hbm>> -> memref<400x128xf32, #tpu.memory_space<hbm>>
        %dma_start3A_18 = arith.constant 0 : i32
        %dma_start3A_19 = tpu.memref_slice %arg4[%multiple_of3A, %dma_start3A_18] : memref<64000x128xf32, #tpu.memory_space<hbm>> -> memref<400x128xf32, #tpu.memory_space<hbm>>
        tpu.enqueue_dma source(%arg6 : memref<400x128xf32, #tpu.memory_space<vmem>>) target(%dma_start3A_19 : memref<400x128xf32, #tpu.memory_space<hbm>>) target_semaphore(%run_scoped3A : memref<!tpu.dma_semaphore, #tpu.memory_space<semaphore_mem>>)
        %dma_wait3A_20 = arith.constant 0 : i32
        %dma_wait3A_21 = tpu.memref_slice %arg4[%multiple_of3A, %dma_wait3A_20] : memref<64000x128xf32, #tpu.memory_space<hbm>> -> memref<400x128xf32, #tpu.memory_space<hbm>>
        %dma_wait3A_22 = arith.constant 0 : i32
        %dma_wait3A_23 = tpu.memref_slice %arg4[%multiple_of3A, %dma_wait3A_22] : memref<64000x128xf32, #tpu.memory_space<hbm>> -> memref<400x128xf32, #tpu.memory_space<hbm>>
        tpu.wait_dma2 semaphore(%run_scoped3A : memref<!tpu.dma_semaphore, #tpu.memory_space<semaphore_mem>>) src(%arg6 : memref<400x128xf32, #tpu.memory_space<vmem>>) dst(%dma_wait3A_23 : memref<400x128xf32, #tpu.memory_space<hbm>>)
        tpu.yield
      }) : () -> ()
    }
    %scan3A_7 = arith.constant 5 : i32
    return
  }
}

#map = affine_map<(d0, d1) -> (0, 0)>
#map1 = affine_map<(d0, d1) -> (0)>
module attributes {stable_mosaic.version = 14 : i64} {
  func.func @gather_kernel(%arg0: i32, %arg1: i32, %arg2: memref<10000x128xf32, #tpu.memory_space<hbm>>, %arg3: memref<64000xi32, #tpu.memory_space<hbm>>, %arg4: memref<64000x128xf32, #tpu.memory_space<hbm>>, %arg5: memref<400xi32, #tpu.memory_space<vmem>>, %arg6: memref<400x128xf32, #tpu.memory_space<vmem>>, %arg7: memref<!tpu.dma_semaphore, #tpu.memory_space<semaphore_mem>>) attributes {dimension_semantics = [#tpu.dimension_semantics<core_parallel>, #tpu.dimension_semantics<subcore_parallel>], iteration_bounds = array<i64: 2, 16>, scalar_prefetch = 0 : i64, scratch_operands = 3 : i64, tpu.core_type = #tpu.core_type<sc_vector_subcore>, window_params = [{transform_indices = #map}, {transform_indices = #map1}, {transform_indices = #map}]} {
    %mul3A = arith.constant 2 : i32
    %mul3A_0 = arith.muli %arg1, %mul3A : i32
    %add3A = arith.addi %mul3A_0, %arg0 : i32
    %mul3A_1 = arith.constant 2000 : i32
    %mul3A_2 = arith.muli %add3A, %mul3A_1 : i32
    %scan3A = arith.constant 0 : i32
    %scan3A_3 = arith.constant 0 : i32
    %scan3A_4 = arith.constant 5 : i32
    %scan3A_5 = arith.addi %scan3A_3, %scan3A_4 : i32
    %scan3A_6 = arith.constant 1 : i32
    scf.for %scan3A_8 = %scan3A_3 to %scan3A_5 step %scan3A_6  : i32 {
      %mul3A_9 = arith.constant 400 : i32
      %mul3A_10 = arith.muli %scan3A_8, %mul3A_9 : i32
      %add3A_11 = arith.addi %mul3A_2, %mul3A_10 : i32
      %multiple_of3A = tpu.assume_multiple %add3A_11, 8 : i32
      "tpu.region"() ({
        %run_scoped3A = tpu.sem_alloc : memref<!tpu.dma_semaphore, #tpu.memory_space<semaphore_mem>>
        %dma_start3A_16 = tpu.memref_slice %arg3[%multiple_of3A] : memref<64000xi32, #tpu.memory_space<hbm>> -> memref<400xi32, #tpu.memory_space<hbm>>
        %dma_start3A_17 = tpu.memref_slice %arg3[%multiple_of3A] : memref<64000xi32, #tpu.memory_space<hbm>> -> memref<400xi32, #tpu.memory_space<hbm>>
        tpu.enqueue_dma source(%dma_start3A_17 : memref<400xi32, #tpu.memory_space<hbm>>) target(%arg5 : memref<400xi32, #tpu.memory_space<vmem>>) target_semaphore(%run_scoped3A : memref<!tpu.dma_semaphore, #tpu.memory_space<semaphore_mem>>)
        %dma_wait3A_18 = tpu.memref_slice %arg3[%multiple_of3A] : memref<64000xi32, #tpu.memory_space<hbm>> -> memref<400xi32, #tpu.memory_space<hbm>>
        %dma_wait3A_19 = tpu.memref_slice %arg3[%multiple_of3A] : memref<64000xi32, #tpu.memory_space<hbm>> -> memref<400xi32, #tpu.memory_space<hbm>>
        tpu.wait_dma2 semaphore(%run_scoped3A : memref<!tpu.dma_semaphore, #tpu.memory_space<semaphore_mem>>) src(%dma_wait3A_19 : memref<400xi32, #tpu.memory_space<hbm>>) dst(%arg5 : memref<400xi32, #tpu.memory_space<vmem>>)
        tpu.yield
      }) : () -> ()
      %dma_start3A = arith.constant 0 : i32
      %dma_start3A_12 = arith.constant 0 : i32
      %dma_start3A_13 = tpu.memref_slice %arg2[%dma_start3A, %dma_start3A_12] : memref<10000x128xf32, #tpu.memory_space<hbm>> -> memref<10000x128xf32, #tpu.memory_space<hbm>>
      tpu.enqueue_indirect_dma source(%dma_start3A_13 : memref<10000x128xf32, #tpu.memory_space<hbm>>) target(%arg6 : memref<400x128xf32, #tpu.memory_space<vmem>>) offsets(%arg5 : memref<400xi32, #tpu.memory_space<vmem>>) semaphore(%arg7 : memref<!tpu.dma_semaphore, #tpu.memory_space<semaphore_mem>>)
      %dma_wait3A = arith.constant 0 : i32
      %dma_wait3A_14 = arith.constant 0 : i32
      %dma_wait3A_15 = tpu.memref_slice %arg2[%dma_wait3A, %dma_wait3A_14] : memref<10000x128xf32, #tpu.memory_space<hbm>> -> memref<10000x128xf32, #tpu.memory_space<hbm>>
      tpu.wait_indirect_dma semaphore(%arg7 : memref<!tpu.dma_semaphore, #tpu.memory_space<semaphore_mem>>) src(%dma_wait3A_15 : memref<10000x128xf32, #tpu.memory_space<hbm>>) dst(%arg6 : memref<400x128xf32, #tpu.memory_space<vmem>>)
      "tpu.region"() ({
        %run_scoped3A = tpu.sem_alloc : memref<!tpu.dma_semaphore, #tpu.memory_space<semaphore_mem>>
        %dma_start3A_16 = arith.constant 0 : i32
        %dma_start3A_17 = tpu.memref_slice %arg4[%multiple_of3A, %dma_start3A_16] : memref<64000x128xf32, #tpu.memory_space<hbm>> -> memref<400x128xf32, #tpu.memory_space<hbm>>
        %dma_start3A_18 = arith.constant 0 : i32
        %dma_start3A_19 = tpu.memref_slice %arg4[%multiple_of3A, %dma_start3A_18] : memref<64000x128xf32, #tpu.memory_space<hbm>> -> memref<400x128xf32, #tpu.memory_space<hbm>>
        tpu.enqueue_dma source(%arg6 : memref<400x128xf32, #tpu.memory_space<vmem>>) target(%dma_start3A_19 : memref<400x128xf32, #tpu.memory_space<hbm>>) target_semaphore(%run_scoped3A : memref<!tpu.dma_semaphore, #tpu.memory_space<semaphore_mem>>)
        %dma_wait3A_20 = arith.constant 0 : i32
        %dma_wait3A_21 = tpu.memref_slice %arg4[%multiple_of3A, %dma_wait3A_20] : memref<64000x128xf32, #tpu.memory_space<hbm>> -> memref<400x128xf32, #tpu.memory_space<hbm>>
        %dma_wait3A_22 = arith.constant 0 : i32
        %dma_wait3A_23 = tpu.memref_slice %arg4[%multiple_of3A, %dma_wait3A_22] : memref<64000x128xf32, #tpu.memory_space<hbm>> -> memref<400x128xf32, #tpu.memory_space<hbm>>
        tpu.wait_dma2 semaphore(%run_scoped3A : memref<!tpu.dma_semaphore, #tpu.memory_space<semaphore_mem>>) src(%arg6 : memref<400x128xf32, #tpu.memory_space<vmem>>) dst(%dma_wait3A_23 : memref<400x128xf32, #tpu.memory_space<hbm>>)
        tpu.yield
      }) : () -> ()
    }
    %scan3A_7 = arith.constant 5 : i32
    return
  }
}

#map = affine_map<(d0, d1) -> (0, 0)>
#map1 = affine_map<(d0, d1) -> (0)>
module attributes {stable_mosaic.version = 14 : i64} {
  func.func @gather_kernel(%arg0: i32, %arg1: i32, %arg2: memref<10000x128xf32, #tpu.memory_space<hbm>>, %arg3: memref<64000xi32, #tpu.memory_space<hbm>>, %arg4: memref<64000x128xf32, #tpu.memory_space<hbm>>, %arg5: memref<400xi32, #tpu.memory_space<vmem>>, %arg6: memref<400x128xf32, #tpu.memory_space<vmem>>, %arg7: memref<!tpu.dma_semaphore, #tpu.memory_space<semaphore_mem>>) attributes {dimension_semantics = [#tpu.dimension_semantics<core_parallel>, #tpu.dimension_semantics<subcore_parallel>], iteration_bounds = array<i64: 2, 16>, scalar_prefetch = 0 : i64, scratch_operands = 3 : i64, tpu.core_type = #tpu.core_type<sc_vector_subcore>, window_params = [{transform_indices = #map}, {transform_indices = #map1}, {transform_indices = #map}]} {
    %mul3A = arith.constant 2 : i32
    %mul3A_0 = arith.muli %arg1, %mul3A : i32
    %add3A = arith.addi %mul3A_0, %arg0 : i32
    %mul3A_1 = arith.constant 2000 : i32
    %mul3A_2 = arith.muli %add3A, %mul3A_1 : i32
    %scan3A = arith.constant 0 : i32
    %scan3A_3 = arith.constant 0 : i32
    %scan3A_4 = arith.constant 5 : i32
    %scan3A_5 = arith.addi %scan3A_3, %scan3A_4 : i32
    %scan3A_6 = arith.constant 1 : i32
    scf.for %scan3A_8 = %scan3A_3 to %scan3A_5 step %scan3A_6  : i32 {
      %mul3A_9 = arith.constant 400 : i32
      %mul3A_10 = arith.muli %scan3A_8, %mul3A_9 : i32
      %add3A_11 = arith.addi %mul3A_2, %mul3A_10 : i32
      %multiple_of3A = tpu.assume_multiple %add3A_11, 8 : i32
      "tpu.region"() ({
        %run_scoped3A = tpu.sem_alloc : memref<!tpu.dma_semaphore, #tpu.memory_space<semaphore_mem>>
        %dma_start3A_16 = tpu.memref_slice %arg3[%multiple_of3A] : memref<64000xi32, #tpu.memory_space<hbm>> -> memref<400xi32, #tpu.memory_space<hbm>>
        %dma_start3A_17 = tpu.memref_slice %arg3[%multiple_of3A] : memref<64000xi32, #tpu.memory_space<hbm>> -> memref<400xi32, #tpu.memory_space<hbm>>
        tpu.enqueue_dma source(%dma_start3A_17 : memref<400xi32, #tpu.memory_space<hbm>>) target(%arg5 : memref<400xi32, #tpu.memory_space<vmem>>) target_semaphore(%run_scoped3A : memref<!tpu.dma_semaphore, #tpu.memory_space<semaphore_mem>>)
        %dma_wait3A_18 = tpu.memref_slice %arg3[%multiple_of3A] : memref<64000xi32, #tpu.memory_space<hbm>> -> memref<400xi32, #tpu.memory_space<hbm>>
        %dma_wait3A_19 = tpu.memref_slice %arg3[%multiple_of3A] : memref<64000xi32, #tpu.memory_space<hbm>> -> memref<400xi32, #tpu.memory_space<hbm>>
        tpu.wait_dma2 semaphore(%run_scoped3A : memref<!tpu.dma_semaphore, #tpu.memory_space<semaphore_mem>>) src(%dma_wait3A_19 : memref<400xi32, #tpu.memory_space<hbm>>) dst(%arg5 : memref<400xi32, #tpu.memory_space<vmem>>)
        tpu.yield
      }) : () -> ()
      %dma_start3A = arith.constant 0 : i32
      %dma_start3A_12 = arith.constant 0 : i32
      %dma_start3A_13 = tpu.memref_slice %arg2[%dma_start3A, %dma_start3A_12] : memref<10000x128xf32, #tpu.memory_space<hbm>> -> memref<10000x128xf32, #tpu.memory_space<hbm>>
      tpu.enqueue_indirect_dma source(%dma_start3A_13 : memref<10000x128xf32, #tpu.memory_space<hbm>>) target(%arg6 : memref<400x128xf32, #tpu.memory_space<vmem>>) offsets(%arg5 : memref<400xi32, #tpu.memory_space<vmem>>) semaphore(%arg7 : memref<!tpu.dma_semaphore, #tpu.memory_space<semaphore_mem>>)
      %dma_wait3A = arith.constant 0 : i32
      %dma_wait3A_14 = arith.constant 0 : i32
      %dma_wait3A_15 = tpu.memref_slice %arg2[%dma_wait3A, %dma_wait3A_14] : memref<10000x128xf32, #tpu.memory_space<hbm>> -> memref<10000x128xf32, #tpu.memory_space<hbm>>
      tpu.wait_indirect_dma semaphore(%arg7 : memref<!tpu.dma_semaphore, #tpu.memory_space<semaphore_mem>>) src(%dma_wait3A_15 : memref<10000x128xf32, #tpu.memory_space<hbm>>) dst(%arg6 : memref<400x128xf32, #tpu.memory_space<vmem>>)
      "tpu.region"() ({
        %run_scoped3A = tpu.sem_alloc : memref<!tpu.dma_semaphore, #tpu.memory_space<semaphore_mem>>
        %dma_start3A_16 = arith.constant 0 : i32
        %dma_start3A_17 = tpu.memref_slice %arg4[%multiple_of3A, %dma_start3A_16] : memref<64000x128xf32, #tpu.memory_space<hbm>> -> memref<400x128xf32, #tpu.memory_space<hbm>>
        %dma_start3A_18 = arith.constant 0 : i32
        %dma_start3A_19 = tpu.memref_slice %arg4[%multiple_of3A, %dma_start3A_18] : memref<64000x128xf32, #tpu.memory_space<hbm>> -> memref<400x128xf32, #tpu.memory_space<hbm>>
        tpu.enqueue_dma source(%arg6 : memref<400x128xf32, #tpu.memory_space<vmem>>) target(%dma_start3A_19 : memref<400x128xf32, #tpu.memory_space<hbm>>) target_semaphore(%run_scoped3A : memref<!tpu.dma_semaphore, #tpu.memory_space<semaphore_mem>>)
        %dma_wait3A_20 = arith.constant 0 : i32
        %dma_wait3A_21 = tpu.memref_slice %arg4[%multiple_of3A, %dma_wait3A_20] : memref<64000x128xf32, #tpu.memory_space<hbm>> -> memref<400x128xf32, #tpu.memory_space<hbm>>
        %dma_wait3A_22 = arith.constant 0 : i32
        %dma_wait3A_23 = tpu.memref_slice %arg4[%multiple_of3A, %dma_wait3A_22] : memref<64000x128xf32, #tpu.memory_space<hbm>> -> memref<400x128xf32, #tpu.memory_space<hbm>>
        tpu.wait_dma2 semaphore(%run_scoped3A : memref<!tpu.dma_semaphore, #tpu.memory_space<semaphore_mem>>) src(%arg6 : memref<400x128xf32, #tpu.memory_space<vmem>>) dst(%dma_wait3A_23 : memref<400x128xf32, #tpu.memory_space<hbm>>)
        tpu.yield
      }) : () -> ()
    }
    %scan3A_7 = arith.constant 5 : i32
    return
  }
}

#map = affine_map<(d0, d1) -> (0, 0)>
#map1 = affine_map<(d0, d1) -> (0)>
module attributes {stable_mosaic.version = 14 : i64} {
  func.func @gather_kernel(%arg0: i32, %arg1: i32, %arg2: memref<10000x128xf32, #tpu.memory_space<hbm>>, %arg3: memref<64000xi32, #tpu.memory_space<hbm>>, %arg4: memref<64000x128xf32, #tpu.memory_space<hbm>>, %arg5: memref<400xi32, #tpu.memory_space<vmem>>, %arg6: memref<400x128xf32, #tpu.memory_space<vmem>>, %arg7: memref<!tpu.dma_semaphore, #tpu.memory_space<semaphore_mem>>) attributes {dimension_semantics = [#tpu.dimension_semantics<core_parallel>, #tpu.dimension_semantics<subcore_parallel>], iteration_bounds = array<i64: 2, 16>, scalar_prefetch = 0 : i64, scratch_operands = 3 : i64, tpu.core_type = #tpu.core_type<sc_vector_subcore>, window_params = [{transform_indices = #map}, {transform_indices = #map1}, {transform_indices = #map}]} {
    %mul3A = arith.constant 2 : i32
    %mul3A_0 = arith.muli %arg1, %mul3A : i32
    %add3A = arith.addi %mul3A_0, %arg0 : i32
    %mul3A_1 = arith.constant 2000 : i32
    %mul3A_2 = arith.muli %add3A, %mul3A_1 : i32
    %scan3A = arith.constant 0 : i32
    %scan3A_3 = arith.constant 0 : i32
    %scan3A_4 = arith.constant 5 : i32
    %scan3A_5 = arith.addi %scan3A_3, %scan3A_4 : i32
    %scan3A_6 = arith.constant 1 : i32
    scf.for %scan3A_8 = %scan3A_3 to %scan3A_5 step %scan3A_6  : i32 {
      %mul3A_9 = arith.constant 400 : i32
      %mul3A_10 = arith.muli %scan3A_8, %mul3A_9 : i32
      %add3A_11 = arith.addi %mul3A_2, %mul3A_10 : i32
      %multiple_of3A = tpu.assume_multiple %add3A_11, 8 : i32
      "tpu.region"() ({
        %run_scoped3A = tpu.sem_alloc : memref<!tpu.dma_semaphore, #tpu.memory_space<semaphore_mem>>
        %dma_start3A_16 = tpu.memref_slice %arg3[%multiple_of3A] : memref<64000xi32, #tpu.memory_space<hbm>> -> memref<400xi32, #tpu.memory_space<hbm>>
        %dma_start3A_17 = tpu.memref_slice %arg3[%multiple_of3A] : memref<64000xi32, #tpu.memory_space<hbm>> -> memref<400xi32, #tpu.memory_space<hbm>>
        tpu.enqueue_dma source(%dma_start3A_17 : memref<400xi32, #tpu.memory_space<hbm>>) target(%arg5 : memref<400xi32, #tpu.memory_space<vmem>>) target_semaphore(%run_scoped3A : memref<!tpu.dma_semaphore, #tpu.memory_space<semaphore_mem>>)
        %dma_wait3A_18 = tpu.memref_slice %arg3[%multiple_of3A] : memref<64000xi32, #tpu.memory_space<hbm>> -> memref<400xi32, #tpu.memory_space<hbm>>
        %dma_wait3A_19 = tpu.memref_slice %arg3[%multiple_of3A] : memref<64000xi32, #tpu.memory_space<hbm>> -> memref<400xi32, #tpu.memory_space<hbm>>
        tpu.wait_dma2 semaphore(%run_scoped3A : memref<!tpu.dma_semaphore, #tpu.memory_space<semaphore_mem>>) src(%dma_wait3A_19 : memref<400xi32, #tpu.memory_space<hbm>>) dst(%arg5 : memref<400xi32, #tpu.memory_space<vmem>>)
        tpu.yield
      }) : () -> ()
      %dma_start3A = arith.constant 0 : i32
      %dma_start3A_12 = arith.constant 0 : i32
      %dma_start3A_13 = tpu.memref_slice %arg2[%dma_start3A, %dma_start3A_12] : memref<10000x128xf32, #tpu.memory_space<hbm>> -> memref<10000x128xf32, #tpu.memory_space<hbm>>
      tpu.enqueue_indirect_dma source(%dma_start3A_13 : memref<10000x128xf32, #tpu.memory_space<hbm>>) target(%arg6 : memref<400x128xf32, #tpu.memory_space<vmem>>) offsets(%arg5 : memref<400xi32, #tpu.memory_space<vmem>>) semaphore(%arg7 : memref<!tpu.dma_semaphore, #tpu.memory_space<semaphore_mem>>)
      %dma_wait3A = arith.constant 0 : i32
      %dma_wait3A_14 = arith.constant 0 : i32
      %dma_wait3A_15 = tpu.memref_slice %arg2[%dma_wait3A, %dma_wait3A_14] : memref<10000x128xf32, #tpu.memory_space<hbm>> -> memref<10000x128xf32, #tpu.memory_space<hbm>>
      tpu.wait_indirect_dma semaphore(%arg7 : memref<!tpu.dma_semaphore, #tpu.memory_space<semaphore_mem>>) src(%dma_wait3A_15 : memref<10000x128xf32, #tpu.memory_space<hbm>>) dst(%arg6 : memref<400x128xf32, #tpu.memory_space<vmem>>)
      "tpu.region"() ({
        %run_scoped3A = tpu.sem_alloc : memref<!tpu.dma_semaphore, #tpu.memory_space<semaphore_mem>>
        %dma_start3A_16 = arith.constant 0 : i32
        %dma_start3A_17 = tpu.memref_slice %arg4[%multiple_of3A, %dma_start3A_16] : memref<64000x128xf32, #tpu.memory_space<hbm>> -> memref<400x128xf32, #tpu.memory_space<hbm>>
        %dma_start3A_18 = arith.constant 0 : i32
        %dma_start3A_19 = tpu.memref_slice %arg4[%multiple_of3A, %dma_start3A_18] : memref<64000x128xf32, #tpu.memory_space<hbm>> -> memref<400x128xf32, #tpu.memory_space<hbm>>
        tpu.enqueue_dma source(%arg6 : memref<400x128xf32, #tpu.memory_space<vmem>>) target(%dma_start3A_19 : memref<400x128xf32, #tpu.memory_space<hbm>>) target_semaphore(%run_scoped3A : memref<!tpu.dma_semaphore, #tpu.memory_space<semaphore_mem>>)
        %dma_wait3A_20 = arith.constant 0 : i32
        %dma_wait3A_21 = tpu.memref_slice %arg4[%multiple_of3A, %dma_wait3A_20] : memref<64000x128xf32, #tpu.memory_space<hbm>> -> memref<400x128xf32, #tpu.memory_space<hbm>>
        %dma_wait3A_22 = arith.constant 0 : i32
        %dma_wait3A_23 = tpu.memref_slice %arg4[%multiple_of3A, %dma_wait3A_22] : memref<64000x128xf32, #tpu.memory_space<hbm>> -> memref<400x128xf32, #tpu.memory_space<hbm>>
        tpu.wait_dma2 semaphore(%run_scoped3A : memref<!tpu.dma_semaphore, #tpu.memory_space<semaphore_mem>>) src(%arg6 : memref<400x128xf32, #tpu.memory_space<vmem>>) dst(%dma_wait3A_23 : memref<400x128xf32, #tpu.memory_space<hbm>>)
        tpu.yield
      }) : () -> ()
    }
    %scan3A_7 = arith.constant 5 : i32
    return
  }
}

module attributes {stable_mosaic.version = 14 : i64} {
  func.func @_layer1_body(%arg0: i32, %arg1: i32, %arg2: memref<1x2000x128xf32, #tpu.memory_space<vmem>>, %arg3: memref<2000x128xf32, #tpu.memory_space<vmem>>, %arg4: memref<256x512xf32, #tpu.memory_space<vmem>>, %arg5: memref<128x128xf32, #tpu.memory_space<vmem>>, %arg6: memref<128x128xf32, #tpu.memory_space<vmem>>, %arg7: memref<1x512xf32, #tpu.memory_space<vmem>>, %arg8: memref<1x128xf32, #tpu.memory_space<vmem>>, %arg9: memref<2000x128xf32, #tpu.memory_space<vmem>>, %arg10: memref<2000x256xf32, #tpu.memory_space<vmem>>, %arg11: memref<2000x128xf32, #tpu.memory_space<vmem>>) attributes {dimension_semantics = [#tpu.dimension_semantics<arbitrary>, #tpu.dimension_semantics<arbitrary>], iteration_bounds = array<i64: 1, 32>, scalar_prefetch = 0 : i64, scratch_operands = 2 : i64, tpu.core_type = #tpu.core_type<tc>, window_params = [{transform_indices = @transform_0, window_bounds = array<i64: 1, 2000, 128>}, {transform_indices = @transform_1, window_bounds = array<i64: 2000, 128>}, {pipeline_mode = #tpu.pipeline_mode<synchronous>, transform_indices = @transform_2, window_bounds = array<i64: 256, 512>}, {pipeline_mode = #tpu.pipeline_mode<synchronous>, transform_indices = @transform_3, window_bounds = array<i64: 128, 128>}, {pipeline_mode = #tpu.pipeline_mode<synchronous>, transform_indices = @transform_4, window_bounds = array<i64: 128, 128>}, {pipeline_mode = #tpu.pipeline_mode<synchronous>, transform_indices = @transform_5, window_bounds = array<i64: 1, 512>}, {pipeline_mode = #tpu.pipeline_mode<synchronous>, transform_indices = @transform_6, window_bounds = array<i64: 1, 128>}, {transform_indices = @transform_7, window_bounds = array<i64: 2000, 128>}]} {
    %eq3A = arith.constant 0 : i32
    %eq3A_0 = arith.cmpi eq, %arg1, %eq3A : i32
    %convert_element_type3A = arith.extui %eq3A_0 : i1 to i32
    %cond3A = arith.constant 0 : i32
    %cond3A_1 = arith.cmpi ne, %convert_element_type3A, %cond3A : i32
    scf.if %cond3A_1 {
      %broadcast_in_dim3A = arith.constant 0.000000e+00 : f32
      %broadcast_in_dim3A_58 = vector.broadcast %broadcast_in_dim3A : f32 to vector<2000x128xf32>
      %swap3A_59 = arith.constant 0 : index
      %swap3A_60 = arith.constant 128 : index
      %swap3A_61 = vector.load %arg10[%swap3A_59, %swap3A_60] : memref<2000x256xf32, #tpu.memory_space<vmem>>, vector<2000x128xf32>
      tpu.vector_store %arg10[%swap3A_59, %swap3A_60], %broadcast_in_dim3A_58 {strides = array<i32>} : memref<2000x256xf32, #tpu.memory_space<vmem>>, vector<2000x128xf32>,
      %broadcast_in_dim3A_62 = arith.constant 0.000000e+00 : f32
      %broadcast_in_dim3A_63 = vector.broadcast %broadcast_in_dim3A_62 : f32 to vector<2000x128xf32>
      %swap3A_64 = arith.constant 0 : index
      %swap3A_65 = arith.constant 0 : index
      %swap3A_66 = vector.load %arg11[%swap3A_64, %swap3A_65] : memref<2000x128xf32, #tpu.memory_space<vmem>>, vector<2000x128xf32>
      tpu.vector_store %arg11[%swap3A_64, %swap3A_65], %broadcast_in_dim3A_63 {strides = array<i32>} : memref<2000x128xf32, #tpu.memory_space<vmem>>, vector<2000x128xf32>,
    } else {
    }
    %get3A = arith.constant 0 : index
    %get3A_2 = arith.constant 0 : index
    %get3A_3 = arith.constant 0 : index
    %get3A_4 = vector.load %arg2[%get3A, %get3A_2, %get3A_3] : memref<1x2000x128xf32, #tpu.memory_space<vmem>>, vector<1x2000x128xf32>
    %get3A_5 = vector.shape_cast %get3A_4 : vector<1x2000x128xf32> to vector<2000x128xf32>
    %swap3A = arith.constant 0 : index
    %swap3A_6 = arith.constant 0 : index
    %swap3A_7 = vector.load %arg10[%swap3A, %swap3A_6] : memref<2000x256xf32, #tpu.memory_space<vmem>>, vector<2000x128xf32>
    tpu.vector_store %arg10[%swap3A, %swap3A_6], %get3A_5 {strides = array<i32>} : memref<2000x256xf32, #tpu.memory_space<vmem>>, vector<2000x128xf32>,
    %get3A_8 = arith.constant 0 : index
    %get3A_9 = arith.constant 0 : index
    %get3A_10 = vector.load %arg11[%get3A_8, %get3A_9] : memref<2000x128xf32, #tpu.memory_space<vmem>>, vector<2000x128xf32>
    %get3A_11 = arith.constant 0 : index
    %get3A_12 = arith.constant 0 : index
    %get3A_13 = vector.load %arg10[%get3A_11, %get3A_12] : memref<2000x256xf32, #tpu.memory_space<vmem>>, vector<2000x256xf32>
    %get3A_14 = arith.constant 0 : index
    %get3A_15 = arith.constant 0 : index
    %get3A_16 = vector.load %arg4[%get3A_14, %get3A_15] : memref<256x512xf32, #tpu.memory_space<vmem>>, vector<256x512xf32>
    %dot_general3A = arith.constant dense<0.000000e+00> : vector<2000x512xf32>
    %dot_general3A_17 = tpu.matmul %get3A_13, %get3A_16, %dot_general3A {dimension_numbers = #tpu.dot_dimension_numbers<[1], [0], [0], [1], [0, 0, 1, 1], [], []>, transpose_lhs_hint = false} : vector<2000x256xf32>, vector<256x512xf32>, vector<2000x512xf32> -> vector<2000x512xf32>
    %get3A_18 = arith.constant 0 : index
    %get3A_19 = arith.constant 0 : index
    %get3A_20 = vector.load %arg7[%get3A_18, %get3A_19] : memref<1x512xf32, #tpu.memory_space<vmem>>, vector<1x512xf32>
    %add3A = vector.broadcast %get3A_20 : vector<1x512xf32> to vector<2000x512xf32>
    %add3A_21 = arith.addf %dot_general3A_17, %add3A : vector<2000x512xf32>
    %tanh3A = math.tanh %add3A_21 : vector<2000x512xf32>
    %slice3A = vector.extract_strided_slice %tanh3A {offsets = [0, 0], sizes = [2000, 128], strides = [1, 1]} : vector<2000x512xf32> to vector<2000x128xf32>
    %slice3A_22 = vector.extract_strided_slice %tanh3A {offsets = [0, 128], sizes = [2000, 128], strides = [1, 1]} : vector<2000x512xf32> to vector<2000x128xf32>
    %slice3A_23 = vector.extract_strided_slice %tanh3A {offsets = [0, 256], sizes = [2000, 128], strides = [1, 1]} : vector<2000x512xf32> to vector<2000x128xf32>
    %slice3A_24 = vector.extract_strided_slice %tanh3A {offsets = [0, 384], sizes = [2000, 128], strides = [1, 1]} : vector<2000x512xf32> to vector<2000x128xf32>
    %mul3A = arith.constant 5.000000e-01 : f32
    %mul3A_25 = vector.broadcast %mul3A : f32 to vector<2000x128xf32>
    %mul3A_26 = arith.mulf %mul3A_25, %slice3A : vector<2000x128xf32>
    %add3A_27 = arith.constant 5.000000e-01 : f32
    %add3A_28 = vector.broadcast %add3A_27 : f32 to vector<2000x128xf32>
    %add3A_29 = arith.addf %mul3A_26, %add3A_28 : vector<2000x128xf32>
    %mul3A_30 = arith.constant 5.000000e-01 : f32
    %mul3A_31 = vector.broadcast %mul3A_30 : f32 to vector<2000x128xf32>
    %mul3A_32 = arith.mulf %mul3A_31, %slice3A_22 : vector<2000x128xf32>
    %add3A_33 = arith.constant 5.000000e-01 : f32
    %add3A_34 = vector.broadcast %add3A_33 : f32 to vector<2000x128xf32>
    %add3A_35 = arith.addf %mul3A_32, %add3A_34 : vector<2000x128xf32>
    %mul3A_36 = arith.constant 5.000000e-01 : f32
    %mul3A_37 = vector.broadcast %mul3A_36 : f32 to vector<2000x128xf32>
    %mul3A_38 = arith.mulf %mul3A_37, %slice3A_24 : vector<2000x128xf32>
    %add3A_39 = arith.constant 5.000000e-01 : f32
    %add3A_40 = vector.broadcast %add3A_39 : f32 to vector<2000x128xf32>
    %add3A_41 = arith.addf %mul3A_38, %add3A_40 : vector<2000x128xf32>
    %mul3A_42 = arith.mulf %add3A_35, %get3A_10 : vector<2000x128xf32>
    %mul3A_43 = arith.mulf %add3A_29, %slice3A_23 : vector<2000x128xf32>
    %add3A_44 = arith.addf %mul3A_42, %mul3A_43 : vector<2000x128xf32>
    %tanh3A_45 = math.tanh %add3A_44 : vector<2000x128xf32>
    %mul3A_46 = arith.mulf %add3A_41, %tanh3A_45 : vector<2000x128xf32>
    %swap3A_47 = arith.constant 0 : index
    %swap3A_48 = arith.constant 128 : index
    %swap3A_49 = vector.load %arg10[%swap3A_47, %swap3A_48] : memref<2000x256xf32, #tpu.memory_space<vmem>>, vector<2000x128xf32>
    tpu.vector_store %arg10[%swap3A_47, %swap3A_48], %mul3A_46 {strides = array<i32>} : memref<2000x256xf32, #tpu.memory_space<vmem>>, vector<2000x128xf32>,
    %swap3A_50 = arith.constant 0 : index
    %swap3A_51 = arith.constant 0 : index
    %swap3A_52 = vector.load %arg11[%swap3A_50, %swap3A_51] : memref<2000x128xf32, #tpu.memory_space<vmem>>, vector<2000x128xf32>
    tpu.vector_store %arg11[%swap3A_50, %swap3A_51], %add3A_44 {strides = array<i32>} : memref<2000x128xf32, #tpu.memory_space<vmem>>, vector<2000x128xf32>,
    %eq3A_53 = arith.constant 31 : i32
    %eq3A_54 = arith.cmpi eq, %arg1, %eq3A_53 : i32
    %convert_element_type3A_55 = arith.extui %eq3A_54 : i1 to i32
    %cond3A_56 = arith.constant 0 : i32
    %cond3A_57 = arith.cmpi ne, %convert_element_type3A_55, %cond3A_56 : i32
    scf.if %cond3A_57 {
      %get3A_58 = arith.constant 0 : index
      %get3A_59 = arith.constant 0 : index
      %get3A_60 = vector.load %arg3[%get3A_58, %get3A_59] : memref<2000x128xf32, #tpu.memory_space<vmem>>, vector<2000x128xf32>
      %get3A_61 = arith.constant 0 : index
      %get3A_62 = arith.constant 0 : index
      %get3A_63 = vector.load %arg5[%get3A_61, %get3A_62] : memref<128x128xf32, #tpu.memory_space<vmem>>, vector<128x128xf32>
      %dot_general3A_64 = arith.constant dense<0.000000e+00> : vector<2000x128xf32>
      %dot_general3A_65 = tpu.matmul %get3A_60, %get3A_63, %dot_general3A_64 {dimension_numbers = #tpu.dot_dimension_numbers<[1], [0], [0], [1], [0, 0, 1, 1], [], []>, transpose_lhs_hint = false} : vector<2000x128xf32>, vector<128x128xf32>, vector<2000x128xf32> -> vector<2000x128xf32>
      %get3A_66 = arith.constant 0 : index
      %get3A_67 = arith.constant 0 : index
      %get3A_68 = vector.load %arg6[%get3A_66, %get3A_67] : memref<128x128xf32, #tpu.memory_space<vmem>>, vector<128x128xf32>
      %dot_general3A_69 = arith.constant dense<0.000000e+00> : vector<2000x128xf32>
      %dot_general3A_70 = tpu.matmul %mul3A_46, %get3A_68, %dot_general3A_69 {dimension_numbers = #tpu.dot_dimension_numbers<[1], [0], [0], [1], [0, 0, 1, 1], [], []>, transpose_lhs_hint = false} : vector<2000x128xf32>, vector<128x128xf32>, vector<2000x128xf32> -> vector<2000x128xf32>
      %add3A_71 = arith.addf %dot_general3A_65, %dot_general3A_70 : vector<2000x128xf32>
      %get3A_72 = arith.constant 0 : index
      %get3A_73 = arith.constant 0 : index
      %get3A_74 = vector.load %arg8[%get3A_72, %get3A_73] : memref<1x128xf32, #tpu.memory_space<vmem>>, vector<1x128xf32>
      %add3A_75 = vector.broadcast %get3A_74 : vector<1x128xf32> to vector<2000x128xf32>
      %add3A_76 = arith.addf %add3A_71, %add3A_75 : vector<2000x128xf32>
      %max3A = arith.constant 0.000000e+00 : f32
      %max3A_77 = vector.broadcast %max3A : f32 to vector<2000x128xf32>
      %max3A_78 = arith.maximumf %add3A_76, %max3A_77 : vector<2000x128xf32>
      %swap3A_79 = arith.constant 0 : index
      %swap3A_80 = arith.constant 0 : index
      %swap3A_81 = vector.load %arg9[%swap3A_79, %swap3A_80] : memref<2000x128xf32, #tpu.memory_space<vmem>>, vector<2000x128xf32>
      tpu.vector_store %arg9[%swap3A_79, %swap3A_80], %max3A_78 {strides = array<i32>} : memref<2000x128xf32, #tpu.memory_space<vmem>>, vector<2000x128xf32>,
    } else {
    }
    return
  }
  func.func @transform_0(%arg0: i32, %arg1: i32) -> (i32, i32, i32) {
    %c0_i32 = arith.constant 0 : i32
    %c0_i32_0 = arith.constant 0 : i32
    return %arg1, %arg0, %c0_i32 : i32, i32, i32
  }
  func.func @transform_1(%arg0: i32, %arg1: i32) -> (i32, i32) {
    %c0_i32 = arith.constant 0 : i32
    %c0_i32_0 = arith.constant 0 : i32
    return %arg0, %c0_i32 : i32, i32
  }
  func.func @transform_2(%arg0: i32, %arg1: i32) -> (i32, i32) {
    %c0_i32 = arith.constant 0 : i32
    %c0_i32_0 = arith.constant 0 : i32
    %c0_i32_1 = arith.constant 0 : i32
    return %c0_i32, %c0_i32_0 : i32, i32
  }
  func.func @transform_3(%arg0: i32, %arg1: i32) -> (i32, i32) {
    %c0_i32 = arith.constant 0 : i32
    %c0_i32_0 = arith.constant 0 : i32
    %c0_i32_1 = arith.constant 0 : i32
    return %c0_i32, %c0_i32_0 : i32, i32
  }
  func.func @transform_4(%arg0: i32, %arg1: i32) -> (i32, i32) {
    %c0_i32 = arith.constant 0 : i32
    %c0_i32_0 = arith.constant 0 : i32
    %c0_i32_1 = arith.constant 0 : i32
    return %c0_i32, %c0_i32_0 : i32, i32
  }
  func.func @transform_5(%arg0: i32, %arg1: i32) -> (i32, i32) {
    %c0_i32 = arith.constant 0 : i32
    %c0_i32_0 = arith.constant 0 : i32
    %c0_i32_1 = arith.constant 0 : i32
    return %c0_i32, %c0_i32_0 : i32, i32
  }
  func.func @transform_6(%arg0: i32, %arg1: i32) -> (i32, i32) {
    %c0_i32 = arith.constant 0 : i32
    %c0_i32_0 = arith.constant 0 : i32
    %c0_i32_1 = arith.constant 0 : i32
    return %c0_i32, %c0_i32_0 : i32, i32
  }
  func.func @transform_7(%arg0: i32, %arg1: i32) -> (i32, i32) {
    %c0_i32 = arith.constant 0 : i32
    %c0_i32_0 = arith.constant 0 : i32
    return %arg0, %c0_i32 : i32, i32
  }
}

module attributes {stable_mosaic.version = 14 : i64} {
  func.func @_layer2_body(%arg0: i32, %arg1: i32, %arg2: memref<1x2000x128xf32, #tpu.memory_space<vmem>>, %arg3: memref<2000x128xf32, #tpu.memory_space<vmem>>, %arg4: memref<256x512xf32, #tpu.memory_space<vmem>>, %arg5: memref<128x128xf32, #tpu.memory_space<vmem>>, %arg6: memref<128x128xf32, #tpu.memory_space<vmem>>, %arg7: memref<1x512xf32, #tpu.memory_space<vmem>>, %arg8: memref<1x128xf32, #tpu.memory_space<vmem>>, %arg9: memref<1x128xf32, #tpu.memory_space<vmem>>, %arg10: memref<2000x256xf32, #tpu.memory_space<vmem>>, %arg11: memref<2000x128xf32, #tpu.memory_space<vmem>>, %arg12: memref<1x128xf32, #tpu.memory_space<vmem>>) attributes {dimension_semantics = [#tpu.dimension_semantics<arbitrary>, #tpu.dimension_semantics<arbitrary>], iteration_bounds = array<i64: 1, 32>, scalar_prefetch = 0 : i64, scratch_operands = 3 : i64, tpu.core_type = #tpu.core_type<tc>, window_params = [{transform_indices = @transform_0, window_bounds = array<i64: 1, 2000, 128>}, {transform_indices = @transform_1, window_bounds = array<i64: 2000, 128>}, {pipeline_mode = #tpu.pipeline_mode<synchronous>, transform_indices = @transform_2, window_bounds = array<i64: 256, 512>}, {pipeline_mode = #tpu.pipeline_mode<synchronous>, transform_indices = @transform_3, window_bounds = array<i64: 128, 128>}, {pipeline_mode = #tpu.pipeline_mode<synchronous>, transform_indices = @transform_4, window_bounds = array<i64: 128, 128>}, {pipeline_mode = #tpu.pipeline_mode<synchronous>, transform_indices = @transform_5, window_bounds = array<i64: 1, 512>}, {pipeline_mode = #tpu.pipeline_mode<synchronous>, transform_indices = @transform_6, window_bounds = array<i64: 1, 128>}, {pipeline_mode = #tpu.pipeline_mode<synchronous>, transform_indices = @transform_7, window_bounds = array<i64: 1, 128>}]} {
    %eq3A = arith.constant 0 : i32
    %eq3A_0 = arith.cmpi eq, %arg0, %eq3A : i32
    %eq3A_1 = arith.constant 0 : i32
    %eq3A_2 = arith.cmpi eq, %arg1, %eq3A_1 : i32
    %and3A = arith.andi %eq3A_0, %eq3A_2 : i1
    %convert_element_type3A = arith.extui %and3A : i1 to i32
    %cond3A = arith.constant 0 : i32
    %cond3A_3 = arith.cmpi ne, %convert_element_type3A, %cond3A : i32
    scf.if %cond3A_3 {
      %broadcast_in_dim3A = arith.constant 0.000000e+00 : f32
      %broadcast_in_dim3A_73 = vector.broadcast %broadcast_in_dim3A : f32 to vector<1x128xf32>
      %swap3A_74 = arith.constant 0 : index
      %swap3A_75 = arith.constant 0 : index
      %swap3A_76 = vector.load %arg12[%swap3A_74, %swap3A_75] : memref<1x128xf32, #tpu.memory_space<vmem>>, vector<1x128xf32>
      tpu.vector_store %arg12[%swap3A_74, %swap3A_75], %broadcast_in_dim3A_73 {strides = array<i32>} : memref<1x128xf32, #tpu.memory_space<vmem>>, vector<1x128xf32>,
    } else {
    }
    %eq3A_4 = arith.constant 0 : i32
    %eq3A_5 = arith.cmpi eq, %arg1, %eq3A_4 : i32
    %convert_element_type3A_6 = arith.extui %eq3A_5 : i1 to i32
    %cond3A_7 = arith.constant 0 : i32
    %cond3A_8 = arith.cmpi ne, %convert_element_type3A_6, %cond3A_7 : i32
    scf.if %cond3A_8 {
      %broadcast_in_dim3A = arith.constant 0.000000e+00 : f32
      %broadcast_in_dim3A_73 = vector.broadcast %broadcast_in_dim3A : f32 to vector<2000x128xf32>
      %swap3A_74 = arith.constant 0 : index
      %swap3A_75 = arith.constant 128 : index
      %swap3A_76 = vector.load %arg10[%swap3A_74, %swap3A_75] : memref<2000x256xf32, #tpu.memory_space<vmem>>, vector<2000x128xf32>
      tpu.vector_store %arg10[%swap3A_74, %swap3A_75], %broadcast_in_dim3A_73 {strides = array<i32>} : memref<2000x256xf32, #tpu.memory_space<vmem>>, vector<2000x128xf32>,
      %broadcast_in_dim3A_77 = arith.constant 0.000000e+00 : f32
      %broadcast_in_dim3A_78 = vector.broadcast %broadcast_in_dim3A_77 : f32 to vector<2000x128xf32>
      %swap3A_79 = arith.constant 0 : index
      %swap3A_80 = arith.constant 0 : index
      %swap3A_81 = vector.load %arg11[%swap3A_79, %swap3A_80] : memref<2000x128xf32, #tpu.memory_space<vmem>>, vector<2000x128xf32>
      tpu.vector_store %arg11[%swap3A_79, %swap3A_80], %broadcast_in_dim3A_78 {strides = array<i32>} : memref<2000x128xf32, #tpu.memory_space<vmem>>, vector<2000x128xf32>,
    } else {
    }
    %get3A = arith.constant 0 : index
    %get3A_9 = arith.constant 0 : index
    %get3A_10 = arith.constant 0 : index
    %get3A_11 = vector.load %arg2[%get3A, %get3A_9, %get3A_10] : memref<1x2000x128xf32, #tpu.memory_space<vmem>>, vector<1x2000x128xf32>
    %get3A_12 = vector.shape_cast %get3A_11 : vector<1x2000x128xf32> to vector<2000x128xf32>
    %swap3A = arith.constant 0 : index
    %swap3A_13 = arith.constant 0 : index
    %swap3A_14 = vector.load %arg10[%swap3A, %swap3A_13] : memref<2000x256xf32, #tpu.memory_space<vmem>>, vector<2000x128xf32>
    tpu.vector_store %arg10[%swap3A, %swap3A_13], %get3A_12 {strides = array<i32>} : memref<2000x256xf32, #tpu.memory_space<vmem>>, vector<2000x128xf32>,
    %get3A_15 = arith.constant 0 : index
    %get3A_16 = arith.constant 0 : index
    %get3A_17 = vector.load %arg11[%get3A_15, %get3A_16] : memref<2000x128xf32, #tpu.memory_space<vmem>>, vector<2000x128xf32>
    %get3A_18 = arith.constant 0 : index
    %get3A_19 = arith.constant 0 : index
    %get3A_20 = vector.load %arg10[%get3A_18, %get3A_19] : memref<2000x256xf32, #tpu.memory_space<vmem>>, vector<2000x256xf32>
    %get3A_21 = arith.constant 0 : index
    %get3A_22 = arith.constant 0 : index
    %get3A_23 = vector.load %arg4[%get3A_21, %get3A_22] : memref<256x512xf32, #tpu.memory_space<vmem>>, vector<256x512xf32>
    %dot_general3A = arith.constant dense<0.000000e+00> : vector<2000x512xf32>
    %dot_general3A_24 = tpu.matmul %get3A_20, %get3A_23, %dot_general3A {dimension_numbers = #tpu.dot_dimension_numbers<[1], [0], [0], [1], [0, 0, 1, 1], [], []>, transpose_lhs_hint = false} : vector<2000x256xf32>, vector<256x512xf32>, vector<2000x512xf32> -> vector<2000x512xf32>
    %get3A_25 = arith.constant 0 : index
    %get3A_26 = arith.constant 0 : index
    %get3A_27 = vector.load %arg7[%get3A_25, %get3A_26] : memref<1x512xf32, #tpu.memory_space<vmem>>, vector<1x512xf32>
    %add3A = vector.broadcast %get3A_27 : vector<1x512xf32> to vector<2000x512xf32>
    %add3A_28 = arith.addf %dot_general3A_24, %add3A : vector<2000x512xf32>
    %tanh3A = math.tanh %add3A_28 : vector<2000x512xf32>
    %slice3A = vector.extract_strided_slice %tanh3A {offsets = [0, 0], sizes = [2000, 128], strides = [1, 1]} : vector<2000x512xf32> to vector<2000x128xf32>
    %slice3A_29 = vector.extract_strided_slice %tanh3A {offsets = [0, 128], sizes = [2000, 128], strides = [1, 1]} : vector<2000x512xf32> to vector<2000x128xf32>
    %slice3A_30 = vector.extract_strided_slice %tanh3A {offsets = [0, 256], sizes = [2000, 128], strides = [1, 1]} : vector<2000x512xf32> to vector<2000x128xf32>
    %slice3A_31 = vector.extract_strided_slice %tanh3A {offsets = [0, 384], sizes = [2000, 128], strides = [1, 1]} : vector<2000x512xf32> to vector<2000x128xf32>
    %mul3A = arith.constant 5.000000e-01 : f32
    %mul3A_32 = vector.broadcast %mul3A : f32 to vector<2000x128xf32>
    %mul3A_33 = arith.mulf %mul3A_32, %slice3A : vector<2000x128xf32>
    %add3A_34 = arith.constant 5.000000e-01 : f32
    %add3A_35 = vector.broadcast %add3A_34 : f32 to vector<2000x128xf32>
    %add3A_36 = arith.addf %mul3A_33, %add3A_35 : vector<2000x128xf32>
    %mul3A_37 = arith.constant 5.000000e-01 : f32
    %mul3A_38 = vector.broadcast %mul3A_37 : f32 to vector<2000x128xf32>
    %mul3A_39 = arith.mulf %mul3A_38, %slice3A_29 : vector<2000x128xf32>
    %add3A_40 = arith.constant 5.000000e-01 : f32
    %add3A_41 = vector.broadcast %add3A_40 : f32 to vector<2000x128xf32>
    %add3A_42 = arith.addf %mul3A_39, %add3A_41 : vector<2000x128xf32>
    %mul3A_43 = arith.constant 5.000000e-01 : f32
    %mul3A_44 = vector.broadcast %mul3A_43 : f32 to vector<2000x128xf32>
    %mul3A_45 = arith.mulf %mul3A_44, %slice3A_31 : vector<2000x128xf32>
    %add3A_46 = arith.constant 5.000000e-01 : f32
    %add3A_47 = vector.broadcast %add3A_46 : f32 to vector<2000x128xf32>
    %add3A_48 = arith.addf %mul3A_45, %add3A_47 : vector<2000x128xf32>
    %mul3A_49 = arith.mulf %add3A_42, %get3A_17 : vector<2000x128xf32>
    %mul3A_50 = arith.mulf %add3A_36, %slice3A_30 : vector<2000x128xf32>
    %add3A_51 = arith.addf %mul3A_49, %mul3A_50 : vector<2000x128xf32>
    %tanh3A_52 = math.tanh %add3A_51 : vector<2000x128xf32>
    %mul3A_53 = arith.mulf %add3A_48, %tanh3A_52 : vector<2000x128xf32>
    %swap3A_54 = arith.constant 0 : index
    %swap3A_55 = arith.constant 128 : index
    %swap3A_56 = vector.load %arg10[%swap3A_54, %swap3A_55] : memref<2000x256xf32, #tpu.memory_space<vmem>>, vector<2000x128xf32>
    tpu.vector_store %arg10[%swap3A_54, %swap3A_55], %mul3A_53 {strides = array<i32>} : memref<2000x256xf32, #tpu.memory_space<vmem>>, vector<2000x128xf32>,
    %swap3A_57 = arith.constant 0 : index
    %swap3A_58 = arith.constant 0 : index
    %swap3A_59 = vector.load %arg11[%swap3A_57, %swap3A_58] : memref<2000x128xf32, #tpu.memory_space<vmem>>, vector<2000x128xf32>
    tpu.vector_store %arg11[%swap3A_57, %swap3A_58], %add3A_51 {strides = array<i32>} : memref<2000x128xf32, #tpu.memory_space<vmem>>, vector<2000x128xf32>,
    %eq3A_60 = arith.constant 31 : i32
    %eq3A_61 = arith.cmpi eq, %arg1, %eq3A_60 : i32
    %convert_element_type3A_62 = arith.extui %eq3A_61 : i1 to i32
    %cond3A_63 = arith.constant 0 : i32
    %cond3A_64 = arith.cmpi ne, %convert_element_type3A_62, %cond3A_63 : i32
    scf.if %cond3A_64 {
      %get3A_73 = arith.constant 0 : index
      %get3A_74 = arith.constant 0 : index
      %get3A_75 = vector.load %arg3[%get3A_73, %get3A_74] : memref<2000x128xf32, #tpu.memory_space<vmem>>, vector<2000x128xf32>
      %get3A_76 = arith.constant 0 : index
      %get3A_77 = arith.constant 0 : index
      %get3A_78 = vector.load %arg5[%get3A_76, %get3A_77] : memref<128x128xf32, #tpu.memory_space<vmem>>, vector<128x128xf32>
      %dot_general3A_79 = arith.constant dense<0.000000e+00> : vector<2000x128xf32>
      %dot_general3A_80 = tpu.matmul %get3A_75, %get3A_78, %dot_general3A_79 {dimension_numbers = #tpu.dot_dimension_numbers<[1], [0], [0], [1], [0, 0, 1, 1], [], []>, transpose_lhs_hint = false} : vector<2000x128xf32>, vector<128x128xf32>, vector<2000x128xf32> -> vector<2000x128xf32>
      %get3A_81 = arith.constant 0 : index
      %get3A_82 = arith.constant 0 : index
      %get3A_83 = vector.load %arg6[%get3A_81, %get3A_82] : memref<128x128xf32, #tpu.memory_space<vmem>>, vector<128x128xf32>
      %dot_general3A_84 = arith.constant dense<0.000000e+00> : vector<2000x128xf32>
      %dot_general3A_85 = tpu.matmul %mul3A_53, %get3A_83, %dot_general3A_84 {dimension_numbers = #tpu.dot_dimension_numbers<[1], [0], [0], [1], [0, 0, 1, 1], [], []>, transpose_lhs_hint = false} : vector<2000x128xf32>, vector<128x128xf32>, vector<2000x128xf32> -> vector<2000x128xf32>
      %add3A_86 = arith.addf %dot_general3A_80, %dot_general3A_85 : vector<2000x128xf32>
      %get3A_87 = arith.constant 0 : index
      %get3A_88 = arith.constant 0 : index
      %get3A_89 = vector.load %arg8[%get3A_87, %get3A_88] : memref<1x128xf32, #tpu.memory_space<vmem>>, vector<1x128xf32>
      %add3A_90 = vector.broadcast %get3A_89 : vector<1x128xf32> to vector<2000x128xf32>
      %add3A_91 = arith.addf %add3A_86, %add3A_90 : vector<2000x128xf32>
      %get3A_92 = arith.constant 0 : index
      %get3A_93 = arith.constant 0 : index
      %get3A_94 = vector.load %arg12[%get3A_92, %get3A_93] : memref<1x128xf32, #tpu.memory_space<vmem>>, vector<1x128xf32>
      %reduce_sum3A = arith.constant dense<0.000000e+00> : vector<128xf32>
      %reduce_sum3A_95 = vector.multi_reduction <add>, %add3A_91, %reduce_sum3A [0] : vector<2000x128xf32> to vector<128xf32>
      %broadcast_in_dim3A = vector.shape_cast %reduce_sum3A_95 : vector<128xf32> to vector<1x128xf32>
      %add3A_96 = arith.addf %get3A_94, %broadcast_in_dim3A : vector<1x128xf32>
      %swap3A_97 = arith.constant 0 : index
      %swap3A_98 = arith.constant 0 : index
      %swap3A_99 = vector.load %arg12[%swap3A_97, %swap3A_98] : memref<1x128xf32, #tpu.memory_space<vmem>>, vector<1x128xf32>
      tpu.vector_store %arg12[%swap3A_97, %swap3A_98], %add3A_96 {strides = array<i32>} : memref<1x128xf32, #tpu.memory_space<vmem>>, vector<1x128xf32>,
    } else {
    }
    %eq3A_65 = arith.constant 0 : i32
    %eq3A_66 = arith.cmpi eq, %arg0, %eq3A_65 : i32
    %eq3A_67 = arith.constant 31 : i32
    %eq3A_68 = arith.cmpi eq, %arg1, %eq3A_67 : i32
    %and3A_69 = arith.andi %eq3A_66, %eq3A_68 : i1
    %convert_element_type3A_70 = arith.extui %and3A_69 : i1 to i32
    %cond3A_71 = arith.constant 0 : i32
    %cond3A_72 = arith.cmpi ne, %convert_element_type3A_70, %cond3A_71 : i32
    scf.if %cond3A_72 {
      %get3A_73 = arith.constant 0 : index
      %get3A_74 = arith.constant 0 : index
      %get3A_75 = vector.load %arg12[%get3A_73, %get3A_74] : memref<1x128xf32, #tpu.memory_space<vmem>>, vector<1x128xf32>
      %swap3A_76 = arith.constant 0 : index
      %swap3A_77 = arith.constant 0 : index
      %swap3A_78 = vector.load %arg9[%swap3A_76, %swap3A_77] : memref<1x128xf32, #tpu.memory_space<vmem>>, vector<1x128xf32>
      tpu.vector_store %arg9[%swap3A_76, %swap3A_77], %get3A_75 {strides = array<i32>} : memref<1x128xf32, #tpu.memory_space<vmem>>, vector<1x128xf32>,
    } else {
    }
    return
  }
  func.func @transform_0(%arg0: i32, %arg1: i32) -> (i32, i32, i32) {
    %c0_i32 = arith.constant 0 : i32
    %c0_i32_0 = arith.constant 0 : i32
    return %arg1, %arg0, %c0_i32 : i32, i32, i32
  }
  func.func @transform_1(%arg0: i32, %arg1: i32) -> (i32, i32) {
    %c0_i32 = arith.constant 0 : i32
    %c0_i32_0 = arith.constant 0 : i32
    return %arg0, %c0_i32 : i32, i32
  }
  func.func @transform_2(%arg0: i32, %arg1: i32) -> (i32, i32) {
    %c0_i32 = arith.constant 0 : i32
    %c0_i32_0 = arith.constant 0 : i32
    %c0_i32_1 = arith.constant 0 : i32
    return %c0_i32, %c0_i32_0 : i32, i32
  }
  func.func @transform_3(%arg0: i32, %arg1: i32) -> (i32, i32) {
    %c0_i32 = arith.constant 0 : i32
    %c0_i32_0 = arith.constant 0 : i32
    %c0_i32_1 = arith.constant 0 : i32
    return %c0_i32, %c0_i32_0 : i32, i32
  }
  func.func @transform_4(%arg0: i32, %arg1: i32) -> (i32, i32) {
    %c0_i32 = arith.constant 0 : i32
    %c0_i32_0 = arith.constant 0 : i32
    %c0_i32_1 = arith.constant 0 : i32
    return %c0_i32, %c0_i32_0 : i32, i32
  }
  func.func @transform_5(%arg0: i32, %arg1: i32) -> (i32, i32) {
    %c0_i32 = arith.constant 0 : i32
    %c0_i32_0 = arith.constant 0 : i32
    %c0_i32_1 = arith.constant 0 : i32
    return %c0_i32, %c0_i32_0 : i32, i32
  }
  func.func @transform_6(%arg0: i32, %arg1: i32) -> (i32, i32) {
    %c0_i32 = arith.constant 0 : i32
    %c0_i32_0 = arith.constant 0 : i32
    %c0_i32_1 = arith.constant 0 : i32
    return %c0_i32, %c0_i32_0 : i32, i32
  }
  func.func @transform_7(%arg0: i32, %arg1: i32) -> (i32, i32) {
    %c0_i32 = arith.constant 0 : i32
    %c0_i32_0 = arith.constant 0 : i32
    %c0_i32_1 = arith.constant 0 : i32
    return %c0_i32, %c0_i32_0 : i32, i32
  }
}

module attributes {stable_mosaic.version = 14 : i64} {
  func.func @_heads_body(%arg0: memref<5x128xf32, #tpu.memory_space<vmem>>, %arg1: memref<128x64xf32, #tpu.memory_space<vmem>>, %arg2: memref<1x64xf32, #tpu.memory_space<vmem>>, %arg3: memref<128x64xf32, #tpu.memory_space<vmem>>, %arg4: memref<1x64xf32, #tpu.memory_space<vmem>>, %arg5: memref<1x64xf32, #tpu.memory_space<vmem>>, %arg6: memref<1x64xf32, #tpu.memory_space<vmem>>) attributes {dimension_semantics = [], scalar_prefetch = 0 : i64, scratch_operands = 0 : i64, tpu.core_type = #tpu.core_type<tc>} {
    %get3A = arith.constant 0 : index
    %get3A_0 = arith.constant 0 : index
    %get3A_1 = vector.load %arg0[%get3A, %get3A_0] : memref<5x128xf32, #tpu.memory_space<vmem>>, vector<5x128xf32>
    %reduce_sum3A = arith.constant dense<0.000000e+00> : vector<128xf32>
    %reduce_sum3A_2 = vector.multi_reduction <add>, %get3A_1, %reduce_sum3A [0] : vector<5x128xf32> to vector<128xf32>
    %broadcast_in_dim3A = vector.shape_cast %reduce_sum3A_2 : vector<128xf32> to vector<1x128xf32>
    %mul3A = arith.constant 9.99999974E-5 : f32
    %mul3A_3 = vector.broadcast %mul3A : f32 to vector<1x128xf32>
    %mul3A_4 = arith.mulf %broadcast_in_dim3A, %mul3A_3 : vector<1x128xf32>
    %get3A_5 = arith.constant 0 : index
    %get3A_6 = arith.constant 0 : index
    %get3A_7 = vector.load %arg1[%get3A_5, %get3A_6] : memref<128x64xf32, #tpu.memory_space<vmem>>, vector<128x64xf32>
    %dot_general3A = arith.constant dense<0.000000e+00> : vector<1x64xf32>
    %dot_general3A_8 = tpu.matmul %mul3A_4, %get3A_7, %dot_general3A {dimension_numbers = #tpu.dot_dimension_numbers<[1], [0], [0], [1], [0, 0, 1, 1], [], []>, transpose_lhs_hint = false} : vector<1x128xf32>, vector<128x64xf32>, vector<1x64xf32> -> vector<1x64xf32>
    %get3A_9 = arith.constant 0 : index
    %get3A_10 = arith.constant 0 : index
    %get3A_11 = vector.load %arg2[%get3A_9, %get3A_10] : memref<1x64xf32, #tpu.memory_space<vmem>>, vector<1x64xf32>
    %add3A = arith.addf %dot_general3A_8, %get3A_11 : vector<1x64xf32>
    %swap3A = arith.constant 0 : index
    %swap3A_12 = arith.constant 0 : index
    %swap3A_13 = vector.load %arg5[%swap3A, %swap3A_12] : memref<1x64xf32, #tpu.memory_space<vmem>>, vector<1x64xf32>
    tpu.vector_store %arg5[%swap3A, %swap3A_12], %add3A {strides = array<i32>} : memref<1x64xf32, #tpu.memory_space<vmem>>, vector<1x64xf32>,
    %get3A_14 = arith.constant 0 : index
    %get3A_15 = arith.constant 0 : index
    %get3A_16 = vector.load %arg3[%get3A_14, %get3A_15] : memref<128x64xf32, #tpu.memory_space<vmem>>, vector<128x64xf32>
    %dot_general3A_17 = arith.constant dense<0.000000e+00> : vector<1x64xf32>
    %dot_general3A_18 = tpu.matmul %mul3A_4, %get3A_16, %dot_general3A_17 {dimension_numbers = #tpu.dot_dimension_numbers<[1], [0], [0], [1], [0, 0, 1, 1], [], []>, transpose_lhs_hint = false} : vector<1x128xf32>, vector<128x64xf32>, vector<1x64xf32> -> vector<1x64xf32>
    %get3A_19 = arith.constant 0 : index
    %get3A_20 = arith.constant 0 : index
    %get3A_21 = vector.load %arg4[%get3A_19, %get3A_20] : memref<1x64xf32, #tpu.memory_space<vmem>>, vector<1x64xf32>
    %add3A_22 = arith.addf %dot_general3A_18, %get3A_21 : vector<1x64xf32>
    %swap3A_23 = arith.constant 0 : index
    %swap3A_24 = arith.constant 0 : index
    %swap3A_25 = vector.load %arg6[%swap3A_23, %swap3A_24] : memref<1x64xf32, #tpu.memory_space<vmem>>, vector<1x64xf32>
    tpu.vector_store %arg6[%swap3A_23, %swap3A_24], %add3A_22 {strides = array<i32>} : memref<1x64xf32, #tpu.memory_space<vmem>>, vector<1x64xf32>,
    return
  }
}

</mosaic_0001>

<sc_bundles>
// kernel: kernel.23.cloned.1.call-start
scs
__scs_entry_jumppad:
0x0: {  	(pc) =	sbr.rel $0x88, $3  }
0x1: {  	(tag) =	ssettag $0x0;
	lr =	simm.s32 $0x1  }
0x2: {  	[smem:$0x3F8D] =	sst lr;
	_ =	strace $0xD0000000  }
0x3: {  	_ = 	snop  }
0x4: {  	_ = 	snop  }
0x5: {  	_ = 	snop  }
0x6: {  	_ = 	snop  }
0x7: {  	_ = 	snop  }
__scs_overlays_trampoline_lowered:
0x8: {  	[smem:$0x3F9C] =	sst s0  }
0x9: {  	[smem:$0x3F9D] =	sst s1  }
0xa: {  	[smem:$0x3F9E] =	sst s2  }
0xb: {  	[smem:$0x3F9F] =	sst s3  }
0xc: {  	[smem:$0x3FA0] =	sst s4  }
0xd: {  	[smem:$0x3FA1] =	sst s5  }
0xe: {  	[smem:$0x3FA2] =	sst s6  }
0xf: {  	[smem:$0x3FA3] =	sst s7  }
0x10: {  	[smem:$0x3FA4] =	sst s8  }
0x11: {  	[smem:$0x3FA5] =	sst s9;
	s0 =	simm.s32 @!p0 $0x0  }
0x12: {  	s1 =	sld [smem:$0x3F8B];
	s0 =	simm.s32 @p0 $0x1  }
0x13: {  	[smem:$0x3FA6] =	sst s0;
	s0 =	simm.s32 @!p1 $0x0  }
0x14: {  	s2 =	sld [smem:$0x3F8A];
	s0 =	simm.s32 @p1 $0x1  }
0x15: {  	[smem:$0x3FA7] =	sst s0;
	s0 =	simm.s32 @!p2 $0x0  }
0x16: {  	s3 =	sld [smem:$0x3FDB];
	s0 =	simm.s32 @p2 $0x1  }
0x17: {  	s4 =	simm.s32 $0x1BF5;
	[smem:$0x3FA9] =	sst s0  }
0x18: {  	s0 =	sld [smem:$0x3F8C];
	_ =	swait.ge [sflag:s4], $0x0  }
0x19: {  	s7 =	sld [smem:$0x3F8D]  }
0x1a: {  	s8 =	sadd.s32 $0xFFFFE003, lr  }
0x1b: {  	s9 =	sadd.s32 $0xFFFFFEF7, lr;
	s5 =	simm.s32 $0xFFFFFFFF;
	p2 =	slt.u32 s8, $0xFFFFF086  }
0x1c: {  	p1 =	slt.u32 s9, $0xF7A;
	s5 =	simm.s32 @!p2 $0x0  }
0x1d: {  	s5 =	simm.s32 @p1 $0x1;
	p0 =	seq.s32 s7, s2  }
0x1e: {  	s7 =	smul.u32 @!p0 $0xF7A, s2;
	p2 =	seq.s32 @!p0 s5, $0x0  }
0x1f: {  	s9 =	smul.u32 $0xF7A, s1;
	s8 =	simm.s32 @!p0 $0x1BF5;
	p2 =	por !p2, p0  }
0x20: {  	[sflag:s8] =	ssyncset.s32 @!p0 $0xFFFFF086;
	s6 =	sadd.s32 @!p0 s3, s7;
	s7 =	simm.s32 @!p0 $0x108  }
0x21: {  	s3 =	sadd.s32 s3, s9;
	s6 =	sadd.s32 @!p0 $0x88, s6;
	s7 =	simm.s32 @p2 $0x1082  }
0x22: {  	[simem:s7], [sflag:s8] =	dma.local @!p0 [hbm:s6], $0xF7A  }
0x23: {  	s9 =	sor.u32 $0xD0000000, s2;
	s6 =	simm.s32 $0x108;
	_ =	swait.ge @!p0 [sflag:s8], $0x0  }
0x24: {  	s3 =	sadd.s32 $0x88, s3;
	s6 =	simm.s32 @!p1 $0x1082;
	[sflag:s4] =	ssyncset.s32 $0xFFFFF086  }
0x25: {  	[simem:s6], [sflag:s4] =	dma.local [hbm:s3], $0xF7A  }
0x26: {  	[smem:$0x3F8D] =	sst s1;
	(tag) =	ssettag s2;
	_ =	strace s9  }
0x27: {  	s1 =	sld [smem:$0x3F9D]  }
0x28: {  	s2 =	sld [smem:$0x3F9E]  }
0x29: {  	s4 =	sld [smem:$0x3FA0]  }
0x2a: {  	p0 =	seq.s32 s5, $0x0;
	s5 =	sld [smem:$0x3FA1]  }
0x2b: {  	s6 =	sld [smem:$0x3FA2]  }
0x2c: {  	s7 =	sld [smem:$0x3FA3]  }
0x2d: {  	s3 =	simm.s32 $0x108;
	s8 =	sld [smem:$0x3FA4]  }
0x2e: {  	s3 =	simm.s32 @!p0 $0x1082;
	s9 =	sld [smem:$0x3FA5]  }
0x2f: {  	lr =	sadd.s32 s0, s3;
	s0 =	sld [smem:$0x3F9C]  }
0x30: {  	s3 =	sld [smem:$0x3F9F]  }
0x31: {  	[smem:$0x3FA8] =	sst s10  }
0x32: {  	s10 =	sld [smem:$0x3FA6];
	_ =	sdelay $0x3  }
0x33: {  	p0 =	seq.s32 s10, $0x1;
	s10 =	sld [smem:$0x3FA8];
	_ =	sdelay $0x3  }
0x34: {  	[smem:$0x3FA8] =	sst s10  }
0x35: {  	s10 =	sld [smem:$0x3FA7];
	_ =	sdelay $0x3  }
0x36: {  	p1 =	seq.s32 s10, $0x1;
	s10 =	sld [smem:$0x3FA8];
	_ =	sdelay $0x3  }
0x37: {  	[smem:$0x3FA8] =	sst s10  }
0x38: {  	s10 =	sld [smem:$0x3FA9]  }
0x39: {  	_ = 	snop;
	(pc) =	sbr.ind lr, $3  }
0x3a: {  	_ = 	snop  }
0x3b: {  	_ = 	snop  }
0x3c: {  	p2 =	seq.s32 s10, $0x1;
	s10 =	sld [smem:$0x3FA8]  }
0x3d: {  	_ =	shalt  }
0x3e: {  	_ =	shalt  }
0x3f: {  	_ =	shalt  }
0x40: {  	_ =	shalt  }
0x41: {  	_ =	shalt  }
0x42: {  	_ =	shalt  }
0x43: {  	_ =	shalt  }
0x44: {  	_ =	shalt  }
0x45: {  	_ =	shalt  }
0x46: {  	_ =	shalt  }
0x47: {  	_ =	shalt  }
0x48: {  	_ =	shalt  }
0x49: {  	_ =	shalt  }
0x4a: {  	_ =	shalt  }
0x4b: {  	_ =	shalt  }
0x4c: {  	_ =	shalt  }
0x4d: {  	_ =	shalt  }
0x4e: {  	_ =	shalt  }
0x4f: {  	_ =	shalt  }
0x50: {  	_ =	shalt  }
0x51: {  	_ =	shalt  }
0x52: {  	_ =	shalt  }
0x53: {  	_ =	shalt  }
0x54: {  	_ =	shalt  }
0x55: {  	_ =	shalt  }
0x56: {  	_ =	shalt  }
0x57: {  	_ =	shalt  }
0x58: {  	_ =	shalt  }
0x59: {  	_ =	shalt  }
0x5a: {  	_ =	shalt  }
0x5b: {  	_ =	shalt  }
0x5c: {  	_ =	shalt  }
0x5d: {  	_ =	shalt  }
0x5e: {  	_ =	shalt  }
0x5f: {  	_ =	shalt  }
0x60: {  	_ =	shalt  }
0x61: {  	_ =	shalt  }
0x62: {  	_ =	shalt  }
0x63: {  	_ =	shalt  }
0x64: {  	_ =	shalt  }
0x65: {  	_ =	shalt  }
0x66: {  	_ =	shalt  }
0x67: {  	_ =	shalt  }
0x68: {  	_ =	shalt  }
0x69: {  	_ =	shalt  }
0x6a: {  	_ =	shalt  }
0x6b: {  	_ =	shalt  }
0x6c: {  	_ =	shalt  }
0x6d: {  	_ =	shalt  }
0x6e: {  	_ =	shalt  }
0x6f: {  	_ =	shalt  }
0x70: {  	_ =	shalt  }
0x71: {  	_ =	shalt  }
0x72: {  	_ =	shalt  }
0x73: {  	_ =	shalt  }
0x74: {  	_ =	shalt  }
0x75: {  	_ =	shalt  }
0x76: {  	_ =	shalt  }
0x77: {  	_ =	shalt  }
0x78: {  	_ =	shalt  }
0x79: {  	_ =	shalt  }
0x7a: {  	_ =	shalt  }
0x7b: {  	_ =	shalt  }
0x7c: {  	_ =	shalt  }
0x7d: {  	_ =	shalt  }
0x7e: {  	_ =	shalt  }
0x7f: {  	_ =	shalt  }
0x80: {  	_ =	shalt  }
0x81: {  	_ =	shalt  }
0x82: {  	_ =	shalt  }
0x83: {  	_ =	shalt  }
0x84: {  	_ =	shalt  }
0x85: {  	_ =	shalt  }
0x86: {  	_ =	shalt  }
0x87: {  	_ =	shalt  }
.Lfunc_end0:
.L_simem_size_0:
called_computation_lowered:
.L_overlay_start_0:
0x88: {  	s2 =	sld [smem:$0x3FD9]  }
0x89: {  	s3 =	sld [smem:$0x3FFE];
	_ =	sdelay $0x1  }
0x8a: {  	s1 =	srdreg.scid  }
0x8b: {  	s0 =	sand.u32 $0x1, s1  }
0x8c: {  	s17 =	sshll.u32 s0, $0xA;
	s2 =	sadd.s32 s3, s2  }
0x8d: {  	s2 =	sadd.s32 s2, s17  }
0x8e: {  	[smem:$0x3FB4] =	sst s2  }
0x8f: {  	_ = 	snop  }
0x90: {  	s2 =	sld [smem:$0x3FC9];
	(tm) =	ssettm $0x1  }
0x91: {  	s18 =	sld [smem:$0x3FFB];
	_ =	sdelay $0x3  }
0x92: {  	_ =	strace s18  }
0x93: {  	s3 =	sld [smem:$0x3FFC];
	_ =	sdelay $0x3  }
0x94: {  	_ =	strace s3  }
0x95: {  	s3 =	sld [smem:$0x3FFD];
	_ =	sdelay $0x3  }
0x96: {  	_ =	strace s3  }
0x97: {  	_ =	strace $0x8FFFFFFF  }
0x98: {  	s19 =	sld [smem:$0x3FDB];
	_ =	sdelay $0x1  }
0x99: {  	s4 =	simm.s32 $_scs_section_size  }
0x9a: {  	s5 =	simm.s32 $_size__tile_overlayer_lowered;
	s6 =	simm.s32 $_tile_overlayer_lowered  }
0x9b: {  	s22 =	simm.s32 $0x1BFF;
	s21 =	sshll.u32 s6, $0x1;
	s3 =	sadd.s32 s4, s19  }
0x9c: {  	s7 =	simm.s32 $0x0;
	s20 =	sshll.u32 s5, $0x1;
	s5 =	sadd.s32 s21, s3  }
0x9d: {  	[timem:s7], [sflag:s22] =	dma.local [hbm:s5], s20  }
0x9e: {  	_ =	swait.ge [sflag:s22], s20  }
0x9f: {  	s4 =	ssub.s32 $0x0, s20;
	[sflag:s22] =	ssyncset.done $0x0  }
0xa0: {  	[sflag:s22] =	ssyncadd.s32 s4;
	_ =	sdelay $0x1  }
0xa1: {  	s23 =	simm.s32 $0x1B8B  }
0xa2: {  	_ =	swait.ge [sflag:s23], $0x1  }
0xa3: {  	[sflag:s23] =	ssyncset.done $0x0  }
0xa4: {  	s25 =	simm.s32 $0x1B8E;
	s24 =	sld [smem:$0x3FFE];
	[sflag:s23] =	ssyncadd.s32 $0xFFFFFFFF  }
0xa5: {  	s26 =	simm.s32 $execute0_lowered;
	[smem:$0x3FD2] =	sst s25  }
0xa6: {  	s5 =	sshll.u32 s26, $0x1;
	_ =	strace $0x80000046;
	[dreg:$0x1] =	wrdreg $0xFFFFFFFF  }
0xa7: {  	s28 =	simm.s32 $_size_execute0_lowered;
	s3 =	sadd.s32 s3, s5;
	[dreg:$0x0] =	wrdreg $0x0  }
0xa8: {  	s5 =	sshll.u32 s28, $0x1;
	[dreg:$0x2] =	wrdreg s3  }
0xa9: {  	[dreg:$0x3] =	wrdreg s5  }
0xaa: {  	[dreg:$0x4] =	wrdreg $0xC0  }
0xab: {  	_ =	task [dreg:s7], $0x5FFFF  }
0xac: {  	[dreg:$0x1] =	wrdreg $0xFFFFFFFF  }
0xad: {  	[dreg:$0x0] =	wrdreg $0x60  }
0xae: {  	[dreg:$0x2] =	wrdreg s2  }
0xaf: {  	[dreg:$0x3] =	wrdreg s24  }
0xb0: {  	[dreg:$0x4] =	wrdreg $0x9  }
0xb1: {  	_ =	task.clear_ibuf [dreg:s7], $0x5FFFF;
	_ =	strace $0x90000046  }
0xb2: {  	s29 =	simm.s32 $0x9;
	_ =	strace $0x80000048  }
0xb3: {  	_ =	swait.ge [sflag:s29], $0x1  }
0xb4: {  	[sflag:s29] =	ssyncadd.s32 $0xFFFFFFFF  }
0xb5: {  	_ =	strace $0x90000048  }
0xb6: {  	_ =	sfence  }
0xb7: {  	s30 =	sld [smem:$0x0];
	_ =	sdelay $0x2  }
0xb8: {  	s31 =	sshll.u32 s1, $0xD;
	s1 =	sshrl.u32 s1, $0x2  }
0xb9: {  	s3 =	sand.u32 $0x4000, s31;
	s1 =	sadd.s32 s1, s30  }
0xba: {  	s0 =	sor.u32 s3, s0;
	s1 =	sshll.u32 s1, $0x11  }
0xbb: {  	s0 =	sor.u32 s1, s0  }
0xbc: {  	s0 =	sadd.s32 $0x8F2B, s0  }
0xbd: {  	[sflag:s0] =	ssyncadd.remote.s32 $0x1  }
0xbe: {  	_ =	sfence.sel $0xFFFF  }
0xbf: {  	[dreg:$0x0] =	wrdreg $0xFFFFFFFF;
	(pc) =	sbr.abs _section_cstart, $3  }
0xc0: {  	[dreg:$0x1] =	wrdreg $0xFFFFFFFF  }
0xc1: {  	_ =	task.clear_ibuf [dreg:s7], $0x2FFFF;
	_ =	strace $0x9FFFFFFF  }
0xc2: {  	(tm) =	ssettm $0x7FFFFFFF  }
0xc3: {  	_ =	shalt  }
tec
execute0_lowered:
.L_overlay_start_1:
0x0: {  	(tag) =	ssettag $0x1  }
0x1: {  	s1 =	srdreg.scid;
	s0 =	stileid.u32  }
0x2: {  	s17 =	sand.u32 $0x1, s1;
	s26 =	sshll.u32 s0, $0x1  }
0x3: {  	s2 =	rddreg [dreg:$0x0];
	s9 =	sor.u32 s17, s26  }
0x4: {  	s10 =	rddreg [dreg:$0x1];
	s18 =	smul.u32 $0x7D0, s9  }
0x5: {  	s3 =	simm.s32 $0x0;
	s1 =	rddreg [dreg:$0x2]  }
0x6: {  	[smem:$0x7FF] =	sst s3;
	s16 =	sadd.s32 $0x9A00, s10;
	s4 =	sshrl.u32 s18, $0x3  }
0x7: {  	_ =	strace $0x80000047;
	s5 =	sadd.s32 s16, s4;
	s4 =	simm.s32 $0x2  }
0x8: {  	[tilespmem:s3], [sflag:$0x2] =	stream.linear.gather [hbm4b:s5+s3], $0x190, $0x38;
	[tilespmem:$0xCA00] =	vst v63  }
0x9: {  	_ =	swait.ge [sflag:s4], $0x190  }
0xa: {  	s6 =	simm.s32 $0x190;
	[sflag:s4] =	ssyncset.done $0x0  }
0xb: {  	s7 =	simm.s32 $0x200;
	s8 =	simm.s32 $0x1;
	[sflag:s4] =	ssyncadd.s32 $0xFFFFFE70  }
0xc: {  	[tilespmem:s7], [sflag:$0x1] =	stream.indirect.gather [hbm4b:s2+s6], $0x80, s3, s6, $0xb8;
	[tilespmem:$0xCA00] =	vst v63  }
0xd: {  	s9 =	smul.u32 $0x7D00, s9;
	_ =	swait.ge [sflag:s8], $0xC800  }
0xe: {  	s19 =	sadd.s32 $0xBA00, s10;
	[sflag:s8] =	ssyncset.done $0x0  }
0xf: {  	s9 =	sadd.s32 s19, s9;
	[sflag:s8] =	ssyncadd.s32 $0xFFFF3800  }
0x10: {  	[hbm4b:s9+s3] =	stream.linear.scatter [tilespmem:s7], [sflag:$0x2], $0xC800, $0x38;
	[tilespmem:$0xCA00] =	vst v63  }
0x11: {  	s11 =	sadd.s32 $0x190, s18;
	_ =	swait.ge [sflag:s4], $0xC800  }
0x12: {  	s28 =	sshrl.u32 s11, $0x3;
	[sflag:s4] =	ssyncset.done $0x0  }
0x13: {  	s10 =	sadd.s32 s16, s28;
	[sflag:s4] =	ssyncadd.s32 $0xFFFF3800  }
0x14: {  	[tilespmem:s3], [sflag:$0x2] =	stream.linear.gather [hbm4b:s10+s3], $0x190, $0x38;
	[tilespmem:$0xCA00] =	vst v63  }
0x15: {  	_ =	swait.ge [sflag:s4], $0x190  }
0x16: {  	[sflag:s4] =	ssyncset.done $0x0  }
0x17: {  	[sflag:s4] =	ssyncadd.s32 $0xFFFFFE70  }
0x18: {  	[tilespmem:s7], [sflag:$0x1] =	stream.indirect.gather [hbm4b:s2+s6], $0x80, s3, s6, $0xb8;
	[tilespmem:$0xCA00] =	vst v63  }
0x19: {  	_ =	swait.ge [sflag:s8], $0xC800  }
0x1a: {  	s11 =	sshll.u32 s11, $0x4;
	[sflag:s8] =	ssyncset.done $0x0  }
0x1b: {  	s11 =	sadd.s32 s19, s11;
	[sflag:s8] =	ssyncadd.s32 $0xFFFF3800  }
0x1c: {  	[hbm4b:s11+s3] =	stream.linear.scatter [tilespmem:s7], [sflag:$0x2], $0xC800, $0x38;
	[tilespmem:$0xCA00] =	vst v63  }
0x1d: {  	s13 =	sadd.s32 $0x320, s18;
	_ =	swait.ge [sflag:s4], $0xC800  }
0x1e: {  	s12 =	sshrl.u32 s13, $0x3;
	[sflag:s4] =	ssyncset.done $0x0  }
0x1f: {  	s12 =	sadd.s32 s16, s12;
	[sflag:s4] =	ssyncadd.s32 $0xFFFF3800  }
0x20: {  	[tilespmem:s3], [sflag:$0x2] =	stream.linear.gather [hbm4b:s12+s3], $0x190, $0x38;
	[tilespmem:$0xCA00] =	vst v63  }
0x21: {  	_ =	swait.ge [sflag:s4], $0x190  }
0x22: {  	[sflag:s4] =	ssyncset.done $0x0  }
0x23: {  	[sflag:s4] =	ssyncadd.s32 $0xFFFFFE70  }
0x24: {  	[tilespmem:s7], [sflag:$0x1] =	stream.indirect.gather [hbm4b:s2+s6], $0x80, s3, s6, $0xb8;
	[tilespmem:$0xCA00] =	vst v63  }
0x25: {  	_ =	swait.ge [sflag:s8], $0xC800  }
0x26: {  	s13 =	sshll.u32 s13, $0x4;
	[sflag:s8] =	ssyncset.done $0x0  }
0x27: {  	s13 =	sadd.s32 s19, s13;
	[sflag:s8] =	ssyncadd.s32 $0xFFFF3800  }
0x28: {  	[hbm4b:s13+s3] =	stream.linear.scatter [tilespmem:s7], [sflag:$0x2], $0xC800, $0x38;
	[tilespmem:$0xCA00] =	vst v63  }
0x29: {  	s15 =	sadd.s32 $0x4B0, s18;
	_ =	swait.ge [sflag:s4], $0xC800  }
0x2a: {  	s14 =	sshrl.u32 s15, $0x3;
	[sflag:s4] =	ssyncset.done $0x0  }
0x2b: {  	s14 =	sadd.s32 s16, s14;
	[sflag:s4] =	ssyncadd.s32 $0xFFFF3800  }
0x2c: {  	[tilespmem:s3], [sflag:$0x2] =	stream.linear.gather [hbm4b:s14+s3], $0x190, $0x38;
	[tilespmem:$0xCA00] =	vst v63  }
0x2d: {  	_ =	swait.ge [sflag:s4], $0x190  }
0x2e: {  	[sflag:s4] =	ssyncset.done $0x0  }
0x2f: {  	[sflag:s4] =	ssyncadd.s32 $0xFFFFFE70  }
0x30: {  	[tilespmem:s7], [sflag:$0x1] =	stream.indirect.gather [hbm4b:s2+s6], $0x80, s3, s6, $0xb8;
	[tilespmem:$0xCA00] =	vst v63  }
0x31: {  	_ =	swait.ge [sflag:s8], $0xC800  }
0x32: {  	s15 =	sshll.u32 s15, $0x4;
	[sflag:s8] =	ssyncset.done $0x0  }
0x33: {  	s15 =	sadd.s32 s19, s15;
	[sflag:s8] =	ssyncadd.s32 $0xFFFF3800  }
0x34: {  	[hbm4b:s15+s3] =	stream.linear.scatter [tilespmem:s7], [sflag:$0x2], $0xC800, $0x38;
	[tilespmem:$0xCA00] =	vst v63  }
0x35: {  	s18 =	sadd.s32 $0x640, s18;
	_ =	swait.ge [sflag:s4], $0xC800  }
0x36: {  	s20 =	sshrl.u32 s18, $0x3;
	[sflag:s4] =	ssyncset.done $0x0  }
0x37: {  	s17 =	ssub.s32 $0x2, s17;
	s16 =	sadd.s32 s16, s20;
	[sflag:s4] =	ssyncadd.s32 $0xFFFF3800  }
0x38: {  	[tilespmem:s3], [sflag:$0x2] =	stream.linear.gather [hbm4b:s16+s3], $0x190, $0x38;
	[tilespmem:$0xCA00] =	vst v63  }
0x39: {  	s29 =	sshrl.u32 s17, $0x1;
	_ =	swait.ge [sflag:s4], $0x190  }
0x3a: {  	s20 =	ssub.s32 s17, s29;
	[sflag:s4] =	ssyncset.done $0x0  }
0x3b: {  	s31 =	smax.u32 s20, $0x1;
	[sflag:s4] =	ssyncadd.s32 $0xFFFFFE70  }
0x3c: {  	[tilespmem:s7], [sflag:$0x1] =	stream.indirect.gather [hbm4b:s2+s6], $0x80, s3, s6, $0xb8;
	[tilespmem:$0xCA00] =	vst v63  }
0x3d: {  	p0 =	sne.s32 s31, $0x1;
	_ =	swait.ge [sflag:s8], $0xC800  }
.Ltmp0:
0x3e: {  	s30 =	sshll.u32 s18, $0x4;
	[sflag:s8] =	ssyncset.done $0x0;
	(pc) =	sbr.rel @!p0 .LBB2_2-.Ltmp0, $4  }
0x3f: {  	s17 =	sadd.s32 s19, s30;
	[sflag:s8] =	ssyncadd.s32 $0xFFFF3800  }
0x40: {  	[hbm4b:s17+s3] =	stream.linear.scatter [tilespmem:s7], [sflag:$0x2], $0xC800, $0x38;
	[tilespmem:$0xCA00] =	vst v63  }
0x41: {  	_ =	swait.ge [sflag:s4], $0xC800  }
0x42: {  	s18 =	sadd.s32 $0xFFFFFFFF, s31;
	[sflag:s4] =	ssyncset.done $0x0  }
.LBB2_1:
0x43: {  	p0 =	sne.s32 s18, $0x1;
	s18 =	sadd.s32 $0xFFFFFFFF, s18;
	[sflag:s4] =	ssyncadd.s32 $0xFFFF3800  }
0x44: {  	[tilespmem:s3], [sflag:$0x2] =	stream.linear.gather [hbm4b:s5+s3], $0x190, $0x38;
	[tilespmem:$0xCA00] =	vst v63  }
0x45: {  	_ =	swait.ge [sflag:s4], $0x190  }
0x46: {  	[sflag:s4] =	ssyncset.done $0x0  }
0x47: {  	[sflag:s4] =	ssyncadd.s32 $0xFFFFFE70  }
0x48: {  	[tilespmem:s7], [sflag:$0x1] =	stream.indirect.gather [hbm4b:s2+s6], $0x80, s3, s6, $0xb8;
	[tilespmem:$0xCA00] =	vst v63  }
0x49: {  	_ =	swait.ge [sflag:s8], $0xC800  }
0x4a: {  	[sflag:s8] =	ssyncset.done $0x0  }
0x4b: {  	[sflag:s8] =	ssyncadd.s32 $0xFFFF3800  }
0x4c: {  	[hbm4b:s9+s3] =	stream.linear.scatter [tilespmem:s7], [sflag:$0x2], $0xC800, $0x38;
	[tilespmem:$0xCA00] =	vst v63  }
0x4d: {  	_ =	swait.ge [sflag:s4], $0xC800  }
0x4e: {  	[sflag:s4] =	ssyncset.done $0x0  }
0x4f: {  	[sflag:s4] =	ssyncadd.s32 $0xFFFF3800  }
0x50: {  	[tilespmem:s3], [sflag:$0x2] =	stream.linear.gather [hbm4b:s10+s3], $0x190, $0x38;
	[tilespmem:$0xCA00] =	vst v63  }
0x51: {  	_ =	swait.ge [sflag:s4], $0x190  }
0x52: {  	[sflag:s4] =	ssyncset.done $0x0  }
0x53: {  	[sflag:s4] =	ssyncadd.s32 $0xFFFFFE70  }
0x54: {  	[tilespmem:s7], [sflag:$0x1] =	stream.indirect.gather [hbm4b:s2+s6], $0x80, s3, s6, $0xb8;
	[tilespmem:$0xCA00] =	vst v63  }
0x55: {  	_ =	swait.ge [sflag:s8], $0xC800  }
0x56: {  	[sflag:s8] =	ssyncset.done $0x0  }
0x57: {  	[sflag:s8] =	ssyncadd.s32 $0xFFFF3800  }
0x58: {  	[hbm4b:s11+s3] =	stream.linear.scatter [tilespmem:s7], [sflag:$0x2], $0xC800, $0x38;
	[tilespmem:$0xCA00] =	vst v63  }
0x59: {  	_ =	swait.ge [sflag:s4], $0xC800  }
0x5a: {  	[sflag:s4] =	ssyncset.done $0x0  }
0x5b: {  	[sflag:s4] =	ssyncadd.s32 $0xFFFF3800  }
0x5c: {  	[tilespmem:s3], [sflag:$0x2] =	stream.linear.gather [hbm4b:s12+s3], $0x190, $0x38;
	[tilespmem:$0xCA00] =	vst v63  }
0x5d: {  	_ =	swait.ge [sflag:s4], $0x190  }
0x5e: {  	[sflag:s4] =	ssyncset.done $0x0  }
0x5f: {  	[sflag:s4] =	ssyncadd.s32 $0xFFFFFE70  }
0x60: {  	[tilespmem:s7], [sflag:$0x1] =	stream.indirect.gather [hbm4b:s2+s6], $0x80, s3, s6, $0xb8;
	[tilespmem:$0xCA00] =	vst v63  }
0x61: {  	_ =	swait.ge [sflag:s8], $0xC800  }
0x62: {  	[sflag:s8] =	ssyncset.done $0x0  }
0x63: {  	[sflag:s8] =	ssyncadd.s32 $0xFFFF3800  }
0x64: {  	[hbm4b:s13+s3] =	stream.linear.scatter [tilespmem:s7], [sflag:$0x2], $0xC800, $0x38;
	[tilespmem:$0xCA00] =	vst v63  }
0x65: {  	_ =	swait.ge [sflag:s4], $0xC800  }
0x66: {  	[sflag:s4] =	ssyncset.done $0x0  }
0x67: {  	[sflag:s4] =	ssyncadd.s32 $0xFFFF3800  }
0x68: {  	[tilespmem:s3], [sflag:$0x2] =	stream.linear.gather [hbm4b:s14+s3], $0x190, $0x38;
	[tilespmem:$0xCA00] =	vst v63  }
0x69: {  	_ =	swait.ge [sflag:s4], $0x190  }
0x6a: {  	[sflag:s4] =	ssyncset.done $0x0  }
0x6b: {  	[sflag:s4] =	ssyncadd.s32 $0xFFFFFE70  }
0x6c: {  	[tilespmem:s7], [sflag:$0x1] =	stream.indirect.gather [hbm4b:s2+s6], $0x80, s3, s6, $0xb8;
	[tilespmem:$0xCA00] =	vst v63  }
0x6d: {  	_ =	swait.ge [sflag:s8], $0xC800  }
0x6e: {  	[sflag:s8] =	ssyncset.done $0x0  }
0x6f: {  	[sflag:s8] =	ssyncadd.s32 $0xFFFF3800  }
0x70: {  	[hbm4b:s15+s3] =	stream.linear.scatter [tilespmem:s7], [sflag:$0x2], $0xC800, $0x38;
	[tilespmem:$0xCA00] =	vst v63  }
0x71: {  	_ =	swait.ge [sflag:s4], $0xC800  }
0x72: {  	[sflag:s4] =	ssyncset.done $0x0  }
0x73: {  	[sflag:s4] =	ssyncadd.s32 $0xFFFF3800  }
0x74: {  	[tilespmem:s3], [sflag:$0x2] =	stream.linear.gather [hbm4b:s16+s3], $0x190, $0x38;
	[tilespmem:$0xCA00] =	vst v63  }
0x75: {  	_ =	swait.ge [sflag:s4], $0x190  }
0x76: {  	[sflag:s4] =	ssyncset.done $0x0  }
0x77: {  	[sflag:s4] =	ssyncadd.s32 $0xFFFFFE70  }
0x78: {  	[tilespmem:s7], [sflag:$0x1] =	stream.indirect.gather [hbm4b:s2+s6], $0x80, s3, s6, $0xb8;
	[tilespmem:$0xCA00] =	vst v63  }
0x79: {  	_ =	swait.ge [sflag:s8], $0xC800  }
.Ltmp1:
0x7a: {  	[sflag:s8] =	ssyncset.done $0x0;
	(pc) =	sbr.rel @p0 .LBB2_1-.Ltmp1, $4  }
0x7b: {  	[sflag:s8] =	ssyncadd.s32 $0xFFFF3800  }
0x7c: {  	[hbm4b:s17+s3] =	stream.linear.scatter [tilespmem:s7], [sflag:$0x2], $0xC800, $0x38;
	[tilespmem:$0xCA00] =	vst v63  }
0x7d: {  	_ =	swait.ge [sflag:s4], $0xC800  }
0x7e: {  	[sflag:s4] =	ssyncset.done $0x0  }
.LBB2_2:
0x7f: {  	[sflag:s4] =	ssyncadd.s32 $0xFFFF3800  }
0x80: {  	_ =	sfence.sel $0x180000  }
0x81: {  	[bflag:$0x0] =	sbarrier.arrive $0xFFFF  }
0x82: {  	p0 =	sne.s32 s0, $0x0;
	_ =	strace $0x90000047  }
0x83: {  	s0 =	sadd.s32 @!p0 $0x100000, s1;
	[bflag:$0x2] =	sbarrier.arrive $0xFFFF  }
0x84: {  	[sflag:s0] =	ssyncadd.tile.s32 @!p0 $0x1;
	_ =	shalt  }
.Lfunc_end2:
_tile_overlayer_lowered:
.L_overlay_start_2:
0x85: {  	(tag) =	ssettag $0x2  }
0x86: {  	s0 =	rddreg [dreg:$0x0];
	s2 =	stileid.u32  }
0x87: {  	s1 =	rddreg [dreg:$0x1];
	p0 =	sne.s32 s2, $0x0  }
0x88: {  	s3 =	rddreg [dreg:$0x2];
	[bflag:$0x3] =	sbarrier.arrive $0xFFFF;
	s2 =	simm.s32 @!p0 $0x1C02  }
0x89: {  	[timem:s3], [sflag:s2] =	dma.local @!p0 [hbm:s0], s1  }
0x8a: {  	s0 =	simm.s32 @!p0 $0x2  }
0x8b: {  	_ =	swait.ge @!p0 [sflag:s0], s1  }
0x8c: {  	s1 =	ssub.s32 @!p0 $0x0, s1;
	[sflag:s0] =	ssyncset.done @!p0 $0x0  }
0x8d: {  	[sflag:s0] =	ssyncadd.s32 @!p0 s1  }
0x8e: {  	[bflag:$0x3] =	sbarrier.arrive $0xFFFF  }
0x8f: {  	_ =	shalt  }

// kernel: kernel.26.cloned.1.call-start
scs
__scs_entry_jumppad:
0x0: {  	(pc) =	sbr.rel $0x88, $3  }
0x1: {  	(tag) =	ssettag $0x0;
	lr =	simm.s32 $0x1  }
0x2: {  	[smem:$0x3F8D] =	sst lr;
	_ =	strace $0xD0000000  }
0x3: {  	_ = 	snop  }
0x4: {  	_ = 	snop  }
0x5: {  	_ = 	snop  }
0x6: {  	_ = 	snop  }
0x7: {  	_ = 	snop  }
__scs_overlays_trampoline_lowered:
0x8: {  	[smem:$0x3F9C] =	sst s0  }
0x9: {  	[smem:$0x3F9D] =	sst s1  }
0xa: {  	[smem:$0x3F9E] =	sst s2  }
0xb: {  	[smem:$0x3F9F] =	sst s3  }
0xc: {  	[smem:$0x3FA0] =	sst s4  }
0xd: {  	[smem:$0x3FA1] =	sst s5  }
0xe: {  	[smem:$0x3FA2] =	sst s6  }
0xf: {  	[smem:$0x3FA3] =	sst s7  }
0x10: {  	[smem:$0x3FA4] =	sst s8  }
0x11: {  	[smem:$0x3FA5] =	sst s9;
	s0 =	simm.s32 @!p0 $0x0  }
0x12: {  	s1 =	sld [smem:$0x3F8B];
	s0 =	simm.s32 @p0 $0x1  }
0x13: {  	[smem:$0x3FA6] =	sst s0;
	s0 =	simm.s32 @!p1 $0x0  }
0x14: {  	s2 =	sld [smem:$0x3F8A];
	s0 =	simm.s32 @p1 $0x1  }
0x15: {  	[smem:$0x3FA7] =	sst s0;
	s0 =	simm.s32 @!p2 $0x0  }
0x16: {  	s3 =	sld [smem:$0x3FDB];
	s0 =	simm.s32 @p2 $0x1  }
0x17: {  	s4 =	simm.s32 $0x1BF5;
	[smem:$0x3FA9] =	sst s0  }
0x18: {  	s0 =	sld [smem:$0x3F8C];
	_ =	swait.ge [sflag:s4], $0x0  }
0x19: {  	s7 =	sld [smem:$0x3F8D]  }
0x1a: {  	s8 =	sadd.s32 $0xFFFFE003, lr  }
0x1b: {  	s9 =	sadd.s32 $0xFFFFFEF7, lr;
	s5 =	simm.s32 $0xFFFFFFFF;
	p2 =	slt.u32 s8, $0xFFFFF086  }
0x1c: {  	p1 =	slt.u32 s9, $0xF7A;
	s5 =	simm.s32 @!p2 $0x0  }
0x1d: {  	s5 =	simm.s32 @p1 $0x1;
	p0 =	seq.s32 s7, s2  }
0x1e: {  	s7 =	smul.u32 @!p0 $0xF7A, s2;
	p2 =	seq.s32 @!p0 s5, $0x0  }
0x1f: {  	s9 =	smul.u32 $0xF7A, s1;
	s8 =	simm.s32 @!p0 $0x1BF5;
	p2 =	por !p2, p0  }
0x20: {  	[sflag:s8] =	ssyncset.s32 @!p0 $0xFFFFF086;
	s6 =	sadd.s32 @!p0 s3, s7;
	s7 =	simm.s32 @!p0 $0x108  }
0x21: {  	s3 =	sadd.s32 s3, s9;
	s6 =	sadd.s32 @!p0 $0x88, s6;
	s7 =	simm.s32 @p2 $0x1082  }
0x22: {  	[simem:s7], [sflag:s8] =	dma.local @!p0 [hbm:s6], $0xF7A  }
0x23: {  	s9 =	sor.u32 $0xD0000000, s2;
	s6 =	simm.s32 $0x108;
	_ =	swait.ge @!p0 [sflag:s8], $0x0  }
0x24: {  	s3 =	sadd.s32 $0x88, s3;
	s6 =	simm.s32 @!p1 $0x1082;
	[sflag:s4] =	ssyncset.s32 $0xFFFFF086  }
0x25: {  	[simem:s6], [sflag:s4] =	dma.local [hbm:s3], $0xF7A  }
0x26: {  	[smem:$0x3F8D] =	sst s1;
	(tag) =	ssettag s2;
	_ =	strace s9  }
0x27: {  	s1 =	sld [smem:$0x3F9D]  }
0x28: {  	s2 =	sld [smem:$0x3F9E]  }
0x29: {  	s4 =	sld [smem:$0x3FA0]  }
0x2a: {  	p0 =	seq.s32 s5, $0x0;
	s5 =	sld [smem:$0x3FA1]  }
0x2b: {  	s6 =	sld [smem:$0x3FA2]  }
0x2c: {  	s7 =	sld [smem:$0x3FA3]  }
0x2d: {  	s3 =	simm.s32 $0x108;
	s8 =	sld [smem:$0x3FA4]  }
0x2e: {  	s3 =	simm.s32 @!p0 $0x1082;
	s9 =	sld [smem:$0x3FA5]  }
0x2f: {  	lr =	sadd.s32 s0, s3;
	s0 =	sld [smem:$0x3F9C]  }
0x30: {  	s3 =	sld [smem:$0x3F9F]  }
0x31: {  	[smem:$0x3FA8] =	sst s10  }
0x32: {  	s10 =	sld [smem:$0x3FA6];
	_ =	sdelay $0x3  }
0x33: {  	p0 =	seq.s32 s10, $0x1;
	s10 =	sld [smem:$0x3FA8];
	_ =	sdelay $0x3  }
0x34: {  	[smem:$0x3FA8] =	sst s10  }
0x35: {  	s10 =	sld [smem:$0x3FA7];
	_ =	sdelay $0x3  }
0x36: {  	p1 =	seq.s32 s10, $0x1;
	s10 =	sld [smem:$0x3FA8];
	_ =	sdelay $0x3  }
0x37: {  	[smem:$0x3FA8] =	sst s10  }
0x38: {  	s10 =	sld [smem:$0x3FA9]  }
0x39: {  	_ = 	snop;
	(pc) =	sbr.ind lr, $3  }
0x3a: {  	_ = 	snop  }
0x3b: {  	_ = 	snop  }
0x3c: {  	p2 =	seq.s32 s10, $0x1;
	s10 =	sld [smem:$0x3FA8]  }
0x3d: {  	_ =	shalt  }
0x3e: {  	_ =	shalt  }
0x3f: {  	_ =	shalt  }
0x40: {  	_ =	shalt  }
0x41: {  	_ =	shalt  }
0x42: {  	_ =	shalt  }
0x43: {  	_ =	shalt  }
0x44: {  	_ =	shalt  }
0x45: {  	_ =	shalt  }
0x46: {  	_ =	shalt  }
0x47: {  	_ =	shalt  }
0x48: {  	_ =	shalt  }
0x49: {  	_ =	shalt  }
0x4a: {  	_ =	shalt  }
0x4b: {  	_ =	shalt  }
0x4c: {  	_ =	shalt  }
0x4d: {  	_ =	shalt  }
0x4e: {  	_ =	shalt  }
0x4f: {  	_ =	shalt  }
0x50: {  	_ =	shalt  }
0x51: {  	_ =	shalt  }
0x52: {  	_ =	shalt  }
0x53: {  	_ =	shalt  }
0x54: {  	_ =	shalt  }
0x55: {  	_ =	shalt  }
0x56: {  	_ =	shalt  }
0x57: {  	_ =	shalt  }
0x58: {  	_ =	shalt  }
0x59: {  	_ =	shalt  }
0x5a: {  	_ =	shalt  }
0x5b: {  	_ =	shalt  }
0x5c: {  	_ =	shalt  }
0x5d: {  	_ =	shalt  }
0x5e: {  	_ =	shalt  }
0x5f: {  	_ =	shalt  }
0x60: {  	_ =	shalt  }
0x61: {  	_ =	shalt  }
0x62: {  	_ =	shalt  }
0x63: {  	_ =	shalt  }
0x64: {  	_ =	shalt  }
0x65: {  	_ =	shalt  }
0x66: {  	_ =	shalt  }
0x67: {  	_ =	shalt  }
0x68: {  	_ =	shalt  }
0x69: {  	_ =	shalt  }
0x6a: {  	_ =	shalt  }
0x6b: {  	_ =	shalt  }
0x6c: {  	_ =	shalt  }
0x6d: {  	_ =	shalt  }
0x6e: {  	_ =	shalt  }
0x6f: {  	_ =	shalt  }
0x70: {  	_ =	shalt  }
0x71: {  	_ =	shalt  }
0x72: {  	_ =	shalt  }
0x73: {  	_ =	shalt  }
0x74: {  	_ =	shalt  }
0x75: {  	_ =	shalt  }
0x76: {  	_ =	shalt  }
0x77: {  	_ =	shalt  }
0x78: {  	_ =	shalt  }
0x79: {  	_ =	shalt  }
0x7a: {  	_ =	shalt  }
0x7b: {  	_ =	shalt  }
0x7c: {  	_ =	shalt  }
0x7d: {  	_ =	shalt  }
0x7e: {  	_ =	shalt  }
0x7f: {  	_ =	shalt  }
0x80: {  	_ =	shalt  }
0x81: {  	_ =	shalt  }
0x82: {  	_ =	shalt  }
0x83: {  	_ =	shalt  }
0x84: {  	_ =	shalt  }
0x85: {  	_ =	shalt  }
0x86: {  	_ =	shalt  }
0x87: {  	_ =	shalt  }
.Lfunc_end0:
.L_simem_size_0:
called_computation.1_lowered:
.L_overlay_start_0:
0x88: {  	s2 =	sld [smem:$0x3FD9]  }
0x89: {  	s3 =	sld [smem:$0x3FFE];
	_ =	sdelay $0x1  }
0x8a: {  	s1 =	srdreg.scid  }
0x8b: {  	s0 =	sand.u32 $0x1, s1  }
0x8c: {  	s17 =	sshll.u32 s0, $0xA;
	s2 =	sadd.s32 s3, s2  }
0x8d: {  	s2 =	sadd.s32 s2, s17  }
0x8e: {  	[smem:$0x3FB4] =	sst s2  }
0x8f: {  	_ = 	snop  }
0x90: {  	s18 =	sld [smem:$0x3FC9];
	(tm) =	ssettm $0x1  }
0x91: {  	s19 =	sld [smem:$0x3FFB];
	_ =	sdelay $0x3  }
0x92: {  	_ =	strace s19  }
0x93: {  	s2 =	sld [smem:$0x3FFC];
	_ =	sdelay $0x3  }
0x94: {  	_ =	strace s2  }
0x95: {  	s2 =	sld [smem:$0x3FFD];
	_ =	sdelay $0x3  }
0x96: {  	_ =	strace s2  }
0x97: {  	_ =	strace $0x8FFFFFFF  }
0x98: {  	s20 =	sld [smem:$0x3FDB];
	_ =	sdelay $0x1  }
0x99: {  	s4 =	simm.s32 $_scs_section_size  }
0x9a: {  	s5 =	simm.s32 $_size__tile_overlayer_lowered;
	s6 =	simm.s32 $_tile_overlayer_lowered  }
0x9b: {  	s7 =	simm.s32 $0x1BFF;
	s21 =	sshll.u32 s6, $0x1;
	s4 =	sadd.s32 s4, s20  }
0x9c: {  	s22 =	simm.s32 $0x0;
	s5 =	sshll.u32 s5, $0x1;
	s6 =	sadd.s32 s21, s4  }
0x9d: {  	[timem:s22], [sflag:s7] =	dma.local [hbm:s6], s5  }
0x9e: {  	_ =	swait.ge [sflag:s7], s5  }
0x9f: {  	s5 =	ssub.s32 $0x0, s5;
	[sflag:s7] =	ssyncset.done $0x0  }
0xa0: {  	[sflag:s7] =	ssyncadd.s32 s5;
	_ =	sdelay $0x1  }
0xa1: {  	s23 =	simm.s32 $0x1B8B  }
0xa2: {  	_ =	swait.ge [sflag:s23], $0x1  }
0xa3: {  	[sflag:s23] =	ssyncset.done $0x0  }
0xa4: {  	[sflag:s23] =	ssyncadd.s32 $0xFFFFFFFF  }
0xa5: {  	s5 =	sld [smem:$0x0]  }
0xa6: {  	s6 =	sand.u32 $0xFFFFFFFE, s1  }
0xa7: {  	p0 =	sne.s32 s1, s6  }
0xa8: {  	s6 =	sshll.u32 @p0 s6, $0xE  }
0xa9: {  	s6 =	sadd.s32 @p0 $0x11B8D, s6;
	s7 =	sshll.u32 @p0 s5, $0x11  }
0xaa: {  	s6 =	sor.u32 @p0 s7, s6  }
0xab: {  	[sflag:s6] =	ssyncadd.remote.s32 @p0 $0x1;
	_ =	sdelay $0x1  }
0xac: {  	s6 =	simm.s32 @p0 $0x1B8D  }
0xad: {  	_ =	swait.eq @p0 [sflag:s6], $0x1  }
0xae: {  	[sflag:s6] =	ssyncadd.s32 @p0 $0xFFFFFFFF  }
0xaf: {  	s7 =	sshll.u32 @!p0 s1, $0xE  }
0xb0: {  	s7 =	sor.u32 @!p0 $0x4000, s7;
	s6 =	simm.s32 @!p0 $0x1B8D  }
0xb1: {  	s5 =	sshll.u32 @!p0 s5, $0x11;
	s7 =	sadd.s32 @!p0 $0x11B8D, s7;
	_ =	swait.eq @!p0 [sflag:s6], $0x1  }
0xb2: {  	s5 =	sor.u32 @!p0 s5, s7;
	[sflag:s6] =	ssyncadd.s32 @!p0 $0xFFFFFFFF  }
0xb3: {  	s25 =	simm.s32 $0x1B8E;
	s24 =	sld [smem:$0x3FFE];
	[sflag:s5] =	ssyncadd.remote.s32 @!p0 $0x1  }
0xb4: {  	s26 =	simm.s32 $execute0_lowered;
	[smem:$0x3FD2] =	sst s25  }
0xb5: {  	s6 =	sshll.u32 s26, $0x1;
	_ =	strace $0x80000049;
	[dreg:$0x1] =	wrdreg $0xFFFFFFFF  }
0xb6: {  	s28 =	simm.s32 $_size_execute0_lowered;
	s4 =	sadd.s32 s4, s6;
	[dreg:$0x0] =	wrdreg $0x0  }
0xb7: {  	s6 =	sshll.u32 s28, $0x1;
	[dreg:$0x2] =	wrdreg s4  }
0xb8: {  	[dreg:$0x3] =	wrdreg s6  }
0xb9: {  	[dreg:$0x4] =	wrdreg $0xC0  }
0xba: {  	_ =	task [dreg:s22], $0x5FFFF  }
0xbb: {  	[dreg:$0x1] =	wrdreg $0xFFFFFFFF  }
0xbc: {  	[dreg:$0x0] =	wrdreg $0x60  }
0xbd: {  	[dreg:$0x2] =	wrdreg s18  }
0xbe: {  	[dreg:$0x3] =	wrdreg s24  }
0xbf: {  	[dreg:$0x4] =	wrdreg $0xA  }
0xc0: {  	_ =	task.clear_ibuf [dreg:s22], $0x5FFFF;
	_ =	strace $0x90000049  }
0xc1: {  	s29 =	simm.s32 $0xA;
	_ =	strace $0x8000004B  }
0xc2: {  	_ =	swait.ge [sflag:s29], $0x1  }
0xc3: {  	[sflag:s29] =	ssyncadd.s32 $0xFFFFFFFF  }
0xc4: {  	_ =	strace $0x9000004B  }
0xc5: {  	_ =	sfence  }
0xc6: {  	s30 =	sld [smem:$0x0];
	_ =	sdelay $0x2  }
0xc7: {  	s31 =	sshll.u32 s1, $0xD;
	s1 =	sshrl.u32 s1, $0x2  }
0xc8: {  	s4 =	sand.u32 $0x4000, s31;
	s1 =	sadd.s32 s1, s30  }
0xc9: {  	s0 =	sor.u32 s4, s0;
	s1 =	sshll.u32 s1, $0x11  }
0xca: {  	s0 =	sor.u32 s1, s0  }
0xcb: {  	s0 =	sadd.s32 $0x8F2B, s0  }
0xcc: {  	[sflag:s0] =	ssyncadd.remote.s32 $0x1  }
0xcd: {  	_ =	sfence.sel $0xFFFF  }
0xce: {  	[dreg:$0x0] =	wrdreg $0xFFFFFFFF;
	(pc) =	sbr.abs _section_cstart, $3  }
0xcf: {  	[dreg:$0x1] =	wrdreg $0xFFFFFFFF  }
0xd0: {  	_ =	task.clear_ibuf [dreg:s22], $0x2FFFF;
	_ =	strace $0x9FFFFFFF  }
0xd1: {  	(tm) =	ssettm $0x7FFFFFFF  }
tec
execute0_lowered:
.L_overlay_start_1:
0x0: {  	(tag) =	ssettag $0x1  }
0x1: {  	s1 =	srdreg.scid;
	s0 =	stileid.u32  }
0x2: {  	s17 =	sand.u32 $0x1, s1;
	s26 =	sshll.u32 s0, $0x1  }
0x3: {  	s2 =	rddreg [dreg:$0x0];
	s9 =	sor.u32 s17, s26  }
0x4: {  	s10 =	rddreg [dreg:$0x1];
	s18 =	smul.u32 $0x7D0, s9  }
0x5: {  	s3 =	simm.s32 $0x0;
	s1 =	rddreg [dreg:$0x2]  }
0x6: {  	[smem:$0x7FF] =	sst s3;
	s16 =	sadd.s32 $0x105A00, s10;
	s4 =	sshrl.u32 s18, $0x3  }
0x7: {  	_ =	strace $0x8000004A;
	s5 =	sadd.s32 s16, s4;
	s4 =	simm.s32 $0x2  }
0x8: {  	[tilespmem:s3], [sflag:$0x2] =	stream.linear.gather [hbm4b:s5+s3], $0x190, $0x38;
	[tilespmem:$0xCA00] =	vst v63  }
0x9: {  	_ =	swait.ge [sflag:s4], $0x190  }
0xa: {  	s6 =	simm.s32 $0x190;
	[sflag:s4] =	ssyncset.done $0x0  }
0xb: {  	s7 =	simm.s32 $0x200;
	s8 =	simm.s32 $0x1;
	[sflag:s4] =	ssyncadd.s32 $0xFFFFFE70  }
0xc: {  	[tilespmem:s7], [sflag:$0x1] =	stream.indirect.gather [hbm4b:s2+s6], $0x80, s3, s6, $0xb8;
	[tilespmem:$0xCA00] =	vst v63  }
0xd: {  	s9 =	smul.u32 $0x7D00, s9;
	_ =	swait.ge [sflag:s8], $0xC800  }
0xe: {  	s19 =	sadd.s32 $0x107A00, s10;
	[sflag:s8] =	ssyncset.done $0x0  }
0xf: {  	s9 =	sadd.s32 s19, s9;
	[sflag:s8] =	ssyncadd.s32 $0xFFFF3800  }
0x10: {  	[hbm4b:s9+s3] =	stream.linear.scatter [tilespmem:s7], [sflag:$0x2], $0xC800, $0x38;
	[tilespmem:$0xCA00] =	vst v63  }
0x11: {  	s11 =	sadd.s32 $0x190, s18;
	_ =	swait.ge [sflag:s4], $0xC800  }
0x12: {  	s28 =	sshrl.u32 s11, $0x3;
	[sflag:s4] =	ssyncset.done $0x0  }
0x13: {  	s10 =	sadd.s32 s16, s28;
	[sflag:s4] =	ssyncadd.s32 $0xFFFF3800  }
0x14: {  	[tilespmem:s3], [sflag:$0x2] =	stream.linear.gather [hbm4b:s10+s3], $0x190, $0x38;
	[tilespmem:$0xCA00] =	vst v63  }
0x15: {  	_ =	swait.ge [sflag:s4], $0x190  }
0x16: {  	[sflag:s4] =	ssyncset.done $0x0  }
0x17: {  	[sflag:s4] =	ssyncadd.s32 $0xFFFFFE70  }
0x18: {  	[tilespmem:s7], [sflag:$0x1] =	stream.indirect.gather [hbm4b:s2+s6], $0x80, s3, s6, $0xb8;
	[tilespmem:$0xCA00] =	vst v63  }
0x19: {  	_ =	swait.ge [sflag:s8], $0xC800  }
0x1a: {  	s11 =	sshll.u32 s11, $0x4;
	[sflag:s8] =	ssyncset.done $0x0  }
0x1b: {  	s11 =	sadd.s32 s19, s11;
	[sflag:s8] =	ssyncadd.s32 $0xFFFF3800  }
0x1c: {  	[hbm4b:s11+s3] =	stream.linear.scatter [tilespmem:s7], [sflag:$0x2], $0xC800, $0x38;
	[tilespmem:$0xCA00] =	vst v63  }
0x1d: {  	s13 =	sadd.s32 $0x320, s18;
	_ =	swait.ge [sflag:s4], $0xC800  }
0x1e: {  	s12 =	sshrl.u32 s13, $0x3;
	[sflag:s4] =	ssyncset.done $0x0  }
0x1f: {  	s12 =	sadd.s32 s16, s12;
	[sflag:s4] =	ssyncadd.s32 $0xFFFF3800  }
0x20: {  	[tilespmem:s3], [sflag:$0x2] =	stream.linear.gather [hbm4b:s12+s3], $0x190, $0x38;
	[tilespmem:$0xCA00] =	vst v63  }
0x21: {  	_ =	swait.ge [sflag:s4], $0x190  }
0x22: {  	[sflag:s4] =	ssyncset.done $0x0  }
0x23: {  	[sflag:s4] =	ssyncadd.s32 $0xFFFFFE70  }
0x24: {  	[tilespmem:s7], [sflag:$0x1] =	stream.indirect.gather [hbm4b:s2+s6], $0x80, s3, s6, $0xb8;
	[tilespmem:$0xCA00] =	vst v63  }
0x25: {  	_ =	swait.ge [sflag:s8], $0xC800  }
0x26: {  	s13 =	sshll.u32 s13, $0x4;
	[sflag:s8] =	ssyncset.done $0x0  }
0x27: {  	s13 =	sadd.s32 s19, s13;
	[sflag:s8] =	ssyncadd.s32 $0xFFFF3800  }
0x28: {  	[hbm4b:s13+s3] =	stream.linear.scatter [tilespmem:s7], [sflag:$0x2], $0xC800, $0x38;
	[tilespmem:$0xCA00] =	vst v63  }
0x29: {  	s15 =	sadd.s32 $0x4B0, s18;
	_ =	swait.ge [sflag:s4], $0xC800  }
0x2a: {  	s14 =	sshrl.u32 s15, $0x3;
	[sflag:s4] =	ssyncset.done $0x0  }
0x2b: {  	s14 =	sadd.s32 s16, s14;
	[sflag:s4] =	ssyncadd.s32 $0xFFFF3800  }
0x2c: {  	[tilespmem:s3], [sflag:$0x2] =	stream.linear.gather [hbm4b:s14+s3], $0x190, $0x38;
	[tilespmem:$0xCA00] =	vst v63  }
0x2d: {  	_ =	swait.ge [sflag:s4], $0x190  }
0x2e: {  	[sflag:s4] =	ssyncset.done $0x0  }
0x2f: {  	[sflag:s4] =	ssyncadd.s32 $0xFFFFFE70  }
0x30: {  	[tilespmem:s7], [sflag:$0x1] =	stream.indirect.gather [hbm4b:s2+s6], $0x80, s3, s6, $0xb8;
	[tilespmem:$0xCA00] =	vst v63  }
0x31: {  	_ =	swait.ge [sflag:s8], $0xC800  }
0x32: {  	s15 =	sshll.u32 s15, $0x4;
	[sflag:s8] =	ssyncset.done $0x0  }
0x33: {  	s15 =	sadd.s32 s19, s15;
	[sflag:s8] =	ssyncadd.s32 $0xFFFF3800  }
0x34: {  	[hbm4b:s15+s3] =	stream.linear.scatter [tilespmem:s7], [sflag:$0x2], $0xC800, $0x38;
	[tilespmem:$0xCA00] =	vst v63  }
0x35: {  	s18 =	sadd.s32 $0x640, s18;
	_ =	swait.ge [sflag:s4], $0xC800  }
0x36: {  	s20 =	sshrl.u32 s18, $0x3;
	[sflag:s4] =	ssyncset.done $0x0  }
0x37: {  	s17 =	ssub.s32 $0x2, s17;
	s16 =	sadd.s32 s16, s20;
	[sflag:s4] =	ssyncadd.s32 $0xFFFF3800  }
0x38: {  	[tilespmem:s3], [sflag:$0x2] =	stream.linear.gather [hbm4b:s16+s3], $0x190, $0x38;
	[tilespmem:$0xCA00] =	vst v63  }
0x39: {  	s29 =	sshrl.u32 s17, $0x1;
	_ =	swait.ge [sflag:s4], $0x190  }
0x3a: {  	s20 =	ssub.s32 s17, s29;
	[sflag:s4] =	ssyncset.done $0x0  }
0x3b: {  	s31 =	smax.u32 s20, $0x1;
	[sflag:s4] =	ssyncadd.s32 $0xFFFFFE70  }
0x3c: {  	[tilespmem:s7], [sflag:$0x1] =	stream.indirect.gather [hbm4b:s2+s6], $0x80, s3, s6, $0xb8;
	[tilespmem:$0xCA00] =	vst v63  }
0x3d: {  	p0 =	sne.s32 s31, $0x1;
	_ =	swait.ge [sflag:s8], $0xC800  }
.Ltmp0:
0x3e: {  	s30 =	sshll.u32 s18, $0x4;
	[sflag:s8] =	ssyncset.done $0x0;
	(pc) =	sbr.rel @!p0 .LBB2_2-.Ltmp0, $4  }
0x3f: {  	s17 =	sadd.s32 s19, s30;
	[sflag:s8] =	ssyncadd.s32 $0xFFFF3800  }
0x40: {  	[hbm4b:s17+s3] =	stream.linear.scatter [tilespmem:s7], [sflag:$0x2], $0xC800, $0x38;
	[tilespmem:$0xCA00] =	vst v63  }
0x41: {  	_ =	swait.ge [sflag:s4], $0xC800  }
0x42: {  	s18 =	sadd.s32 $0xFFFFFFFF, s31;
	[sflag:s4] =	ssyncset.done $0x0  }
.LBB2_1:
0x43: {  	p0 =	sne.s32 s18, $0x1;
	s18 =	sadd.s32 $0xFFFFFFFF, s18;
	[sflag:s4] =	ssyncadd.s32 $0xFFFF3800  }
0x44: {  	[tilespmem:s3], [sflag:$0x2] =	stream.linear.gather [hbm4b:s5+s3], $0x190, $0x38;
	[tilespmem:$0xCA00] =	vst v63  }
0x45: {  	_ =	swait.ge [sflag:s4], $0x190  }
0x46: {  	[sflag:s4] =	ssyncset.done $0x0  }
0x47: {  	[sflag:s4] =	ssyncadd.s32 $0xFFFFFE70  }
0x48: {  	[tilespmem:s7], [sflag:$0x1] =	stream.indirect.gather [hbm4b:s2+s6], $0x80, s3, s6, $0xb8;
	[tilespmem:$0xCA00] =	vst v63  }
0x49: {  	_ =	swait.ge [sflag:s8], $0xC800  }
0x4a: {  	[sflag:s8] =	ssyncset.done $0x0  }
0x4b: {  	[sflag:s8] =	ssyncadd.s32 $0xFFFF3800  }
0x4c: {  	[hbm4b:s9+s3] =	stream.linear.scatter [tilespmem:s7], [sflag:$0x2], $0xC800, $0x38;
	[tilespmem:$0xCA00] =	vst v63  }
0x4d: {  	_ =	swait.ge [sflag:s4], $0xC800  }
0x4e: {  	[sflag:s4] =	ssyncset.done $0x0  }
0x4f: {  	[sflag:s4] =	ssyncadd.s32 $0xFFFF3800  }
0x50: {  	[tilespmem:s3], [sflag:$0x2] =	stream.linear.gather [hbm4b:s10+s3], $0x190, $0x38;
	[tilespmem:$0xCA00] =	vst v63  }
0x51: {  	_ =	swait.ge [sflag:s4], $0x190  }
0x52: {  	[sflag:s4] =	ssyncset.done $0x0  }
0x53: {  	[sflag:s4] =	ssyncadd.s32 $0xFFFFFE70  }
0x54: {  	[tilespmem:s7], [sflag:$0x1] =	stream.indirect.gather [hbm4b:s2+s6], $0x80, s3, s6, $0xb8;
	[tilespmem:$0xCA00] =	vst v63  }
0x55: {  	_ =	swait.ge [sflag:s8], $0xC800  }
0x56: {  	[sflag:s8] =	ssyncset.done $0x0  }
0x57: {  	[sflag:s8] =	ssyncadd.s32 $0xFFFF3800  }
0x58: {  	[hbm4b:s11+s3] =	stream.linear.scatter [tilespmem:s7], [sflag:$0x2], $0xC800, $0x38;
	[tilespmem:$0xCA00] =	vst v63  }
0x59: {  	_ =	swait.ge [sflag:s4], $0xC800  }
0x5a: {  	[sflag:s4] =	ssyncset.done $0x0  }
0x5b: {  	[sflag:s4] =	ssyncadd.s32 $0xFFFF3800  }
0x5c: {  	[tilespmem:s3], [sflag:$0x2] =	stream.linear.gather [hbm4b:s12+s3], $0x190, $0x38;
	[tilespmem:$0xCA00] =	vst v63  }
0x5d: {  	_ =	swait.ge [sflag:s4], $0x190  }
0x5e: {  	[sflag:s4] =	ssyncset.done $0x0  }
0x5f: {  	[sflag:s4] =	ssyncadd.s32 $0xFFFFFE70  }
0x60: {  	[tilespmem:s7], [sflag:$0x1] =	stream.indirect.gather [hbm4b:s2+s6], $0x80, s3, s6, $0xb8;
	[tilespmem:$0xCA00] =	vst v63  }
0x61: {  	_ =	swait.ge [sflag:s8], $0xC800  }
0x62: {  	[sflag:s8] =	ssyncset.done $0x0  }
0x63: {  	[sflag:s8] =	ssyncadd.s32 $0xFFFF3800  }
0x64: {  	[hbm4b:s13+s3] =	stream.linear.scatter [tilespmem:s7], [sflag:$0x2], $0xC800, $0x38;
	[tilespmem:$0xCA00] =	vst v63  }
0x65: {  	_ =	swait.ge [sflag:s4], $0xC800  }
0x66: {  	[sflag:s4] =	ssyncset.done $0x0  }
0x67: {  	[sflag:s4] =	ssyncadd.s32 $0xFFFF3800  }
0x68: {  	[tilespmem:s3], [sflag:$0x2] =	stream.linear.gather [hbm4b:s14+s3], $0x190, $0x38;
	[tilespmem:$0xCA00] =	vst v63  }
0x69: {  	_ =	swait.ge [sflag:s4], $0x190  }
0x6a: {  	[sflag:s4] =	ssyncset.done $0x0  }
0x6b: {  	[sflag:s4] =	ssyncadd.s32 $0xFFFFFE70  }
0x6c: {  	[tilespmem:s7], [sflag:$0x1] =	stream.indirect.gather [hbm4b:s2+s6], $0x80, s3, s6, $0xb8;
	[tilespmem:$0xCA00] =	vst v63  }
0x6d: {  	_ =	swait.ge [sflag:s8], $0xC800  }
0x6e: {  	[sflag:s8] =	ssyncset.done $0x0  }
0x6f: {  	[sflag:s8] =	ssyncadd.s32 $0xFFFF3800  }
0x70: {  	[hbm4b:s15+s3] =	stream.linear.scatter [tilespmem:s7], [sflag:$0x2], $0xC800, $0x38;
	[tilespmem:$0xCA00] =	vst v63  }
0x71: {  	_ =	swait.ge [sflag:s4], $0xC800  }
0x72: {  	[sflag:s4] =	ssyncset.done $0x0  }
0x73: {  	[sflag:s4] =	ssyncadd.s32 $0xFFFF3800  }
0x74: {  	[tilespmem:s3], [sflag:$0x2] =	stream.linear.gather [hbm4b:s16+s3], $0x190, $0x38;
	[tilespmem:$0xCA00] =	vst v63  }
0x75: {  	_ =	swait.ge [sflag:s4], $0x190  }
0x76: {  	[sflag:s4] =	ssyncset.done $0x0  }
0x77: {  	[sflag:s4] =	ssyncadd.s32 $0xFFFFFE70  }
0x78: {  	[tilespmem:s7], [sflag:$0x1] =	stream.indirect.gather [hbm4b:s2+s6], $0x80, s3, s6, $0xb8;
	[tilespmem:$0xCA00] =	vst v63  }
0x79: {  	_ =	swait.ge [sflag:s8], $0xC800  }
.Ltmp1:
0x7a: {  	[sflag:s8] =	ssyncset.done $0x0;
	(pc) =	sbr.rel @p0 .LBB2_1-.Ltmp1, $4  }
0x7b: {  	[sflag:s8] =	ssyncadd.s32 $0xFFFF3800  }
0x7c: {  	[hbm4b:s17+s3] =	stream.linear.scatter [tilespmem:s7], [sflag:$0x2], $0xC800, $0x38;
	[tilespmem:$0xCA00] =	vst v63  }
0x7d: {  	_ =	swait.ge [sflag:s4], $0xC800  }
0x7e: {  	[sflag:s4] =	ssyncset.done $0x0  }
.LBB2_2:
0x7f: {  	[sflag:s4] =	ssyncadd.s32 $0xFFFF3800  }
0x80: {  	_ =	sfence.sel $0x180000  }
0x81: {  	[bflag:$0x0] =	sbarrier.arrive $0xFFFF  }
0x82: {  	p0 =	sne.s32 s0, $0x0;
	_ =	strace $0x9000004A  }
0x83: {  	s0 =	sadd.s32 @!p0 $0x100000, s1;
	[bflag:$0x2] =	sbarrier.arrive $0xFFFF  }
0x84: {  	[sflag:s0] =	ssyncadd.tile.s32 @!p0 $0x1;
	_ =	shalt  }
.Lfunc_end2:
_tile_overlayer_lowered:
.L_overlay_start_2:
0x85: {  	(tag) =	ssettag $0x2  }
0x86: {  	s0 =	rddreg [dreg:$0x0];
	s2 =	stileid.u32  }
0x87: {  	s1 =	rddreg [dreg:$0x1];
	p0 =	sne.s32 s2, $0x0  }
0x88: {  	s3 =	rddreg [dreg:$0x2];
	[bflag:$0x3] =	sbarrier.arrive $0xFFFF;
	s2 =	simm.s32 @!p0 $0x1C02  }
0x89: {  	[timem:s3], [sflag:s2] =	dma.local @!p0 [hbm:s0], s1  }
0x8a: {  	s0 =	simm.s32 @!p0 $0x2  }
0x8b: {  	_ =	swait.ge @!p0 [sflag:s0], s1  }
0x8c: {  	s1 =	ssub.s32 @!p0 $0x0, s1;
	[sflag:s0] =	ssyncset.done @!p0 $0x0  }
0x8d: {  	[sflag:s0] =	ssyncadd.s32 @!p0 s1  }
0x8e: {  	[bflag:$0x3] =	sbarrier.arrive $0xFFFF  }
0x8f: {  	_ =	shalt  }

// kernel: kernel.29.cloned.1.call-start
scs
__scs_entry_jumppad:
0x0: {  	(pc) =	sbr.rel $0x88, $3  }
0x1: {  	(tag) =	ssettag $0x0;
	lr =	simm.s32 $0x1  }
0x2: {  	[smem:$0x3F8D] =	sst lr;
	_ =	strace $0xD0000000  }
0x3: {  	_ = 	snop  }
0x4: {  	_ = 	snop  }
0x5: {  	_ = 	snop  }
0x6: {  	_ = 	snop  }
0x7: {  	_ = 	snop  }
__scs_overlays_trampoline_lowered:
0x8: {  	[smem:$0x3F9C] =	sst s0  }
0x9: {  	[smem:$0x3F9D] =	sst s1  }
0xa: {  	[smem:$0x3F9E] =	sst s2  }
0xb: {  	[smem:$0x3F9F] =	sst s3  }
0xc: {  	[smem:$0x3FA0] =	sst s4  }
0xd: {  	[smem:$0x3FA1] =	sst s5  }
0xe: {  	[smem:$0x3FA2] =	sst s6  }
0xf: {  	[smem:$0x3FA3] =	sst s7  }
0x10: {  	[smem:$0x3FA4] =	sst s8  }
0x11: {  	[smem:$0x3FA5] =	sst s9;
	s0 =	simm.s32 @!p0 $0x0  }
0x12: {  	s1 =	sld [smem:$0x3F8B];
	s0 =	simm.s32 @p0 $0x1  }
0x13: {  	[smem:$0x3FA6] =	sst s0;
	s0 =	simm.s32 @!p1 $0x0  }
0x14: {  	s2 =	sld [smem:$0x3F8A];
	s0 =	simm.s32 @p1 $0x1  }
0x15: {  	[smem:$0x3FA7] =	sst s0;
	s0 =	simm.s32 @!p2 $0x0  }
0x16: {  	s3 =	sld [smem:$0x3FDB];
	s0 =	simm.s32 @p2 $0x1  }
0x17: {  	s4 =	simm.s32 $0x1BF5;
	[smem:$0x3FA9] =	sst s0  }
0x18: {  	s0 =	sld [smem:$0x3F8C];
	_ =	swait.ge [sflag:s4], $0x0  }
0x19: {  	s7 =	sld [smem:$0x3F8D]  }
0x1a: {  	s8 =	sadd.s32 $0xFFFFE003, lr  }
0x1b: {  	s9 =	sadd.s32 $0xFFFFFEF7, lr;
	s5 =	simm.s32 $0xFFFFFFFF;
	p2 =	slt.u32 s8, $0xFFFFF086  }
0x1c: {  	p1 =	slt.u32 s9, $0xF7A;
	s5 =	simm.s32 @!p2 $0x0  }
0x1d: {  	s5 =	simm.s32 @p1 $0x1;
	p0 =	seq.s32 s7, s2  }
0x1e: {  	s7 =	smul.u32 @!p0 $0xF7A, s2;
	p2 =	seq.s32 @!p0 s5, $0x0  }
0x1f: {  	s9 =	smul.u32 $0xF7A, s1;
	s8 =	simm.s32 @!p0 $0x1BF5;
	p2 =	por !p2, p0  }
0x20: {  	[sflag:s8] =	ssyncset.s32 @!p0 $0xFFFFF086;
	s6 =	sadd.s32 @!p0 s3, s7;
	s7 =	simm.s32 @!p0 $0x108  }
0x21: {  	s3 =	sadd.s32 s3, s9;
	s6 =	sadd.s32 @!p0 $0x88, s6;
	s7 =	simm.s32 @p2 $0x1082  }
0x22: {  	[simem:s7], [sflag:s8] =	dma.local @!p0 [hbm:s6], $0xF7A  }
0x23: {  	s9 =	sor.u32 $0xD0000000, s2;
	s6 =	simm.s32 $0x108;
	_ =	swait.ge @!p0 [sflag:s8], $0x0  }
0x24: {  	s3 =	sadd.s32 $0x88, s3;
	s6 =	simm.s32 @!p1 $0x1082;
	[sflag:s4] =	ssyncset.s32 $0xFFFFF086  }
0x25: {  	[simem:s6], [sflag:s4] =	dma.local [hbm:s3], $0xF7A  }
0x26: {  	[smem:$0x3F8D] =	sst s1;
	(tag) =	ssettag s2;
	_ =	strace s9  }
0x27: {  	s1 =	sld [smem:$0x3F9D]  }
0x28: {  	s2 =	sld [smem:$0x3F9E]  }
0x29: {  	s4 =	sld [smem:$0x3FA0]  }
0x2a: {  	p0 =	seq.s32 s5, $0x0;
	s5 =	sld [smem:$0x3FA1]  }
0x2b: {  	s6 =	sld [smem:$0x3FA2]  }
0x2c: {  	s7 =	sld [smem:$0x3FA3]  }
0x2d: {  	s3 =	simm.s32 $0x108;
	s8 =	sld [smem:$0x3FA4]  }
0x2e: {  	s3 =	simm.s32 @!p0 $0x1082;
	s9 =	sld [smem:$0x3FA5]  }
0x2f: {  	lr =	sadd.s32 s0, s3;
	s0 =	sld [smem:$0x3F9C]  }
0x30: {  	s3 =	sld [smem:$0x3F9F]  }
0x31: {  	[smem:$0x3FA8] =	sst s10  }
0x32: {  	s10 =	sld [smem:$0x3FA6];
	_ =	sdelay $0x3  }
0x33: {  	p0 =	seq.s32 s10, $0x1;
	s10 =	sld [smem:$0x3FA8];
	_ =	sdelay $0x3  }
0x34: {  	[smem:$0x3FA8] =	sst s10  }
0x35: {  	s10 =	sld [smem:$0x3FA7];
	_ =	sdelay $0x3  }
0x36: {  	p1 =	seq.s32 s10, $0x1;
	s10 =	sld [smem:$0x3FA8];
	_ =	sdelay $0x3  }
0x37: {  	[smem:$0x3FA8] =	sst s10  }
0x38: {  	s10 =	sld [smem:$0x3FA9]  }
0x39: {  	_ = 	snop;
	(pc) =	sbr.ind lr, $3  }
0x3a: {  	_ = 	snop  }
0x3b: {  	_ = 	snop  }
0x3c: {  	p2 =	seq.s32 s10, $0x1;
	s10 =	sld [smem:$0x3FA8]  }
0x3d: {  	_ =	shalt  }
0x3e: {  	_ =	shalt  }
0x3f: {  	_ =	shalt  }
0x40: {  	_ =	shalt  }
0x41: {  	_ =	shalt  }
0x42: {  	_ =	shalt  }
0x43: {  	_ =	shalt  }
0x44: {  	_ =	shalt  }
0x45: {  	_ =	shalt  }
0x46: {  	_ =	shalt  }
0x47: {  	_ =	shalt  }
0x48: {  	_ =	shalt  }
0x49: {  	_ =	shalt  }
0x4a: {  	_ =	shalt  }
0x4b: {  	_ =	shalt  }
0x4c: {  	_ =	shalt  }
0x4d: {  	_ =	shalt  }
0x4e: {  	_ =	shalt  }
0x4f: {  	_ =	shalt  }
0x50: {  	_ =	shalt  }
0x51: {  	_ =	shalt  }
0x52: {  	_ =	shalt  }
0x53: {  	_ =	shalt  }
0x54: {  	_ =	shalt  }
0x55: {  	_ =	shalt  }
0x56: {  	_ =	shalt  }
0x57: {  	_ =	shalt  }
0x58: {  	_ =	shalt  }
0x59: {  	_ =	shalt  }
0x5a: {  	_ =	shalt  }
0x5b: {  	_ =	shalt  }
0x5c: {  	_ =	shalt  }
0x5d: {  	_ =	shalt  }
0x5e: {  	_ =	shalt  }
0x5f: {  	_ =	shalt  }
0x60: {  	_ =	shalt  }
0x61: {  	_ =	shalt  }
0x62: {  	_ =	shalt  }
0x63: {  	_ =	shalt  }
0x64: {  	_ =	shalt  }
0x65: {  	_ =	shalt  }
0x66: {  	_ =	shalt  }
0x67: {  	_ =	shalt  }
0x68: {  	_ =	shalt  }
0x69: {  	_ =	shalt  }
0x6a: {  	_ =	shalt  }
0x6b: {  	_ =	shalt  }
0x6c: {  	_ =	shalt  }
0x6d: {  	_ =	shalt  }
0x6e: {  	_ =	shalt  }
0x6f: {  	_ =	shalt  }
0x70: {  	_ =	shalt  }
0x71: {  	_ =	shalt  }
0x72: {  	_ =	shalt  }
0x73: {  	_ =	shalt  }
0x74: {  	_ =	shalt  }
0x75: {  	_ =	shalt  }
0x76: {  	_ =	shalt  }
0x77: {  	_ =	shalt  }
0x78: {  	_ =	shalt  }
0x79: {  	_ =	shalt  }
0x7a: {  	_ =	shalt  }
0x7b: {  	_ =	shalt  }
0x7c: {  	_ =	shalt  }
0x7d: {  	_ =	shalt  }
0x7e: {  	_ =	shalt  }
0x7f: {  	_ =	shalt  }
0x80: {  	_ =	shalt  }
0x81: {  	_ =	shalt  }
0x82: {  	_ =	shalt  }
0x83: {  	_ =	shalt  }
0x84: {  	_ =	shalt  }
0x85: {  	_ =	shalt  }
0x86: {  	_ =	shalt  }
0x87: {  	_ =	shalt  }
.Lfunc_end0:
.L_simem_size_0:
called_computation.2_lowered:
.L_overlay_start_0:
0x88: {  	s2 =	sld [smem:$0x3FD9]  }
0x89: {  	s3 =	sld [smem:$0x3FFE];
	_ =	sdelay $0x1  }
0x8a: {  	s1 =	srdreg.scid  }
0x8b: {  	s0 =	sand.u32 $0x1, s1  }
0x8c: {  	s17 =	sshll.u32 s0, $0xA;
	s2 =	sadd.s32 s3, s2  }
0x8d: {  	s2 =	sadd.s32 s2, s17  }
0x8e: {  	[smem:$0x3FB4] =	sst s2  }
0x8f: {  	_ = 	snop  }
0x90: {  	s18 =	sld [smem:$0x3FC9];
	(tm) =	ssettm $0x1  }
0x91: {  	s19 =	sld [smem:$0x3FFB];
	_ =	sdelay $0x3  }
0x92: {  	_ =	strace s19  }
0x93: {  	s2 =	sld [smem:$0x3FFC];
	_ =	sdelay $0x3  }
0x94: {  	_ =	strace s2  }
0x95: {  	s2 =	sld [smem:$0x3FFD];
	_ =	sdelay $0x3  }
0x96: {  	_ =	strace s2  }
0x97: {  	_ =	strace $0x8FFFFFFF  }
0x98: {  	s20 =	sld [smem:$0x3FDB];
	_ =	sdelay $0x1  }
0x99: {  	s4 =	simm.s32 $_scs_section_size  }
0x9a: {  	s5 =	simm.s32 $_size__tile_overlayer_lowered;
	s6 =	simm.s32 $_tile_overlayer_lowered  }
0x9b: {  	s7 =	simm.s32 $0x1BFF;
	s21 =	sshll.u32 s6, $0x1;
	s4 =	sadd.s32 s4, s20  }
0x9c: {  	s22 =	simm.s32 $0x0;
	s5 =	sshll.u32 s5, $0x1;
	s6 =	sadd.s32 s21, s4  }
0x9d: {  	[timem:s22], [sflag:s7] =	dma.local [hbm:s6], s5  }
0x9e: {  	_ =	swait.ge [sflag:s7], s5  }
0x9f: {  	s5 =	ssub.s32 $0x0, s5;
	[sflag:s7] =	ssyncset.done $0x0  }
0xa0: {  	[sflag:s7] =	ssyncadd.s32 s5;
	_ =	sdelay $0x1  }
0xa1: {  	s23 =	simm.s32 $0x1B8B  }
0xa2: {  	_ =	swait.ge [sflag:s23], $0x1  }
0xa3: {  	[sflag:s23] =	ssyncset.done $0x0  }
0xa4: {  	[sflag:s23] =	ssyncadd.s32 $0xFFFFFFFF  }
0xa5: {  	s5 =	sld [smem:$0x0]  }
0xa6: {  	s6 =	sand.u32 $0xFFFFFFFE, s1  }
0xa7: {  	p0 =	sne.s32 s1, s6  }
0xa8: {  	s6 =	sshll.u32 @p0 s6, $0xE  }
0xa9: {  	s6 =	sadd.s32 @p0 $0x11B8D, s6;
	s7 =	sshll.u32 @p0 s5, $0x11  }
0xaa: {  	s6 =	sor.u32 @p0 s7, s6  }
0xab: {  	[sflag:s6] =	ssyncadd.remote.s32 @p0 $0x1;
	_ =	sdelay $0x1  }
0xac: {  	s6 =	simm.s32 @p0 $0x1B8D  }
0xad: {  	_ =	swait.eq @p0 [sflag:s6], $0x1  }
0xae: {  	[sflag:s6] =	ssyncadd.s32 @p0 $0xFFFFFFFF  }
0xaf: {  	s7 =	sshll.u32 @!p0 s1, $0xE  }
0xb0: {  	s7 =	sor.u32 @!p0 $0x4000, s7;
	s6 =	simm.s32 @!p0 $0x1B8D  }
0xb1: {  	s5 =	sshll.u32 @!p0 s5, $0x11;
	s7 =	sadd.s32 @!p0 $0x11B8D, s7;
	_ =	swait.eq @!p0 [sflag:s6], $0x1  }
0xb2: {  	s5 =	sor.u32 @!p0 s5, s7;
	[sflag:s6] =	ssyncadd.s32 @!p0 $0xFFFFFFFF  }
0xb3: {  	s25 =	simm.s32 $0x1B8E;
	s24 =	sld [smem:$0x3FFE];
	[sflag:s5] =	ssyncadd.remote.s32 @!p0 $0x1  }
0xb4: {  	s26 =	simm.s32 $execute0_lowered;
	[smem:$0x3FD2] =	sst s25  }
0xb5: {  	s6 =	sshll.u32 s26, $0x1;
	_ =	strace $0x8000004C;
	[dreg:$0x1] =	wrdreg $0xFFFFFFFF  }
0xb6: {  	s28 =	simm.s32 $_size_execute0_lowered;
	s4 =	sadd.s32 s4, s6;
	[dreg:$0x0] =	wrdreg $0x0  }
0xb7: {  	s6 =	sshll.u32 s28, $0x1;
	[dreg:$0x2] =	wrdreg s4  }
0xb8: {  	[dreg:$0x3] =	wrdreg s6  }
0xb9: {  	[dreg:$0x4] =	wrdreg $0xC0  }
0xba: {  	_ =	task [dreg:s22], $0x5FFFF  }
0xbb: {  	[dreg:$0x1] =	wrdreg $0xFFFFFFFF  }
0xbc: {  	[dreg:$0x0] =	wrdreg $0x60  }
0xbd: {  	[dreg:$0x2] =	wrdreg s18  }
0xbe: {  	[dreg:$0x3] =	wrdreg s24  }
0xbf: {  	[dreg:$0x4] =	wrdreg $0xB  }
0xc0: {  	_ =	task.clear_ibuf [dreg:s22], $0x5FFFF;
	_ =	strace $0x9000004C  }
0xc1: {  	s29 =	simm.s32 $0xB;
	_ =	strace $0x8000004E  }
0xc2: {  	_ =	swait.ge [sflag:s29], $0x1  }
0xc3: {  	[sflag:s29] =	ssyncadd.s32 $0xFFFFFFFF  }
0xc4: {  	_ =	strace $0x9000004E  }
0xc5: {  	_ =	sfence  }
0xc6: {  	s30 =	sld [smem:$0x0];
	_ =	sdelay $0x2  }
0xc7: {  	s31 =	sshll.u32 s1, $0xD;
	s1 =	sshrl.u32 s1, $0x2  }
0xc8: {  	s4 =	sand.u32 $0x4000, s31;
	s1 =	sadd.s32 s1, s30  }
0xc9: {  	s0 =	sor.u32 s4, s0;
	s1 =	sshll.u32 s1, $0x11  }
0xca: {  	s0 =	sor.u32 s1, s0  }
0xcb: {  	s0 =	sadd.s32 $0x8F2B, s0  }
0xcc: {  	[sflag:s0] =	ssyncadd.remote.s32 $0x1  }
0xcd: {  	_ =	sfence.sel $0xFFFF  }
0xce: {  	[dreg:$0x0] =	wrdreg $0xFFFFFFFF;
	(pc) =	sbr.abs _section_cstart, $3  }
0xcf: {  	[dreg:$0x1] =	wrdreg $0xFFFFFFFF  }
0xd0: {  	_ =	task.clear_ibuf [dreg:s22], $0x2FFFF;
	_ =	strace $0x9FFFFFFF  }
0xd1: {  	(tm) =	ssettm $0x7FFFFFFF  }
tec
execute0_lowered:
.L_overlay_start_1:
0x0: {  	(tag) =	ssettag $0x1  }
0x1: {  	s1 =	srdreg.scid;
	s0 =	stileid.u32  }
0x2: {  	s17 =	sand.u32 $0x1, s1;
	s26 =	sshll.u32 s0, $0x1  }
0x3: {  	s2 =	rddreg [dreg:$0x0];
	s9 =	sor.u32 s17, s26  }
0x4: {  	s10 =	rddreg [dreg:$0x1];
	s18 =	smul.u32 $0x7D0, s9  }
0x5: {  	s3 =	simm.s32 $0x0;
	s1 =	rddreg [dreg:$0x2]  }
0x6: {  	[smem:$0x7FF] =	sst s3;
	s16 =	sadd.s32 $0x201A00, s10;
	s4 =	sshrl.u32 s18, $0x3  }
0x7: {  	_ =	strace $0x8000004D;
	s5 =	sadd.s32 s16, s4;
	s4 =	simm.s32 $0x2  }
0x8: {  	[tilespmem:s3], [sflag:$0x2] =	stream.linear.gather [hbm4b:s5+s3], $0x190, $0x38;
	[tilespmem:$0xCA00] =	vst v63  }
0x9: {  	_ =	swait.ge [sflag:s4], $0x190  }
0xa: {  	s6 =	simm.s32 $0x190;
	[sflag:s4] =	ssyncset.done $0x0  }
0xb: {  	s7 =	simm.s32 $0x200;
	s8 =	simm.s32 $0x1;
	[sflag:s4] =	ssyncadd.s32 $0xFFFFFE70  }
0xc: {  	[tilespmem:s7], [sflag:$0x1] =	stream.indirect.gather [hbm4b:s2+s6], $0x80, s3, s6, $0xb8;
	[tilespmem:$0xCA00] =	vst v63  }
0xd: {  	s9 =	smul.u32 $0x7D00, s9;
	_ =	swait.ge [sflag:s8], $0xC800  }
0xe: {  	s19 =	sadd.s32 $0x203A00, s10;
	[sflag:s8] =	ssyncset.done $0x0  }
0xf: {  	s9 =	sadd.s32 s19, s9;
	[sflag:s8] =	ssyncadd.s32 $0xFFFF3800  }
0x10: {  	[hbm4b:s9+s3] =	stream.linear.scatter [tilespmem:s7], [sflag:$0x2], $0xC800, $0x38;
	[tilespmem:$0xCA00] =	vst v63  }
0x11: {  	s11 =	sadd.s32 $0x190, s18;
	_ =	swait.ge [sflag:s4], $0xC800  }
0x12: {  	s28 =	sshrl.u32 s11, $0x3;
	[sflag:s4] =	ssyncset.done $0x0  }
0x13: {  	s10 =	sadd.s32 s16, s28;
	[sflag:s4] =	ssyncadd.s32 $0xFFFF3800  }
0x14: {  	[tilespmem:s3], [sflag:$0x2] =	stream.linear.gather [hbm4b:s10+s3], $0x190, $0x38;
	[tilespmem:$0xCA00] =	vst v63  }
0x15: {  	_ =	swait.ge [sflag:s4], $0x190  }
0x16: {  	[sflag:s4] =	ssyncset.done $0x0  }
0x17: {  	[sflag:s4] =	ssyncadd.s32 $0xFFFFFE70  }
0x18: {  	[tilespmem:s7], [sflag:$0x1] =	stream.indirect.gather [hbm4b:s2+s6], $0x80, s3, s6, $0xb8;
	[tilespmem:$0xCA00] =	vst v63  }
0x19: {  	_ =	swait.ge [sflag:s8], $0xC800  }
0x1a: {  	s11 =	sshll.u32 s11, $0x4;
	[sflag:s8] =	ssyncset.done $0x0  }
0x1b: {  	s11 =	sadd.s32 s19, s11;
	[sflag:s8] =	ssyncadd.s32 $0xFFFF3800  }
0x1c: {  	[hbm4b:s11+s3] =	stream.linear.scatter [tilespmem:s7], [sflag:$0x2], $0xC800, $0x38;
	[tilespmem:$0xCA00] =	vst v63  }
0x1d: {  	s13 =	sadd.s32 $0x320, s18;
	_ =	swait.ge [sflag:s4], $0xC800  }
0x1e: {  	s12 =	sshrl.u32 s13, $0x3;
	[sflag:s4] =	ssyncset.done $0x0  }
0x1f: {  	s12 =	sadd.s32 s16, s12;
	[sflag:s4] =	ssyncadd.s32 $0xFFFF3800  }
0x20: {  	[tilespmem:s3], [sflag:$0x2] =	stream.linear.gather [hbm4b:s12+s3], $0x190, $0x38;
	[tilespmem:$0xCA00] =	vst v63  }
0x21: {  	_ =	swait.ge [sflag:s4], $0x190  }
0x22: {  	[sflag:s4] =	ssyncset.done $0x0  }
0x23: {  	[sflag:s4] =	ssyncadd.s32 $0xFFFFFE70  }
0x24: {  	[tilespmem:s7], [sflag:$0x1] =	stream.indirect.gather [hbm4b:s2+s6], $0x80, s3, s6, $0xb8;
	[tilespmem:$0xCA00] =	vst v63  }
0x25: {  	_ =	swait.ge [sflag:s8], $0xC800  }
0x26: {  	s13 =	sshll.u32 s13, $0x4;
	[sflag:s8] =	ssyncset.done $0x0  }
0x27: {  	s13 =	sadd.s32 s19, s13;
	[sflag:s8] =	ssyncadd.s32 $0xFFFF3800  }
0x28: {  	[hbm4b:s13+s3] =	stream.linear.scatter [tilespmem:s7], [sflag:$0x2], $0xC800, $0x38;
	[tilespmem:$0xCA00] =	vst v63  }
0x29: {  	s15 =	sadd.s32 $0x4B0, s18;
	_ =	swait.ge [sflag:s4], $0xC800  }
0x2a: {  	s14 =	sshrl.u32 s15, $0x3;
	[sflag:s4] =	ssyncset.done $0x0  }
0x2b: {  	s14 =	sadd.s32 s16, s14;
	[sflag:s4] =	ssyncadd.s32 $0xFFFF3800  }
0x2c: {  	[tilespmem:s3], [sflag:$0x2] =	stream.linear.gather [hbm4b:s14+s3], $0x190, $0x38;
	[tilespmem:$0xCA00] =	vst v63  }
0x2d: {  	_ =	swait.ge [sflag:s4], $0x190  }
0x2e: {  	[sflag:s4] =	ssyncset.done $0x0  }
0x2f: {  	[sflag:s4] =	ssyncadd.s32 $0xFFFFFE70  }
0x30: {  	[tilespmem:s7], [sflag:$0x1] =	stream.indirect.gather [hbm4b:s2+s6], $0x80, s3, s6, $0xb8;
	[tilespmem:$0xCA00] =	vst v63  }
0x31: {  	_ =	swait.ge [sflag:s8], $0xC800  }
0x32: {  	s15 =	sshll.u32 s15, $0x4;
	[sflag:s8] =	ssyncset.done $0x0  }
0x33: {  	s15 =	sadd.s32 s19, s15;
	[sflag:s8] =	ssyncadd.s32 $0xFFFF3800  }
0x34: {  	[hbm4b:s15+s3] =	stream.linear.scatter [tilespmem:s7], [sflag:$0x2], $0xC800, $0x38;
	[tilespmem:$0xCA00] =	vst v63  }
0x35: {  	s18 =	sadd.s32 $0x640, s18;
	_ =	swait.ge [sflag:s4], $0xC800  }
0x36: {  	s20 =	sshrl.u32 s18, $0x3;
	[sflag:s4] =	ssyncset.done $0x0  }
0x37: {  	s17 =	ssub.s32 $0x2, s17;
	s16 =	sadd.s32 s16, s20;
	[sflag:s4] =	ssyncadd.s32 $0xFFFF3800  }
0x38: {  	[tilespmem:s3], [sflag:$0x2] =	stream.linear.gather [hbm4b:s16+s3], $0x190, $0x38;
	[tilespmem:$0xCA00] =	vst v63  }
0x39: {  	s29 =	sshrl.u32 s17, $0x1;
	_ =	swait.ge [sflag:s4], $0x190  }
0x3a: {  	s20 =	ssub.s32 s17, s29;
	[sflag:s4] =	ssyncset.done $0x0  }
0x3b: {  	s31 =	smax.u32 s20, $0x1;
	[sflag:s4] =	ssyncadd.s32 $0xFFFFFE70  }
0x3c: {  	[tilespmem:s7], [sflag:$0x1] =	stream.indirect.gather [hbm4b:s2+s6], $0x80, s3, s6, $0xb8;
	[tilespmem:$0xCA00] =	vst v63  }
0x3d: {  	p0 =	sne.s32 s31, $0x1;
	_ =	swait.ge [sflag:s8], $0xC800  }
.Ltmp0:
0x3e: {  	s30 =	sshll.u32 s18, $0x4;
	[sflag:s8] =	ssyncset.done $0x0;
	(pc) =	sbr.rel @!p0 .LBB2_2-.Ltmp0, $4  }
0x3f: {  	s17 =	sadd.s32 s19, s30;
	[sflag:s8] =	ssyncadd.s32 $0xFFFF3800  }
0x40: {  	[hbm4b:s17+s3] =	stream.linear.scatter [tilespmem:s7], [sflag:$0x2], $0xC800, $0x38;
	[tilespmem:$0xCA00] =	vst v63  }
0x41: {  	_ =	swait.ge [sflag:s4], $0xC800  }
0x42: {  	s18 =	sadd.s32 $0xFFFFFFFF, s31;
	[sflag:s4] =	ssyncset.done $0x0  }
.LBB2_1:
0x43: {  	p0 =	sne.s32 s18, $0x1;
	s18 =	sadd.s32 $0xFFFFFFFF, s18;
	[sflag:s4] =	ssyncadd.s32 $0xFFFF3800  }
0x44: {  	[tilespmem:s3], [sflag:$0x2] =	stream.linear.gather [hbm4b:s5+s3], $0x190, $0x38;
	[tilespmem:$0xCA00] =	vst v63  }
0x45: {  	_ =	swait.ge [sflag:s4], $0x190  }
0x46: {  	[sflag:s4] =	ssyncset.done $0x0  }
0x47: {  	[sflag:s4] =	ssyncadd.s32 $0xFFFFFE70  }
0x48: {  	[tilespmem:s7], [sflag:$0x1] =	stream.indirect.gather [hbm4b:s2+s6], $0x80, s3, s6, $0xb8;
	[tilespmem:$0xCA00] =	vst v63  }
0x49: {  	_ =	swait.ge [sflag:s8], $0xC800  }
0x4a: {  	[sflag:s8] =	ssyncset.done $0x0  }
0x4b: {  	[sflag:s8] =	ssyncadd.s32 $0xFFFF3800  }
0x4c: {  	[hbm4b:s9+s3] =	stream.linear.scatter [tilespmem:s7], [sflag:$0x2], $0xC800, $0x38;
	[tilespmem:$0xCA00] =	vst v63  }
0x4d: {  	_ =	swait.ge [sflag:s4], $0xC800  }
0x4e: {  	[sflag:s4] =	ssyncset.done $0x0  }
0x4f: {  	[sflag:s4] =	ssyncadd.s32 $0xFFFF3800  }
0x50: {  	[tilespmem:s3], [sflag:$0x2] =	stream.linear.gather [hbm4b:s10+s3], $0x190, $0x38;
	[tilespmem:$0xCA00] =	vst v63  }
0x51: {  	_ =	swait.ge [sflag:s4], $0x190  }
0x52: {  	[sflag:s4] =	ssyncset.done $0x0  }
0x53: {  	[sflag:s4] =	ssyncadd.s32 $0xFFFFFE70  }
0x54: {  	[tilespmem:s7], [sflag:$0x1] =	stream.indirect.gather [hbm4b:s2+s6], $0x80, s3, s6, $0xb8;
	[tilespmem:$0xCA00] =	vst v63  }
0x55: {  	_ =	swait.ge [sflag:s8], $0xC800  }
0x56: {  	[sflag:s8] =	ssyncset.done $0x0  }
0x57: {  	[sflag:s8] =	ssyncadd.s32 $0xFFFF3800  }
0x58: {  	[hbm4b:s11+s3] =	stream.linear.scatter [tilespmem:s7], [sflag:$0x2], $0xC800, $0x38;
	[tilespmem:$0xCA00] =	vst v63  }
0x59: {  	_ =	swait.ge [sflag:s4], $0xC800  }
0x5a: {  	[sflag:s4] =	ssyncset.done $0x0  }
0x5b: {  	[sflag:s4] =	ssyncadd.s32 $0xFFFF3800  }
0x5c: {  	[tilespmem:s3], [sflag:$0x2] =	stream.linear.gather [hbm4b:s12+s3], $0x190, $0x38;
	[tilespmem:$0xCA00] =	vst v63  }
0x5d: {  	_ =	swait.ge [sflag:s4], $0x190  }
0x5e: {  	[sflag:s4] =	ssyncset.done $0x0  }
0x5f: {  	[sflag:s4] =	ssyncadd.s32 $0xFFFFFE70  }
0x60: {  	[tilespmem:s7], [sflag:$0x1] =	stream.indirect.gather [hbm4b:s2+s6], $0x80, s3, s6, $0xb8;
	[tilespmem:$0xCA00] =	vst v63  }
0x61: {  	_ =	swait.ge [sflag:s8], $0xC800  }
0x62: {  	[sflag:s8] =	ssyncset.done $0x0  }
0x63: {  	[sflag:s8] =	ssyncadd.s32 $0xFFFF3800  }
0x64: {  	[hbm4b:s13+s3] =	stream.linear.scatter [tilespmem:s7], [sflag:$0x2], $0xC800, $0x38;
	[tilespmem:$0xCA00] =	vst v63  }
0x65: {  	_ =	swait.ge [sflag:s4], $0xC800  }
0x66: {  	[sflag:s4] =	ssyncset.done $0x0  }
0x67: {  	[sflag:s4] =	ssyncadd.s32 $0xFFFF3800  }
0x68: {  	[tilespmem:s3], [sflag:$0x2] =	stream.linear.gather [hbm4b:s14+s3], $0x190, $0x38;
	[tilespmem:$0xCA00] =	vst v63  }
0x69: {  	_ =	swait.ge [sflag:s4], $0x190  }
0x6a: {  	[sflag:s4] =	ssyncset.done $0x0  }
0x6b: {  	[sflag:s4] =	ssyncadd.s32 $0xFFFFFE70  }
0x6c: {  	[tilespmem:s7], [sflag:$0x1] =	stream.indirect.gather [hbm4b:s2+s6], $0x80, s3, s6, $0xb8;
	[tilespmem:$0xCA00] =	vst v63  }
0x6d: {  	_ =	swait.ge [sflag:s8], $0xC800  }
0x6e: {  	[sflag:s8] =	ssyncset.done $0x0  }
0x6f: {  	[sflag:s8] =	ssyncadd.s32 $0xFFFF3800  }
0x70: {  	[hbm4b:s15+s3] =	stream.linear.scatter [tilespmem:s7], [sflag:$0x2], $0xC800, $0x38;
	[tilespmem:$0xCA00] =	vst v63  }
0x71: {  	_ =	swait.ge [sflag:s4], $0xC800  }
0x72: {  	[sflag:s4] =	ssyncset.done $0x0  }
0x73: {  	[sflag:s4] =	ssyncadd.s32 $0xFFFF3800  }
0x74: {  	[tilespmem:s3], [sflag:$0x2] =	stream.linear.gather [hbm4b:s16+s3], $0x190, $0x38;
	[tilespmem:$0xCA00] =	vst v63  }
0x75: {  	_ =	swait.ge [sflag:s4], $0x190  }
0x76: {  	[sflag:s4] =	ssyncset.done $0x0  }
0x77: {  	[sflag:s4] =	ssyncadd.s32 $0xFFFFFE70  }
0x78: {  	[tilespmem:s7], [sflag:$0x1] =	stream.indirect.gather [hbm4b:s2+s6], $0x80, s3, s6, $0xb8;
	[tilespmem:$0xCA00] =	vst v63  }
0x79: {  	_ =	swait.ge [sflag:s8], $0xC800  }
.Ltmp1:
0x7a: {  	[sflag:s8] =	ssyncset.done $0x0;
	(pc) =	sbr.rel @p0 .LBB2_1-.Ltmp1, $4  }
0x7b: {  	[sflag:s8] =	ssyncadd.s32 $0xFFFF3800  }
0x7c: {  	[hbm4b:s17+s3] =	stream.linear.scatter [tilespmem:s7], [sflag:$0x2], $0xC800, $0x38;
	[tilespmem:$0xCA00] =	vst v63  }
0x7d: {  	_ =	swait.ge [sflag:s4], $0xC800  }
0x7e: {  	[sflag:s4] =	ssyncset.done $0x0  }
.LBB2_2:
0x7f: {  	[sflag:s4] =	ssyncadd.s32 $0xFFFF3800  }
0x80: {  	_ =	sfence.sel $0x180000  }
0x81: {  	[bflag:$0x0] =	sbarrier.arrive $0xFFFF  }
0x82: {  	p0 =	sne.s32 s0, $0x0;
	_ =	strace $0x9000004D  }
0x83: {  	s0 =	sadd.s32 @!p0 $0x100000, s1;
	[bflag:$0x2] =	sbarrier.arrive $0xFFFF  }
0x84: {  	[sflag:s0] =	ssyncadd.tile.s32 @!p0 $0x1;
	_ =	shalt  }
.Lfunc_end2:
_tile_overlayer_lowered:
.L_overlay_start_2:
0x85: {  	(tag) =	ssettag $0x2  }
0x86: {  	s0 =	rddreg [dreg:$0x0];
	s2 =	stileid.u32  }
0x87: {  	s1 =	rddreg [dreg:$0x1];
	p0 =	sne.s32 s2, $0x0  }
0x88: {  	s3 =	rddreg [dreg:$0x2];
	[bflag:$0x3] =	sbarrier.arrive $0xFFFF;
	s2 =	simm.s32 @!p0 $0x1C02  }
0x89: {  	[timem:s3], [sflag:s2] =	dma.local @!p0 [hbm:s0], s1  }
0x8a: {  	s0 =	simm.s32 @!p0 $0x2  }
0x8b: {  	_ =	swait.ge @!p0 [sflag:s0], s1  }
0x8c: {  	s1 =	ssub.s32 @!p0 $0x0, s1;
	[sflag:s0] =	ssyncset.done @!p0 $0x0  }
0x8d: {  	[sflag:s0] =	ssyncadd.s32 @!p0 s1  }
0x8e: {  	[bflag:$0x3] =	sbarrier.arrive $0xFFFF  }
0x8f: {  	_ =	shalt  }

// kernel: kernel.32.cloned.1.call-start
scs
__scs_entry_jumppad:
0x0: {  	(pc) =	sbr.rel $0x88, $3  }
0x1: {  	(tag) =	ssettag $0x0;
	lr =	simm.s32 $0x1  }
0x2: {  	[smem:$0x3F8D] =	sst lr;
	_ =	strace $0xD0000000  }
0x3: {  	_ = 	snop  }
0x4: {  	_ = 	snop  }
0x5: {  	_ = 	snop  }
0x6: {  	_ = 	snop  }
0x7: {  	_ = 	snop  }
__scs_overlays_trampoline_lowered:
0x8: {  	[smem:$0x3F9C] =	sst s0  }
0x9: {  	[smem:$0x3F9D] =	sst s1  }
0xa: {  	[smem:$0x3F9E] =	sst s2  }
0xb: {  	[smem:$0x3F9F] =	sst s3  }
0xc: {  	[smem:$0x3FA0] =	sst s4  }
0xd: {  	[smem:$0x3FA1] =	sst s5  }
0xe: {  	[smem:$0x3FA2] =	sst s6  }
0xf: {  	[smem:$0x3FA3] =	sst s7  }
0x10: {  	[smem:$0x3FA4] =	sst s8  }
0x11: {  	[smem:$0x3FA5] =	sst s9;
	s0 =	simm.s32 @!p0 $0x0  }
0x12: {  	s1 =	sld [smem:$0x3F8B];
	s0 =	simm.s32 @p0 $0x1  }
0x13: {  	[smem:$0x3FA6] =	sst s0;
	s0 =	simm.s32 @!p1 $0x0  }
0x14: {  	s2 =	sld [smem:$0x3F8A];
	s0 =	simm.s32 @p1 $0x1  }
0x15: {  	[smem:$0x3FA7] =	sst s0;
	s0 =	simm.s32 @!p2 $0x0  }
0x16: {  	s3 =	sld [smem:$0x3FDB];
	s0 =	simm.s32 @p2 $0x1  }
0x17: {  	s4 =	simm.s32 $0x1BF5;
	[smem:$0x3FA9] =	sst s0  }
0x18: {  	s0 =	sld [smem:$0x3F8C];
	_ =	swait.ge [sflag:s4], $0x0  }
0x19: {  	s7 =	sld [smem:$0x3F8D]  }
0x1a: {  	s8 =	sadd.s32 $0xFFFFE003, lr  }
0x1b: {  	s9 =	sadd.s32 $0xFFFFFEF7, lr;
	s5 =	simm.s32 $0xFFFFFFFF;
	p2 =	slt.u32 s8, $0xFFFFF086  }
0x1c: {  	p1 =	slt.u32 s9, $0xF7A;
	s5 =	simm.s32 @!p2 $0x0  }
0x1d: {  	s5 =	simm.s32 @p1 $0x1;
	p0 =	seq.s32 s7, s2  }
0x1e: {  	s7 =	smul.u32 @!p0 $0xF7A, s2;
	p2 =	seq.s32 @!p0 s5, $0x0  }
0x1f: {  	s9 =	smul.u32 $0xF7A, s1;
	s8 =	simm.s32 @!p0 $0x1BF5;
	p2 =	por !p2, p0  }
0x20: {  	[sflag:s8] =	ssyncset.s32 @!p0 $0xFFFFF086;
	s6 =	sadd.s32 @!p0 s3, s7;
	s7 =	simm.s32 @!p0 $0x108  }
0x21: {  	s3 =	sadd.s32 s3, s9;
	s6 =	sadd.s32 @!p0 $0x88, s6;
	s7 =	simm.s32 @p2 $0x1082  }
0x22: {  	[simem:s7], [sflag:s8] =	dma.local @!p0 [hbm:s6], $0xF7A  }
0x23: {  	s9 =	sor.u32 $0xD0000000, s2;
	s6 =	simm.s32 $0x108;
	_ =	swait.ge @!p0 [sflag:s8], $0x0  }
0x24: {  	s3 =	sadd.s32 $0x88, s3;
	s6 =	simm.s32 @!p1 $0x1082;
	[sflag:s4] =	ssyncset.s32 $0xFFFFF086  }
0x25: {  	[simem:s6], [sflag:s4] =	dma.local [hbm:s3], $0xF7A  }
0x26: {  	[smem:$0x3F8D] =	sst s1;
	(tag) =	ssettag s2;
	_ =	strace s9  }
0x27: {  	s1 =	sld [smem:$0x3F9D]  }
0x28: {  	s2 =	sld [smem:$0x3F9E]  }
0x29: {  	s4 =	sld [smem:$0x3FA0]  }
0x2a: {  	p0 =	seq.s32 s5, $0x0;
	s5 =	sld [smem:$0x3FA1]  }
0x2b: {  	s6 =	sld [smem:$0x3FA2]  }
0x2c: {  	s7 =	sld [smem:$0x3FA3]  }
0x2d: {  	s3 =	simm.s32 $0x108;
	s8 =	sld [smem:$0x3FA4]  }
0x2e: {  	s3 =	simm.s32 @!p0 $0x1082;
	s9 =	sld [smem:$0x3FA5]  }
0x2f: {  	lr =	sadd.s32 s0, s3;
	s0 =	sld [smem:$0x3F9C]  }
0x30: {  	s3 =	sld [smem:$0x3F9F]  }
0x31: {  	[smem:$0x3FA8] =	sst s10  }
0x32: {  	s10 =	sld [smem:$0x3FA6];
	_ =	sdelay $0x3  }
0x33: {  	p0 =	seq.s32 s10, $0x1;
	s10 =	sld [smem:$0x3FA8];
	_ =	sdelay $0x3  }
0x34: {  	[smem:$0x3FA8] =	sst s10  }
0x35: {  	s10 =	sld [smem:$0x3FA7];
	_ =	sdelay $0x3  }
0x36: {  	p1 =	seq.s32 s10, $0x1;
	s10 =	sld [smem:$0x3FA8];
	_ =	sdelay $0x3  }
0x37: {  	[smem:$0x3FA8] =	sst s10  }
0x38: {  	s10 =	sld [smem:$0x3FA9]  }
0x39: {  	_ = 	snop;
	(pc) =	sbr.ind lr, $3  }
0x3a: {  	_ = 	snop  }
0x3b: {  	_ = 	snop  }
0x3c: {  	p2 =	seq.s32 s10, $0x1;
	s10 =	sld [smem:$0x3FA8]  }
0x3d: {  	_ =	shalt  }
0x3e: {  	_ =	shalt  }
0x3f: {  	_ =	shalt  }
0x40: {  	_ =	shalt  }
0x41: {  	_ =	shalt  }
0x42: {  	_ =	shalt  }
0x43: {  	_ =	shalt  }
0x44: {  	_ =	shalt  }
0x45: {  	_ =	shalt  }
0x46: {  	_ =	shalt  }
0x47: {  	_ =	shalt  }
0x48: {  	_ =	shalt  }
0x49: {  	_ =	shalt  }
0x4a: {  	_ =	shalt  }
0x4b: {  	_ =	shalt  }
0x4c: {  	_ =	shalt  }
0x4d: {  	_ =	shalt  }
0x4e: {  	_ =	shalt  }
0x4f: {  	_ =	shalt  }
0x50: {  	_ =	shalt  }
0x51: {  	_ =	shalt  }
0x52: {  	_ =	shalt  }
0x53: {  	_ =	shalt  }
0x54: {  	_ =	shalt  }
0x55: {  	_ =	shalt  }
0x56: {  	_ =	shalt  }
0x57: {  	_ =	shalt  }
0x58: {  	_ =	shalt  }
0x59: {  	_ =	shalt  }
0x5a: {  	_ =	shalt  }
0x5b: {  	_ =	shalt  }
0x5c: {  	_ =	shalt  }
0x5d: {  	_ =	shalt  }
0x5e: {  	_ =	shalt  }
0x5f: {  	_ =	shalt  }
0x60: {  	_ =	shalt  }
0x61: {  	_ =	shalt  }
0x62: {  	_ =	shalt  }
0x63: {  	_ =	shalt  }
0x64: {  	_ =	shalt  }
0x65: {  	_ =	shalt  }
0x66: {  	_ =	shalt  }
0x67: {  	_ =	shalt  }
0x68: {  	_ =	shalt  }
0x69: {  	_ =	shalt  }
0x6a: {  	_ =	shalt  }
0x6b: {  	_ =	shalt  }
0x6c: {  	_ =	shalt  }
0x6d: {  	_ =	shalt  }
0x6e: {  	_ =	shalt  }
0x6f: {  	_ =	shalt  }
0x70: {  	_ =	shalt  }
0x71: {  	_ =	shalt  }
0x72: {  	_ =	shalt  }
0x73: {  	_ =	shalt  }
0x74: {  	_ =	shalt  }
0x75: {  	_ =	shalt  }
0x76: {  	_ =	shalt  }
0x77: {  	_ =	shalt  }
0x78: {  	_ =	shalt  }
0x79: {  	_ =	shalt  }
0x7a: {  	_ =	shalt  }
0x7b: {  	_ =	shalt  }
0x7c: {  	_ =	shalt  }
0x7d: {  	_ =	shalt  }
0x7e: {  	_ =	shalt  }
0x7f: {  	_ =	shalt  }
0x80: {  	_ =	shalt  }
0x81: {  	_ =	shalt  }
0x82: {  	_ =	shalt  }
0x83: {  	_ =	shalt  }
0x84: {  	_ =	shalt  }
0x85: {  	_ =	shalt  }
0x86: {  	_ =	shalt  }
0x87: {  	_ =	shalt  }
.Lfunc_end0:
.L_simem_size_0:
called_computation.3_lowered:
.L_overlay_start_0:
0x88: {  	s2 =	sld [smem:$0x3FD9]  }
0x89: {  	s3 =	sld [smem:$0x3FFE];
	_ =	sdelay $0x1  }
0x8a: {  	s1 =	srdreg.scid  }
0x8b: {  	s0 =	sand.u32 $0x1, s1  }
0x8c: {  	s17 =	sshll.u32 s0, $0xA;
	s2 =	sadd.s32 s3, s2  }
0x8d: {  	s2 =	sadd.s32 s2, s17  }
0x8e: {  	[smem:$0x3FB4] =	sst s2  }
0x8f: {  	_ = 	snop  }
0x90: {  	s18 =	sld [smem:$0x3FC9];
	(tm) =	ssettm $0x1  }
0x91: {  	s19 =	sld [smem:$0x3FFB];
	_ =	sdelay $0x3  }
0x92: {  	_ =	strace s19  }
0x93: {  	s2 =	sld [smem:$0x3FFC];
	_ =	sdelay $0x3  }
0x94: {  	_ =	strace s2  }
0x95: {  	s2 =	sld [smem:$0x3FFD];
	_ =	sdelay $0x3  }
0x96: {  	_ =	strace s2  }
0x97: {  	_ =	strace $0x8FFFFFFF  }
0x98: {  	s20 =	sld [smem:$0x3FDB];
	_ =	sdelay $0x1  }
0x99: {  	s4 =	simm.s32 $_scs_section_size  }
0x9a: {  	s5 =	simm.s32 $_size__tile_overlayer_lowered;
	s6 =	simm.s32 $_tile_overlayer_lowered  }
0x9b: {  	s7 =	simm.s32 $0x1BFF;
	s21 =	sshll.u32 s6, $0x1;
	s4 =	sadd.s32 s4, s20  }
0x9c: {  	s22 =	simm.s32 $0x0;
	s5 =	sshll.u32 s5, $0x1;
	s6 =	sadd.s32 s21, s4  }
0x9d: {  	[timem:s22], [sflag:s7] =	dma.local [hbm:s6], s5  }
0x9e: {  	_ =	swait.ge [sflag:s7], s5  }
0x9f: {  	s5 =	ssub.s32 $0x0, s5;
	[sflag:s7] =	ssyncset.done $0x0  }
0xa0: {  	[sflag:s7] =	ssyncadd.s32 s5;
	_ =	sdelay $0x1  }
0xa1: {  	s23 =	simm.s32 $0x1B8B  }
0xa2: {  	_ =	swait.ge [sflag:s23], $0x1  }
0xa3: {  	[sflag:s23] =	ssyncset.done $0x0  }
0xa4: {  	[sflag:s23] =	ssyncadd.s32 $0xFFFFFFFF  }
0xa5: {  	s5 =	sld [smem:$0x0]  }
0xa6: {  	s6 =	sand.u32 $0xFFFFFFFE, s1  }
0xa7: {  	p0 =	sne.s32 s1, s6  }
0xa8: {  	s6 =	sshll.u32 @p0 s6, $0xE  }
0xa9: {  	s6 =	sadd.s32 @p0 $0x11B8D, s6;
	s7 =	sshll.u32 @p0 s5, $0x11  }
0xaa: {  	s6 =	sor.u32 @p0 s7, s6  }
0xab: {  	[sflag:s6] =	ssyncadd.remote.s32 @p0 $0x1;
	_ =	sdelay $0x1  }
0xac: {  	s6 =	simm.s32 @p0 $0x1B8D  }
0xad: {  	_ =	swait.eq @p0 [sflag:s6], $0x1  }
0xae: {  	[sflag:s6] =	ssyncadd.s32 @p0 $0xFFFFFFFF  }
0xaf: {  	s7 =	sshll.u32 @!p0 s1, $0xE  }
0xb0: {  	s7 =	sor.u32 @!p0 $0x4000, s7;
	s6 =	simm.s32 @!p0 $0x1B8D  }
0xb1: {  	s5 =	sshll.u32 @!p0 s5, $0x11;
	s7 =	sadd.s32 @!p0 $0x11B8D, s7;
	_ =	swait.eq @!p0 [sflag:s6], $0x1  }
0xb2: {  	s5 =	sor.u32 @!p0 s5, s7;
	[sflag:s6] =	ssyncadd.s32 @!p0 $0xFFFFFFFF  }
0xb3: {  	s25 =	simm.s32 $0x1B8E;
	s24 =	sld [smem:$0x3FFE];
	[sflag:s5] =	ssyncadd.remote.s32 @!p0 $0x1  }
0xb4: {  	s26 =	simm.s32 $execute0_lowered;
	[smem:$0x3FD2] =	sst s25  }
0xb5: {  	s6 =	sshll.u32 s26, $0x1;
	_ =	strace $0x8000004F;
	[dreg:$0x1] =	wrdreg $0xFFFFFFFF  }
0xb6: {  	s28 =	simm.s32 $_size_execute0_lowered;
	s4 =	sadd.s32 s4, s6;
	[dreg:$0x0] =	wrdreg $0x0  }
0xb7: {  	s6 =	sshll.u32 s28, $0x1;
	[dreg:$0x2] =	wrdreg s4  }
0xb8: {  	[dreg:$0x3] =	wrdreg s6  }
0xb9: {  	[dreg:$0x4] =	wrdreg $0xC0  }
0xba: {  	_ =	task [dreg:s22], $0x5FFFF  }
0xbb: {  	[dreg:$0x1] =	wrdreg $0xFFFFFFFF  }
0xbc: {  	[dreg:$0x0] =	wrdreg $0x60  }
0xbd: {  	[dreg:$0x2] =	wrdreg s18  }
0xbe: {  	[dreg:$0x3] =	wrdreg s24  }
0xbf: {  	[dreg:$0x4] =	wrdreg $0xC  }
0xc0: {  	_ =	task.clear_ibuf [dreg:s22], $0x5FFFF;
	_ =	strace $0x9000004F  }
0xc1: {  	s29 =	simm.s32 $0xC;
	_ =	strace $0x80000051  }
0xc2: {  	_ =	swait.ge [sflag:s29], $0x1  }
0xc3: {  	[sflag:s29] =	ssyncadd.s32 $0xFFFFFFFF  }
0xc4: {  	_ =	strace $0x90000051  }
0xc5: {  	_ =	sfence  }
0xc6: {  	s30 =	sld [smem:$0x0];
	_ =	sdelay $0x2  }
0xc7: {  	s31 =	sshll.u32 s1, $0xD;
	s1 =	sshrl.u32 s1, $0x2  }
0xc8: {  	s4 =	sand.u32 $0x4000, s31;
	s1 =	sadd.s32 s1, s30  }
0xc9: {  	s0 =	sor.u32 s4, s0;
	s1 =	sshll.u32 s1, $0x11  }
0xca: {  	s0 =	sor.u32 s1, s0  }
0xcb: {  	s0 =	sadd.s32 $0x8F2B, s0  }
0xcc: {  	[sflag:s0] =	ssyncadd.remote.s32 $0x1  }
0xcd: {  	_ =	sfence.sel $0xFFFF  }
0xce: {  	[dreg:$0x0] =	wrdreg $0xFFFFFFFF;
	(pc) =	sbr.abs _section_cstart, $3  }
0xcf: {  	[dreg:$0x1] =	wrdreg $0xFFFFFFFF  }
0xd0: {  	_ =	task.clear_ibuf [dreg:s22], $0x2FFFF;
	_ =	strace $0x9FFFFFFF  }
0xd1: {  	(tm) =	ssettm $0x7FFFFFFF  }
tec
execute0_lowered:
.L_overlay_start_1:
0x0: {  	(tag) =	ssettag $0x1  }
0x1: {  	s1 =	srdreg.scid;
	s0 =	stileid.u32  }
0x2: {  	s17 =	sand.u32 $0x1, s1;
	s26 =	sshll.u32 s0, $0x1  }
0x3: {  	s2 =	rddreg [dreg:$0x0];
	s9 =	sor.u32 s17, s26  }
0x4: {  	s10 =	rddreg [dreg:$0x1];
	s18 =	smul.u32 $0x7D0, s9  }
0x5: {  	s3 =	simm.s32 $0x0;
	s1 =	rddreg [dreg:$0x2]  }
0x6: {  	[smem:$0x7FF] =	sst s3;
	s16 =	sadd.s32 $0x2FDA00, s10;
	s4 =	sshrl.u32 s18, $0x3  }
0x7: {  	_ =	strace $0x80000050;
	s5 =	sadd.s32 s16, s4;
	s4 =	simm.s32 $0x2  }
0x8: {  	[tilespmem:s3], [sflag:$0x2] =	stream.linear.gather [hbm4b:s5+s3], $0x190, $0x38;
	[tilespmem:$0xCA00] =	vst v63  }
0x9: {  	_ =	swait.ge [sflag:s4], $0x190  }
0xa: {  	s6 =	simm.s32 $0x190;
	[sflag:s4] =	ssyncset.done $0x0  }
0xb: {  	s7 =	simm.s32 $0x200;
	s8 =	simm.s32 $0x1;
	[sflag:s4] =	ssyncadd.s32 $0xFFFFFE70  }
0xc: {  	[tilespmem:s7], [sflag:$0x1] =	stream.indirect.gather [hbm4b:s2+s6], $0x80, s3, s6, $0xb8;
	[tilespmem:$0xCA00] =	vst v63  }
0xd: {  	s9 =	smul.u32 $0x7D00, s9;
	_ =	swait.ge [sflag:s8], $0xC800  }
0xe: {  	s19 =	sadd.s32 $0x2FFA00, s10;
	[sflag:s8] =	ssyncset.done $0x0  }
0xf: {  	s9 =	sadd.s32 s19, s9;
	[sflag:s8] =	ssyncadd.s32 $0xFFFF3800  }
0x10: {  	[hbm4b:s9+s3] =	stream.linear.scatter [tilespmem:s7], [sflag:$0x2], $0xC800, $0x38;
	[tilespmem:$0xCA00] =	vst v63  }
0x11: {  	s11 =	sadd.s32 $0x190, s18;
	_ =	swait.ge [sflag:s4], $0xC800  }
0x12: {  	s28 =	sshrl.u32 s11, $0x3;
	[sflag:s4] =	ssyncset.done $0x0  }
0x13: {  	s10 =	sadd.s32 s16, s28;
	[sflag:s4] =	ssyncadd.s32 $0xFFFF3800  }
0x14: {  	[tilespmem:s3], [sflag:$0x2] =	stream.linear.gather [hbm4b:s10+s3], $0x190, $0x38;
	[tilespmem:$0xCA00] =	vst v63  }
0x15: {  	_ =	swait.ge [sflag:s4], $0x190  }
0x16: {  	[sflag:s4] =	ssyncset.done $0x0  }
0x17: {  	[sflag:s4] =	ssyncadd.s32 $0xFFFFFE70  }
0x18: {  	[tilespmem:s7], [sflag:$0x1] =	stream.indirect.gather [hbm4b:s2+s6], $0x80, s3, s6, $0xb8;
	[tilespmem:$0xCA00] =	vst v63  }
0x19: {  	_ =	swait.ge [sflag:s8], $0xC800  }
0x1a: {  	s11 =	sshll.u32 s11, $0x4;
	[sflag:s8] =	ssyncset.done $0x0  }
0x1b: {  	s11 =	sadd.s32 s19, s11;
	[sflag:s8] =	ssyncadd.s32 $0xFFFF3800  }
0x1c: {  	[hbm4b:s11+s3] =	stream.linear.scatter [tilespmem:s7], [sflag:$0x2], $0xC800, $0x38;
	[tilespmem:$0xCA00] =	vst v63  }
0x1d: {  	s13 =	sadd.s32 $0x320, s18;
	_ =	swait.ge [sflag:s4], $0xC800  }
0x1e: {  	s12 =	sshrl.u32 s13, $0x3;
	[sflag:s4] =	ssyncset.done $0x0  }
0x1f: {  	s12 =	sadd.s32 s16, s12;
	[sflag:s4] =	ssyncadd.s32 $0xFFFF3800  }
0x20: {  	[tilespmem:s3], [sflag:$0x2] =	stream.linear.gather [hbm4b:s12+s3], $0x190, $0x38;
	[tilespmem:$0xCA00] =	vst v63  }
0x21: {  	_ =	swait.ge [sflag:s4], $0x190  }
0x22: {  	[sflag:s4] =	ssyncset.done $0x0  }
0x23: {  	[sflag:s4] =	ssyncadd.s32 $0xFFFFFE70  }
0x24: {  	[tilespmem:s7], [sflag:$0x1] =	stream.indirect.gather [hbm4b:s2+s6], $0x80, s3, s6, $0xb8;
	[tilespmem:$0xCA00] =	vst v63  }
0x25: {  	_ =	swait.ge [sflag:s8], $0xC800  }
0x26: {  	s13 =	sshll.u32 s13, $0x4;
	[sflag:s8] =	ssyncset.done $0x0  }
0x27: {  	s13 =	sadd.s32 s19, s13;
	[sflag:s8] =	ssyncadd.s32 $0xFFFF3800  }
0x28: {  	[hbm4b:s13+s3] =	stream.linear.scatter [tilespmem:s7], [sflag:$0x2], $0xC800, $0x38;
	[tilespmem:$0xCA00] =	vst v63  }
0x29: {  	s15 =	sadd.s32 $0x4B0, s18;
	_ =	swait.ge [sflag:s4], $0xC800  }
0x2a: {  	s14 =	sshrl.u32 s15, $0x3;
	[sflag:s4] =	ssyncset.done $0x0  }
0x2b: {  	s14 =	sadd.s32 s16, s14;
	[sflag:s4] =	ssyncadd.s32 $0xFFFF3800  }
0x2c: {  	[tilespmem:s3], [sflag:$0x2] =	stream.linear.gather [hbm4b:s14+s3], $0x190, $0x38;
	[tilespmem:$0xCA00] =	vst v63  }
0x2d: {  	_ =	swait.ge [sflag:s4], $0x190  }
0x2e: {  	[sflag:s4] =	ssyncset.done $0x0  }
0x2f: {  	[sflag:s4] =	ssyncadd.s32 $0xFFFFFE70  }
0x30: {  	[tilespmem:s7], [sflag:$0x1] =	stream.indirect.gather [hbm4b:s2+s6], $0x80, s3, s6, $0xb8;
	[tilespmem:$0xCA00] =	vst v63  }
0x31: {  	_ =	swait.ge [sflag:s8], $0xC800  }
0x32: {  	s15 =	sshll.u32 s15, $0x4;
	[sflag:s8] =	ssyncset.done $0x0  }
0x33: {  	s15 =	sadd.s32 s19, s15;
	[sflag:s8] =	ssyncadd.s32 $0xFFFF3800  }
0x34: {  	[hbm4b:s15+s3] =	stream.linear.scatter [tilespmem:s7], [sflag:$0x2], $0xC800, $0x38;
	[tilespmem:$0xCA00] =	vst v63  }
0x35: {  	s18 =	sadd.s32 $0x640, s18;
	_ =	swait.ge [sflag:s4], $0xC800  }
0x36: {  	s20 =	sshrl.u32 s18, $0x3;
	[sflag:s4] =	ssyncset.done $0x0  }
0x37: {  	s17 =	ssub.s32 $0x2, s17;
	s16 =	sadd.s32 s16, s20;
	[sflag:s4] =	ssyncadd.s32 $0xFFFF3800  }
0x38: {  	[tilespmem:s3], [sflag:$0x2] =	stream.linear.gather [hbm4b:s16+s3], $0x190, $0x38;
	[tilespmem:$0xCA00] =	vst v63  }
0x39: {  	s29 =	sshrl.u32 s17, $0x1;
	_ =	swait.ge [sflag:s4], $0x190  }
0x3a: {  	s20 =	ssub.s32 s17, s29;
	[sflag:s4] =	ssyncset.done $0x0  }
0x3b: {  	s31 =	smax.u32 s20, $0x1;
	[sflag:s4] =	ssyncadd.s32 $0xFFFFFE70  }
0x3c: {  	[tilespmem:s7], [sflag:$0x1] =	stream.indirect.gather [hbm4b:s2+s6], $0x80, s3, s6, $0xb8;
	[tilespmem:$0xCA00] =	vst v63  }
0x3d: {  	p0 =	sne.s32 s31, $0x1;
	_ =	swait.ge [sflag:s8], $0xC800  }
.Ltmp0:
0x3e: {  	s30 =	sshll.u32 s18, $0x4;
	[sflag:s8] =	ssyncset.done $0x0;
	(pc) =	sbr.rel @!p0 .LBB2_2-.Ltmp0, $4  }
0x3f: {  	s17 =	sadd.s32 s19, s30;
	[sflag:s8] =	ssyncadd.s32 $0xFFFF3800  }
0x40: {  	[hbm4b:s17+s3] =	stream.linear.scatter [tilespmem:s7], [sflag:$0x2], $0xC800, $0x38;
	[tilespmem:$0xCA00] =	vst v63  }
0x41: {  	_ =	swait.ge [sflag:s4], $0xC800  }
0x42: {  	s18 =	sadd.s32 $0xFFFFFFFF, s31;
	[sflag:s4] =	ssyncset.done $0x0  }
.LBB2_1:
0x43: {  	p0 =	sne.s32 s18, $0x1;
	s18 =	sadd.s32 $0xFFFFFFFF, s18;
	[sflag:s4] =	ssyncadd.s32 $0xFFFF3800  }
0x44: {  	[tilespmem:s3], [sflag:$0x2] =	stream.linear.gather [hbm4b:s5+s3], $0x190, $0x38;
	[tilespmem:$0xCA00] =	vst v63  }
0x45: {  	_ =	swait.ge [sflag:s4], $0x190  }
0x46: {  	[sflag:s4] =	ssyncset.done $0x0  }
0x47: {  	[sflag:s4] =	ssyncadd.s32 $0xFFFFFE70  }
0x48: {  	[tilespmem:s7], [sflag:$0x1] =	stream.indirect.gather [hbm4b:s2+s6], $0x80, s3, s6, $0xb8;
	[tilespmem:$0xCA00] =	vst v63  }
0x49: {  	_ =	swait.ge [sflag:s8], $0xC800  }
0x4a: {  	[sflag:s8] =	ssyncset.done $0x0  }
0x4b: {  	[sflag:s8] =	ssyncadd.s32 $0xFFFF3800  }
0x4c: {  	[hbm4b:s9+s3] =	stream.linear.scatter [tilespmem:s7], [sflag:$0x2], $0xC800, $0x38;
	[tilespmem:$0xCA00] =	vst v63  }
0x4d: {  	_ =	swait.ge [sflag:s4], $0xC800  }
0x4e: {  	[sflag:s4] =	ssyncset.done $0x0  }
0x4f: {  	[sflag:s4] =	ssyncadd.s32 $0xFFFF3800  }
0x50: {  	[tilespmem:s3], [sflag:$0x2] =	stream.linear.gather [hbm4b:s10+s3], $0x190, $0x38;
	[tilespmem:$0xCA00] =	vst v63  }
0x51: {  	_ =	swait.ge [sflag:s4], $0x190  }
0x52: {  	[sflag:s4] =	ssyncset.done $0x0  }
0x53: {  	[sflag:s4] =	ssyncadd.s32 $0xFFFFFE70  }
0x54: {  	[tilespmem:s7], [sflag:$0x1] =	stream.indirect.gather [hbm4b:s2+s6], $0x80, s3, s6, $0xb8;
	[tilespmem:$0xCA00] =	vst v63  }
0x55: {  	_ =	swait.ge [sflag:s8], $0xC800  }
0x56: {  	[sflag:s8] =	ssyncset.done $0x0  }
0x57: {  	[sflag:s8] =	ssyncadd.s32 $0xFFFF3800  }
0x58: {  	[hbm4b:s11+s3] =	stream.linear.scatter [tilespmem:s7], [sflag:$0x2], $0xC800, $0x38;
	[tilespmem:$0xCA00] =	vst v63  }
0x59: {  	_ =	swait.ge [sflag:s4], $0xC800  }
0x5a: {  	[sflag:s4] =	ssyncset.done $0x0  }
0x5b: {  	[sflag:s4] =	ssyncadd.s32 $0xFFFF3800  }
0x5c: {  	[tilespmem:s3], [sflag:$0x2] =	stream.linear.gather [hbm4b:s12+s3], $0x190, $0x38;
	[tilespmem:$0xCA00] =	vst v63  }
0x5d: {  	_ =	swait.ge [sflag:s4], $0x190  }
0x5e: {  	[sflag:s4] =	ssyncset.done $0x0  }
0x5f: {  	[sflag:s4] =	ssyncadd.s32 $0xFFFFFE70  }
0x60: {  	[tilespmem:s7], [sflag:$0x1] =	stream.indirect.gather [hbm4b:s2+s6], $0x80, s3, s6, $0xb8;
	[tilespmem:$0xCA00] =	vst v63  }
0x61: {  	_ =	swait.ge [sflag:s8], $0xC800  }
0x62: {  	[sflag:s8] =	ssyncset.done $0x0  }
0x63: {  	[sflag:s8] =	ssyncadd.s32 $0xFFFF3800  }
0x64: {  	[hbm4b:s13+s3] =	stream.linear.scatter [tilespmem:s7], [sflag:$0x2], $0xC800, $0x38;
	[tilespmem:$0xCA00] =	vst v63  }
0x65: {  	_ =	swait.ge [sflag:s4], $0xC800  }
0x66: {  	[sflag:s4] =	ssyncset.done $0x0  }
0x67: {  	[sflag:s4] =	ssyncadd.s32 $0xFFFF3800  }
0x68: {  	[tilespmem:s3], [sflag:$0x2] =	stream.linear.gather [hbm4b:s14+s3], $0x190, $0x38;
	[tilespmem:$0xCA00] =	vst v63  }
0x69: {  	_ =	swait.ge [sflag:s4], $0x190  }
0x6a: {  	[sflag:s4] =	ssyncset.done $0x0  }
0x6b: {  	[sflag:s4] =	ssyncadd.s32 $0xFFFFFE70  }
0x6c: {  	[tilespmem:s7], [sflag:$0x1] =	stream.indirect.gather [hbm4b:s2+s6], $0x80, s3, s6, $0xb8;
	[tilespmem:$0xCA00] =	vst v63  }
0x6d: {  	_ =	swait.ge [sflag:s8], $0xC800  }
0x6e: {  	[sflag:s8] =	ssyncset.done $0x0  }
0x6f: {  	[sflag:s8] =	ssyncadd.s32 $0xFFFF3800  }
0x70: {  	[hbm4b:s15+s3] =	stream.linear.scatter [tilespmem:s7], [sflag:$0x2], $0xC800, $0x38;
	[tilespmem:$0xCA00] =	vst v63  }
0x71: {  	_ =	swait.ge [sflag:s4], $0xC800  }
0x72: {  	[sflag:s4] =	ssyncset.done $0x0  }
0x73: {  	[sflag:s4] =	ssyncadd.s32 $0xFFFF3800  }
0x74: {  	[tilespmem:s3], [sflag:$0x2] =	stream.linear.gather [hbm4b:s16+s3], $0x190, $0x38;
	[tilespmem:$0xCA00] =	vst v63  }
0x75: {  	_ =	swait.ge [sflag:s4], $0x190  }
0x76: {  	[sflag:s4] =	ssyncset.done $0x0  }
0x77: {  	[sflag:s4] =	ssyncadd.s32 $0xFFFFFE70  }
0x78: {  	[tilespmem:s7], [sflag:$0x1] =	stream.indirect.gather [hbm4b:s2+s6], $0x80, s3, s6, $0xb8;
	[tilespmem:$0xCA00] =	vst v63  }
0x79: {  	_ =	swait.ge [sflag:s8], $0xC800  }
.Ltmp1:
0x7a: {  	[sflag:s8] =	ssyncset.done $0x0;
	(pc) =	sbr.rel @p0 .LBB2_1-.Ltmp1, $4  }
0x7b: {  	[sflag:s8] =	ssyncadd.s32 $0xFFFF3800  }
0x7c: {  	[hbm4b:s17+s3] =	stream.linear.scatter [tilespmem:s7], [sflag:$0x2], $0xC800, $0x38;
	[tilespmem:$0xCA00] =	vst v63  }
0x7d: {  	_ =	swait.ge [sflag:s4], $0xC800  }
0x7e: {  	[sflag:s4] =	ssyncset.done $0x0  }
.LBB2_2:
0x7f: {  	[sflag:s4] =	ssyncadd.s32 $0xFFFF3800  }
0x80: {  	_ =	sfence.sel $0x180000  }
0x81: {  	[bflag:$0x0] =	sbarrier.arrive $0xFFFF  }
0x82: {  	p0 =	sne.s32 s0, $0x0;
	_ =	strace $0x90000050  }
0x83: {  	s0 =	sadd.s32 @!p0 $0x100000, s1;
	[bflag:$0x2] =	sbarrier.arrive $0xFFFF  }
0x84: {  	[sflag:s0] =	ssyncadd.tile.s32 @!p0 $0x1;
	_ =	shalt  }
.Lfunc_end2:
_tile_overlayer_lowered:
.L_overlay_start_2:
0x85: {  	(tag) =	ssettag $0x2  }
0x86: {  	s0 =	rddreg [dreg:$0x0];
	s2 =	stileid.u32  }
0x87: {  	s1 =	rddreg [dreg:$0x1];
	p0 =	sne.s32 s2, $0x0  }
0x88: {  	s3 =	rddreg [dreg:$0x2];
	[bflag:$0x3] =	sbarrier.arrive $0xFFFF;
	s2 =	simm.s32 @!p0 $0x1C02  }
0x89: {  	[timem:s3], [sflag:s2] =	dma.local @!p0 [hbm:s0], s1  }
0x8a: {  	s0 =	simm.s32 @!p0 $0x2  }
0x8b: {  	_ =	swait.ge @!p0 [sflag:s0], s1  }
0x8c: {  	s1 =	ssub.s32 @!p0 $0x0, s1;
	[sflag:s0] =	ssyncset.done @!p0 $0x0  }
0x8d: {  	[sflag:s0] =	ssyncadd.s32 @!p0 s1  }
0x8e: {  	[bflag:$0x3] =	sbarrier.arrive $0xFFFF  }
0x8f: {  	_ =	shalt  }

// kernel: kernel.35.cloned.1.call-start
scs
__scs_entry_jumppad:
0x0: {  	(pc) =	sbr.rel $0x88, $3  }
0x1: {  	(tag) =	ssettag $0x0;
	lr =	simm.s32 $0x1  }
0x2: {  	[smem:$0x3F8D] =	sst lr;
	_ =	strace $0xD0000000  }
0x3: {  	_ = 	snop  }
0x4: {  	_ = 	snop  }
0x5: {  	_ = 	snop  }
0x6: {  	_ = 	snop  }
0x7: {  	_ = 	snop  }
__scs_overlays_trampoline_lowered:
0x8: {  	[smem:$0x3F9C] =	sst s0  }
0x9: {  	[smem:$0x3F9D] =	sst s1  }
0xa: {  	[smem:$0x3F9E] =	sst s2  }
0xb: {  	[smem:$0x3F9F] =	sst s3  }
0xc: {  	[smem:$0x3FA0] =	sst s4  }
0xd: {  	[smem:$0x3FA1] =	sst s5  }
0xe: {  	[smem:$0x3FA2] =	sst s6  }
0xf: {  	[smem:$0x3FA3] =	sst s7  }
0x10: {  	[smem:$0x3FA4] =	sst s8  }
0x11: {  	[smem:$0x3FA5] =	sst s9;
	s0 =	simm.s32 @!p0 $0x0  }
0x12: {  	s1 =	sld [smem:$0x3F8B];
	s0 =	simm.s32 @p0 $0x1  }
0x13: {  	[smem:$0x3FA6] =	sst s0;
	s0 =	simm.s32 @!p1 $0x0  }
0x14: {  	s2 =	sld [smem:$0x3F8A];
	s0 =	simm.s32 @p1 $0x1  }
0x15: {  	[smem:$0x3FA7] =	sst s0;
	s0 =	simm.s32 @!p2 $0x0  }
0x16: {  	s3 =	sld [smem:$0x3FDB];
	s0 =	simm.s32 @p2 $0x1  }
0x17: {  	s4 =	simm.s32 $0x1BF5;
	[smem:$0x3FA9] =	sst s0  }
0x18: {  	s0 =	sld [smem:$0x3F8C];
	_ =	swait.ge [sflag:s4], $0x0  }
0x19: {  	s7 =	sld [smem:$0x3F8D]  }
0x1a: {  	s8 =	sadd.s32 $0xFFFFE003, lr  }
0x1b: {  	s9 =	sadd.s32 $0xFFFFFEF7, lr;
	s5 =	simm.s32 $0xFFFFFFFF;
	p2 =	slt.u32 s8, $0xFFFFF086  }
0x1c: {  	p1 =	slt.u32 s9, $0xF7A;
	s5 =	simm.s32 @!p2 $0x0  }
0x1d: {  	s5 =	simm.s32 @p1 $0x1;
	p0 =	seq.s32 s7, s2  }
0x1e: {  	s7 =	smul.u32 @!p0 $0xF7A, s2;
	p2 =	seq.s32 @!p0 s5, $0x0  }
0x1f: {  	s9 =	smul.u32 $0xF7A, s1;
	s8 =	simm.s32 @!p0 $0x1BF5;
	p2 =	por !p2, p0  }
0x20: {  	[sflag:s8] =	ssyncset.s32 @!p0 $0xFFFFF086;
	s6 =	sadd.s32 @!p0 s3, s7;
	s7 =	simm.s32 @!p0 $0x108  }
0x21: {  	s3 =	sadd.s32 s3, s9;
	s6 =	sadd.s32 @!p0 $0x88, s6;
	s7 =	simm.s32 @p2 $0x1082  }
0x22: {  	[simem:s7], [sflag:s8] =	dma.local @!p0 [hbm:s6], $0xF7A  }
0x23: {  	s9 =	sor.u32 $0xD0000000, s2;
	s6 =	simm.s32 $0x108;
	_ =	swait.ge @!p0 [sflag:s8], $0x0  }
0x24: {  	s3 =	sadd.s32 $0x88, s3;
	s6 =	simm.s32 @!p1 $0x1082;
	[sflag:s4] =	ssyncset.s32 $0xFFFFF086  }
0x25: {  	[simem:s6], [sflag:s4] =	dma.local [hbm:s3], $0xF7A  }
0x26: {  	[smem:$0x3F8D] =	sst s1;
	(tag) =	ssettag s2;
	_ =	strace s9  }
0x27: {  	s1 =	sld [smem:$0x3F9D]  }
0x28: {  	s2 =	sld [smem:$0x3F9E]  }
0x29: {  	s4 =	sld [smem:$0x3FA0]  }
0x2a: {  	p0 =	seq.s32 s5, $0x0;
	s5 =	sld [smem:$0x3FA1]  }
0x2b: {  	s6 =	sld [smem:$0x3FA2]  }
0x2c: {  	s7 =	sld [smem:$0x3FA3]  }
0x2d: {  	s3 =	simm.s32 $0x108;
	s8 =	sld [smem:$0x3FA4]  }
0x2e: {  	s3 =	simm.s32 @!p0 $0x1082;
	s9 =	sld [smem:$0x3FA5]  }
0x2f: {  	lr =	sadd.s32 s0, s3;
	s0 =	sld [smem:$0x3F9C]  }
0x30: {  	s3 =	sld [smem:$0x3F9F]  }
0x31: {  	[smem:$0x3FA8] =	sst s10  }
0x32: {  	s10 =	sld [smem:$0x3FA6];
	_ =	sdelay $0x3  }
0x33: {  	p0 =	seq.s32 s10, $0x1;
	s10 =	sld [smem:$0x3FA8];
	_ =	sdelay $0x3  }
0x34: {  	[smem:$0x3FA8] =	sst s10  }
0x35: {  	s10 =	sld [smem:$0x3FA7];
	_ =	sdelay $0x3  }
0x36: {  	p1 =	seq.s32 s10, $0x1;
	s10 =	sld [smem:$0x3FA8];
	_ =	sdelay $0x3  }
0x37: {  	[smem:$0x3FA8] =	sst s10  }
0x38: {  	s10 =	sld [smem:$0x3FA9]  }
0x39: {  	_ = 	snop;
	(pc) =	sbr.ind lr, $3  }
0x3a: {  	_ = 	snop  }
0x3b: {  	_ = 	snop  }
0x3c: {  	p2 =	seq.s32 s10, $0x1;
	s10 =	sld [smem:$0x3FA8]  }
0x3d: {  	_ =	shalt  }
0x3e: {  	_ =	shalt  }
0x3f: {  	_ =	shalt  }
0x40: {  	_ =	shalt  }
0x41: {  	_ =	shalt  }
0x42: {  	_ =	shalt  }
0x43: {  	_ =	shalt  }
0x44: {  	_ =	shalt  }
0x45: {  	_ =	shalt  }
0x46: {  	_ =	shalt  }
0x47: {  	_ =	shalt  }
0x48: {  	_ =	shalt  }
0x49: {  	_ =	shalt  }
0x4a: {  	_ =	shalt  }
0x4b: {  	_ =	shalt  }
0x4c: {  	_ =	shalt  }
0x4d: {  	_ =	shalt  }
0x4e: {  	_ =	shalt  }
0x4f: {  	_ =	shalt  }
0x50: {  	_ =	shalt  }
0x51: {  	_ =	shalt  }
0x52: {  	_ =	shalt  }
0x53: {  	_ =	shalt  }
0x54: {  	_ =	shalt  }
0x55: {  	_ =	shalt  }
0x56: {  	_ =	shalt  }
0x57: {  	_ =	shalt  }
0x58: {  	_ =	shalt  }
0x59: {  	_ =	shalt  }
0x5a: {  	_ =	shalt  }
0x5b: {  	_ =	shalt  }
0x5c: {  	_ =	shalt  }
0x5d: {  	_ =	shalt  }
0x5e: {  	_ =	shalt  }
0x5f: {  	_ =	shalt  }
0x60: {  	_ =	shalt  }
0x61: {  	_ =	shalt  }
0x62: {  	_ =	shalt  }
0x63: {  	_ =	shalt  }
0x64: {  	_ =	shalt  }
0x65: {  	_ =	shalt  }
0x66: {  	_ =	shalt  }
0x67: {  	_ =	shalt  }
0x68: {  	_ =	shalt  }
0x69: {  	_ =	shalt  }
0x6a: {  	_ =	shalt  }
0x6b: {  	_ =	shalt  }
0x6c: {  	_ =	shalt  }
0x6d: {  	_ =	shalt  }
0x6e: {  	_ =	shalt  }
0x6f: {  	_ =	shalt  }
0x70: {  	_ =	shalt  }
0x71: {  	_ =	shalt  }
0x72: {  	_ =	shalt  }
0x73: {  	_ =	shalt  }
0x74: {  	_ =	shalt  }
0x75: {  	_ =	shalt  }
0x76: {  	_ =	shalt  }
0x77: {  	_ =	shalt  }
0x78: {  	_ =	shalt  }
0x79: {  	_ =	shalt  }
0x7a: {  	_ =	shalt  }
0x7b: {  	_ =	shalt  }
0x7c: {  	_ =	shalt  }
0x7d: {  	_ =	shalt  }
0x7e: {  	_ =	shalt  }
0x7f: {  	_ =	shalt  }
0x80: {  	_ =	shalt  }
0x81: {  	_ =	shalt  }
0x82: {  	_ =	shalt  }
0x83: {  	_ =	shalt  }
0x84: {  	_ =	shalt  }
0x85: {  	_ =	shalt  }
0x86: {  	_ =	shalt  }
0x87: {  	_ =	shalt  }
.Lfunc_end0:
.L_simem_size_0:
called_computation.4_lowered:
.L_overlay_start_0:
0x88: {  	s2 =	sld [smem:$0x3FD9]  }
0x89: {  	s3 =	sld [smem:$0x3FFE];
	_ =	sdelay $0x1  }
0x8a: {  	s1 =	srdreg.scid  }
0x8b: {  	s0 =	sand.u32 $0x1, s1  }
0x8c: {  	s17 =	sshll.u32 s0, $0xA;
	s2 =	sadd.s32 s3, s2  }
0x8d: {  	s2 =	sadd.s32 s2, s17  }
0x8e: {  	[smem:$0x3FB4] =	sst s2  }
0x8f: {  	_ = 	snop  }
0x90: {  	s18 =	sld [smem:$0x3FC9];
	(tm) =	ssettm $0x1  }
0x91: {  	s19 =	sld [smem:$0x3FFB];
	_ =	sdelay $0x3  }
0x92: {  	_ =	strace s19  }
0x93: {  	s2 =	sld [smem:$0x3FFC];
	_ =	sdelay $0x3  }
0x94: {  	_ =	strace s2  }
0x95: {  	s2 =	sld [smem:$0x3FFD];
	_ =	sdelay $0x3  }
0x96: {  	_ =	strace s2  }
0x97: {  	_ =	strace $0x8FFFFFFF  }
0x98: {  	s20 =	sld [smem:$0x3FDB];
	_ =	sdelay $0x1  }
0x99: {  	s4 =	simm.s32 $_scs_section_size  }
0x9a: {  	s5 =	simm.s32 $_size__tile_overlayer_lowered;
	s6 =	simm.s32 $_tile_overlayer_lowered  }
0x9b: {  	s7 =	simm.s32 $0x1BFF;
	s21 =	sshll.u32 s6, $0x1;
	s4 =	sadd.s32 s4, s20  }
0x9c: {  	s22 =	simm.s32 $0x0;
	s5 =	sshll.u32 s5, $0x1;
	s6 =	sadd.s32 s21, s4  }
0x9d: {  	[timem:s22], [sflag:s7] =	dma.local [hbm:s6], s5  }
0x9e: {  	_ =	swait.ge [sflag:s7], s5  }
0x9f: {  	s5 =	ssub.s32 $0x0, s5;
	[sflag:s7] =	ssyncset.done $0x0  }
0xa0: {  	[sflag:s7] =	ssyncadd.s32 s5;
	_ =	sdelay $0x1  }
0xa1: {  	s23 =	simm.s32 $0x1B8B  }
0xa2: {  	_ =	swait.ge [sflag:s23], $0x1  }
0xa3: {  	[sflag:s23] =	ssyncset.done $0x0  }
0xa4: {  	[sflag:s23] =	ssyncadd.s32 $0xFFFFFFFF  }
0xa5: {  	s5 =	sld [smem:$0x0]  }
0xa6: {  	s6 =	sand.u32 $0xFFFFFFFE, s1  }
0xa7: {  	p0 =	sne.s32 s1, s6  }
0xa8: {  	s6 =	sshll.u32 @p0 s6, $0xE  }
0xa9: {  	s6 =	sadd.s32 @p0 $0x11B8D, s6;
	s7 =	sshll.u32 @p0 s5, $0x11  }
0xaa: {  	s6 =	sor.u32 @p0 s7, s6  }
0xab: {  	[sflag:s6] =	ssyncadd.remote.s32 @p0 $0x1;
	_ =	sdelay $0x1  }
0xac: {  	s6 =	simm.s32 @p0 $0x1B8D  }
0xad: {  	_ =	swait.eq @p0 [sflag:s6], $0x1  }
0xae: {  	[sflag:s6] =	ssyncadd.s32 @p0 $0xFFFFFFFF  }
0xaf: {  	s7 =	sshll.u32 @!p0 s1, $0xE  }
0xb0: {  	s7 =	sor.u32 @!p0 $0x4000, s7;
	s6 =	simm.s32 @!p0 $0x1B8D  }
0xb1: {  	s5 =	sshll.u32 @!p0 s5, $0x11;
	s7 =	sadd.s32 @!p0 $0x11B8D, s7;
	_ =	swait.eq @!p0 [sflag:s6], $0x1  }
0xb2: {  	s5 =	sor.u32 @!p0 s5, s7;
	[sflag:s6] =	ssyncadd.s32 @!p0 $0xFFFFFFFF  }
0xb3: {  	s25 =	simm.s32 $0x1B8E;
	s24 =	sld [smem:$0x3FFE];
	[sflag:s5] =	ssyncadd.remote.s32 @!p0 $0x1  }
0xb4: {  	s26 =	simm.s32 $execute0_lowered;
	[smem:$0x3FD2] =	sst s25  }
0xb5: {  	s6 =	sshll.u32 s26, $0x1;
	_ =	strace $0x80000052;
	[dreg:$0x1] =	wrdreg $0xFFFFFFFF  }
0xb6: {  	s28 =	simm.s32 $_size_execute0_lowered;
	s4 =	sadd.s32 s4, s6;
	[dreg:$0x0] =	wrdreg $0x0  }
0xb7: {  	s6 =	sshll.u32 s28, $0x1;
	[dreg:$0x2] =	wrdreg s4  }
0xb8: {  	[dreg:$0x3] =	wrdreg s6  }
0xb9: {  	[dreg:$0x4] =	wrdreg $0xC0  }
0xba: {  	_ =	task [dreg:s22], $0x5FFFF  }
0xbb: {  	[dreg:$0x1] =	wrdreg $0xFFFFFFFF  }
0xbc: {  	[dreg:$0x0] =	wrdreg $0x60  }
0xbd: {  	[dreg:$0x2] =	wrdreg s18  }
0xbe: {  	[dreg:$0x3] =	wrdreg s24  }
0xbf: {  	[dreg:$0x4] =	wrdreg $0xD  }
0xc0: {  	_ =	task.clear_ibuf [dreg:s22], $0x5FFFF;
	_ =	strace $0x90000052  }
0xc1: {  	s29 =	simm.s32 $0xD;
	_ =	strace $0x80000054  }
0xc2: {  	_ =	swait.ge [sflag:s29], $0x1  }
0xc3: {  	[sflag:s29] =	ssyncadd.s32 $0xFFFFFFFF  }
0xc4: {  	_ =	strace $0x90000054  }
0xc5: {  	_ =	sfence  }
0xc6: {  	s30 =	sld [smem:$0x0];
	_ =	sdelay $0x2  }
0xc7: {  	s31 =	sshll.u32 s1, $0xD;
	s1 =	sshrl.u32 s1, $0x2  }
0xc8: {  	s4 =	sand.u32 $0x4000, s31;
	s1 =	sadd.s32 s1, s30  }
0xc9: {  	s0 =	sor.u32 s4, s0;
	s1 =	sshll.u32 s1, $0x11  }
0xca: {  	s0 =	sor.u32 s1, s0  }
0xcb: {  	s0 =	sadd.s32 $0x8F2B, s0  }
0xcc: {  	[sflag:s0] =	ssyncadd.remote.s32 $0x1  }
0xcd: {  	_ =	sfence.sel $0xFFFF  }
0xce: {  	[dreg:$0x0] =	wrdreg $0xFFFFFFFF;
	(pc) =	sbr.abs _section_cstart, $3  }
0xcf: {  	[dreg:$0x1] =	wrdreg $0xFFFFFFFF  }
0xd0: {  	_ =	task.clear_ibuf [dreg:s22], $0x2FFFF;
	_ =	strace $0x9FFFFFFF  }
0xd1: {  	(tm) =	ssettm $0x7FFFFFFF  }
tec
execute0_lowered:
.L_overlay_start_1:
0x0: {  	(tag) =	ssettag $0x1  }
0x1: {  	s1 =	srdreg.scid;
	s0 =	stileid.u32  }
0x2: {  	s17 =	sand.u32 $0x1, s1;
	s26 =	sshll.u32 s0, $0x1  }
0x3: {  	s2 =	rddreg [dreg:$0x0];
	s9 =	sor.u32 s17, s26  }
0x4: {  	s10 =	rddreg [dreg:$0x1];
	s18 =	smul.u32 $0x7D0, s9  }
0x5: {  	s3 =	simm.s32 $0x0;
	s1 =	rddreg [dreg:$0x2]  }
0x6: {  	[smem:$0x7FF] =	sst s3;
	s16 =	sadd.s32 $0x7A00, s10;
	s4 =	sshrl.u32 s18, $0x3  }
0x7: {  	_ =	strace $0x80000053;
	s5 =	sadd.s32 s16, s4;
	s4 =	simm.s32 $0x2  }
0x8: {  	[tilespmem:s3], [sflag:$0x2] =	stream.linear.gather [hbm4b:s5+s3], $0x190, $0x38;
	[tilespmem:$0xCA00] =	vst v63  }
0x9: {  	_ =	swait.ge [sflag:s4], $0x190  }
0xa: {  	s6 =	simm.s32 $0x190;
	[sflag:s4] =	ssyncset.done $0x0  }
0xb: {  	s7 =	simm.s32 $0x200;
	s8 =	simm.s32 $0x1;
	[sflag:s4] =	ssyncadd.s32 $0xFFFFFE70  }
0xc: {  	[tilespmem:s7], [sflag:$0x1] =	stream.indirect.gather [hbm4b:s2+s6], $0x80, s3, s6, $0xb8;
	[tilespmem:$0xCA00] =	vst v63  }
0xd: {  	s9 =	smul.u32 $0x7D00, s9;
	_ =	swait.ge [sflag:s8], $0xC800  }
0xe: {  	s19 =	sadd.s32 $0x3F9A00, s10;
	[sflag:s8] =	ssyncset.done $0x0  }
0xf: {  	s9 =	sadd.s32 s19, s9;
	[sflag:s8] =	ssyncadd.s32 $0xFFFF3800  }
0x10: {  	[hbm4b:s9+s3] =	stream.linear.scatter [tilespmem:s7], [sflag:$0x2], $0xC800, $0x38;
	[tilespmem:$0xCA00] =	vst v63  }
0x11: {  	s11 =	sadd.s32 $0x190, s18;
	_ =	swait.ge [sflag:s4], $0xC800  }
0x12: {  	s28 =	sshrl.u32 s11, $0x3;
	[sflag:s4] =	ssyncset.done $0x0  }
0x13: {  	s10 =	sadd.s32 s16, s28;
	[sflag:s4] =	ssyncadd.s32 $0xFFFF3800  }
0x14: {  	[tilespmem:s3], [sflag:$0x2] =	stream.linear.gather [hbm4b:s10+s3], $0x190, $0x38;
	[tilespmem:$0xCA00] =	vst v63  }
0x15: {  	_ =	swait.ge [sflag:s4], $0x190  }
0x16: {  	[sflag:s4] =	ssyncset.done $0x0  }
0x17: {  	[sflag:s4] =	ssyncadd.s32 $0xFFFFFE70  }
0x18: {  	[tilespmem:s7], [sflag:$0x1] =	stream.indirect.gather [hbm4b:s2+s6], $0x80, s3, s6, $0xb8;
	[tilespmem:$0xCA00] =	vst v63  }
0x19: {  	_ =	swait.ge [sflag:s8], $0xC800  }
0x1a: {  	s11 =	sshll.u32 s11, $0x4;
	[sflag:s8] =	ssyncset.done $0x0  }
0x1b: {  	s11 =	sadd.s32 s19, s11;
	[sflag:s8] =	ssyncadd.s32 $0xFFFF3800  }
0x1c: {  	[hbm4b:s11+s3] =	stream.linear.scatter [tilespmem:s7], [sflag:$0x2], $0xC800, $0x38;
	[tilespmem:$0xCA00] =	vst v63  }
0x1d: {  	s13 =	sadd.s32 $0x320, s18;
	_ =	swait.ge [sflag:s4], $0xC800  }
0x1e: {  	s12 =	sshrl.u32 s13, $0x3;
	[sflag:s4] =	ssyncset.done $0x0  }
0x1f: {  	s12 =	sadd.s32 s16, s12;
	[sflag:s4] =	ssyncadd.s32 $0xFFFF3800  }
0x20: {  	[tilespmem:s3], [sflag:$0x2] =	stream.linear.gather [hbm4b:s12+s3], $0x190, $0x38;
	[tilespmem:$0xCA00] =	vst v63  }
0x21: {  	_ =	swait.ge [sflag:s4], $0x190  }
0x22: {  	[sflag:s4] =	ssyncset.done $0x0  }
0x23: {  	[sflag:s4] =	ssyncadd.s32 $0xFFFFFE70  }
0x24: {  	[tilespmem:s7], [sflag:$0x1] =	stream.indirect.gather [hbm4b:s2+s6], $0x80, s3, s6, $0xb8;
	[tilespmem:$0xCA00] =	vst v63  }
0x25: {  	_ =	swait.ge [sflag:s8], $0xC800  }
0x26: {  	s13 =	sshll.u32 s13, $0x4;
	[sflag:s8] =	ssyncset.done $0x0  }
0x27: {  	s13 =	sadd.s32 s19, s13;
	[sflag:s8] =	ssyncadd.s32 $0xFFFF3800  }
0x28: {  	[hbm4b:s13+s3] =	stream.linear.scatter [tilespmem:s7], [sflag:$0x2], $0xC800, $0x38;
	[tilespmem:$0xCA00] =	vst v63  }
0x29: {  	s15 =	sadd.s32 $0x4B0, s18;
	_ =	swait.ge [sflag:s4], $0xC800  }
0x2a: {  	s14 =	sshrl.u32 s15, $0x3;
	[sflag:s4] =	ssyncset.done $0x0  }
0x2b: {  	s14 =	sadd.s32 s16, s14;
	[sflag:s4] =	ssyncadd.s32 $0xFFFF3800  }
0x2c: {  	[tilespmem:s3], [sflag:$0x2] =	stream.linear.gather [hbm4b:s14+s3], $0x190, $0x38;
	[tilespmem:$0xCA00] =	vst v63  }
0x2d: {  	_ =	swait.ge [sflag:s4], $0x190  }
0x2e: {  	[sflag:s4] =	ssyncset.done $0x0  }
0x2f: {  	[sflag:s4] =	ssyncadd.s32 $0xFFFFFE70  }
0x30: {  	[tilespmem:s7], [sflag:$0x1] =	stream.indirect.gather [hbm4b:s2+s6], $0x80, s3, s6, $0xb8;
	[tilespmem:$0xCA00] =	vst v63  }
0x31: {  	_ =	swait.ge [sflag:s8], $0xC800  }
0x32: {  	s15 =	sshll.u32 s15, $0x4;
	[sflag:s8] =	ssyncset.done $0x0  }
0x33: {  	s15 =	sadd.s32 s19, s15;
	[sflag:s8] =	ssyncadd.s32 $0xFFFF3800  }
0x34: {  	[hbm4b:s15+s3] =	stream.linear.scatter [tilespmem:s7], [sflag:$0x2], $0xC800, $0x38;
	[tilespmem:$0xCA00] =	vst v63  }
0x35: {  	s18 =	sadd.s32 $0x640, s18;
	_ =	swait.ge [sflag:s4], $0xC800  }
0x36: {  	s20 =	sshrl.u32 s18, $0x3;
	[sflag:s4] =	ssyncset.done $0x0  }
0x37: {  	s17 =	ssub.s32 $0x2, s17;
	s16 =	sadd.s32 s16, s20;
	[sflag:s4] =	ssyncadd.s32 $0xFFFF3800  }
0x38: {  	[tilespmem:s3], [sflag:$0x2] =	stream.linear.gather [hbm4b:s16+s3], $0x190, $0x38;
	[tilespmem:$0xCA00] =	vst v63  }
0x39: {  	s29 =	sshrl.u32 s17, $0x1;
	_ =	swait.ge [sflag:s4], $0x190  }
0x3a: {  	s20 =	ssub.s32 s17, s29;
	[sflag:s4] =	ssyncset.done $0x0  }
0x3b: {  	s31 =	smax.u32 s20, $0x1;
	[sflag:s4] =	ssyncadd.s32 $0xFFFFFE70  }
0x3c: {  	[tilespmem:s7], [sflag:$0x1] =	stream.indirect.gather [hbm4b:s2+s6], $0x80, s3, s6, $0xb8;
	[tilespmem:$0xCA00] =	vst v63  }
0x3d: {  	p0 =	sne.s32 s31, $0x1;
	_ =	swait.ge [sflag:s8], $0xC800  }
.Ltmp0:
0x3e: {  	s30 =	sshll.u32 s18, $0x4;
	[sflag:s8] =	ssyncset.done $0x0;
	(pc) =	sbr.rel @!p0 .LBB2_2-.Ltmp0, $4  }
0x3f: {  	s17 =	sadd.s32 s19, s30;
	[sflag:s8] =	ssyncadd.s32 $0xFFFF3800  }
0x40: {  	[hbm4b:s17+s3] =	stream.linear.scatter [tilespmem:s7], [sflag:$0x2], $0xC800, $0x38;
	[tilespmem:$0xCA00] =	vst v63  }
0x41: {  	_ =	swait.ge [sflag:s4], $0xC800  }
0x42: {  	s18 =	sadd.s32 $0xFFFFFFFF, s31;
	[sflag:s4] =	ssyncset.done $0x0  }
.LBB2_1:
0x43: {  	p0 =	sne.s32 s18, $0x1;
	s18 =	sadd.s32 $0xFFFFFFFF, s18;
	[sflag:s4] =	ssyncadd.s32 $0xFFFF3800  }
0x44: {  	[tilespmem:s3], [sflag:$0x2] =	stream.linear.gather [hbm4b:s5+s3], $0x190, $0x38;
	[tilespmem:$0xCA00] =	vst v63  }
0x45: {  	_ =	swait.ge [sflag:s4], $0x190  }
0x46: {  	[sflag:s4] =	ssyncset.done $0x0  }
0x47: {  	[sflag:s4] =	ssyncadd.s32 $0xFFFFFE70  }
0x48: {  	[tilespmem:s7], [sflag:$0x1] =	stream.indirect.gather [hbm4b:s2+s6], $0x80, s3, s6, $0xb8;
	[tilespmem:$0xCA00] =	vst v63  }
0x49: {  	_ =	swait.ge [sflag:s8], $0xC800  }
0x4a: {  	[sflag:s8] =	ssyncset.done $0x0  }
0x4b: {  	[sflag:s8] =	ssyncadd.s32 $0xFFFF3800  }
0x4c: {  	[hbm4b:s9+s3] =	stream.linear.scatter [tilespmem:s7], [sflag:$0x2], $0xC800, $0x38;
	[tilespmem:$0xCA00] =	vst v63  }
0x4d: {  	_ =	swait.ge [sflag:s4], $0xC800  }
0x4e: {  	[sflag:s4] =	ssyncset.done $0x0  }
0x4f: {  	[sflag:s4] =	ssyncadd.s32 $0xFFFF3800  }
0x50: {  	[tilespmem:s3], [sflag:$0x2] =	stream.linear.gather [hbm4b:s10+s3], $0x190, $0x38;
	[tilespmem:$0xCA00] =	vst v63  }
0x51: {  	_ =	swait.ge [sflag:s4], $0x190  }
0x52: {  	[sflag:s4] =	ssyncset.done $0x0  }
0x53: {  	[sflag:s4] =	ssyncadd.s32 $0xFFFFFE70  }
0x54: {  	[tilespmem:s7], [sflag:$0x1] =	stream.indirect.gather [hbm4b:s2+s6], $0x80, s3, s6, $0xb8;
	[tilespmem:$0xCA00] =	vst v63  }
0x55: {  	_ =	swait.ge [sflag:s8], $0xC800  }
0x56: {  	[sflag:s8] =	ssyncset.done $0x0  }
0x57: {  	[sflag:s8] =	ssyncadd.s32 $0xFFFF3800  }
0x58: {  	[hbm4b:s11+s3] =	stream.linear.scatter [tilespmem:s7], [sflag:$0x2], $0xC800, $0x38;
	[tilespmem:$0xCA00] =	vst v63  }
0x59: {  	_ =	swait.ge [sflag:s4], $0xC800  }
0x5a: {  	[sflag:s4] =	ssyncset.done $0x0  }
0x5b: {  	[sflag:s4] =	ssyncadd.s32 $0xFFFF3800  }
0x5c: {  	[tilespmem:s3], [sflag:$0x2] =	stream.linear.gather [hbm4b:s12+s3], $0x190, $0x38;
	[tilespmem:$0xCA00] =	vst v63  }
0x5d: {  	_ =	swait.ge [sflag:s4], $0x190  }
0x5e: {  	[sflag:s4] =	ssyncset.done $0x0  }
0x5f: {  	[sflag:s4] =	ssyncadd.s32 $0xFFFFFE70  }
0x60: {  	[tilespmem:s7], [sflag:$0x1] =	stream.indirect.gather [hbm4b:s2+s6], $0x80, s3, s6, $0xb8;
	[tilespmem:$0xCA00] =	vst v63  }
0x61: {  	_ =	swait.ge [sflag:s8], $0xC800  }
0x62: {  	[sflag:s8] =	ssyncset.done $0x0  }
0x63: {  	[sflag:s8] =	ssyncadd.s32 $0xFFFF3800  }
0x64: {  	[hbm4b:s13+s3] =	stream.linear.scatter [tilespmem:s7], [sflag:$0x2], $0xC800, $0x38;
	[tilespmem:$0xCA00] =	vst v63  }
0x65: {  	_ =	swait.ge [sflag:s4], $0xC800  }
0x66: {  	[sflag:s4] =	ssyncset.done $0x0  }
0x67: {  	[sflag:s4] =	ssyncadd.s32 $0xFFFF3800  }
0x68: {  	[tilespmem:s3], [sflag:$0x2] =	stream.linear.gather [hbm4b:s14+s3], $0x190, $0x38;
	[tilespmem:$0xCA00] =	vst v63  }
0x69: {  	_ =	swait.ge [sflag:s4], $0x190  }
0x6a: {  	[sflag:s4] =	ssyncset.done $0x0  }
0x6b: {  	[sflag:s4] =	ssyncadd.s32 $0xFFFFFE70  }
0x6c: {  	[tilespmem:s7], [sflag:$0x1] =	stream.indirect.gather [hbm4b:s2+s6], $0x80, s3, s6, $0xb8;
	[tilespmem:$0xCA00] =	vst v63  }
0x6d: {  	_ =	swait.ge [sflag:s8], $0xC800  }
0x6e: {  	[sflag:s8] =	ssyncset.done $0x0  }
0x6f: {  	[sflag:s8] =	ssyncadd.s32 $0xFFFF3800  }
0x70: {  	[hbm4b:s15+s3] =	stream.linear.scatter [tilespmem:s7], [sflag:$0x2], $0xC800, $0x38;
	[tilespmem:$0xCA00] =	vst v63  }
0x71: {  	_ =	swait.ge [sflag:s4], $0xC800  }
0x72: {  	[sflag:s4] =	ssyncset.done $0x0  }
0x73: {  	[sflag:s4] =	ssyncadd.s32 $0xFFFF3800  }
0x74: {  	[tilespmem:s3], [sflag:$0x2] =	stream.linear.gather [hbm4b:s16+s3], $0x190, $0x38;
	[tilespmem:$0xCA00] =	vst v63  }
0x75: {  	_ =	swait.ge [sflag:s4], $0x190  }
0x76: {  	[sflag:s4] =	ssyncset.done $0x0  }
0x77: {  	[sflag:s4] =	ssyncadd.s32 $0xFFFFFE70  }
0x78: {  	[tilespmem:s7], [sflag:$0x1] =	stream.indirect.gather [hbm4b:s2+s6], $0x80, s3, s6, $0xb8;
	[tilespmem:$0xCA00] =	vst v63  }
0x79: {  	_ =	swait.ge [sflag:s8], $0xC800  }
.Ltmp1:
0x7a: {  	[sflag:s8] =	ssyncset.done $0x0;
	(pc) =	sbr.rel @p0 .LBB2_1-.Ltmp1, $4  }
0x7b: {  	[sflag:s8] =	ssyncadd.s32 $0xFFFF3800  }
0x7c: {  	[hbm4b:s17+s3] =	stream.linear.scatter [tilespmem:s7], [sflag:$0x2], $0xC800, $0x38;
	[tilespmem:$0xCA00] =	vst v63  }
0x7d: {  	_ =	swait.ge [sflag:s4], $0xC800  }
0x7e: {  	[sflag:s4] =	ssyncset.done $0x0  }
.LBB2_2:
0x7f: {  	[sflag:s4] =	ssyncadd.s32 $0xFFFF3800  }
0x80: {  	_ =	sfence.sel $0x180000  }
0x81: {  	[bflag:$0x0] =	sbarrier.arrive $0xFFFF  }
0x82: {  	p0 =	sne.s32 s0, $0x0;
	_ =	strace $0x90000053  }
0x83: {  	s0 =	sadd.s32 @!p0 $0x100000, s1;
	[bflag:$0x2] =	sbarrier.arrive $0xFFFF  }
0x84: {  	[sflag:s0] =	ssyncadd.tile.s32 @!p0 $0x1;
	_ =	shalt  }
.Lfunc_end2:
_tile_overlayer_lowered:
.L_overlay_start_2:
0x85: {  	(tag) =	ssettag $0x2  }
0x86: {  	s0 =	rddreg [dreg:$0x0];
	s2 =	stileid.u32  }
0x87: {  	s1 =	rddreg [dreg:$0x1];
	p0 =	sne.s32 s2, $0x0  }
0x88: {  	s3 =	rddreg [dreg:$0x2];
	[bflag:$0x3] =	sbarrier.arrive $0xFFFF;
	s2 =	simm.s32 @!p0 $0x1C02  }
0x89: {  	[timem:s3], [sflag:s2] =	dma.local @!p0 [hbm:s0], s1  }
0x8a: {  	s0 =	simm.s32 @!p0 $0x2  }
0x8b: {  	_ =	swait.ge @!p0 [sflag:s0], s1  }
0x8c: {  	s1 =	ssub.s32 @!p0 $0x0, s1;
	[sflag:s0] =	ssyncset.done @!p0 $0x0  }
0x8d: {  	[sflag:s0] =	ssyncadd.s32 @!p0 s1  }
0x8e: {  	[bflag:$0x3] =	sbarrier.arrive $0xFFFF  }
0x8f: {  	_ =	shalt  }

// kernel: kernel.38.cloned.1.call-start
scs
__scs_entry_jumppad:
0x0: {  	(pc) =	sbr.rel $0x88, $3  }
0x1: {  	(tag) =	ssettag $0x0;
	lr =	simm.s32 $0x1  }
0x2: {  	[smem:$0x3F8D] =	sst lr;
	_ =	strace $0xD0000000  }
0x3: {  	_ = 	snop  }
0x4: {  	_ = 	snop  }
0x5: {  	_ = 	snop  }
0x6: {  	_ = 	snop  }
0x7: {  	_ = 	snop  }
__scs_overlays_trampoline_lowered:
0x8: {  	[smem:$0x3F9C] =	sst s0  }
0x9: {  	[smem:$0x3F9D] =	sst s1  }
0xa: {  	[smem:$0x3F9E] =	sst s2  }
0xb: {  	[smem:$0x3F9F] =	sst s3  }
0xc: {  	[smem:$0x3FA0] =	sst s4  }
0xd: {  	[smem:$0x3FA1] =	sst s5  }
0xe: {  	[smem:$0x3FA2] =	sst s6  }
0xf: {  	[smem:$0x3FA3] =	sst s7  }
0x10: {  	[smem:$0x3FA4] =	sst s8  }
0x11: {  	[smem:$0x3FA5] =	sst s9;
	s0 =	simm.s32 @!p0 $0x0  }
0x12: {  	s1 =	sld [smem:$0x3F8B];
	s0 =	simm.s32 @p0 $0x1  }
0x13: {  	[smem:$0x3FA6] =	sst s0;
	s0 =	simm.s32 @!p1 $0x0  }
0x14: {  	s2 =	sld [smem:$0x3F8A];
	s0 =	simm.s32 @p1 $0x1  }
0x15: {  	[smem:$0x3FA7] =	sst s0;
	s0 =	simm.s32 @!p2 $0x0  }
0x16: {  	s3 =	sld [smem:$0x3FDB];
	s0 =	simm.s32 @p2 $0x1  }
0x17: {  	s4 =	simm.s32 $0x1BF5;
	[smem:$0x3FA9] =	sst s0  }
0x18: {  	s0 =	sld [smem:$0x3F8C];
	_ =	swait.ge [sflag:s4], $0x0  }
0x19: {  	s7 =	sld [smem:$0x3F8D]  }
0x1a: {  	s8 =	sadd.s32 $0xFFFFE003, lr  }
0x1b: {  	s9 =	sadd.s32 $0xFFFFFEF7, lr;
	s5 =	simm.s32 $0xFFFFFFFF;
	p2 =	slt.u32 s8, $0xFFFFF086  }
0x1c: {  	p1 =	slt.u32 s9, $0xF7A;
	s5 =	simm.s32 @!p2 $0x0  }
0x1d: {  	s5 =	simm.s32 @p1 $0x1;
	p0 =	seq.s32 s7, s2  }
0x1e: {  	s7 =	smul.u32 @!p0 $0xF7A, s2;
	p2 =	seq.s32 @!p0 s5, $0x0  }
0x1f: {  	s9 =	smul.u32 $0xF7A, s1;
	s8 =	simm.s32 @!p0 $0x1BF5;
	p2 =	por !p2, p0  }
0x20: {  	[sflag:s8] =	ssyncset.s32 @!p0 $0xFFFFF086;
	s6 =	sadd.s32 @!p0 s3, s7;
	s7 =	simm.s32 @!p0 $0x108  }
0x21: {  	s3 =	sadd.s32 s3, s9;
	s6 =	sadd.s32 @!p0 $0x88, s6;
	s7 =	simm.s32 @p2 $0x1082  }
0x22: {  	[simem:s7], [sflag:s8] =	dma.local @!p0 [hbm:s6], $0xF7A  }
0x23: {  	s9 =	sor.u32 $0xD0000000, s2;
	s6 =	simm.s32 $0x108;
	_ =	swait.ge @!p0 [sflag:s8], $0x0  }
0x24: {  	s3 =	sadd.s32 $0x88, s3;
	s6 =	simm.s32 @!p1 $0x1082;
	[sflag:s4] =	ssyncset.s32 $0xFFFFF086  }
0x25: {  	[simem:s6], [sflag:s4] =	dma.local [hbm:s3], $0xF7A  }
0x26: {  	[smem:$0x3F8D] =	sst s1;
	(tag) =	ssettag s2;
	_ =	strace s9  }
0x27: {  	s1 =	sld [smem:$0x3F9D]  }
0x28: {  	s2 =	sld [smem:$0x3F9E]  }
0x29: {  	s4 =	sld [smem:$0x3FA0]  }
0x2a: {  	p0 =	seq.s32 s5, $0x0;
	s5 =	sld [smem:$0x3FA1]  }
0x2b: {  	s6 =	sld [smem:$0x3FA2]  }
0x2c: {  	s7 =	sld [smem:$0x3FA3]  }
0x2d: {  	s3 =	simm.s32 $0x108;
	s8 =	sld [smem:$0x3FA4]  }
0x2e: {  	s3 =	simm.s32 @!p0 $0x1082;
	s9 =	sld [smem:$0x3FA5]  }
0x2f: {  	lr =	sadd.s32 s0, s3;
	s0 =	sld [smem:$0x3F9C]  }
0x30: {  	s3 =	sld [smem:$0x3F9F]  }
0x31: {  	[smem:$0x3FA8] =	sst s10  }
0x32: {  	s10 =	sld [smem:$0x3FA6];
	_ =	sdelay $0x3  }
0x33: {  	p0 =	seq.s32 s10, $0x1;
	s10 =	sld [smem:$0x3FA8];
	_ =	sdelay $0x3  }
0x34: {  	[smem:$0x3FA8] =	sst s10  }
0x35: {  	s10 =	sld [smem:$0x3FA7];
	_ =	sdelay $0x3  }
0x36: {  	p1 =	seq.s32 s10, $0x1;
	s10 =	sld [smem:$0x3FA8];
	_ =	sdelay $0x3  }
0x37: {  	[smem:$0x3FA8] =	sst s10  }
0x38: {  	s10 =	sld [smem:$0x3FA9]  }
0x39: {  	_ = 	snop;
	(pc) =	sbr.ind lr, $3  }
0x3a: {  	_ = 	snop  }
0x3b: {  	_ = 	snop  }
0x3c: {  	p2 =	seq.s32 s10, $0x1;
	s10 =	sld [smem:$0x3FA8]  }
0x3d: {  	_ =	shalt  }
0x3e: {  	_ =	shalt  }
0x3f: {  	_ =	shalt  }
0x40: {  	_ =	shalt  }
0x41: {  	_ =	shalt  }
0x42: {  	_ =	shalt  }
0x43: {  	_ =	shalt  }
0x44: {  	_ =	shalt  }
0x45: {  	_ =	shalt  }
0x46: {  	_ =	shalt  }
0x47: {  	_ =	shalt  }
0x48: {  	_ =	shalt  }
0x49: {  	_ =	shalt  }
0x4a: {  	_ =	shalt  }
0x4b: {  	_ =	shalt  }
0x4c: {  	_ =	shalt  }
0x4d: {  	_ =	shalt  }
0x4e: {  	_ =	shalt  }
0x4f: {  	_ =	shalt  }
0x50: {  	_ =	shalt  }
0x51: {  	_ =	shalt  }
0x52: {  	_ =	shalt  }
0x53: {  	_ =	shalt  }
0x54: {  	_ =	shalt  }
0x55: {  	_ =	shalt  }
0x56: {  	_ =	shalt  }
0x57: {  	_ =	shalt  }
0x58: {  	_ =	shalt  }
0x59: {  	_ =	shalt  }
0x5a: {  	_ =	shalt  }
0x5b: {  	_ =	shalt  }
0x5c: {  	_ =	shalt  }
0x5d: {  	_ =	shalt  }
0x5e: {  	_ =	shalt  }
0x5f: {  	_ =	shalt  }
0x60: {  	_ =	shalt  }
0x61: {  	_ =	shalt  }
0x62: {  	_ =	shalt  }
0x63: {  	_ =	shalt  }
0x64: {  	_ =	shalt  }
0x65: {  	_ =	shalt  }
0x66: {  	_ =	shalt  }
0x67: {  	_ =	shalt  }
0x68: {  	_ =	shalt  }
0x69: {  	_ =	shalt  }
0x6a: {  	_ =	shalt  }
0x6b: {  	_ =	shalt  }
0x6c: {  	_ =	shalt  }
0x6d: {  	_ =	shalt  }
0x6e: {  	_ =	shalt  }
0x6f: {  	_ =	shalt  }
0x70: {  	_ =	shalt  }
0x71: {  	_ =	shalt  }
0x72: {  	_ =	shalt  }
0x73: {  	_ =	shalt  }
0x74: {  	_ =	shalt  }
0x75: {  	_ =	shalt  }
0x76: {  	_ =	shalt  }
0x77: {  	_ =	shalt  }
0x78: {  	_ =	shalt  }
0x79: {  	_ =	shalt  }
0x7a: {  	_ =	shalt  }
0x7b: {  	_ =	shalt  }
0x7c: {  	_ =	shalt  }
0x7d: {  	_ =	shalt  }
0x7e: {  	_ =	shalt  }
0x7f: {  	_ =	shalt  }
0x80: {  	_ =	shalt  }
0x81: {  	_ =	shalt  }
0x82: {  	_ =	shalt  }
0x83: {  	_ =	shalt  }
0x84: {  	_ =	shalt  }
0x85: {  	_ =	shalt  }
0x86: {  	_ =	shalt  }
0x87: {  	_ =	shalt  }
.Lfunc_end0:
.L_simem_size_0:
called_computation.5_lowered:
.L_overlay_start_0:
0x88: {  	s2 =	sld [smem:$0x3FD9]  }
0x89: {  	s3 =	sld [smem:$0x3FFE];
	_ =	sdelay $0x1  }
0x8a: {  	s1 =	srdreg.scid  }
0x8b: {  	s0 =	sand.u32 $0x1, s1  }
0x8c: {  	s17 =	sshll.u32 s0, $0xA;
	s2 =	sadd.s32 s3, s2  }
0x8d: {  	s2 =	sadd.s32 s2, s17  }
0x8e: {  	[smem:$0x3FB4] =	sst s2  }
0x8f: {  	_ = 	snop  }
0x90: {  	(tm) =	ssettm $0x1  }
0x91: {  	s18 =	sld [smem:$0x3FFB];
	_ =	sdelay $0x3  }
0x92: {  	_ =	strace s18  }
0x93: {  	s2 =	sld [smem:$0x3FFC];
	_ =	sdelay $0x3  }
0x94: {  	_ =	strace s2  }
0x95: {  	s2 =	sld [smem:$0x3FFD];
	_ =	sdelay $0x3  }
0x96: {  	_ =	strace s2  }
0x97: {  	_ =	strace $0x8FFFFFFF  }
0x98: {  	s19 =	sld [smem:$0x3FDB];
	_ =	sdelay $0x1  }
0x99: {  	s20 =	simm.s32 $_scs_section_size  }
0x9a: {  	s4 =	simm.s32 $_size__tile_overlayer_lowered;
	s5 =	simm.s32 $_tile_overlayer_lowered  }
0x9b: {  	s6 =	simm.s32 $0x1BFF;
	s21 =	sshll.u32 s5, $0x1;
	s3 =	sadd.s32 s20, s19  }
0x9c: {  	s22 =	simm.s32 $0x0;
	s4 =	sshll.u32 s4, $0x1;
	s5 =	sadd.s32 s21, s3  }
0x9d: {  	[timem:s22], [sflag:s6] =	dma.local [hbm:s5], s4  }
0x9e: {  	_ =	swait.ge [sflag:s6], s4  }
0x9f: {  	s4 =	ssub.s32 $0x0, s4;
	[sflag:s6] =	ssyncset.done $0x0  }
0xa0: {  	[sflag:s6] =	ssyncadd.s32 s4;
	_ =	sdelay $0x1  }
0xa1: {  	s23 =	simm.s32 $0x1B8B  }
0xa2: {  	_ =	swait.ge [sflag:s23], $0x1  }
0xa3: {  	[sflag:s23] =	ssyncset.done $0x0  }
0xa4: {  	[sflag:s23] =	ssyncadd.s32 $0xFFFFFFFF  }
0xa5: {  	s4 =	sld [smem:$0x0]  }
0xa6: {  	s5 =	sand.u32 $0xFFFFFFFE, s1  }
0xa7: {  	p0 =	sne.s32 s1, s5  }
0xa8: {  	s5 =	sshll.u32 @p0 s5, $0xE  }
0xa9: {  	s5 =	sadd.s32 @p0 $0x11B8D, s5;
	s6 =	sshll.u32 @p0 s4, $0x11  }
0xaa: {  	s5 =	sor.u32 @p0 s6, s5  }
0xab: {  	[sflag:s5] =	ssyncadd.remote.s32 @p0 $0x1;
	_ =	sdelay $0x1  }
0xac: {  	s5 =	simm.s32 @p0 $0x1B8D  }
0xad: {  	_ =	swait.eq @p0 [sflag:s5], $0x1  }
0xae: {  	[sflag:s5] =	ssyncadd.s32 @p0 $0xFFFFFFFF  }
0xaf: {  	s6 =	sshll.u32 @!p0 s1, $0xE  }
0xb0: {  	s6 =	sor.u32 @!p0 $0x4000, s6;
	s5 =	simm.s32 @!p0 $0x1B8D  }
0xb1: {  	s4 =	sshll.u32 @!p0 s4, $0x11;
	s6 =	sadd.s32 @!p0 $0x11B8D, s6;
	_ =	swait.eq @!p0 [sflag:s5], $0x1  }
0xb2: {  	s4 =	sor.u32 @!p0 s4, s6;
	[sflag:s5] =	ssyncadd.s32 @!p0 $0xFFFFFFFF  }
0xb3: {  	s25 =	simm.s32 $0x1B8E;
	s24 =	sld [smem:$0x3FFE];
	[sflag:s4] =	ssyncadd.remote.s32 @!p0 $0x1  }
0xb4: {  	s26 =	simm.s32 $execute0_lowered;
	[smem:$0x3FD2] =	sst s25  }
0xb5: {  	s5 =	sshll.u32 s26, $0x1;
	_ =	strace $0x80000061;
	[dreg:$0x1] =	wrdreg $0xFFFFFFFF  }
0xb6: {  	s28 =	simm.s32 $_size_execute0_lowered;
	s3 =	sadd.s32 s3, s5;
	[dreg:$0x0] =	wrdreg $0x0  }
0xb7: {  	s5 =	sshll.u32 s28, $0x1;
	[dreg:$0x2] =	wrdreg s3  }
0xb8: {  	[dreg:$0x3] =	wrdreg s5  }
0xb9: {  	[dreg:$0x4] =	wrdreg $0xC0  }
0xba: {  	_ =	task [dreg:s22], $0x5FFFF  }
0xbb: {  	[dreg:$0x1] =	wrdreg $0xFFFFFFFF  }
0xbc: {  	[dreg:$0x0] =	wrdreg $0x60  }
0xbd: {  	[dreg:$0x2] =	wrdreg s24  }
0xbe: {  	[dreg:$0x3] =	wrdreg $0x9  }
0xbf: {  	_ =	task.clear_ibuf [dreg:s22], $0x4FFFF;
	_ =	strace $0x90000061  }
0xc0: {  	s29 =	simm.s32 $0x9;
	_ =	strace $0x80000063  }
0xc1: {  	_ =	swait.ge [sflag:s29], $0x1  }
0xc2: {  	[sflag:s29] =	ssyncadd.s32 $0xFFFFFFFF  }
0xc3: {  	_ =	strace $0x90000063  }
0xc4: {  	_ =	sfence  }
0xc5: {  	s30 =	sld [smem:$0x0];
	_ =	sdelay $0x2  }
0xc6: {  	s31 =	sshll.u32 s1, $0xD;
	s1 =	sshrl.u32 s1, $0x2  }
0xc7: {  	s4 =	sand.u32 $0x4000, s31;
	s1 =	sadd.s32 s1, s30  }
0xc8: {  	s0 =	sor.u32 s4, s0;
	s1 =	sshll.u32 s1, $0x11  }
0xc9: {  	s0 =	sor.u32 s1, s0  }
0xca: {  	s0 =	sadd.s32 $0x8F2B, s0  }
0xcb: {  	[sflag:s0] =	ssyncadd.remote.s32 $0x1  }
0xcc: {  	_ =	sfence.sel $0xFFFF  }
0xcd: {  	[dreg:$0x0] =	wrdreg $0xFFFFFFFF;
	(pc) =	sbr.abs _section_cstart, $3  }
0xce: {  	[dreg:$0x1] =	wrdreg $0xFFFFFFFF  }
0xcf: {  	_ =	task.clear_ibuf [dreg:s22], $0x2FFFF;
	_ =	strace $0x9FFFFFFF  }
0xd0: {  	(tm) =	ssettm $0x7FFFFFFF  }
0xd1: {  	_ =	shalt  }
tec
execute0_lowered:
.L_overlay_start_1:
0x0: {  	(tag) =	ssettag $0x1  }
0x1: {  	s1 =	srdreg.scid;
	s0 =	stileid.u32  }
0x2: {  	s17 =	sand.u32 $0x1, s1;
	s26 =	sshll.u32 s0, $0x1  }
0x3: {  	s9 =	sor.u32 s17, s26  }
0x4: {  	s10 =	rddreg [dreg:$0x0];
	s18 =	smul.u32 $0x7D0, s9  }
0x5: {  	s2 =	simm.s32 $0x0;
	s1 =	rddreg [dreg:$0x1]  }
0x6: {  	[smem:$0x7FF] =	sst s2;
	s16 =	sadd.s32 $0x9A00, s10;
	s3 =	sshrl.u32 s18, $0x3  }
0x7: {  	_ =	strace $0x80000062;
	s4 =	sadd.s32 s16, s3;
	s3 =	simm.s32 $0x2  }
0x8: {  	[tilespmem:s2], [sflag:$0x2] =	stream.linear.gather [hbm4b:s4+s2], $0x190, $0x38;
	[tilespmem:$0xCA00] =	vst v63  }
0x9: {  	_ =	swait.ge [sflag:s3], $0x190  }
0xa: {  	s6 =	simm.s32 $0x190;
	s7 =	simm.s32 $0x200;
	[sflag:s3] =	ssyncset.done $0x0  }
0xb: {  	s8 =	simm.s32 $0x1;
	s5 =	sadd.s32 $0x33000, s10;
	[sflag:s3] =	ssyncadd.s32 $0xFFFFFE70  }
0xc: {  	[tilespmem:s7], [sflag:$0x1] =	stream.indirect.gather [hbm4b:s5+s6], $0x80, s2, s6, $0xb8;
	[tilespmem:$0xCA00] =	vst v63  }
0xd: {  	s9 =	smul.u32 $0x7D00, s9;
	_ =	swait.ge [sflag:s8], $0xC800  }
0xe: {  	s19 =	sadd.s32 $0x4F7C00, s10;
	[sflag:s8] =	ssyncset.done $0x0  }
0xf: {  	s9 =	sadd.s32 s19, s9;
	[sflag:s8] =	ssyncadd.s32 $0xFFFF3800  }
0x10: {  	[hbm4b:s9+s2] =	stream.linear.scatter [tilespmem:s7], [sflag:$0x2], $0xC800, $0x38;
	[tilespmem:$0xCA00] =	vst v63  }
0x11: {  	s11 =	sadd.s32 $0x190, s18;
	_ =	swait.ge [sflag:s3], $0xC800  }
0x12: {  	s28 =	sshrl.u32 s11, $0x3;
	[sflag:s3] =	ssyncset.done $0x0  }
0x13: {  	s10 =	sadd.s32 s16, s28;
	[sflag:s3] =	ssyncadd.s32 $0xFFFF3800  }
0x14: {  	[tilespmem:s2], [sflag:$0x2] =	stream.linear.gather [hbm4b:s10+s2], $0x190, $0x38;
	[tilespmem:$0xCA00] =	vst v63  }
0x15: {  	_ =	swait.ge [sflag:s3], $0x190  }
0x16: {  	[sflag:s3] =	ssyncset.done $0x0  }
0x17: {  	[sflag:s3] =	ssyncadd.s32 $0xFFFFFE70  }
0x18: {  	[tilespmem:s7], [sflag:$0x1] =	stream.indirect.gather [hbm4b:s5+s6], $0x80, s2, s6, $0xb8;
	[tilespmem:$0xCA00] =	vst v63  }
0x19: {  	_ =	swait.ge [sflag:s8], $0xC800  }
0x1a: {  	s11 =	sshll.u32 s11, $0x4;
	[sflag:s8] =	ssyncset.done $0x0  }
0x1b: {  	s11 =	sadd.s32 s19, s11;
	[sflag:s8] =	ssyncadd.s32 $0xFFFF3800  }
0x1c: {  	[hbm4b:s11+s2] =	stream.linear.scatter [tilespmem:s7], [sflag:$0x2], $0xC800, $0x38;
	[tilespmem:$0xCA00] =	vst v63  }
0x1d: {  	s13 =	sadd.s32 $0x320, s18;
	_ =	swait.ge [sflag:s3], $0xC800  }
0x1e: {  	s12 =	sshrl.u32 s13, $0x3;
	[sflag:s3] =	ssyncset.done $0x0  }
0x1f: {  	s12 =	sadd.s32 s16, s12;
	[sflag:s3] =	ssyncadd.s32 $0xFFFF3800  }
0x20: {  	[tilespmem:s2], [sflag:$0x2] =	stream.linear.gather [hbm4b:s12+s2], $0x190, $0x38;
	[tilespmem:$0xCA00] =	vst v63  }
0x21: {  	_ =	swait.ge [sflag:s3], $0x190  }
0x22: {  	[sflag:s3] =	ssyncset.done $0x0  }
0x23: {  	[sflag:s3] =	ssyncadd.s32 $0xFFFFFE70  }
0x24: {  	[tilespmem:s7], [sflag:$0x1] =	stream.indirect.gather [hbm4b:s5+s6], $0x80, s2, s6, $0xb8;
	[tilespmem:$0xCA00] =	vst v63  }
0x25: {  	_ =	swait.ge [sflag:s8], $0xC800  }
0x26: {  	s13 =	sshll.u32 s13, $0x4;
	[sflag:s8] =	ssyncset.done $0x0  }
0x27: {  	s13 =	sadd.s32 s19, s13;
	[sflag:s8] =	ssyncadd.s32 $0xFFFF3800  }
0x28: {  	[hbm4b:s13+s2] =	stream.linear.scatter [tilespmem:s7], [sflag:$0x2], $0xC800, $0x38;
	[tilespmem:$0xCA00] =	vst v63  }
0x29: {  	s15 =	sadd.s32 $0x4B0, s18;
	_ =	swait.ge [sflag:s3], $0xC800  }
0x2a: {  	s14 =	sshrl.u32 s15, $0x3;
	[sflag:s3] =	ssyncset.done $0x0  }
0x2b: {  	s14 =	sadd.s32 s16, s14;
	[sflag:s3] =	ssyncadd.s32 $0xFFFF3800  }
0x2c: {  	[tilespmem:s2], [sflag:$0x2] =	stream.linear.gather [hbm4b:s14+s2], $0x190, $0x38;
	[tilespmem:$0xCA00] =	vst v63  }
0x2d: {  	_ =	swait.ge [sflag:s3], $0x190  }
0x2e: {  	[sflag:s3] =	ssyncset.done $0x0  }
0x2f: {  	[sflag:s3] =	ssyncadd.s32 $0xFFFFFE70  }
0x30: {  	[tilespmem:s7], [sflag:$0x1] =	stream.indirect.gather [hbm4b:s5+s6], $0x80, s2, s6, $0xb8;
	[tilespmem:$0xCA00] =	vst v63  }
0x31: {  	_ =	swait.ge [sflag:s8], $0xC800  }
0x32: {  	s15 =	sshll.u32 s15, $0x4;
	[sflag:s8] =	ssyncset.done $0x0  }
0x33: {  	s15 =	sadd.s32 s19, s15;
	[sflag:s8] =	ssyncadd.s32 $0xFFFF3800  }
0x34: {  	[hbm4b:s15+s2] =	stream.linear.scatter [tilespmem:s7], [sflag:$0x2], $0xC800, $0x38;
	[tilespmem:$0xCA00] =	vst v63  }
0x35: {  	s18 =	sadd.s32 $0x640, s18;
	_ =	swait.ge [sflag:s3], $0xC800  }
0x36: {  	s20 =	sshrl.u32 s18, $0x3;
	[sflag:s3] =	ssyncset.done $0x0  }
0x37: {  	s17 =	ssub.s32 $0x2, s17;
	s16 =	sadd.s32 s16, s20;
	[sflag:s3] =	ssyncadd.s32 $0xFFFF3800  }
0x38: {  	[tilespmem:s2], [sflag:$0x2] =	stream.linear.gather [hbm4b:s16+s2], $0x190, $0x38;
	[tilespmem:$0xCA00] =	vst v63  }
0x39: {  	s29 =	sshrl.u32 s17, $0x1;
	_ =	swait.ge [sflag:s3], $0x190  }
0x3a: {  	s20 =	ssub.s32 s17, s29;
	[sflag:s3] =	ssyncset.done $0x0  }
0x3b: {  	s31 =	smax.u32 s20, $0x1;
	[sflag:s3] =	ssyncadd.s32 $0xFFFFFE70  }
0x3c: {  	[tilespmem:s7], [sflag:$0x1] =	stream.indirect.gather [hbm4b:s5+s6], $0x80, s2, s6, $0xb8;
	[tilespmem:$0xCA00] =	vst v63  }
0x3d: {  	p0 =	sne.s32 s31, $0x1;
	_ =	swait.ge [sflag:s8], $0xC800  }
.Ltmp0:
0x3e: {  	s30 =	sshll.u32 s18, $0x4;
	[sflag:s8] =	ssyncset.done $0x0;
	(pc) =	sbr.rel @!p0 .LBB2_2-.Ltmp0, $4  }
0x3f: {  	s17 =	sadd.s32 s19, s30;
	[sflag:s8] =	ssyncadd.s32 $0xFFFF3800  }
0x40: {  	[hbm4b:s17+s2] =	stream.linear.scatter [tilespmem:s7], [sflag:$0x2], $0xC800, $0x38;
	[tilespmem:$0xCA00] =	vst v63  }
0x41: {  	_ =	swait.ge [sflag:s3], $0xC800  }
0x42: {  	s18 =	sadd.s32 $0xFFFFFFFF, s31;
	[sflag:s3] =	ssyncset.done $0x0  }
.LBB2_1:
0x43: {  	p0 =	sne.s32 s18, $0x1;
	s18 =	sadd.s32 $0xFFFFFFFF, s18;
	[sflag:s3] =	ssyncadd.s32 $0xFFFF3800  }
0x44: {  	[tilespmem:s2], [sflag:$0x2] =	stream.linear.gather [hbm4b:s4+s2], $0x190, $0x38;
	[tilespmem:$0xCA00] =	vst v63  }
0x45: {  	_ =	swait.ge [sflag:s3], $0x190  }
0x46: {  	[sflag:s3] =	ssyncset.done $0x0  }
0x47: {  	[sflag:s3] =	ssyncadd.s32 $0xFFFFFE70  }
0x48: {  	[tilespmem:s7], [sflag:$0x1] =	stream.indirect.gather [hbm4b:s5+s6], $0x80, s2, s6, $0xb8;
	[tilespmem:$0xCA00] =	vst v63  }
0x49: {  	_ =	swait.ge [sflag:s8], $0xC800  }
0x4a: {  	[sflag:s8] =	ssyncset.done $0x0  }
0x4b: {  	[sflag:s8] =	ssyncadd.s32 $0xFFFF3800  }
0x4c: {  	[hbm4b:s9+s2] =	stream.linear.scatter [tilespmem:s7], [sflag:$0x2], $0xC800, $0x38;
	[tilespmem:$0xCA00] =	vst v63  }
0x4d: {  	_ =	swait.ge [sflag:s3], $0xC800  }
0x4e: {  	[sflag:s3] =	ssyncset.done $0x0  }
0x4f: {  	[sflag:s3] =	ssyncadd.s32 $0xFFFF3800  }
0x50: {  	[tilespmem:s2], [sflag:$0x2] =	stream.linear.gather [hbm4b:s10+s2], $0x190, $0x38;
	[tilespmem:$0xCA00] =	vst v63  }
0x51: {  	_ =	swait.ge [sflag:s3], $0x190  }
0x52: {  	[sflag:s3] =	ssyncset.done $0x0  }
0x53: {  	[sflag:s3] =	ssyncadd.s32 $0xFFFFFE70  }
0x54: {  	[tilespmem:s7], [sflag:$0x1] =	stream.indirect.gather [hbm4b:s5+s6], $0x80, s2, s6, $0xb8;
	[tilespmem:$0xCA00] =	vst v63  }
0x55: {  	_ =	swait.ge [sflag:s8], $0xC800  }
0x56: {  	[sflag:s8] =	ssyncset.done $0x0  }
0x57: {  	[sflag:s8] =	ssyncadd.s32 $0xFFFF3800  }
0x58: {  	[hbm4b:s11+s2] =	stream.linear.scatter [tilespmem:s7], [sflag:$0x2], $0xC800, $0x38;
	[tilespmem:$0xCA00] =	vst v63  }
0x59: {  	_ =	swait.ge [sflag:s3], $0xC800  }
0x5a: {  	[sflag:s3] =	ssyncset.done $0x0  }
0x5b: {  	[sflag:s3] =	ssyncadd.s32 $0xFFFF3800  }
0x5c: {  	[tilespmem:s2], [sflag:$0x2] =	stream.linear.gather [hbm4b:s12+s2], $0x190, $0x38;
	[tilespmem:$0xCA00] =	vst v63  }
0x5d: {  	_ =	swait.ge [sflag:s3], $0x190  }
0x5e: {  	[sflag:s3] =	ssyncset.done $0x0  }
0x5f: {  	[sflag:s3] =	ssyncadd.s32 $0xFFFFFE70  }
0x60: {  	[tilespmem:s7], [sflag:$0x1] =	stream.indirect.gather [hbm4b:s5+s6], $0x80, s2, s6, $0xb8;
	[tilespmem:$0xCA00] =	vst v63  }
0x61: {  	_ =	swait.ge [sflag:s8], $0xC800  }
0x62: {  	[sflag:s8] =	ssyncset.done $0x0  }
0x63: {  	[sflag:s8] =	ssyncadd.s32 $0xFFFF3800  }
0x64: {  	[hbm4b:s13+s2] =	stream.linear.scatter [tilespmem:s7], [sflag:$0x2], $0xC800, $0x38;
	[tilespmem:$0xCA00] =	vst v63  }
0x65: {  	_ =	swait.ge [sflag:s3], $0xC800  }
0x66: {  	[sflag:s3] =	ssyncset.done $0x0  }
0x67: {  	[sflag:s3] =	ssyncadd.s32 $0xFFFF3800  }
0x68: {  	[tilespmem:s2], [sflag:$0x2] =	stream.linear.gather [hbm4b:s14+s2], $0x190, $0x38;
	[tilespmem:$0xCA00] =	vst v63  }
0x69: {  	_ =	swait.ge [sflag:s3], $0x190  }
0x6a: {  	[sflag:s3] =	ssyncset.done $0x0  }
0x6b: {  	[sflag:s3] =	ssyncadd.s32 $0xFFFFFE70  }
0x6c: {  	[tilespmem:s7], [sflag:$0x1] =	stream.indirect.gather [hbm4b:s5+s6], $0x80, s2, s6, $0xb8;
	[tilespmem:$0xCA00] =	vst v63  }
0x6d: {  	_ =	swait.ge [sflag:s8], $0xC800  }
0x6e: {  	[sflag:s8] =	ssyncset.done $0x0  }
0x6f: {  	[sflag:s8] =	ssyncadd.s32 $0xFFFF3800  }
0x70: {  	[hbm4b:s15+s2] =	stream.linear.scatter [tilespmem:s7], [sflag:$0x2], $0xC800, $0x38;
	[tilespmem:$0xCA00] =	vst v63  }
0x71: {  	_ =	swait.ge [sflag:s3], $0xC800  }
0x72: {  	[sflag:s3] =	ssyncset.done $0x0  }
0x73: {  	[sflag:s3] =	ssyncadd.s32 $0xFFFF3800  }
0x74: {  	[tilespmem:s2], [sflag:$0x2] =	stream.linear.gather [hbm4b:s16+s2], $0x190, $0x38;
	[tilespmem:$0xCA00] =	vst v63  }
0x75: {  	_ =	swait.ge [sflag:s3], $0x190  }
0x76: {  	[sflag:s3] =	ssyncset.done $0x0  }
0x77: {  	[sflag:s3] =	ssyncadd.s32 $0xFFFFFE70  }
0x78: {  	[tilespmem:s7], [sflag:$0x1] =	stream.indirect.gather [hbm4b:s5+s6], $0x80, s2, s6, $0xb8;
	[tilespmem:$0xCA00] =	vst v63  }
0x79: {  	_ =	swait.ge [sflag:s8], $0xC800  }
.Ltmp1:
0x7a: {  	[sflag:s8] =	ssyncset.done $0x0;
	(pc) =	sbr.rel @p0 .LBB2_1-.Ltmp1, $4  }
0x7b: {  	[sflag:s8] =	ssyncadd.s32 $0xFFFF3800  }
0x7c: {  	[hbm4b:s17+s2] =	stream.linear.scatter [tilespmem:s7], [sflag:$0x2], $0xC800, $0x38;
	[tilespmem:$0xCA00] =	vst v63  }
0x7d: {  	_ =	swait.ge [sflag:s3], $0xC800  }
0x7e: {  	[sflag:s3] =	ssyncset.done $0x0  }
.LBB2_2:
0x7f: {  	[sflag:s3] =	ssyncadd.s32 $0xFFFF3800  }
0x80: {  	_ =	sfence.sel $0x180000  }
0x81: {  	[bflag:$0x0] =	sbarrier.arrive $0xFFFF  }
0x82: {  	p0 =	sne.s32 s0, $0x0;
	_ =	strace $0x90000062  }
0x83: {  	s0 =	sadd.s32 @!p0 $0x100000, s1;
	[bflag:$0x2] =	sbarrier.arrive $0xFFFF  }
0x84: {  	[sflag:s0] =	ssyncadd.tile.s32 @!p0 $0x1;
	_ =	shalt  }
.Lfunc_end2:
_tile_overlayer_lowered:
.L_overlay_start_2:
0x85: {  	(tag) =	ssettag $0x2  }
0x86: {  	s0 =	rddreg [dreg:$0x0];
	s2 =	stileid.u32  }
0x87: {  	s1 =	rddreg [dreg:$0x1];
	p0 =	sne.s32 s2, $0x0  }
0x88: {  	s3 =	rddreg [dreg:$0x2];
	[bflag:$0x3] =	sbarrier.arrive $0xFFFF;
	s2 =	simm.s32 @!p0 $0x1C02  }
0x89: {  	[timem:s3], [sflag:s2] =	dma.local @!p0 [hbm:s0], s1  }
0x8a: {  	s0 =	simm.s32 @!p0 $0x2  }
0x8b: {  	_ =	swait.ge @!p0 [sflag:s0], s1  }
0x8c: {  	s1 =	ssub.s32 @!p0 $0x0, s1;
	[sflag:s0] =	ssyncset.done @!p0 $0x0  }
0x8d: {  	[sflag:s0] =	ssyncadd.s32 @!p0 s1  }
0x8e: {  	[bflag:$0x3] =	sbarrier.arrive $0xFFFF  }
0x8f: {  	_ =	shalt  }

// kernel: kernel.41.cloned.1.call-start
scs
__scs_entry_jumppad:
0x0: {  	(pc) =	sbr.rel $0x88, $3  }
0x1: {  	(tag) =	ssettag $0x0;
	lr =	simm.s32 $0x1  }
0x2: {  	[smem:$0x3F8D] =	sst lr;
	_ =	strace $0xD0000000  }
0x3: {  	_ = 	snop  }
0x4: {  	_ = 	snop  }
0x5: {  	_ = 	snop  }
0x6: {  	_ = 	snop  }
0x7: {  	_ = 	snop  }
__scs_overlays_trampoline_lowered:
0x8: {  	[smem:$0x3F9C] =	sst s0  }
0x9: {  	[smem:$0x3F9D] =	sst s1  }
0xa: {  	[smem:$0x3F9E] =	sst s2  }
0xb: {  	[smem:$0x3F9F] =	sst s3  }
0xc: {  	[smem:$0x3FA0] =	sst s4  }
0xd: {  	[smem:$0x3FA1] =	sst s5  }
0xe: {  	[smem:$0x3FA2] =	sst s6  }
0xf: {  	[smem:$0x3FA3] =	sst s7  }
0x10: {  	[smem:$0x3FA4] =	sst s8  }
0x11: {  	[smem:$0x3FA5] =	sst s9;
	s0 =	simm.s32 @!p0 $0x0  }
0x12: {  	s1 =	sld [smem:$0x3F8B];
	s0 =	simm.s32 @p0 $0x1  }
0x13: {  	[smem:$0x3FA6] =	sst s0;
	s0 =	simm.s32 @!p1 $0x0  }
0x14: {  	s2 =	sld [smem:$0x3F8A];
	s0 =	simm.s32 @p1 $0x1  }
0x15: {  	[smem:$0x3FA7] =	sst s0;
	s0 =	simm.s32 @!p2 $0x0  }
0x16: {  	s3 =	sld [smem:$0x3FDB];
	s0 =	simm.s32 @p2 $0x1  }
0x17: {  	s4 =	simm.s32 $0x1BF5;
	[smem:$0x3FA9] =	sst s0  }
0x18: {  	s0 =	sld [smem:$0x3F8C];
	_ =	swait.ge [sflag:s4], $0x0  }
0x19: {  	s7 =	sld [smem:$0x3F8D]  }
0x1a: {  	s8 =	sadd.s32 $0xFFFFE003, lr  }
0x1b: {  	s9 =	sadd.s32 $0xFFFFFEF7, lr;
	s5 =	simm.s32 $0xFFFFFFFF;
	p2 =	slt.u32 s8, $0xFFFFF086  }
0x1c: {  	p1 =	slt.u32 s9, $0xF7A;
	s5 =	simm.s32 @!p2 $0x0  }
0x1d: {  	s5 =	simm.s32 @p1 $0x1;
	p0 =	seq.s32 s7, s2  }
0x1e: {  	s7 =	smul.u32 @!p0 $0xF7A, s2;
	p2 =	seq.s32 @!p0 s5, $0x0  }
0x1f: {  	s9 =	smul.u32 $0xF7A, s1;
	s8 =	simm.s32 @!p0 $0x1BF5;
	p2 =	por !p2, p0  }
0x20: {  	[sflag:s8] =	ssyncset.s32 @!p0 $0xFFFFF086;
	s6 =	sadd.s32 @!p0 s3, s7;
	s7 =	simm.s32 @!p0 $0x108  }
0x21: {  	s3 =	sadd.s32 s3, s9;
	s6 =	sadd.s32 @!p0 $0x88, s6;
	s7 =	simm.s32 @p2 $0x1082  }
0x22: {  	[simem:s7], [sflag:s8] =	dma.local @!p0 [hbm:s6], $0xF7A  }
0x23: {  	s9 =	sor.u32 $0xD0000000, s2;
	s6 =	simm.s32 $0x108;
	_ =	swait.ge @!p0 [sflag:s8], $0x0  }
0x24: {  	s3 =	sadd.s32 $0x88, s3;
	s6 =	simm.s32 @!p1 $0x1082;
	[sflag:s4] =	ssyncset.s32 $0xFFFFF086  }
0x25: {  	[simem:s6], [sflag:s4] =	dma.local [hbm:s3], $0xF7A  }
0x26: {  	[smem:$0x3F8D] =	sst s1;
	(tag) =	ssettag s2;
	_ =	strace s9  }
0x27: {  	s1 =	sld [smem:$0x3F9D]  }
0x28: {  	s2 =	sld [smem:$0x3F9E]  }
0x29: {  	s4 =	sld [smem:$0x3FA0]  }
0x2a: {  	p0 =	seq.s32 s5, $0x0;
	s5 =	sld [smem:$0x3FA1]  }
0x2b: {  	s6 =	sld [smem:$0x3FA2]  }
0x2c: {  	s7 =	sld [smem:$0x3FA3]  }
0x2d: {  	s3 =	simm.s32 $0x108;
	s8 =	sld [smem:$0x3FA4]  }
0x2e: {  	s3 =	simm.s32 @!p0 $0x1082;
	s9 =	sld [smem:$0x3FA5]  }
0x2f: {  	lr =	sadd.s32 s0, s3;
	s0 =	sld [smem:$0x3F9C]  }
0x30: {  	s3 =	sld [smem:$0x3F9F]  }
0x31: {  	[smem:$0x3FA8] =	sst s10  }
0x32: {  	s10 =	sld [smem:$0x3FA6];
	_ =	sdelay $0x3  }
0x33: {  	p0 =	seq.s32 s10, $0x1;
	s10 =	sld [smem:$0x3FA8];
	_ =	sdelay $0x3  }
0x34: {  	[smem:$0x3FA8] =	sst s10  }
0x35: {  	s10 =	sld [smem:$0x3FA7];
	_ =	sdelay $0x3  }
0x36: {  	p1 =	seq.s32 s10, $0x1;
	s10 =	sld [smem:$0x3FA8];
	_ =	sdelay $0x3  }
0x37: {  	[smem:$0x3FA8] =	sst s10  }
0x38: {  	s10 =	sld [smem:$0x3FA9]  }
0x39: {  	_ = 	snop;
	(pc) =	sbr.ind lr, $3  }
0x3a: {  	_ = 	snop  }
0x3b: {  	_ = 	snop  }
0x3c: {  	p2 =	seq.s32 s10, $0x1;
	s10 =	sld [smem:$0x3FA8]  }
0x3d: {  	_ =	shalt  }
0x3e: {  	_ =	shalt  }
0x3f: {  	_ =	shalt  }
0x40: {  	_ =	shalt  }
0x41: {  	_ =	shalt  }
0x42: {  	_ =	shalt  }
0x43: {  	_ =	shalt  }
0x44: {  	_ =	shalt  }
0x45: {  	_ =	shalt  }
0x46: {  	_ =	shalt  }
0x47: {  	_ =	shalt  }
0x48: {  	_ =	shalt  }
0x49: {  	_ =	shalt  }
0x4a: {  	_ =	shalt  }
0x4b: {  	_ =	shalt  }
0x4c: {  	_ =	shalt  }
0x4d: {  	_ =	shalt  }
0x4e: {  	_ =	shalt  }
0x4f: {  	_ =	shalt  }
0x50: {  	_ =	shalt  }
0x51: {  	_ =	shalt  }
0x52: {  	_ =	shalt  }
0x53: {  	_ =	shalt  }
0x54: {  	_ =	shalt  }
0x55: {  	_ =	shalt  }
0x56: {  	_ =	shalt  }
0x57: {  	_ =	shalt  }
0x58: {  	_ =	shalt  }
0x59: {  	_ =	shalt  }
0x5a: {  	_ =	shalt  }
0x5b: {  	_ =	shalt  }
0x5c: {  	_ =	shalt  }
0x5d: {  	_ =	shalt  }
0x5e: {  	_ =	shalt  }
0x5f: {  	_ =	shalt  }
0x60: {  	_ =	shalt  }
0x61: {  	_ =	shalt  }
0x62: {  	_ =	shalt  }
0x63: {  	_ =	shalt  }
0x64: {  	_ =	shalt  }
0x65: {  	_ =	shalt  }
0x66: {  	_ =	shalt  }
0x67: {  	_ =	shalt  }
0x68: {  	_ =	shalt  }
0x69: {  	_ =	shalt  }
0x6a: {  	_ =	shalt  }
0x6b: {  	_ =	shalt  }
0x6c: {  	_ =	shalt  }
0x6d: {  	_ =	shalt  }
0x6e: {  	_ =	shalt  }
0x6f: {  	_ =	shalt  }
0x70: {  	_ =	shalt  }
0x71: {  	_ =	shalt  }
0x72: {  	_ =	shalt  }
0x73: {  	_ =	shalt  }
0x74: {  	_ =	shalt  }
0x75: {  	_ =	shalt  }
0x76: {  	_ =	shalt  }
0x77: {  	_ =	shalt  }
0x78: {  	_ =	shalt  }
0x79: {  	_ =	shalt  }
0x7a: {  	_ =	shalt  }
0x7b: {  	_ =	shalt  }
0x7c: {  	_ =	shalt  }
0x7d: {  	_ =	shalt  }
0x7e: {  	_ =	shalt  }
0x7f: {  	_ =	shalt  }
0x80: {  	_ =	shalt  }
0x81: {  	_ =	shalt  }
0x82: {  	_ =	shalt  }
0x83: {  	_ =	shalt  }
0x84: {  	_ =	shalt  }
0x85: {  	_ =	shalt  }
0x86: {  	_ =	shalt  }
0x87: {  	_ =	shalt  }
.Lfunc_end0:
.L_simem_size_0:
called_computation.6_lowered:
.L_overlay_start_0:
0x88: {  	s2 =	sld [smem:$0x3FD9]  }
0x89: {  	s3 =	sld [smem:$0x3FFE];
	_ =	sdelay $0x1  }
0x8a: {  	s1 =	srdreg.scid  }
0x8b: {  	s0 =	sand.u32 $0x1, s1  }
0x8c: {  	s17 =	sshll.u32 s0, $0xA;
	s2 =	sadd.s32 s3, s2  }
0x8d: {  	s2 =	sadd.s32 s2, s17  }
0x8e: {  	[smem:$0x3FB4] =	sst s2  }
0x8f: {  	_ = 	snop  }
0x90: {  	(tm) =	ssettm $0x1  }
0x91: {  	s18 =	sld [smem:$0x3FFB];
	_ =	sdelay $0x3  }
0x92: {  	_ =	strace s18  }
0x93: {  	s2 =	sld [smem:$0x3FFC];
	_ =	sdelay $0x3  }
0x94: {  	_ =	strace s2  }
0x95: {  	s2 =	sld [smem:$0x3FFD];
	_ =	sdelay $0x3  }
0x96: {  	_ =	strace s2  }
0x97: {  	_ =	strace $0x8FFFFFFF  }
0x98: {  	s19 =	sld [smem:$0x3FDB];
	_ =	sdelay $0x1  }
0x99: {  	s20 =	simm.s32 $_scs_section_size  }
0x9a: {  	s4 =	simm.s32 $_size__tile_overlayer_lowered;
	s5 =	simm.s32 $_tile_overlayer_lowered  }
0x9b: {  	s6 =	simm.s32 $0x1BFF;
	s21 =	sshll.u32 s5, $0x1;
	s3 =	sadd.s32 s20, s19  }
0x9c: {  	s22 =	simm.s32 $0x0;
	s4 =	sshll.u32 s4, $0x1;
	s5 =	sadd.s32 s21, s3  }
0x9d: {  	[timem:s22], [sflag:s6] =	dma.local [hbm:s5], s4  }
0x9e: {  	_ =	swait.ge [sflag:s6], s4  }
0x9f: {  	s4 =	ssub.s32 $0x0, s4;
	[sflag:s6] =	ssyncset.done $0x0  }
0xa0: {  	[sflag:s6] =	ssyncadd.s32 s4;
	_ =	sdelay $0x1  }
0xa1: {  	s23 =	simm.s32 $0x1B8B  }
0xa2: {  	_ =	swait.ge [sflag:s23], $0x1  }
0xa3: {  	[sflag:s23] =	ssyncset.done $0x0  }
0xa4: {  	[sflag:s23] =	ssyncadd.s32 $0xFFFFFFFF  }
0xa5: {  	s4 =	sld [smem:$0x0]  }
0xa6: {  	s5 =	sand.u32 $0xFFFFFFFE, s1  }
0xa7: {  	p0 =	sne.s32 s1, s5  }
0xa8: {  	s5 =	sshll.u32 @p0 s5, $0xE  }
0xa9: {  	s5 =	sadd.s32 @p0 $0x11B8D, s5;
	s6 =	sshll.u32 @p0 s4, $0x11  }
0xaa: {  	s5 =	sor.u32 @p0 s6, s5  }
0xab: {  	[sflag:s5] =	ssyncadd.remote.s32 @p0 $0x1;
	_ =	sdelay $0x1  }
0xac: {  	s5 =	simm.s32 @p0 $0x1B8D  }
0xad: {  	_ =	swait.eq @p0 [sflag:s5], $0x1  }
0xae: {  	[sflag:s5] =	ssyncadd.s32 @p0 $0xFFFFFFFF  }
0xaf: {  	s6 =	sshll.u32 @!p0 s1, $0xE  }
0xb0: {  	s6 =	sor.u32 @!p0 $0x4000, s6;
	s5 =	simm.s32 @!p0 $0x1B8D  }
0xb1: {  	s4 =	sshll.u32 @!p0 s4, $0x11;
	s6 =	sadd.s32 @!p0 $0x11B8D, s6;
	_ =	swait.eq @!p0 [sflag:s5], $0x1  }
0xb2: {  	s4 =	sor.u32 @!p0 s4, s6;
	[sflag:s5] =	ssyncadd.s32 @!p0 $0xFFFFFFFF  }
0xb3: {  	s25 =	simm.s32 $0x1B8E;
	s24 =	sld [smem:$0x3FFE];
	[sflag:s4] =	ssyncadd.remote.s32 @!p0 $0x1  }
0xb4: {  	s26 =	simm.s32 $execute0_lowered;
	[smem:$0x3FD2] =	sst s25  }
0xb5: {  	s5 =	sshll.u32 s26, $0x1;
	_ =	strace $0x8000005E;
	[dreg:$0x1] =	wrdreg $0xFFFFFFFF  }
0xb6: {  	s28 =	simm.s32 $_size_execute0_lowered;
	s3 =	sadd.s32 s3, s5;
	[dreg:$0x0] =	wrdreg $0x0  }
0xb7: {  	s5 =	sshll.u32 s28, $0x1;
	[dreg:$0x2] =	wrdreg s3  }
0xb8: {  	[dreg:$0x3] =	wrdreg s5  }
0xb9: {  	[dreg:$0x4] =	wrdreg $0xC0  }
0xba: {  	_ =	task [dreg:s22], $0x5FFFF  }
0xbb: {  	[dreg:$0x1] =	wrdreg $0xFFFFFFFF  }
0xbc: {  	[dreg:$0x0] =	wrdreg $0x60  }
0xbd: {  	[dreg:$0x2] =	wrdreg s24  }
0xbe: {  	[dreg:$0x3] =	wrdreg $0xA  }
0xbf: {  	_ =	task.clear_ibuf [dreg:s22], $0x4FFFF;
	_ =	strace $0x9000005E  }
0xc0: {  	s29 =	simm.s32 $0xA;
	_ =	strace $0x80000060  }
0xc1: {  	_ =	swait.ge [sflag:s29], $0x1  }
0xc2: {  	[sflag:s29] =	ssyncadd.s32 $0xFFFFFFFF  }
0xc3: {  	_ =	strace $0x90000060  }
0xc4: {  	_ =	sfence  }
0xc5: {  	s30 =	sld [smem:$0x0];
	_ =	sdelay $0x2  }
0xc6: {  	s31 =	sshll.u32 s1, $0xD;
	s1 =	sshrl.u32 s1, $0x2  }
0xc7: {  	s4 =	sand.u32 $0x4000, s31;
	s1 =	sadd.s32 s1, s30  }
0xc8: {  	s0 =	sor.u32 s4, s0;
	s1 =	sshll.u32 s1, $0x11  }
0xc9: {  	s0 =	sor.u32 s1, s0  }
0xca: {  	s0 =	sadd.s32 $0x8F2B, s0  }
0xcb: {  	[sflag:s0] =	ssyncadd.remote.s32 $0x1  }
0xcc: {  	_ =	sfence.sel $0xFFFF  }
0xcd: {  	[dreg:$0x0] =	wrdreg $0xFFFFFFFF;
	(pc) =	sbr.abs _section_cstart, $3  }
0xce: {  	[dreg:$0x1] =	wrdreg $0xFFFFFFFF  }
0xcf: {  	_ =	task.clear_ibuf [dreg:s22], $0x2FFFF;
	_ =	strace $0x9FFFFFFF  }
0xd0: {  	(tm) =	ssettm $0x7FFFFFFF  }
0xd1: {  	_ =	shalt  }
tec
execute0_lowered:
.L_overlay_start_1:
0x0: {  	(tag) =	ssettag $0x1  }
0x1: {  	s1 =	srdreg.scid;
	s0 =	stileid.u32  }
0x2: {  	s17 =	sand.u32 $0x1, s1;
	s26 =	sshll.u32 s0, $0x1  }
0x3: {  	s9 =	sor.u32 s17, s26  }
0x4: {  	s10 =	rddreg [dreg:$0x0];
	s18 =	smul.u32 $0x7D0, s9  }
0x5: {  	s2 =	simm.s32 $0x0;
	s1 =	rddreg [dreg:$0x1]  }
0x6: {  	[smem:$0x7FF] =	sst s2;
	s16 =	sadd.s32 $0x105A00, s10;
	s3 =	sshrl.u32 s18, $0x3  }
0x7: {  	_ =	strace $0x8000005F;
	s4 =	sadd.s32 s16, s3;
	s3 =	simm.s32 $0x2  }
0x8: {  	[tilespmem:s2], [sflag:$0x2] =	stream.linear.gather [hbm4b:s4+s2], $0x190, $0x38;
	[tilespmem:$0xCA00] =	vst v63  }
0x9: {  	_ =	swait.ge [sflag:s3], $0x190  }
0xa: {  	s6 =	simm.s32 $0x190;
	s7 =	simm.s32 $0x200;
	[sflag:s3] =	ssyncset.done $0x0  }
0xb: {  	s8 =	simm.s32 $0x1;
	s5 =	sadd.s32 $0x33000, s10;
	[sflag:s3] =	ssyncadd.s32 $0xFFFFFE70  }
0xc: {  	[tilespmem:s7], [sflag:$0x1] =	stream.indirect.gather [hbm4b:s5+s6], $0x80, s2, s6, $0xb8;
	[tilespmem:$0xCA00] =	vst v63  }
0xd: {  	s9 =	smul.u32 $0x7D00, s9;
	_ =	swait.ge [sflag:s8], $0xC800  }
0xe: {  	s19 =	sadd.s32 $0x3F9A00, s10;
	[sflag:s8] =	ssyncset.done $0x0  }
0xf: {  	s9 =	sadd.s32 s19, s9;
	[sflag:s8] =	ssyncadd.s32 $0xFFFF3800  }
0x10: {  	[hbm4b:s9+s2] =	stream.linear.scatter [tilespmem:s7], [sflag:$0x2], $0xC800, $0x38;
	[tilespmem:$0xCA00] =	vst v63  }
0x11: {  	s11 =	sadd.s32 $0x190, s18;
	_ =	swait.ge [sflag:s3], $0xC800  }
0x12: {  	s28 =	sshrl.u32 s11, $0x3;
	[sflag:s3] =	ssyncset.done $0x0  }
0x13: {  	s10 =	sadd.s32 s16, s28;
	[sflag:s3] =	ssyncadd.s32 $0xFFFF3800  }
0x14: {  	[tilespmem:s2], [sflag:$0x2] =	stream.linear.gather [hbm4b:s10+s2], $0x190, $0x38;
	[tilespmem:$0xCA00] =	vst v63  }
0x15: {  	_ =	swait.ge [sflag:s3], $0x190  }
0x16: {  	[sflag:s3] =	ssyncset.done $0x0  }
0x17: {  	[sflag:s3] =	ssyncadd.s32 $0xFFFFFE70  }
0x18: {  	[tilespmem:s7], [sflag:$0x1] =	stream.indirect.gather [hbm4b:s5+s6], $0x80, s2, s6, $0xb8;
	[tilespmem:$0xCA00] =	vst v63  }
0x19: {  	_ =	swait.ge [sflag:s8], $0xC800  }
0x1a: {  	s11 =	sshll.u32 s11, $0x4;
	[sflag:s8] =	ssyncset.done $0x0  }
0x1b: {  	s11 =	sadd.s32 s19, s11;
	[sflag:s8] =	ssyncadd.s32 $0xFFFF3800  }
0x1c: {  	[hbm4b:s11+s2] =	stream.linear.scatter [tilespmem:s7], [sflag:$0x2], $0xC800, $0x38;
	[tilespmem:$0xCA00] =	vst v63  }
0x1d: {  	s13 =	sadd.s32 $0x320, s18;
	_ =	swait.ge [sflag:s3], $0xC800  }
0x1e: {  	s12 =	sshrl.u32 s13, $0x3;
	[sflag:s3] =	ssyncset.done $0x0  }
0x1f: {  	s12 =	sadd.s32 s16, s12;
	[sflag:s3] =	ssyncadd.s32 $0xFFFF3800  }
0x20: {  	[tilespmem:s2], [sflag:$0x2] =	stream.linear.gather [hbm4b:s12+s2], $0x190, $0x38;
	[tilespmem:$0xCA00] =	vst v63  }
0x21: {  	_ =	swait.ge [sflag:s3], $0x190  }
0x22: {  	[sflag:s3] =	ssyncset.done $0x0  }
0x23: {  	[sflag:s3] =	ssyncadd.s32 $0xFFFFFE70  }
0x24: {  	[tilespmem:s7], [sflag:$0x1] =	stream.indirect.gather [hbm4b:s5+s6], $0x80, s2, s6, $0xb8;
	[tilespmem:$0xCA00] =	vst v63  }
0x25: {  	_ =	swait.ge [sflag:s8], $0xC800  }
0x26: {  	s13 =	sshll.u32 s13, $0x4;
	[sflag:s8] =	ssyncset.done $0x0  }
0x27: {  	s13 =	sadd.s32 s19, s13;
	[sflag:s8] =	ssyncadd.s32 $0xFFFF3800  }
0x28: {  	[hbm4b:s13+s2] =	stream.linear.scatter [tilespmem:s7], [sflag:$0x2], $0xC800, $0x38;
	[tilespmem:$0xCA00] =	vst v63  }
0x29: {  	s15 =	sadd.s32 $0x4B0, s18;
	_ =	swait.ge [sflag:s3], $0xC800  }
0x2a: {  	s14 =	sshrl.u32 s15, $0x3;
	[sflag:s3] =	ssyncset.done $0x0  }
0x2b: {  	s14 =	sadd.s32 s16, s14;
	[sflag:s3] =	ssyncadd.s32 $0xFFFF3800  }
0x2c: {  	[tilespmem:s2], [sflag:$0x2] =	stream.linear.gather [hbm4b:s14+s2], $0x190, $0x38;
	[tilespmem:$0xCA00] =	vst v63  }
0x2d: {  	_ =	swait.ge [sflag:s3], $0x190  }
0x2e: {  	[sflag:s3] =	ssyncset.done $0x0  }
0x2f: {  	[sflag:s3] =	ssyncadd.s32 $0xFFFFFE70  }
0x30: {  	[tilespmem:s7], [sflag:$0x1] =	stream.indirect.gather [hbm4b:s5+s6], $0x80, s2, s6, $0xb8;
	[tilespmem:$0xCA00] =	vst v63  }
0x31: {  	_ =	swait.ge [sflag:s8], $0xC800  }
0x32: {  	s15 =	sshll.u32 s15, $0x4;
	[sflag:s8] =	ssyncset.done $0x0  }
0x33: {  	s15 =	sadd.s32 s19, s15;
	[sflag:s8] =	ssyncadd.s32 $0xFFFF3800  }
0x34: {  	[hbm4b:s15+s2] =	stream.linear.scatter [tilespmem:s7], [sflag:$0x2], $0xC800, $0x38;
	[tilespmem:$0xCA00] =	vst v63  }
0x35: {  	s18 =	sadd.s32 $0x640, s18;
	_ =	swait.ge [sflag:s3], $0xC800  }
0x36: {  	s20 =	sshrl.u32 s18, $0x3;
	[sflag:s3] =	ssyncset.done $0x0  }
0x37: {  	s17 =	ssub.s32 $0x2, s17;
	s16 =	sadd.s32 s16, s20;
	[sflag:s3] =	ssyncadd.s32 $0xFFFF3800  }
0x38: {  	[tilespmem:s2], [sflag:$0x2] =	stream.linear.gather [hbm4b:s16+s2], $0x190, $0x38;
	[tilespmem:$0xCA00] =	vst v63  }
0x39: {  	s29 =	sshrl.u32 s17, $0x1;
	_ =	swait.ge [sflag:s3], $0x190  }
0x3a: {  	s20 =	ssub.s32 s17, s29;
	[sflag:s3] =	ssyncset.done $0x0  }
0x3b: {  	s31 =	smax.u32 s20, $0x1;
	[sflag:s3] =	ssyncadd.s32 $0xFFFFFE70  }
0x3c: {  	[tilespmem:s7], [sflag:$0x1] =	stream.indirect.gather [hbm4b:s5+s6], $0x80, s2, s6, $0xb8;
	[tilespmem:$0xCA00] =	vst v63  }
0x3d: {  	p0 =	sne.s32 s31, $0x1;
	_ =	swait.ge [sflag:s8], $0xC800  }
.Ltmp0:
0x3e: {  	s30 =	sshll.u32 s18, $0x4;
	[sflag:s8] =	ssyncset.done $0x0;
	(pc) =	sbr.rel @!p0 .LBB2_2-.Ltmp0, $4  }
0x3f: {  	s17 =	sadd.s32 s19, s30;
	[sflag:s8] =	ssyncadd.s32 $0xFFFF3800  }
0x40: {  	[hbm4b:s17+s2] =	stream.linear.scatter [tilespmem:s7], [sflag:$0x2], $0xC800, $0x38;
	[tilespmem:$0xCA00] =	vst v63  }
0x41: {  	_ =	swait.ge [sflag:s3], $0xC800  }
0x42: {  	s18 =	sadd.s32 $0xFFFFFFFF, s31;
	[sflag:s3] =	ssyncset.done $0x0  }
.LBB2_1:
0x43: {  	p0 =	sne.s32 s18, $0x1;
	s18 =	sadd.s32 $0xFFFFFFFF, s18;
	[sflag:s3] =	ssyncadd.s32 $0xFFFF3800  }
0x44: {  	[tilespmem:s2], [sflag:$0x2] =	stream.linear.gather [hbm4b:s4+s2], $0x190, $0x38;
	[tilespmem:$0xCA00] =	vst v63  }
0x45: {  	_ =	swait.ge [sflag:s3], $0x190  }
0x46: {  	[sflag:s3] =	ssyncset.done $0x0  }
0x47: {  	[sflag:s3] =	ssyncadd.s32 $0xFFFFFE70  }
0x48: {  	[tilespmem:s7], [sflag:$0x1] =	stream.indirect.gather [hbm4b:s5+s6], $0x80, s2, s6, $0xb8;
	[tilespmem:$0xCA00] =	vst v63  }
0x49: {  	_ =	swait.ge [sflag:s8], $0xC800  }
0x4a: {  	[sflag:s8] =	ssyncset.done $0x0  }
0x4b: {  	[sflag:s8] =	ssyncadd.s32 $0xFFFF3800  }
0x4c: {  	[hbm4b:s9+s2] =	stream.linear.scatter [tilespmem:s7], [sflag:$0x2], $0xC800, $0x38;
	[tilespmem:$0xCA00] =	vst v63  }
0x4d: {  	_ =	swait.ge [sflag:s3], $0xC800  }
0x4e: {  	[sflag:s3] =	ssyncset.done $0x0  }
0x4f: {  	[sflag:s3] =	ssyncadd.s32 $0xFFFF3800  }
0x50: {  	[tilespmem:s2], [sflag:$0x2] =	stream.linear.gather [hbm4b:s10+s2], $0x190, $0x38;
	[tilespmem:$0xCA00] =	vst v63  }
0x51: {  	_ =	swait.ge [sflag:s3], $0x190  }
0x52: {  	[sflag:s3] =	ssyncset.done $0x0  }
0x53: {  	[sflag:s3] =	ssyncadd.s32 $0xFFFFFE70  }
0x54: {  	[tilespmem:s7], [sflag:$0x1] =	stream.indirect.gather [hbm4b:s5+s6], $0x80, s2, s6, $0xb8;
	[tilespmem:$0xCA00] =	vst v63  }
0x55: {  	_ =	swait.ge [sflag:s8], $0xC800  }
0x56: {  	[sflag:s8] =	ssyncset.done $0x0  }
0x57: {  	[sflag:s8] =	ssyncadd.s32 $0xFFFF3800  }
0x58: {  	[hbm4b:s11+s2] =	stream.linear.scatter [tilespmem:s7], [sflag:$0x2], $0xC800, $0x38;
	[tilespmem:$0xCA00] =	vst v63  }
0x59: {  	_ =	swait.ge [sflag:s3], $0xC800  }
0x5a: {  	[sflag:s3] =	ssyncset.done $0x0  }
0x5b: {  	[sflag:s3] =	ssyncadd.s32 $0xFFFF3800  }
0x5c: {  	[tilespmem:s2], [sflag:$0x2] =	stream.linear.gather [hbm4b:s12+s2], $0x190, $0x38;
	[tilespmem:$0xCA00] =	vst v63  }
0x5d: {  	_ =	swait.ge [sflag:s3], $0x190  }
0x5e: {  	[sflag:s3] =	ssyncset.done $0x0  }
0x5f: {  	[sflag:s3] =	ssyncadd.s32 $0xFFFFFE70  }
0x60: {  	[tilespmem:s7], [sflag:$0x1] =	stream.indirect.gather [hbm4b:s5+s6], $0x80, s2, s6, $0xb8;
	[tilespmem:$0xCA00] =	vst v63  }
0x61: {  	_ =	swait.ge [sflag:s8], $0xC800  }
0x62: {  	[sflag:s8] =	ssyncset.done $0x0  }
0x63: {  	[sflag:s8] =	ssyncadd.s32 $0xFFFF3800  }
0x64: {  	[hbm4b:s13+s2] =	stream.linear.scatter [tilespmem:s7], [sflag:$0x2], $0xC800, $0x38;
	[tilespmem:$0xCA00] =	vst v63  }
0x65: {  	_ =	swait.ge [sflag:s3], $0xC800  }
0x66: {  	[sflag:s3] =	ssyncset.done $0x0  }
0x67: {  	[sflag:s3] =	ssyncadd.s32 $0xFFFF3800  }
0x68: {  	[tilespmem:s2], [sflag:$0x2] =	stream.linear.gather [hbm4b:s14+s2], $0x190, $0x38;
	[tilespmem:$0xCA00] =	vst v63  }
0x69: {  	_ =	swait.ge [sflag:s3], $0x190  }
0x6a: {  	[sflag:s3] =	ssyncset.done $0x0  }
0x6b: {  	[sflag:s3] =	ssyncadd.s32 $0xFFFFFE70  }
0x6c: {  	[tilespmem:s7], [sflag:$0x1] =	stream.indirect.gather [hbm4b:s5+s6], $0x80, s2, s6, $0xb8;
	[tilespmem:$0xCA00] =	vst v63  }
0x6d: {  	_ =	swait.ge [sflag:s8], $0xC800  }
0x6e: {  	[sflag:s8] =	ssyncset.done $0x0  }
0x6f: {  	[sflag:s8] =	ssyncadd.s32 $0xFFFF3800  }
0x70: {  	[hbm4b:s15+s2] =	stream.linear.scatter [tilespmem:s7], [sflag:$0x2], $0xC800, $0x38;
	[tilespmem:$0xCA00] =	vst v63  }
0x71: {  	_ =	swait.ge [sflag:s3], $0xC800  }
0x72: {  	[sflag:s3] =	ssyncset.done $0x0  }
0x73: {  	[sflag:s3] =	ssyncadd.s32 $0xFFFF3800  }
0x74: {  	[tilespmem:s2], [sflag:$0x2] =	stream.linear.gather [hbm4b:s16+s2], $0x190, $0x38;
	[tilespmem:$0xCA00] =	vst v63  }
0x75: {  	_ =	swait.ge [sflag:s3], $0x190  }
0x76: {  	[sflag:s3] =	ssyncset.done $0x0  }
0x77: {  	[sflag:s3] =	ssyncadd.s32 $0xFFFFFE70  }
0x78: {  	[tilespmem:s7], [sflag:$0x1] =	stream.indirect.gather [hbm4b:s5+s6], $0x80, s2, s6, $0xb8;
	[tilespmem:$0xCA00] =	vst v63  }
0x79: {  	_ =	swait.ge [sflag:s8], $0xC800  }
.Ltmp1:
0x7a: {  	[sflag:s8] =	ssyncset.done $0x0;
	(pc) =	sbr.rel @p0 .LBB2_1-.Ltmp1, $4  }
0x7b: {  	[sflag:s8] =	ssyncadd.s32 $0xFFFF3800  }
0x7c: {  	[hbm4b:s17+s2] =	stream.linear.scatter [tilespmem:s7], [sflag:$0x2], $0xC800, $0x38;
	[tilespmem:$0xCA00] =	vst v63  }
0x7d: {  	_ =	swait.ge [sflag:s3], $0xC800  }
0x7e: {  	[sflag:s3] =	ssyncset.done $0x0  }
.LBB2_2:
0x7f: {  	[sflag:s3] =	ssyncadd.s32 $0xFFFF3800  }
0x80: {  	_ =	sfence.sel $0x180000  }
0x81: {  	[bflag:$0x0] =	sbarrier.arrive $0xFFFF  }
0x82: {  	p0 =	sne.s32 s0, $0x0;
	_ =	strace $0x9000005F  }
0x83: {  	s0 =	sadd.s32 @!p0 $0x100000, s1;
	[bflag:$0x2] =	sbarrier.arrive $0xFFFF  }
0x84: {  	[sflag:s0] =	ssyncadd.tile.s32 @!p0 $0x1;
	_ =	shalt  }
.Lfunc_end2:
_tile_overlayer_lowered:
.L_overlay_start_2:
0x85: {  	(tag) =	ssettag $0x2  }
0x86: {  	s0 =	rddreg [dreg:$0x0];
	s2 =	stileid.u32  }
0x87: {  	s1 =	rddreg [dreg:$0x1];
	p0 =	sne.s32 s2, $0x0  }
0x88: {  	s3 =	rddreg [dreg:$0x2];
	[bflag:$0x3] =	sbarrier.arrive $0xFFFF;
	s2 =	simm.s32 @!p0 $0x1C02  }
0x89: {  	[timem:s3], [sflag:s2] =	dma.local @!p0 [hbm:s0], s1  }
0x8a: {  	s0 =	simm.s32 @!p0 $0x2  }
0x8b: {  	_ =	swait.ge @!p0 [sflag:s0], s1  }
0x8c: {  	s1 =	ssub.s32 @!p0 $0x0, s1;
	[sflag:s0] =	ssyncset.done @!p0 $0x0  }
0x8d: {  	[sflag:s0] =	ssyncadd.s32 @!p0 s1  }
0x8e: {  	[bflag:$0x3] =	sbarrier.arrive $0xFFFF  }
0x8f: {  	_ =	shalt  }

// kernel: kernel.44.cloned.1.call-start
scs
__scs_entry_jumppad:
0x0: {  	(pc) =	sbr.rel $0x88, $3  }
0x1: {  	(tag) =	ssettag $0x0;
	lr =	simm.s32 $0x1  }
0x2: {  	[smem:$0x3F8D] =	sst lr;
	_ =	strace $0xD0000000  }
0x3: {  	_ = 	snop  }
0x4: {  	_ = 	snop  }
0x5: {  	_ = 	snop  }
0x6: {  	_ = 	snop  }
0x7: {  	_ = 	snop  }
__scs_overlays_trampoline_lowered:
0x8: {  	[smem:$0x3F9C] =	sst s0  }
0x9: {  	[smem:$0x3F9D] =	sst s1  }
0xa: {  	[smem:$0x3F9E] =	sst s2  }
0xb: {  	[smem:$0x3F9F] =	sst s3  }
0xc: {  	[smem:$0x3FA0] =	sst s4  }
0xd: {  	[smem:$0x3FA1] =	sst s5  }
0xe: {  	[smem:$0x3FA2] =	sst s6  }
0xf: {  	[smem:$0x3FA3] =	sst s7  }
0x10: {  	[smem:$0x3FA4] =	sst s8  }
0x11: {  	[smem:$0x3FA5] =	sst s9;
	s0 =	simm.s32 @!p0 $0x0  }
0x12: {  	s1 =	sld [smem:$0x3F8B];
	s0 =	simm.s32 @p0 $0x1  }
0x13: {  	[smem:$0x3FA6] =	sst s0;
	s0 =	simm.s32 @!p1 $0x0  }
0x14: {  	s2 =	sld [smem:$0x3F8A];
	s0 =	simm.s32 @p1 $0x1  }
0x15: {  	[smem:$0x3FA7] =	sst s0;
	s0 =	simm.s32 @!p2 $0x0  }
0x16: {  	s3 =	sld [smem:$0x3FDB];
	s0 =	simm.s32 @p2 $0x1  }
0x17: {  	s4 =	simm.s32 $0x1BF5;
	[smem:$0x3FA9] =	sst s0  }
0x18: {  	s0 =	sld [smem:$0x3F8C];
	_ =	swait.ge [sflag:s4], $0x0  }
0x19: {  	s7 =	sld [smem:$0x3F8D]  }
0x1a: {  	s8 =	sadd.s32 $0xFFFFE003, lr  }
0x1b: {  	s9 =	sadd.s32 $0xFFFFFEF7, lr;
	s5 =	simm.s32 $0xFFFFFFFF;
	p2 =	slt.u32 s8, $0xFFFFF086  }
0x1c: {  	p1 =	slt.u32 s9, $0xF7A;
	s5 =	simm.s32 @!p2 $0x0  }
0x1d: {  	s5 =	simm.s32 @p1 $0x1;
	p0 =	seq.s32 s7, s2  }
0x1e: {  	s7 =	smul.u32 @!p0 $0xF7A, s2;
	p2 =	seq.s32 @!p0 s5, $0x0  }
0x1f: {  	s9 =	smul.u32 $0xF7A, s1;
	s8 =	simm.s32 @!p0 $0x1BF5;
	p2 =	por !p2, p0  }
0x20: {  	[sflag:s8] =	ssyncset.s32 @!p0 $0xFFFFF086;
	s6 =	sadd.s32 @!p0 s3, s7;
	s7 =	simm.s32 @!p0 $0x108  }
0x21: {  	s3 =	sadd.s32 s3, s9;
	s6 =	sadd.s32 @!p0 $0x88, s6;
	s7 =	simm.s32 @p2 $0x1082  }
0x22: {  	[simem:s7], [sflag:s8] =	dma.local @!p0 [hbm:s6], $0xF7A  }
0x23: {  	s9 =	sor.u32 $0xD0000000, s2;
	s6 =	simm.s32 $0x108;
	_ =	swait.ge @!p0 [sflag:s8], $0x0  }
0x24: {  	s3 =	sadd.s32 $0x88, s3;
	s6 =	simm.s32 @!p1 $0x1082;
	[sflag:s4] =	ssyncset.s32 $0xFFFFF086  }
0x25: {  	[simem:s6], [sflag:s4] =	dma.local [hbm:s3], $0xF7A  }
0x26: {  	[smem:$0x3F8D] =	sst s1;
	(tag) =	ssettag s2;
	_ =	strace s9  }
0x27: {  	s1 =	sld [smem:$0x3F9D]  }
0x28: {  	s2 =	sld [smem:$0x3F9E]  }
0x29: {  	s4 =	sld [smem:$0x3FA0]  }
0x2a: {  	p0 =	seq.s32 s5, $0x0;
	s5 =	sld [smem:$0x3FA1]  }
0x2b: {  	s6 =	sld [smem:$0x3FA2]  }
0x2c: {  	s7 =	sld [smem:$0x3FA3]  }
0x2d: {  	s3 =	simm.s32 $0x108;
	s8 =	sld [smem:$0x3FA4]  }
0x2e: {  	s3 =	simm.s32 @!p0 $0x1082;
	s9 =	sld [smem:$0x3FA5]  }
0x2f: {  	lr =	sadd.s32 s0, s3;
	s0 =	sld [smem:$0x3F9C]  }
0x30: {  	s3 =	sld [smem:$0x3F9F]  }
0x31: {  	[smem:$0x3FA8] =	sst s10  }
0x32: {  	s10 =	sld [smem:$0x3FA6];
	_ =	sdelay $0x3  }
0x33: {  	p0 =	seq.s32 s10, $0x1;
	s10 =	sld [smem:$0x3FA8];
	_ =	sdelay $0x3  }
0x34: {  	[smem:$0x3FA8] =	sst s10  }
0x35: {  	s10 =	sld [smem:$0x3FA7];
	_ =	sdelay $0x3  }
0x36: {  	p1 =	seq.s32 s10, $0x1;
	s10 =	sld [smem:$0x3FA8];
	_ =	sdelay $0x3  }
0x37: {  	[smem:$0x3FA8] =	sst s10  }
0x38: {  	s10 =	sld [smem:$0x3FA9]  }
0x39: {  	_ = 	snop;
	(pc) =	sbr.ind lr, $3  }
0x3a: {  	_ = 	snop  }
0x3b: {  	_ = 	snop  }
0x3c: {  	p2 =	seq.s32 s10, $0x1;
	s10 =	sld [smem:$0x3FA8]  }
0x3d: {  	_ =	shalt  }
0x3e: {  	_ =	shalt  }
0x3f: {  	_ =	shalt  }
0x40: {  	_ =	shalt  }
0x41: {  	_ =	shalt  }
0x42: {  	_ =	shalt  }
0x43: {  	_ =	shalt  }
0x44: {  	_ =	shalt  }
0x45: {  	_ =	shalt  }
0x46: {  	_ =	shalt  }
0x47: {  	_ =	shalt  }
0x48: {  	_ =	shalt  }
0x49: {  	_ =	shalt  }
0x4a: {  	_ =	shalt  }
0x4b: {  	_ =	shalt  }
0x4c: {  	_ =	shalt  }
0x4d: {  	_ =	shalt  }
0x4e: {  	_ =	shalt  }
0x4f: {  	_ =	shalt  }
0x50: {  	_ =	shalt  }
0x51: {  	_ =	shalt  }
0x52: {  	_ =	shalt  }
0x53: {  	_ =	shalt  }
0x54: {  	_ =	shalt  }
0x55: {  	_ =	shalt  }
0x56: {  	_ =	shalt  }
0x57: {  	_ =	shalt  }
0x58: {  	_ =	shalt  }
0x59: {  	_ =	shalt  }
0x5a: {  	_ =	shalt  }
0x5b: {  	_ =	shalt  }
0x5c: {  	_ =	shalt  }
0x5d: {  	_ =	shalt  }
0x5e: {  	_ =	shalt  }
0x5f: {  	_ =	shalt  }
0x60: {  	_ =	shalt  }
0x61: {  	_ =	shalt  }
0x62: {  	_ =	shalt  }
0x63: {  	_ =	shalt  }
0x64: {  	_ =	shalt  }
0x65: {  	_ =	shalt  }
0x66: {  	_ =	shalt  }
0x67: {  	_ =	shalt  }
0x68: {  	_ =	shalt  }
0x69: {  	_ =	shalt  }
0x6a: {  	_ =	shalt  }
0x6b: {  	_ =	shalt  }
0x6c: {  	_ =	shalt  }
0x6d: {  	_ =	shalt  }
0x6e: {  	_ =	shalt  }
0x6f: {  	_ =	shalt  }
0x70: {  	_ =	shalt  }
0x71: {  	_ =	shalt  }
0x72: {  	_ =	shalt  }
0x73: {  	_ =	shalt  }
0x74: {  	_ =	shalt  }
0x75: {  	_ =	shalt  }
0x76: {  	_ =	shalt  }
0x77: {  	_ =	shalt  }
0x78: {  	_ =	shalt  }
0x79: {  	_ =	shalt  }
0x7a: {  	_ =	shalt  }
0x7b: {  	_ =	shalt  }
0x7c: {  	_ =	shalt  }
0x7d: {  	_ =	shalt  }
0x7e: {  	_ =	shalt  }
0x7f: {  	_ =	shalt  }
0x80: {  	_ =	shalt  }
0x81: {  	_ =	shalt  }
0x82: {  	_ =	shalt  }
0x83: {  	_ =	shalt  }
0x84: {  	_ =	shalt  }
0x85: {  	_ =	shalt  }
0x86: {  	_ =	shalt  }
0x87: {  	_ =	shalt  }
.Lfunc_end0:
.L_simem_size_0:
called_computation.7_lowered:
.L_overlay_start_0:
0x88: {  	s2 =	sld [smem:$0x3FD9]  }
0x89: {  	s3 =	sld [smem:$0x3FFE];
	_ =	sdelay $0x1  }
0x8a: {  	s1 =	srdreg.scid  }
0x8b: {  	s0 =	sand.u32 $0x1, s1  }
0x8c: {  	s17 =	sshll.u32 s0, $0xA;
	s2 =	sadd.s32 s3, s2  }
0x8d: {  	s2 =	sadd.s32 s2, s17  }
0x8e: {  	[smem:$0x3FB4] =	sst s2  }
0x8f: {  	_ = 	snop  }
0x90: {  	(tm) =	ssettm $0x1  }
0x91: {  	s18 =	sld [smem:$0x3FFB];
	_ =	sdelay $0x3  }
0x92: {  	_ =	strace s18  }
0x93: {  	s2 =	sld [smem:$0x3FFC];
	_ =	sdelay $0x3  }
0x94: {  	_ =	strace s2  }
0x95: {  	s2 =	sld [smem:$0x3FFD];
	_ =	sdelay $0x3  }
0x96: {  	_ =	strace s2  }
0x97: {  	_ =	strace $0x8FFFFFFF  }
0x98: {  	s19 =	sld [smem:$0x3FDB];
	_ =	sdelay $0x1  }
0x99: {  	s20 =	simm.s32 $_scs_section_size  }
0x9a: {  	s4 =	simm.s32 $_size__tile_overlayer_lowered;
	s5 =	simm.s32 $_tile_overlayer_lowered  }
0x9b: {  	s6 =	simm.s32 $0x1BFF;
	s21 =	sshll.u32 s5, $0x1;
	s3 =	sadd.s32 s20, s19  }
0x9c: {  	s22 =	simm.s32 $0x0;
	s4 =	sshll.u32 s4, $0x1;
	s5 =	sadd.s32 s21, s3  }
0x9d: {  	[timem:s22], [sflag:s6] =	dma.local [hbm:s5], s4  }
0x9e: {  	_ =	swait.ge [sflag:s6], s4  }
0x9f: {  	s4 =	ssub.s32 $0x0, s4;
	[sflag:s6] =	ssyncset.done $0x0  }
0xa0: {  	[sflag:s6] =	ssyncadd.s32 s4;
	_ =	sdelay $0x1  }
0xa1: {  	s23 =	simm.s32 $0x1B8B  }
0xa2: {  	_ =	swait.ge [sflag:s23], $0x1  }
0xa3: {  	[sflag:s23] =	ssyncset.done $0x0  }
0xa4: {  	[sflag:s23] =	ssyncadd.s32 $0xFFFFFFFF  }
0xa5: {  	s4 =	sld [smem:$0x0]  }
0xa6: {  	s5 =	sand.u32 $0xFFFFFFFE, s1  }
0xa7: {  	p0 =	sne.s32 s1, s5  }
0xa8: {  	s5 =	sshll.u32 @p0 s5, $0xE  }
0xa9: {  	s5 =	sadd.s32 @p0 $0x11B8D, s5;
	s6 =	sshll.u32 @p0 s4, $0x11  }
0xaa: {  	s5 =	sor.u32 @p0 s6, s5  }
0xab: {  	[sflag:s5] =	ssyncadd.remote.s32 @p0 $0x1;
	_ =	sdelay $0x1  }
0xac: {  	s5 =	simm.s32 @p0 $0x1B8D  }
0xad: {  	_ =	swait.eq @p0 [sflag:s5], $0x1  }
0xae: {  	[sflag:s5] =	ssyncadd.s32 @p0 $0xFFFFFFFF  }
0xaf: {  	s6 =	sshll.u32 @!p0 s1, $0xE  }
0xb0: {  	s6 =	sor.u32 @!p0 $0x4000, s6;
	s5 =	simm.s32 @!p0 $0x1B8D  }
0xb1: {  	s4 =	sshll.u32 @!p0 s4, $0x11;
	s6 =	sadd.s32 @!p0 $0x11B8D, s6;
	_ =	swait.eq @!p0 [sflag:s5], $0x1  }
0xb2: {  	s4 =	sor.u32 @!p0 s4, s6;
	[sflag:s5] =	ssyncadd.s32 @!p0 $0xFFFFFFFF  }
0xb3: {  	s25 =	simm.s32 $0x1B8E;
	s24 =	sld [smem:$0x3FFE];
	[sflag:s4] =	ssyncadd.remote.s32 @!p0 $0x1  }
0xb4: {  	s26 =	simm.s32 $execute0_lowered;
	[smem:$0x3FD2] =	sst s25  }
0xb5: {  	s5 =	sshll.u32 s26, $0x1;
	_ =	strace $0x8000005B;
	[dreg:$0x1] =	wrdreg $0xFFFFFFFF  }
0xb6: {  	s28 =	simm.s32 $_size_execute0_lowered;
	s3 =	sadd.s32 s3, s5;
	[dreg:$0x0] =	wrdreg $0x0  }
0xb7: {  	s5 =	sshll.u32 s28, $0x1;
	[dreg:$0x2] =	wrdreg s3  }
0xb8: {  	[dreg:$0x3] =	wrdreg s5  }
0xb9: {  	[dreg:$0x4] =	wrdreg $0xC0  }
0xba: {  	_ =	task [dreg:s22], $0x5FFFF  }
0xbb: {  	[dreg:$0x1] =	wrdreg $0xFFFFFFFF  }
0xbc: {  	[dreg:$0x0] =	wrdreg $0x60  }
0xbd: {  	[dreg:$0x2] =	wrdreg s24  }
0xbe: {  	[dreg:$0x3] =	wrdreg $0xB  }
0xbf: {  	_ =	task.clear_ibuf [dreg:s22], $0x4FFFF;
	_ =	strace $0x9000005B  }
0xc0: {  	s29 =	simm.s32 $0xB;
	_ =	strace $0x8000005D  }
0xc1: {  	_ =	swait.ge [sflag:s29], $0x1  }
0xc2: {  	[sflag:s29] =	ssyncadd.s32 $0xFFFFFFFF  }
0xc3: {  	_ =	strace $0x9000005D  }
0xc4: {  	_ =	sfence  }
0xc5: {  	s30 =	sld [smem:$0x0];
	_ =	sdelay $0x2  }
0xc6: {  	s31 =	sshll.u32 s1, $0xD;
	s1 =	sshrl.u32 s1, $0x2  }
0xc7: {  	s4 =	sand.u32 $0x4000, s31;
	s1 =	sadd.s32 s1, s30  }
0xc8: {  	s0 =	sor.u32 s4, s0;
	s1 =	sshll.u32 s1, $0x11  }
0xc9: {  	s0 =	sor.u32 s1, s0  }
0xca: {  	s0 =	sadd.s32 $0x8F2B, s0  }
0xcb: {  	[sflag:s0] =	ssyncadd.remote.s32 $0x1  }
0xcc: {  	_ =	sfence.sel $0xFFFF  }
0xcd: {  	[dreg:$0x0] =	wrdreg $0xFFFFFFFF;
	(pc) =	sbr.abs _section_cstart, $3  }
0xce: {  	[dreg:$0x1] =	wrdreg $0xFFFFFFFF  }
0xcf: {  	_ =	task.clear_ibuf [dreg:s22], $0x2FFFF;
	_ =	strace $0x9FFFFFFF  }
0xd0: {  	(tm) =	ssettm $0x7FFFFFFF  }
0xd1: {  	_ =	shalt  }
tec
execute0_lowered:
.L_overlay_start_1:
0x0: {  	(tag) =	ssettag $0x1  }
0x1: {  	s1 =	srdreg.scid;
	s0 =	stileid.u32  }
0x2: {  	s17 =	sand.u32 $0x1, s1;
	s26 =	sshll.u32 s0, $0x1  }
0x3: {  	s9 =	sor.u32 s17, s26  }
0x4: {  	s10 =	rddreg [dreg:$0x0];
	s18 =	smul.u32 $0x7D0, s9  }
0x5: {  	s2 =	simm.s32 $0x0;
	s1 =	rddreg [dreg:$0x1]  }
0x6: {  	[smem:$0x7FF] =	sst s2;
	s16 =	sadd.s32 $0x201A00, s10;
	s3 =	sshrl.u32 s18, $0x3  }
0x7: {  	_ =	strace $0x8000005C;
	s4 =	sadd.s32 s16, s3;
	s3 =	simm.s32 $0x2  }
0x8: {  	[tilespmem:s2], [sflag:$0x2] =	stream.linear.gather [hbm4b:s4+s2], $0x190, $0x38;
	[tilespmem:$0xCA00] =	vst v63  }
0x9: {  	_ =	swait.ge [sflag:s3], $0x190  }
0xa: {  	s6 =	simm.s32 $0x190;
	s7 =	simm.s32 $0x200;
	[sflag:s3] =	ssyncset.done $0x0  }
0xb: {  	s8 =	simm.s32 $0x1;
	s5 =	sadd.s32 $0x33000, s10;
	[sflag:s3] =	ssyncadd.s32 $0xFFFFFE70  }
0xc: {  	[tilespmem:s7], [sflag:$0x1] =	stream.indirect.gather [hbm4b:s5+s6], $0x80, s2, s6, $0xb8;
	[tilespmem:$0xCA00] =	vst v63  }
0xd: {  	s9 =	smul.u32 $0x7D00, s9;
	_ =	swait.ge [sflag:s8], $0xC800  }
0xe: {  	s19 =	sadd.s32 $0x2FFA00, s10;
	[sflag:s8] =	ssyncset.done $0x0  }
0xf: {  	s9 =	sadd.s32 s19, s9;
	[sflag:s8] =	ssyncadd.s32 $0xFFFF3800  }
0x10: {  	[hbm4b:s9+s2] =	stream.linear.scatter [tilespmem:s7], [sflag:$0x2], $0xC800, $0x38;
	[tilespmem:$0xCA00] =	vst v63  }
0x11: {  	s11 =	sadd.s32 $0x190, s18;
	_ =	swait.ge [sflag:s3], $0xC800  }
0x12: {  	s28 =	sshrl.u32 s11, $0x3;
	[sflag:s3] =	ssyncset.done $0x0  }
0x13: {  	s10 =	sadd.s32 s16, s28;
	[sflag:s3] =	ssyncadd.s32 $0xFFFF3800  }
0x14: {  	[tilespmem:s2], [sflag:$0x2] =	stream.linear.gather [hbm4b:s10+s2], $0x190, $0x38;
	[tilespmem:$0xCA00] =	vst v63  }
0x15: {  	_ =	swait.ge [sflag:s3], $0x190  }
0x16: {  	[sflag:s3] =	ssyncset.done $0x0  }
0x17: {  	[sflag:s3] =	ssyncadd.s32 $0xFFFFFE70  }
0x18: {  	[tilespmem:s7], [sflag:$0x1] =	stream.indirect.gather [hbm4b:s5+s6], $0x80, s2, s6, $0xb8;
	[tilespmem:$0xCA00] =	vst v63  }
0x19: {  	_ =	swait.ge [sflag:s8], $0xC800  }
0x1a: {  	s11 =	sshll.u32 s11, $0x4;
	[sflag:s8] =	ssyncset.done $0x0  }
0x1b: {  	s11 =	sadd.s32 s19, s11;
	[sflag:s8] =	ssyncadd.s32 $0xFFFF3800  }
0x1c: {  	[hbm4b:s11+s2] =	stream.linear.scatter [tilespmem:s7], [sflag:$0x2], $0xC800, $0x38;
	[tilespmem:$0xCA00] =	vst v63  }
0x1d: {  	s13 =	sadd.s32 $0x320, s18;
	_ =	swait.ge [sflag:s3], $0xC800  }
0x1e: {  	s12 =	sshrl.u32 s13, $0x3;
	[sflag:s3] =	ssyncset.done $0x0  }
0x1f: {  	s12 =	sadd.s32 s16, s12;
	[sflag:s3] =	ssyncadd.s32 $0xFFFF3800  }
0x20: {  	[tilespmem:s2], [sflag:$0x2] =	stream.linear.gather [hbm4b:s12+s2], $0x190, $0x38;
	[tilespmem:$0xCA00] =	vst v63  }
0x21: {  	_ =	swait.ge [sflag:s3], $0x190  }
0x22: {  	[sflag:s3] =	ssyncset.done $0x0  }
0x23: {  	[sflag:s3] =	ssyncadd.s32 $0xFFFFFE70  }
0x24: {  	[tilespmem:s7], [sflag:$0x1] =	stream.indirect.gather [hbm4b:s5+s6], $0x80, s2, s6, $0xb8;
	[tilespmem:$0xCA00] =	vst v63  }
0x25: {  	_ =	swait.ge [sflag:s8], $0xC800  }
0x26: {  	s13 =	sshll.u32 s13, $0x4;
	[sflag:s8] =	ssyncset.done $0x0  }
0x27: {  	s13 =	sadd.s32 s19, s13;
	[sflag:s8] =	ssyncadd.s32 $0xFFFF3800  }
0x28: {  	[hbm4b:s13+s2] =	stream.linear.scatter [tilespmem:s7], [sflag:$0x2], $0xC800, $0x38;
	[tilespmem:$0xCA00] =	vst v63  }
0x29: {  	s15 =	sadd.s32 $0x4B0, s18;
	_ =	swait.ge [sflag:s3], $0xC800  }
0x2a: {  	s14 =	sshrl.u32 s15, $0x3;
	[sflag:s3] =	ssyncset.done $0x0  }
0x2b: {  	s14 =	sadd.s32 s16, s14;
	[sflag:s3] =	ssyncadd.s32 $0xFFFF3800  }
0x2c: {  	[tilespmem:s2], [sflag:$0x2] =	stream.linear.gather [hbm4b:s14+s2], $0x190, $0x38;
	[tilespmem:$0xCA00] =	vst v63  }
0x2d: {  	_ =	swait.ge [sflag:s3], $0x190  }
0x2e: {  	[sflag:s3] =	ssyncset.done $0x0  }
0x2f: {  	[sflag:s3] =	ssyncadd.s32 $0xFFFFFE70  }
0x30: {  	[tilespmem:s7], [sflag:$0x1] =	stream.indirect.gather [hbm4b:s5+s6], $0x80, s2, s6, $0xb8;
	[tilespmem:$0xCA00] =	vst v63  }
0x31: {  	_ =	swait.ge [sflag:s8], $0xC800  }
0x32: {  	s15 =	sshll.u32 s15, $0x4;
	[sflag:s8] =	ssyncset.done $0x0  }
0x33: {  	s15 =	sadd.s32 s19, s15;
	[sflag:s8] =	ssyncadd.s32 $0xFFFF3800  }
0x34: {  	[hbm4b:s15+s2] =	stream.linear.scatter [tilespmem:s7], [sflag:$0x2], $0xC800, $0x38;
	[tilespmem:$0xCA00] =	vst v63  }
0x35: {  	s18 =	sadd.s32 $0x640, s18;
	_ =	swait.ge [sflag:s3], $0xC800  }
0x36: {  	s20 =	sshrl.u32 s18, $0x3;
	[sflag:s3] =	ssyncset.done $0x0  }
0x37: {  	s17 =	ssub.s32 $0x2, s17;
	s16 =	sadd.s32 s16, s20;
	[sflag:s3] =	ssyncadd.s32 $0xFFFF3800  }
0x38: {  	[tilespmem:s2], [sflag:$0x2] =	stream.linear.gather [hbm4b:s16+s2], $0x190, $0x38;
	[tilespmem:$0xCA00] =	vst v63  }
0x39: {  	s29 =	sshrl.u32 s17, $0x1;
	_ =	swait.ge [sflag:s3], $0x190  }
0x3a: {  	s20 =	ssub.s32 s17, s29;
	[sflag:s3] =	ssyncset.done $0x0  }
0x3b: {  	s31 =	smax.u32 s20, $0x1;
	[sflag:s3] =	ssyncadd.s32 $0xFFFFFE70  }
0x3c: {  	[tilespmem:s7], [sflag:$0x1] =	stream.indirect.gather [hbm4b:s5+s6], $0x80, s2, s6, $0xb8;
	[tilespmem:$0xCA00] =	vst v63  }
0x3d: {  	p0 =	sne.s32 s31, $0x1;
	_ =	swait.ge [sflag:s8], $0xC800  }
.Ltmp0:
0x3e: {  	s30 =	sshll.u32 s18, $0x4;
	[sflag:s8] =	ssyncset.done $0x0;
	(pc) =	sbr.rel @!p0 .LBB2_2-.Ltmp0, $4  }
0x3f: {  	s17 =	sadd.s32 s19, s30;
	[sflag:s8] =	ssyncadd.s32 $0xFFFF3800  }
0x40: {  	[hbm4b:s17+s2] =	stream.linear.scatter [tilespmem:s7], [sflag:$0x2], $0xC800, $0x38;
	[tilespmem:$0xCA00] =	vst v63  }
0x41: {  	_ =	swait.ge [sflag:s3], $0xC800  }
0x42: {  	s18 =	sadd.s32 $0xFFFFFFFF, s31;
	[sflag:s3] =	ssyncset.done $0x0  }
.LBB2_1:
0x43: {  	p0 =	sne.s32 s18, $0x1;
	s18 =	sadd.s32 $0xFFFFFFFF, s18;
	[sflag:s3] =	ssyncadd.s32 $0xFFFF3800  }
0x44: {  	[tilespmem:s2], [sflag:$0x2] =	stream.linear.gather [hbm4b:s4+s2], $0x190, $0x38;
	[tilespmem:$0xCA00] =	vst v63  }
0x45: {  	_ =	swait.ge [sflag:s3], $0x190  }
0x46: {  	[sflag:s3] =	ssyncset.done $0x0  }
0x47: {  	[sflag:s3] =	ssyncadd.s32 $0xFFFFFE70  }
0x48: {  	[tilespmem:s7], [sflag:$0x1] =	stream.indirect.gather [hbm4b:s5+s6], $0x80, s2, s6, $0xb8;
	[tilespmem:$0xCA00] =	vst v63  }
0x49: {  	_ =	swait.ge [sflag:s8], $0xC800  }
0x4a: {  	[sflag:s8] =	ssyncset.done $0x0  }
0x4b: {  	[sflag:s8] =	ssyncadd.s32 $0xFFFF3800  }
0x4c: {  	[hbm4b:s9+s2] =	stream.linear.scatter [tilespmem:s7], [sflag:$0x2], $0xC800, $0x38;
	[tilespmem:$0xCA00] =	vst v63  }
0x4d: {  	_ =	swait.ge [sflag:s3], $0xC800  }
0x4e: {  	[sflag:s3] =	ssyncset.done $0x0  }
0x4f: {  	[sflag:s3] =	ssyncadd.s32 $0xFFFF3800  }
0x50: {  	[tilespmem:s2], [sflag:$0x2] =	stream.linear.gather [hbm4b:s10+s2], $0x190, $0x38;
	[tilespmem:$0xCA00] =	vst v63  }
0x51: {  	_ =	swait.ge [sflag:s3], $0x190  }
0x52: {  	[sflag:s3] =	ssyncset.done $0x0  }
0x53: {  	[sflag:s3] =	ssyncadd.s32 $0xFFFFFE70  }
0x54: {  	[tilespmem:s7], [sflag:$0x1] =	stream.indirect.gather [hbm4b:s5+s6], $0x80, s2, s6, $0xb8;
	[tilespmem:$0xCA00] =	vst v63  }
0x55: {  	_ =	swait.ge [sflag:s8], $0xC800  }
0x56: {  	[sflag:s8] =	ssyncset.done $0x0  }
0x57: {  	[sflag:s8] =	ssyncadd.s32 $0xFFFF3800  }
0x58: {  	[hbm4b:s11+s2] =	stream.linear.scatter [tilespmem:s7], [sflag:$0x2], $0xC800, $0x38;
	[tilespmem:$0xCA00] =	vst v63  }
0x59: {  	_ =	swait.ge [sflag:s3], $0xC800  }
0x5a: {  	[sflag:s3] =	ssyncset.done $0x0  }
0x5b: {  	[sflag:s3] =	ssyncadd.s32 $0xFFFF3800  }
0x5c: {  	[tilespmem:s2], [sflag:$0x2] =	stream.linear.gather [hbm4b:s12+s2], $0x190, $0x38;
	[tilespmem:$0xCA00] =	vst v63  }
0x5d: {  	_ =	swait.ge [sflag:s3], $0x190  }
0x5e: {  	[sflag:s3] =	ssyncset.done $0x0  }
0x5f: {  	[sflag:s3] =	ssyncadd.s32 $0xFFFFFE70  }
0x60: {  	[tilespmem:s7], [sflag:$0x1] =	stream.indirect.gather [hbm4b:s5+s6], $0x80, s2, s6, $0xb8;
	[tilespmem:$0xCA00] =	vst v63  }
0x61: {  	_ =	swait.ge [sflag:s8], $0xC800  }
0x62: {  	[sflag:s8] =	ssyncset.done $0x0  }
0x63: {  	[sflag:s8] =	ssyncadd.s32 $0xFFFF3800  }
0x64: {  	[hbm4b:s13+s2] =	stream.linear.scatter [tilespmem:s7], [sflag:$0x2], $0xC800, $0x38;
	[tilespmem:$0xCA00] =	vst v63  }
0x65: {  	_ =	swait.ge [sflag:s3], $0xC800  }
0x66: {  	[sflag:s3] =	ssyncset.done $0x0  }
0x67: {  	[sflag:s3] =	ssyncadd.s32 $0xFFFF3800  }
0x68: {  	[tilespmem:s2], [sflag:$0x2] =	stream.linear.gather [hbm4b:s14+s2], $0x190, $0x38;
	[tilespmem:$0xCA00] =	vst v63  }
0x69: {  	_ =	swait.ge [sflag:s3], $0x190  }
0x6a: {  	[sflag:s3] =	ssyncset.done $0x0  }
0x6b: {  	[sflag:s3] =	ssyncadd.s32 $0xFFFFFE70  }
0x6c: {  	[tilespmem:s7], [sflag:$0x1] =	stream.indirect.gather [hbm4b:s5+s6], $0x80, s2, s6, $0xb8;
	[tilespmem:$0xCA00] =	vst v63  }
0x6d: {  	_ =	swait.ge [sflag:s8], $0xC800  }
0x6e: {  	[sflag:s8] =	ssyncset.done $0x0  }
0x6f: {  	[sflag:s8] =	ssyncadd.s32 $0xFFFF3800  }
0x70: {  	[hbm4b:s15+s2] =	stream.linear.scatter [tilespmem:s7], [sflag:$0x2], $0xC800, $0x38;
	[tilespmem:$0xCA00] =	vst v63  }
0x71: {  	_ =	swait.ge [sflag:s3], $0xC800  }
0x72: {  	[sflag:s3] =	ssyncset.done $0x0  }
0x73: {  	[sflag:s3] =	ssyncadd.s32 $0xFFFF3800  }
0x74: {  	[tilespmem:s2], [sflag:$0x2] =	stream.linear.gather [hbm4b:s16+s2], $0x190, $0x38;
	[tilespmem:$0xCA00] =	vst v63  }
0x75: {  	_ =	swait.ge [sflag:s3], $0x190  }
0x76: {  	[sflag:s3] =	ssyncset.done $0x0  }
0x77: {  	[sflag:s3] =	ssyncadd.s32 $0xFFFFFE70  }
0x78: {  	[tilespmem:s7], [sflag:$0x1] =	stream.indirect.gather [hbm4b:s5+s6], $0x80, s2, s6, $0xb8;
	[tilespmem:$0xCA00] =	vst v63  }
0x79: {  	_ =	swait.ge [sflag:s8], $0xC800  }
.Ltmp1:
0x7a: {  	[sflag:s8] =	ssyncset.done $0x0;
	(pc) =	sbr.rel @p0 .LBB2_1-.Ltmp1, $4  }
0x7b: {  	[sflag:s8] =	ssyncadd.s32 $0xFFFF3800  }
0x7c: {  	[hbm4b:s17+s2] =	stream.linear.scatter [tilespmem:s7], [sflag:$0x2], $0xC800, $0x38;
	[tilespmem:$0xCA00] =	vst v63  }
0x7d: {  	_ =	swait.ge [sflag:s3], $0xC800  }
0x7e: {  	[sflag:s3] =	ssyncset.done $0x0  }
.LBB2_2:
0x7f: {  	[sflag:s3] =	ssyncadd.s32 $0xFFFF3800  }
0x80: {  	_ =	sfence.sel $0x180000  }
0x81: {  	[bflag:$0x0] =	sbarrier.arrive $0xFFFF  }
0x82: {  	p0 =	sne.s32 s0, $0x0;
	_ =	strace $0x9000005C  }
0x83: {  	s0 =	sadd.s32 @!p0 $0x100000, s1;
	[bflag:$0x2] =	sbarrier.arrive $0xFFFF  }
0x84: {  	[sflag:s0] =	ssyncadd.tile.s32 @!p0 $0x1;
	_ =	shalt  }
.Lfunc_end2:
_tile_overlayer_lowered:
.L_overlay_start_2:
0x85: {  	(tag) =	ssettag $0x2  }
0x86: {  	s0 =	rddreg [dreg:$0x0];
	s2 =	stileid.u32  }
0x87: {  	s1 =	rddreg [dreg:$0x1];
	p0 =	sne.s32 s2, $0x0  }
0x88: {  	s3 =	rddreg [dreg:$0x2];
	[bflag:$0x3] =	sbarrier.arrive $0xFFFF;
	s2 =	simm.s32 @!p0 $0x1C02  }
0x89: {  	[timem:s3], [sflag:s2] =	dma.local @!p0 [hbm:s0], s1  }
0x8a: {  	s0 =	simm.s32 @!p0 $0x2  }
0x8b: {  	_ =	swait.ge @!p0 [sflag:s0], s1  }
0x8c: {  	s1 =	ssub.s32 @!p0 $0x0, s1;
	[sflag:s0] =	ssyncset.done @!p0 $0x0  }
0x8d: {  	[sflag:s0] =	ssyncadd.s32 @!p0 s1  }
0x8e: {  	[bflag:$0x3] =	sbarrier.arrive $0xFFFF  }
0x8f: {  	_ =	shalt  }

// kernel: kernel.47.cloned.1.call-start
scs
__scs_entry_jumppad:
0x0: {  	(pc) =	sbr.rel $0x88, $3  }
0x1: {  	(tag) =	ssettag $0x0;
	lr =	simm.s32 $0x1  }
0x2: {  	[smem:$0x3F8D] =	sst lr;
	_ =	strace $0xD0000000  }
0x3: {  	_ = 	snop  }
0x4: {  	_ = 	snop  }
0x5: {  	_ = 	snop  }
0x6: {  	_ = 	snop  }
0x7: {  	_ = 	snop  }
__scs_overlays_trampoline_lowered:
0x8: {  	[smem:$0x3F9C] =	sst s0  }
0x9: {  	[smem:$0x3F9D] =	sst s1  }
0xa: {  	[smem:$0x3F9E] =	sst s2  }
0xb: {  	[smem:$0x3F9F] =	sst s3  }
0xc: {  	[smem:$0x3FA0] =	sst s4  }
0xd: {  	[smem:$0x3FA1] =	sst s5  }
0xe: {  	[smem:$0x3FA2] =	sst s6  }
0xf: {  	[smem:$0x3FA3] =	sst s7  }
0x10: {  	[smem:$0x3FA4] =	sst s8  }
0x11: {  	[smem:$0x3FA5] =	sst s9;
	s0 =	simm.s32 @!p0 $0x0  }
0x12: {  	s1 =	sld [smem:$0x3F8B];
	s0 =	simm.s32 @p0 $0x1  }
0x13: {  	[smem:$0x3FA6] =	sst s0;
	s0 =	simm.s32 @!p1 $0x0  }
0x14: {  	s2 =	sld [smem:$0x3F8A];
	s0 =	simm.s32 @p1 $0x1  }
0x15: {  	[smem:$0x3FA7] =	sst s0;
	s0 =	simm.s32 @!p2 $0x0  }
0x16: {  	s3 =	sld [smem:$0x3FDB];
	s0 =	simm.s32 @p2 $0x1  }
0x17: {  	s4 =	simm.s32 $0x1BF5;
	[smem:$0x3FA9] =	sst s0  }
0x18: {  	s0 =	sld [smem:$0x3F8C];
	_ =	swait.ge [sflag:s4], $0x0  }
0x19: {  	s7 =	sld [smem:$0x3F8D]  }
0x1a: {  	s8 =	sadd.s32 $0xFFFFE003, lr  }
0x1b: {  	s9 =	sadd.s32 $0xFFFFFEF7, lr;
	s5 =	simm.s32 $0xFFFFFFFF;
	p2 =	slt.u32 s8, $0xFFFFF086  }
0x1c: {  	p1 =	slt.u32 s9, $0xF7A;
	s5 =	simm.s32 @!p2 $0x0  }
0x1d: {  	s5 =	simm.s32 @p1 $0x1;
	p0 =	seq.s32 s7, s2  }
0x1e: {  	s7 =	smul.u32 @!p0 $0xF7A, s2;
	p2 =	seq.s32 @!p0 s5, $0x0  }
0x1f: {  	s9 =	smul.u32 $0xF7A, s1;
	s8 =	simm.s32 @!p0 $0x1BF5;
	p2 =	por !p2, p0  }
0x20: {  	[sflag:s8] =	ssyncset.s32 @!p0 $0xFFFFF086;
	s6 =	sadd.s32 @!p0 s3, s7;
	s7 =	simm.s32 @!p0 $0x108  }
0x21: {  	s3 =	sadd.s32 s3, s9;
	s6 =	sadd.s32 @!p0 $0x88, s6;
	s7 =	simm.s32 @p2 $0x1082  }
0x22: {  	[simem:s7], [sflag:s8] =	dma.local @!p0 [hbm:s6], $0xF7A  }
0x23: {  	s9 =	sor.u32 $0xD0000000, s2;
	s6 =	simm.s32 $0x108;
	_ =	swait.ge @!p0 [sflag:s8], $0x0  }
0x24: {  	s3 =	sadd.s32 $0x88, s3;
	s6 =	simm.s32 @!p1 $0x1082;
	[sflag:s4] =	ssyncset.s32 $0xFFFFF086  }
0x25: {  	[simem:s6], [sflag:s4] =	dma.local [hbm:s3], $0xF7A  }
0x26: {  	[smem:$0x3F8D] =	sst s1;
	(tag) =	ssettag s2;
	_ =	strace s9  }
0x27: {  	s1 =	sld [smem:$0x3F9D]  }
0x28: {  	s2 =	sld [smem:$0x3F9E]  }
0x29: {  	s4 =	sld [smem:$0x3FA0]  }
0x2a: {  	p0 =	seq.s32 s5, $0x0;
	s5 =	sld [smem:$0x3FA1]  }
0x2b: {  	s6 =	sld [smem:$0x3FA2]  }
0x2c: {  	s7 =	sld [smem:$0x3FA3]  }
0x2d: {  	s3 =	simm.s32 $0x108;
	s8 =	sld [smem:$0x3FA4]  }
0x2e: {  	s3 =	simm.s32 @!p0 $0x1082;
	s9 =	sld [smem:$0x3FA5]  }
0x2f: {  	lr =	sadd.s32 s0, s3;
	s0 =	sld [smem:$0x3F9C]  }
0x30: {  	s3 =	sld [smem:$0x3F9F]  }
0x31: {  	[smem:$0x3FA8] =	sst s10  }
0x32: {  	s10 =	sld [smem:$0x3FA6];
	_ =	sdelay $0x3  }
0x33: {  	p0 =	seq.s32 s10, $0x1;
	s10 =	sld [smem:$0x3FA8];
	_ =	sdelay $0x3  }
0x34: {  	[smem:$0x3FA8] =	sst s10  }
0x35: {  	s10 =	sld [smem:$0x3FA7];
	_ =	sdelay $0x3  }
0x36: {  	p1 =	seq.s32 s10, $0x1;
	s10 =	sld [smem:$0x3FA8];
	_ =	sdelay $0x3  }
0x37: {  	[smem:$0x3FA8] =	sst s10  }
0x38: {  	s10 =	sld [smem:$0x3FA9]  }
0x39: {  	_ = 	snop;
	(pc) =	sbr.ind lr, $3  }
0x3a: {  	_ = 	snop  }
0x3b: {  	_ = 	snop  }
0x3c: {  	p2 =	seq.s32 s10, $0x1;
	s10 =	sld [smem:$0x3FA8]  }
0x3d: {  	_ =	shalt  }
0x3e: {  	_ =	shalt  }
0x3f: {  	_ =	shalt  }
0x40: {  	_ =	shalt  }
0x41: {  	_ =	shalt  }
0x42: {  	_ =	shalt  }
0x43: {  	_ =	shalt  }
0x44: {  	_ =	shalt  }
0x45: {  	_ =	shalt  }
0x46: {  	_ =	shalt  }
0x47: {  	_ =	shalt  }
0x48: {  	_ =	shalt  }
0x49: {  	_ =	shalt  }
0x4a: {  	_ =	shalt  }
0x4b: {  	_ =	shalt  }
0x4c: {  	_ =	shalt  }
0x4d: {  	_ =	shalt  }
0x4e: {  	_ =	shalt  }
0x4f: {  	_ =	shalt  }
0x50: {  	_ =	shalt  }
0x51: {  	_ =	shalt  }
0x52: {  	_ =	shalt  }
0x53: {  	_ =	shalt  }
0x54: {  	_ =	shalt  }
0x55: {  	_ =	shalt  }
0x56: {  	_ =	shalt  }
0x57: {  	_ =	shalt  }
0x58: {  	_ =	shalt  }
0x59: {  	_ =	shalt  }
0x5a: {  	_ =	shalt  }
0x5b: {  	_ =	shalt  }
0x5c: {  	_ =	shalt  }
0x5d: {  	_ =	shalt  }
0x5e: {  	_ =	shalt  }
0x5f: {  	_ =	shalt  }
0x60: {  	_ =	shalt  }
0x61: {  	_ =	shalt  }
0x62: {  	_ =	shalt  }
0x63: {  	_ =	shalt  }
0x64: {  	_ =	shalt  }
0x65: {  	_ =	shalt  }
0x66: {  	_ =	shalt  }
0x67: {  	_ =	shalt  }
0x68: {  	_ =	shalt  }
0x69: {  	_ =	shalt  }
0x6a: {  	_ =	shalt  }
0x6b: {  	_ =	shalt  }
0x6c: {  	_ =	shalt  }
0x6d: {  	_ =	shalt  }
0x6e: {  	_ =	shalt  }
0x6f: {  	_ =	shalt  }
0x70: {  	_ =	shalt  }
0x71: {  	_ =	shalt  }
0x72: {  	_ =	shalt  }
0x73: {  	_ =	shalt  }
0x74: {  	_ =	shalt  }
0x75: {  	_ =	shalt  }
0x76: {  	_ =	shalt  }
0x77: {  	_ =	shalt  }
0x78: {  	_ =	shalt  }
0x79: {  	_ =	shalt  }
0x7a: {  	_ =	shalt  }
0x7b: {  	_ =	shalt  }
0x7c: {  	_ =	shalt  }
0x7d: {  	_ =	shalt  }
0x7e: {  	_ =	shalt  }
0x7f: {  	_ =	shalt  }
0x80: {  	_ =	shalt  }
0x81: {  	_ =	shalt  }
0x82: {  	_ =	shalt  }
0x83: {  	_ =	shalt  }
0x84: {  	_ =	shalt  }
0x85: {  	_ =	shalt  }
0x86: {  	_ =	shalt  }
0x87: {  	_ =	shalt  }
.Lfunc_end0:
.L_simem_size_0:
called_computation.8_lowered:
.L_overlay_start_0:
0x88: {  	s2 =	sld [smem:$0x3FD9]  }
0x89: {  	s3 =	sld [smem:$0x3FFE];
	_ =	sdelay $0x1  }
0x8a: {  	s1 =	srdreg.scid  }
0x8b: {  	s0 =	sand.u32 $0x1, s1  }
0x8c: {  	s17 =	sshll.u32 s0, $0xA;
	s2 =	sadd.s32 s3, s2  }
0x8d: {  	s2 =	sadd.s32 s2, s17  }
0x8e: {  	[smem:$0x3FB4] =	sst s2  }
0x8f: {  	_ = 	snop  }
0x90: {  	(tm) =	ssettm $0x1  }
0x91: {  	s18 =	sld [smem:$0x3FFB];
	_ =	sdelay $0x3  }
0x92: {  	_ =	strace s18  }
0x93: {  	s2 =	sld [smem:$0x3FFC];
	_ =	sdelay $0x3  }
0x94: {  	_ =	strace s2  }
0x95: {  	s2 =	sld [smem:$0x3FFD];
	_ =	sdelay $0x3  }
0x96: {  	_ =	strace s2  }
0x97: {  	_ =	strace $0x8FFFFFFF  }
0x98: {  	s19 =	sld [smem:$0x3FDB];
	_ =	sdelay $0x1  }
0x99: {  	s20 =	simm.s32 $_scs_section_size  }
0x9a: {  	s4 =	simm.s32 $_size__tile_overlayer_lowered;
	s5 =	simm.s32 $_tile_overlayer_lowered  }
0x9b: {  	s6 =	simm.s32 $0x1BFF;
	s21 =	sshll.u32 s5, $0x1;
	s3 =	sadd.s32 s20, s19  }
0x9c: {  	s22 =	simm.s32 $0x0;
	s4 =	sshll.u32 s4, $0x1;
	s5 =	sadd.s32 s21, s3  }
0x9d: {  	[timem:s22], [sflag:s6] =	dma.local [hbm:s5], s4  }
0x9e: {  	_ =	swait.ge [sflag:s6], s4  }
0x9f: {  	s4 =	ssub.s32 $0x0, s4;
	[sflag:s6] =	ssyncset.done $0x0  }
0xa0: {  	[sflag:s6] =	ssyncadd.s32 s4;
	_ =	sdelay $0x1  }
0xa1: {  	s23 =	simm.s32 $0x1B8B  }
0xa2: {  	_ =	swait.ge [sflag:s23], $0x1  }
0xa3: {  	[sflag:s23] =	ssyncset.done $0x0  }
0xa4: {  	[sflag:s23] =	ssyncadd.s32 $0xFFFFFFFF  }
0xa5: {  	s4 =	sld [smem:$0x0]  }
0xa6: {  	s5 =	sand.u32 $0xFFFFFFFE, s1  }
0xa7: {  	p0 =	sne.s32 s1, s5  }
0xa8: {  	s5 =	sshll.u32 @p0 s5, $0xE  }
0xa9: {  	s5 =	sadd.s32 @p0 $0x11B8D, s5;
	s6 =	sshll.u32 @p0 s4, $0x11  }
0xaa: {  	s5 =	sor.u32 @p0 s6, s5  }
0xab: {  	[sflag:s5] =	ssyncadd.remote.s32 @p0 $0x1;
	_ =	sdelay $0x1  }
0xac: {  	s5 =	simm.s32 @p0 $0x1B8D  }
0xad: {  	_ =	swait.eq @p0 [sflag:s5], $0x1  }
0xae: {  	[sflag:s5] =	ssyncadd.s32 @p0 $0xFFFFFFFF  }
0xaf: {  	s6 =	sshll.u32 @!p0 s1, $0xE  }
0xb0: {  	s6 =	sor.u32 @!p0 $0x4000, s6;
	s5 =	simm.s32 @!p0 $0x1B8D  }
0xb1: {  	s4 =	sshll.u32 @!p0 s4, $0x11;
	s6 =	sadd.s32 @!p0 $0x11B8D, s6;
	_ =	swait.eq @!p0 [sflag:s5], $0x1  }
0xb2: {  	s4 =	sor.u32 @!p0 s4, s6;
	[sflag:s5] =	ssyncadd.s32 @!p0 $0xFFFFFFFF  }
0xb3: {  	s25 =	simm.s32 $0x1B8E;
	s24 =	sld [smem:$0x3FFE];
	[sflag:s4] =	ssyncadd.remote.s32 @!p0 $0x1  }
0xb4: {  	s26 =	simm.s32 $execute0_lowered;
	[smem:$0x3FD2] =	sst s25  }
0xb5: {  	s5 =	sshll.u32 s26, $0x1;
	_ =	strace $0x80000058;
	[dreg:$0x1] =	wrdreg $0xFFFFFFFF  }
0xb6: {  	s28 =	simm.s32 $_size_execute0_lowered;
	s3 =	sadd.s32 s3, s5;
	[dreg:$0x0] =	wrdreg $0x0  }
0xb7: {  	s5 =	sshll.u32 s28, $0x1;
	[dreg:$0x2] =	wrdreg s3  }
0xb8: {  	[dreg:$0x3] =	wrdreg s5  }
0xb9: {  	[dreg:$0x4] =	wrdreg $0xC0  }
0xba: {  	_ =	task [dreg:s22], $0x5FFFF  }
0xbb: {  	[dreg:$0x1] =	wrdreg $0xFFFFFFFF  }
0xbc: {  	[dreg:$0x0] =	wrdreg $0x60  }
0xbd: {  	[dreg:$0x2] =	wrdreg s24  }
0xbe: {  	[dreg:$0x3] =	wrdreg $0xC  }
0xbf: {  	_ =	task.clear_ibuf [dreg:s22], $0x4FFFF;
	_ =	strace $0x90000058  }
0xc0: {  	s29 =	simm.s32 $0xC;
	_ =	strace $0x8000005A  }
0xc1: {  	_ =	swait.ge [sflag:s29], $0x1  }
0xc2: {  	[sflag:s29] =	ssyncadd.s32 $0xFFFFFFFF  }
0xc3: {  	_ =	strace $0x9000005A  }
0xc4: {  	_ =	sfence  }
0xc5: {  	s30 =	sld [smem:$0x0];
	_ =	sdelay $0x2  }
0xc6: {  	s31 =	sshll.u32 s1, $0xD;
	s1 =	sshrl.u32 s1, $0x2  }
0xc7: {  	s4 =	sand.u32 $0x4000, s31;
	s1 =	sadd.s32 s1, s30  }
0xc8: {  	s0 =	sor.u32 s4, s0;
	s1 =	sshll.u32 s1, $0x11  }
0xc9: {  	s0 =	sor.u32 s1, s0  }
0xca: {  	s0 =	sadd.s32 $0x8F2B, s0  }
0xcb: {  	[sflag:s0] =	ssyncadd.remote.s32 $0x1  }
0xcc: {  	_ =	sfence.sel $0xFFFF  }
0xcd: {  	[dreg:$0x0] =	wrdreg $0xFFFFFFFF;
	(pc) =	sbr.abs _section_cstart, $3  }
0xce: {  	[dreg:$0x1] =	wrdreg $0xFFFFFFFF  }
0xcf: {  	_ =	task.clear_ibuf [dreg:s22], $0x2FFFF;
	_ =	strace $0x9FFFFFFF  }
0xd0: {  	(tm) =	ssettm $0x7FFFFFFF  }
0xd1: {  	_ =	shalt  }
tec
execute0_lowered:
.L_overlay_start_1:
0x0: {  	(tag) =	ssettag $0x1  }
0x1: {  	s1 =	srdreg.scid;
	s0 =	stileid.u32  }
0x2: {  	s17 =	sand.u32 $0x1, s1;
	s26 =	sshll.u32 s0, $0x1  }
0x3: {  	s9 =	sor.u32 s17, s26  }
0x4: {  	s10 =	rddreg [dreg:$0x0];
	s18 =	smul.u32 $0x7D0, s9  }
0x5: {  	s2 =	simm.s32 $0x0;
	s1 =	rddreg [dreg:$0x1]  }
0x6: {  	[smem:$0x7FF] =	sst s2;
	s16 =	sadd.s32 $0x2FDA00, s10;
	s3 =	sshrl.u32 s18, $0x3  }
0x7: {  	_ =	strace $0x80000059;
	s4 =	sadd.s32 s16, s3;
	s3 =	simm.s32 $0x2  }
0x8: {  	[tilespmem:s2], [sflag:$0x2] =	stream.linear.gather [hbm4b:s4+s2], $0x190, $0x38;
	[tilespmem:$0xCA00] =	vst v63  }
0x9: {  	_ =	swait.ge [sflag:s3], $0x190  }
0xa: {  	s6 =	simm.s32 $0x190;
	s7 =	simm.s32 $0x200;
	[sflag:s3] =	ssyncset.done $0x0  }
0xb: {  	s8 =	simm.s32 $0x1;
	s5 =	sadd.s32 $0x33000, s10;
	[sflag:s3] =	ssyncadd.s32 $0xFFFFFE70  }
0xc: {  	[tilespmem:s7], [sflag:$0x1] =	stream.indirect.gather [hbm4b:s5+s6], $0x80, s2, s6, $0xb8;
	[tilespmem:$0xCA00] =	vst v63  }
0xd: {  	s9 =	smul.u32 $0x7D00, s9;
	_ =	swait.ge [sflag:s8], $0xC800  }
0xe: {  	s19 =	sadd.s32 $0x203A00, s10;
	[sflag:s8] =	ssyncset.done $0x0  }
0xf: {  	s9 =	sadd.s32 s19, s9;
	[sflag:s8] =	ssyncadd.s32 $0xFFFF3800  }
0x10: {  	[hbm4b:s9+s2] =	stream.linear.scatter [tilespmem:s7], [sflag:$0x2], $0xC800, $0x38;
	[tilespmem:$0xCA00] =	vst v63  }
0x11: {  	s11 =	sadd.s32 $0x190, s18;
	_ =	swait.ge [sflag:s3], $0xC800  }
0x12: {  	s28 =	sshrl.u32 s11, $0x3;
	[sflag:s3] =	ssyncset.done $0x0  }
0x13: {  	s10 =	sadd.s32 s16, s28;
	[sflag:s3] =	ssyncadd.s32 $0xFFFF3800  }
0x14: {  	[tilespmem:s2], [sflag:$0x2] =	stream.linear.gather [hbm4b:s10+s2], $0x190, $0x38;
	[tilespmem:$0xCA00] =	vst v63  }
0x15: {  	_ =	swait.ge [sflag:s3], $0x190  }
0x16: {  	[sflag:s3] =	ssyncset.done $0x0  }
0x17: {  	[sflag:s3] =	ssyncadd.s32 $0xFFFFFE70  }
0x18: {  	[tilespmem:s7], [sflag:$0x1] =	stream.indirect.gather [hbm4b:s5+s6], $0x80, s2, s6, $0xb8;
	[tilespmem:$0xCA00] =	vst v63  }
0x19: {  	_ =	swait.ge [sflag:s8], $0xC800  }
0x1a: {  	s11 =	sshll.u32 s11, $0x4;
	[sflag:s8] =	ssyncset.done $0x0  }
0x1b: {  	s11 =	sadd.s32 s19, s11;
	[sflag:s8] =	ssyncadd.s32 $0xFFFF3800  }
0x1c: {  	[hbm4b:s11+s2] =	stream.linear.scatter [tilespmem:s7], [sflag:$0x2], $0xC800, $0x38;
	[tilespmem:$0xCA00] =	vst v63  }
0x1d: {  	s13 =	sadd.s32 $0x320, s18;
	_ =	swait.ge [sflag:s3], $0xC800  }
0x1e: {  	s12 =	sshrl.u32 s13, $0x3;
	[sflag:s3] =	ssyncset.done $0x0  }
0x1f: {  	s12 =	sadd.s32 s16, s12;
	[sflag:s3] =	ssyncadd.s32 $0xFFFF3800  }
0x20: {  	[tilespmem:s2], [sflag:$0x2] =	stream.linear.gather [hbm4b:s12+s2], $0x190, $0x38;
	[tilespmem:$0xCA00] =	vst v63  }
0x21: {  	_ =	swait.ge [sflag:s3], $0x190  }
0x22: {  	[sflag:s3] =	ssyncset.done $0x0  }
0x23: {  	[sflag:s3] =	ssyncadd.s32 $0xFFFFFE70  }
0x24: {  	[tilespmem:s7], [sflag:$0x1] =	stream.indirect.gather [hbm4b:s5+s6], $0x80, s2, s6, $0xb8;
	[tilespmem:$0xCA00] =	vst v63  }
0x25: {  	_ =	swait.ge [sflag:s8], $0xC800  }
0x26: {  	s13 =	sshll.u32 s13, $0x4;
	[sflag:s8] =	ssyncset.done $0x0  }
0x27: {  	s13 =	sadd.s32 s19, s13;
	[sflag:s8] =	ssyncadd.s32 $0xFFFF3800  }
0x28: {  	[hbm4b:s13+s2] =	stream.linear.scatter [tilespmem:s7], [sflag:$0x2], $0xC800, $0x38;
	[tilespmem:$0xCA00] =	vst v63  }
0x29: {  	s15 =	sadd.s32 $0x4B0, s18;
	_ =	swait.ge [sflag:s3], $0xC800  }
0x2a: {  	s14 =	sshrl.u32 s15, $0x3;
	[sflag:s3] =	ssyncset.done $0x0  }
0x2b: {  	s14 =	sadd.s32 s16, s14;
	[sflag:s3] =	ssyncadd.s32 $0xFFFF3800  }
0x2c: {  	[tilespmem:s2], [sflag:$0x2] =	stream.linear.gather [hbm4b:s14+s2], $0x190, $0x38;
	[tilespmem:$0xCA00] =	vst v63  }
0x2d: {  	_ =	swait.ge [sflag:s3], $0x190  }
0x2e: {  	[sflag:s3] =	ssyncset.done $0x0  }
0x2f: {  	[sflag:s3] =	ssyncadd.s32 $0xFFFFFE70  }
0x30: {  	[tilespmem:s7], [sflag:$0x1] =	stream.indirect.gather [hbm4b:s5+s6], $0x80, s2, s6, $0xb8;
	[tilespmem:$0xCA00] =	vst v63  }
0x31: {  	_ =	swait.ge [sflag:s8], $0xC800  }
0x32: {  	s15 =	sshll.u32 s15, $0x4;
	[sflag:s8] =	ssyncset.done $0x0  }
0x33: {  	s15 =	sadd.s32 s19, s15;
	[sflag:s8] =	ssyncadd.s32 $0xFFFF3800  }
0x34: {  	[hbm4b:s15+s2] =	stream.linear.scatter [tilespmem:s7], [sflag:$0x2], $0xC800, $0x38;
	[tilespmem:$0xCA00] =	vst v63  }
0x35: {  	s18 =	sadd.s32 $0x640, s18;
	_ =	swait.ge [sflag:s3], $0xC800  }
0x36: {  	s20 =	sshrl.u32 s18, $0x3;
	[sflag:s3] =	ssyncset.done $0x0  }
0x37: {  	s17 =	ssub.s32 $0x2, s17;
	s16 =	sadd.s32 s16, s20;
	[sflag:s3] =	ssyncadd.s32 $0xFFFF3800  }
0x38: {  	[tilespmem:s2], [sflag:$0x2] =	stream.linear.gather [hbm4b:s16+s2], $0x190, $0x38;
	[tilespmem:$0xCA00] =	vst v63  }
0x39: {  	s29 =	sshrl.u32 s17, $0x1;
	_ =	swait.ge [sflag:s3], $0x190  }
0x3a: {  	s20 =	ssub.s32 s17, s29;
	[sflag:s3] =	ssyncset.done $0x0  }
0x3b: {  	s31 =	smax.u32 s20, $0x1;
	[sflag:s3] =	ssyncadd.s32 $0xFFFFFE70  }
0x3c: {  	[tilespmem:s7], [sflag:$0x1] =	stream.indirect.gather [hbm4b:s5+s6], $0x80, s2, s6, $0xb8;
	[tilespmem:$0xCA00] =	vst v63  }
0x3d: {  	p0 =	sne.s32 s31, $0x1;
	_ =	swait.ge [sflag:s8], $0xC800  }
.Ltmp0:
0x3e: {  	s30 =	sshll.u32 s18, $0x4;
	[sflag:s8] =	ssyncset.done $0x0;
	(pc) =	sbr.rel @!p0 .LBB2_2-.Ltmp0, $4  }
0x3f: {  	s17 =	sadd.s32 s19, s30;
	[sflag:s8] =	ssyncadd.s32 $0xFFFF3800  }
0x40: {  	[hbm4b:s17+s2] =	stream.linear.scatter [tilespmem:s7], [sflag:$0x2], $0xC800, $0x38;
	[tilespmem:$0xCA00] =	vst v63  }
0x41: {  	_ =	swait.ge [sflag:s3], $0xC800  }
0x42: {  	s18 =	sadd.s32 $0xFFFFFFFF, s31;
	[sflag:s3] =	ssyncset.done $0x0  }
.LBB2_1:
0x43: {  	p0 =	sne.s32 s18, $0x1;
	s18 =	sadd.s32 $0xFFFFFFFF, s18;
	[sflag:s3] =	ssyncadd.s32 $0xFFFF3800  }
0x44: {  	[tilespmem:s2], [sflag:$0x2] =	stream.linear.gather [hbm4b:s4+s2], $0x190, $0x38;
	[tilespmem:$0xCA00] =	vst v63  }
0x45: {  	_ =	swait.ge [sflag:s3], $0x190  }
0x46: {  	[sflag:s3] =	ssyncset.done $0x0  }
0x47: {  	[sflag:s3] =	ssyncadd.s32 $0xFFFFFE70  }
0x48: {  	[tilespmem:s7], [sflag:$0x1] =	stream.indirect.gather [hbm4b:s5+s6], $0x80, s2, s6, $0xb8;
	[tilespmem:$0xCA00] =	vst v63  }
0x49: {  	_ =	swait.ge [sflag:s8], $0xC800  }
0x4a: {  	[sflag:s8] =	ssyncset.done $0x0  }
0x4b: {  	[sflag:s8] =	ssyncadd.s32 $0xFFFF3800  }
0x4c: {  	[hbm4b:s9+s2] =	stream.linear.scatter [tilespmem:s7], [sflag:$0x2], $0xC800, $0x38;
	[tilespmem:$0xCA00] =	vst v63  }
0x4d: {  	_ =	swait.ge [sflag:s3], $0xC800  }
0x4e: {  	[sflag:s3] =	ssyncset.done $0x0  }
0x4f: {  	[sflag:s3] =	ssyncadd.s32 $0xFFFF3800  }
0x50: {  	[tilespmem:s2], [sflag:$0x2] =	stream.linear.gather [hbm4b:s10+s2], $0x190, $0x38;
	[tilespmem:$0xCA00] =	vst v63  }
0x51: {  	_ =	swait.ge [sflag:s3], $0x190  }
0x52: {  	[sflag:s3] =	ssyncset.done $0x0  }
0x53: {  	[sflag:s3] =	ssyncadd.s32 $0xFFFFFE70  }
0x54: {  	[tilespmem:s7], [sflag:$0x1] =	stream.indirect.gather [hbm4b:s5+s6], $0x80, s2, s6, $0xb8;
	[tilespmem:$0xCA00] =	vst v63  }
0x55: {  	_ =	swait.ge [sflag:s8], $0xC800  }
0x56: {  	[sflag:s8] =	ssyncset.done $0x0  }
0x57: {  	[sflag:s8] =	ssyncadd.s32 $0xFFFF3800  }
0x58: {  	[hbm4b:s11+s2] =	stream.linear.scatter [tilespmem:s7], [sflag:$0x2], $0xC800, $0x38;
	[tilespmem:$0xCA00] =	vst v63  }
0x59: {  	_ =	swait.ge [sflag:s3], $0xC800  }
0x5a: {  	[sflag:s3] =	ssyncset.done $0x0  }
0x5b: {  	[sflag:s3] =	ssyncadd.s32 $0xFFFF3800  }
0x5c: {  	[tilespmem:s2], [sflag:$0x2] =	stream.linear.gather [hbm4b:s12+s2], $0x190, $0x38;
	[tilespmem:$0xCA00] =	vst v63  }
0x5d: {  	_ =	swait.ge [sflag:s3], $0x190  }
0x5e: {  	[sflag:s3] =	ssyncset.done $0x0  }
0x5f: {  	[sflag:s3] =	ssyncadd.s32 $0xFFFFFE70  }
0x60: {  	[tilespmem:s7], [sflag:$0x1] =	stream.indirect.gather [hbm4b:s5+s6], $0x80, s2, s6, $0xb8;
	[tilespmem:$0xCA00] =	vst v63  }
0x61: {  	_ =	swait.ge [sflag:s8], $0xC800  }
0x62: {  	[sflag:s8] =	ssyncset.done $0x0  }
0x63: {  	[sflag:s8] =	ssyncadd.s32 $0xFFFF3800  }
0x64: {  	[hbm4b:s13+s2] =	stream.linear.scatter [tilespmem:s7], [sflag:$0x2], $0xC800, $0x38;
	[tilespmem:$0xCA00] =	vst v63  }
0x65: {  	_ =	swait.ge [sflag:s3], $0xC800  }
0x66: {  	[sflag:s3] =	ssyncset.done $0x0  }
0x67: {  	[sflag:s3] =	ssyncadd.s32 $0xFFFF3800  }
0x68: {  	[tilespmem:s2], [sflag:$0x2] =	stream.linear.gather [hbm4b:s14+s2], $0x190, $0x38;
	[tilespmem:$0xCA00] =	vst v63  }
0x69: {  	_ =	swait.ge [sflag:s3], $0x190  }
0x6a: {  	[sflag:s3] =	ssyncset.done $0x0  }
0x6b: {  	[sflag:s3] =	ssyncadd.s32 $0xFFFFFE70  }
0x6c: {  	[tilespmem:s7], [sflag:$0x1] =	stream.indirect.gather [hbm4b:s5+s6], $0x80, s2, s6, $0xb8;
	[tilespmem:$0xCA00] =	vst v63  }
0x6d: {  	_ =	swait.ge [sflag:s8], $0xC800  }
0x6e: {  	[sflag:s8] =	ssyncset.done $0x0  }
0x6f: {  	[sflag:s8] =	ssyncadd.s32 $0xFFFF3800  }
0x70: {  	[hbm4b:s15+s2] =	stream.linear.scatter [tilespmem:s7], [sflag:$0x2], $0xC800, $0x38;
	[tilespmem:$0xCA00] =	vst v63  }
0x71: {  	_ =	swait.ge [sflag:s3], $0xC800  }
0x72: {  	[sflag:s3] =	ssyncset.done $0x0  }
0x73: {  	[sflag:s3] =	ssyncadd.s32 $0xFFFF3800  }
0x74: {  	[tilespmem:s2], [sflag:$0x2] =	stream.linear.gather [hbm4b:s16+s2], $0x190, $0x38;
	[tilespmem:$0xCA00] =	vst v63  }
0x75: {  	_ =	swait.ge [sflag:s3], $0x190  }
0x76: {  	[sflag:s3] =	ssyncset.done $0x0  }
0x77: {  	[sflag:s3] =	ssyncadd.s32 $0xFFFFFE70  }
0x78: {  	[tilespmem:s7], [sflag:$0x1] =	stream.indirect.gather [hbm4b:s5+s6], $0x80, s2, s6, $0xb8;
	[tilespmem:$0xCA00] =	vst v63  }
0x79: {  	_ =	swait.ge [sflag:s8], $0xC800  }
.Ltmp1:
0x7a: {  	[sflag:s8] =	ssyncset.done $0x0;
	(pc) =	sbr.rel @p0 .LBB2_1-.Ltmp1, $4  }
0x7b: {  	[sflag:s8] =	ssyncadd.s32 $0xFFFF3800  }
0x7c: {  	[hbm4b:s17+s2] =	stream.linear.scatter [tilespmem:s7], [sflag:$0x2], $0xC800, $0x38;
	[tilespmem:$0xCA00] =	vst v63  }
0x7d: {  	_ =	swait.ge [sflag:s3], $0xC800  }
0x7e: {  	[sflag:s3] =	ssyncset.done $0x0  }
.LBB2_2:
0x7f: {  	[sflag:s3] =	ssyncadd.s32 $0xFFFF3800  }
0x80: {  	_ =	sfence.sel $0x180000  }
0x81: {  	[bflag:$0x0] =	sbarrier.arrive $0xFFFF  }
0x82: {  	p0 =	sne.s32 s0, $0x0;
	_ =	strace $0x90000059  }
0x83: {  	s0 =	sadd.s32 @!p0 $0x100000, s1;
	[bflag:$0x2] =	sbarrier.arrive $0xFFFF  }
0x84: {  	[sflag:s0] =	ssyncadd.tile.s32 @!p0 $0x1;
	_ =	shalt  }
.Lfunc_end2:
_tile_overlayer_lowered:
.L_overlay_start_2:
0x85: {  	(tag) =	ssettag $0x2  }
0x86: {  	s0 =	rddreg [dreg:$0x0];
	s2 =	stileid.u32  }
0x87: {  	s1 =	rddreg [dreg:$0x1];
	p0 =	sne.s32 s2, $0x0  }
0x88: {  	s3 =	rddreg [dreg:$0x2];
	[bflag:$0x3] =	sbarrier.arrive $0xFFFF;
	s2 =	simm.s32 @!p0 $0x1C02  }
0x89: {  	[timem:s3], [sflag:s2] =	dma.local @!p0 [hbm:s0], s1  }
0x8a: {  	s0 =	simm.s32 @!p0 $0x2  }
0x8b: {  	_ =	swait.ge @!p0 [sflag:s0], s1  }
0x8c: {  	s1 =	ssub.s32 @!p0 $0x0, s1;
	[sflag:s0] =	ssyncset.done @!p0 $0x0  }
0x8d: {  	[sflag:s0] =	ssyncadd.s32 @!p0 s1  }
0x8e: {  	[bflag:$0x3] =	sbarrier.arrive $0xFFFF  }
0x8f: {  	_ =	shalt  }

// kernel: kernel.50.cloned.1.call-start
scs
__scs_entry_jumppad:
0x0: {  	(pc) =	sbr.rel $0x88, $3  }
0x1: {  	(tag) =	ssettag $0x0;
	lr =	simm.s32 $0x1  }
0x2: {  	[smem:$0x3F8D] =	sst lr;
	_ =	strace $0xD0000000  }
0x3: {  	_ = 	snop  }
0x4: {  	_ = 	snop  }
0x5: {  	_ = 	snop  }
0x6: {  	_ = 	snop  }
0x7: {  	_ = 	snop  }
__scs_overlays_trampoline_lowered:
0x8: {  	[smem:$0x3F9C] =	sst s0  }
0x9: {  	[smem:$0x3F9D] =	sst s1  }
0xa: {  	[smem:$0x3F9E] =	sst s2  }
0xb: {  	[smem:$0x3F9F] =	sst s3  }
0xc: {  	[smem:$0x3FA0] =	sst s4  }
0xd: {  	[smem:$0x3FA1] =	sst s5  }
0xe: {  	[smem:$0x3FA2] =	sst s6  }
0xf: {  	[smem:$0x3FA3] =	sst s7  }
0x10: {  	[smem:$0x3FA4] =	sst s8  }
0x11: {  	[smem:$0x3FA5] =	sst s9;
	s0 =	simm.s32 @!p0 $0x0  }
0x12: {  	s1 =	sld [smem:$0x3F8B];
	s0 =	simm.s32 @p0 $0x1  }
0x13: {  	[smem:$0x3FA6] =	sst s0;
	s0 =	simm.s32 @!p1 $0x0  }
0x14: {  	s2 =	sld [smem:$0x3F8A];
	s0 =	simm.s32 @p1 $0x1  }
0x15: {  	[smem:$0x3FA7] =	sst s0;
	s0 =	simm.s32 @!p2 $0x0  }
0x16: {  	s3 =	sld [smem:$0x3FDB];
	s0 =	simm.s32 @p2 $0x1  }
0x17: {  	s4 =	simm.s32 $0x1BF5;
	[smem:$0x3FA9] =	sst s0  }
0x18: {  	s0 =	sld [smem:$0x3F8C];
	_ =	swait.ge [sflag:s4], $0x0  }
0x19: {  	s7 =	sld [smem:$0x3F8D]  }
0x1a: {  	s8 =	sadd.s32 $0xFFFFE003, lr  }
0x1b: {  	s9 =	sadd.s32 $0xFFFFFEF7, lr;
	s5 =	simm.s32 $0xFFFFFFFF;
	p2 =	slt.u32 s8, $0xFFFFF086  }
0x1c: {  	p1 =	slt.u32 s9, $0xF7A;
	s5 =	simm.s32 @!p2 $0x0  }
0x1d: {  	s5 =	simm.s32 @p1 $0x1;
	p0 =	seq.s32 s7, s2  }
0x1e: {  	s7 =	smul.u32 @!p0 $0xF7A, s2;
	p2 =	seq.s32 @!p0 s5, $0x0  }
0x1f: {  	s9 =	smul.u32 $0xF7A, s1;
	s8 =	simm.s32 @!p0 $0x1BF5;
	p2 =	por !p2, p0  }
0x20: {  	[sflag:s8] =	ssyncset.s32 @!p0 $0xFFFFF086;
	s6 =	sadd.s32 @!p0 s3, s7;
	s7 =	simm.s32 @!p0 $0x108  }
0x21: {  	s3 =	sadd.s32 s3, s9;
	s6 =	sadd.s32 @!p0 $0x88, s6;
	s7 =	simm.s32 @p2 $0x1082  }
0x22: {  	[simem:s7], [sflag:s8] =	dma.local @!p0 [hbm:s6], $0xF7A  }
0x23: {  	s9 =	sor.u32 $0xD0000000, s2;
	s6 =	simm.s32 $0x108;
	_ =	swait.ge @!p0 [sflag:s8], $0x0  }
0x24: {  	s3 =	sadd.s32 $0x88, s3;
	s6 =	simm.s32 @!p1 $0x1082;
	[sflag:s4] =	ssyncset.s32 $0xFFFFF086  }
0x25: {  	[simem:s6], [sflag:s4] =	dma.local [hbm:s3], $0xF7A  }
0x26: {  	[smem:$0x3F8D] =	sst s1;
	(tag) =	ssettag s2;
	_ =	strace s9  }
0x27: {  	s1 =	sld [smem:$0x3F9D]  }
0x28: {  	s2 =	sld [smem:$0x3F9E]  }
0x29: {  	s4 =	sld [smem:$0x3FA0]  }
0x2a: {  	p0 =	seq.s32 s5, $0x0;
	s5 =	sld [smem:$0x3FA1]  }
0x2b: {  	s6 =	sld [smem:$0x3FA2]  }
0x2c: {  	s7 =	sld [smem:$0x3FA3]  }
0x2d: {  	s3 =	simm.s32 $0x108;
	s8 =	sld [smem:$0x3FA4]  }
0x2e: {  	s3 =	simm.s32 @!p0 $0x1082;
	s9 =	sld [smem:$0x3FA5]  }
0x2f: {  	lr =	sadd.s32 s0, s3;
	s0 =	sld [smem:$0x3F9C]  }
0x30: {  	s3 =	sld [smem:$0x3F9F]  }
0x31: {  	[smem:$0x3FA8] =	sst s10  }
0x32: {  	s10 =	sld [smem:$0x3FA6];
	_ =	sdelay $0x3  }
0x33: {  	p0 =	seq.s32 s10, $0x1;
	s10 =	sld [smem:$0x3FA8];
	_ =	sdelay $0x3  }
0x34: {  	[smem:$0x3FA8] =	sst s10  }
0x35: {  	s10 =	sld [smem:$0x3FA7];
	_ =	sdelay $0x3  }
0x36: {  	p1 =	seq.s32 s10, $0x1;
	s10 =	sld [smem:$0x3FA8];
	_ =	sdelay $0x3  }
0x37: {  	[smem:$0x3FA8] =	sst s10  }
0x38: {  	s10 =	sld [smem:$0x3FA9]  }
0x39: {  	_ = 	snop;
	(pc) =	sbr.ind lr, $3  }
0x3a: {  	_ = 	snop  }
0x3b: {  	_ = 	snop  }
0x3c: {  	p2 =	seq.s32 s10, $0x1;
	s10 =	sld [smem:$0x3FA8]  }
0x3d: {  	_ =	shalt  }
0x3e: {  	_ =	shalt  }
0x3f: {  	_ =	shalt  }
0x40: {  	_ =	shalt  }
0x41: {  	_ =	shalt  }
0x42: {  	_ =	shalt  }
0x43: {  	_ =	shalt  }
0x44: {  	_ =	shalt  }
0x45: {  	_ =	shalt  }
0x46: {  	_ =	shalt  }
0x47: {  	_ =	shalt  }
0x48: {  	_ =	shalt  }
0x49: {  	_ =	shalt  }
0x4a: {  	_ =	shalt  }
0x4b: {  	_ =	shalt  }
0x4c: {  	_ =	shalt  }
0x4d: {  	_ =	shalt  }
0x4e: {  	_ =	shalt  }
0x4f: {  	_ =	shalt  }
0x50: {  	_ =	shalt  }
0x51: {  	_ =	shalt  }
0x52: {  	_ =	shalt  }
0x53: {  	_ =	shalt  }
0x54: {  	_ =	shalt  }
0x55: {  	_ =	shalt  }
0x56: {  	_ =	shalt  }
0x57: {  	_ =	shalt  }
0x58: {  	_ =	shalt  }
0x59: {  	_ =	shalt  }
0x5a: {  	_ =	shalt  }
0x5b: {  	_ =	shalt  }
0x5c: {  	_ =	shalt  }
0x5d: {  	_ =	shalt  }
0x5e: {  	_ =	shalt  }
0x5f: {  	_ =	shalt  }
0x60: {  	_ =	shalt  }
0x61: {  	_ =	shalt  }
0x62: {  	_ =	shalt  }
0x63: {  	_ =	shalt  }
0x64: {  	_ =	shalt  }
0x65: {  	_ =	shalt  }
0x66: {  	_ =	shalt  }
0x67: {  	_ =	shalt  }
0x68: {  	_ =	shalt  }
0x69: {  	_ =	shalt  }
0x6a: {  	_ =	shalt  }
0x6b: {  	_ =	shalt  }
0x6c: {  	_ =	shalt  }
0x6d: {  	_ =	shalt  }
0x6e: {  	_ =	shalt  }
0x6f: {  	_ =	shalt  }
0x70: {  	_ =	shalt  }
0x71: {  	_ =	shalt  }
0x72: {  	_ =	shalt  }
0x73: {  	_ =	shalt  }
0x74: {  	_ =	shalt  }
0x75: {  	_ =	shalt  }
0x76: {  	_ =	shalt  }
0x77: {  	_ =	shalt  }
0x78: {  	_ =	shalt  }
0x79: {  	_ =	shalt  }
0x7a: {  	_ =	shalt  }
0x7b: {  	_ =	shalt  }
0x7c: {  	_ =	shalt  }
0x7d: {  	_ =	shalt  }
0x7e: {  	_ =	shalt  }
0x7f: {  	_ =	shalt  }
0x80: {  	_ =	shalt  }
0x81: {  	_ =	shalt  }
0x82: {  	_ =	shalt  }
0x83: {  	_ =	shalt  }
0x84: {  	_ =	shalt  }
0x85: {  	_ =	shalt  }
0x86: {  	_ =	shalt  }
0x87: {  	_ =	shalt  }
.Lfunc_end0:
.L_simem_size_0:
called_computation.9_lowered:
.L_overlay_start_0:
0x88: {  	s2 =	sld [smem:$0x3FD9]  }
0x89: {  	s3 =	sld [smem:$0x3FFE];
	_ =	sdelay $0x1  }
0x8a: {  	s1 =	srdreg.scid  }
0x8b: {  	s0 =	sand.u32 $0x1, s1  }
0x8c: {  	s16 =	sshll.u32 s0, $0xA;
	s2 =	sadd.s32 s3, s2  }
0x8d: {  	s2 =	sadd.s32 s2, s16  }
0x8e: {  	[smem:$0x3FB4] =	sst s2  }
0x8f: {  	_ = 	snop  }
0x90: {  	(tm) =	ssettm $0x1  }
0x91: {  	s17 =	sld [smem:$0x3FFB];
	_ =	sdelay $0x3  }
0x92: {  	_ =	strace s17  }
0x93: {  	s2 =	sld [smem:$0x3FFC];
	_ =	sdelay $0x3  }
0x94: {  	_ =	strace s2  }
0x95: {  	s2 =	sld [smem:$0x3FFD];
	_ =	sdelay $0x3  }
0x96: {  	_ =	strace s2  }
0x97: {  	_ =	strace $0x8FFFFFFF  }
0x98: {  	s18 =	sld [smem:$0x3FDB];
	_ =	sdelay $0x1  }
0x99: {  	s19 =	simm.s32 $_scs_section_size  }
0x9a: {  	s4 =	simm.s32 $_size__tile_overlayer_lowered;
	s5 =	simm.s32 $_tile_overlayer_lowered  }
0x9b: {  	s22 =	simm.s32 $0x1BFF;
	s21 =	sshll.u32 s5, $0x1;
	s2 =	sadd.s32 s19, s18  }
0x9c: {  	s6 =	simm.s32 $0x0;
	s20 =	sshll.u32 s4, $0x1;
	s4 =	sadd.s32 s21, s2  }
0x9d: {  	[timem:s6], [sflag:s22] =	dma.local [hbm:s4], s20  }
0x9e: {  	_ =	swait.ge [sflag:s22], s20  }
0x9f: {  	s3 =	ssub.s32 $0x0, s20;
	[sflag:s22] =	ssyncset.done $0x0  }
0xa0: {  	[sflag:s22] =	ssyncadd.s32 s3;
	_ =	sdelay $0x1  }
0xa1: {  	s23 =	simm.s32 $0x1B8B  }
0xa2: {  	_ =	swait.ge [sflag:s23], $0x1  }
0xa3: {  	[sflag:s23] =	ssyncset.done $0x0  }
0xa4: {  	s25 =	simm.s32 $0x1B8E;
	s24 =	sld [smem:$0x3FFE];
	[sflag:s23] =	ssyncadd.s32 $0xFFFFFFFF  }
0xa5: {  	s26 =	simm.s32 $execute0_lowered;
	[smem:$0x3FD2] =	sst s25  }
0xa6: {  	s4 =	sshll.u32 s26, $0x1;
	_ =	strace $0x80000055;
	[dreg:$0x1] =	wrdreg $0xFFFFFFFF  }
0xa7: {  	s28 =	simm.s32 $_size_execute0_lowered;
	s2 =	sadd.s32 s2, s4;
	[dreg:$0x0] =	wrdreg $0x0  }
0xa8: {  	s4 =	sshll.u32 s28, $0x1;
	[dreg:$0x2] =	wrdreg s2  }
0xa9: {  	[dreg:$0x3] =	wrdreg s4  }
0xaa: {  	[dreg:$0x4] =	wrdreg $0xC0  }
0xab: {  	_ =	task [dreg:s6], $0x5FFFF  }
0xac: {  	[dreg:$0x1] =	wrdreg $0xFFFFFFFF  }
0xad: {  	[dreg:$0x0] =	wrdreg $0x60  }
0xae: {  	[dreg:$0x2] =	wrdreg s24  }
0xaf: {  	[dreg:$0x3] =	wrdreg $0xD  }
0xb0: {  	_ =	task.clear_ibuf [dreg:s6], $0x4FFFF;
	_ =	strace $0x90000055  }
0xb1: {  	s29 =	simm.s32 $0xD;
	_ =	strace $0x80000057  }
0xb2: {  	_ =	swait.ge [sflag:s29], $0x1  }
0xb3: {  	[sflag:s29] =	ssyncadd.s32 $0xFFFFFFFF  }
0xb4: {  	_ =	strace $0x90000057  }
0xb5: {  	_ =	sfence  }
0xb6: {  	s30 =	sld [smem:$0x0];
	_ =	sdelay $0x2  }
0xb7: {  	s31 =	sshll.u32 s1, $0xD;
	s1 =	sshrl.u32 s1, $0x2  }
0xb8: {  	s3 =	sand.u32 $0x4000, s31;
	s1 =	sadd.s32 s1, s30  }
0xb9: {  	s0 =	sor.u32 s3, s0;
	s1 =	sshll.u32 s1, $0x11  }
0xba: {  	s0 =	sor.u32 s1, s0  }
0xbb: {  	s0 =	sadd.s32 $0x8F2B, s0  }
0xbc: {  	[sflag:s0] =	ssyncadd.remote.s32 $0x1  }
0xbd: {  	_ =	sfence.sel $0xFFFF  }
0xbe: {  	[dreg:$0x0] =	wrdreg $0xFFFFFFFF;
	(pc) =	sbr.abs _section_cstart, $3  }
0xbf: {  	[dreg:$0x1] =	wrdreg $0xFFFFFFFF  }
0xc0: {  	_ =	task.clear_ibuf [dreg:s6], $0x2FFFF;
	_ =	strace $0x9FFFFFFF  }
0xc1: {  	(tm) =	ssettm $0x7FFFFFFF  }
tec
execute0_lowered:
.L_overlay_start_1:
0x0: {  	(tag) =	ssettag $0x1  }
0x1: {  	s1 =	srdreg.scid;
	s0 =	stileid.u32  }
0x2: {  	s17 =	sand.u32 $0x1, s1;
	s26 =	sshll.u32 s0, $0x1  }
0x3: {  	s9 =	sor.u32 s17, s26  }
0x4: {  	s10 =	rddreg [dreg:$0x0];
	s18 =	smul.u32 $0x7D0, s9  }
0x5: {  	s2 =	simm.s32 $0x0;
	s1 =	rddreg [dreg:$0x1]  }
0x6: {  	[smem:$0x7FF] =	sst s2;
	s16 =	sadd.s32 $0x7A00, s10;
	s3 =	sshrl.u32 s18, $0x3  }
0x7: {  	_ =	strace $0x80000056;
	s4 =	sadd.s32 s16, s3;
	s3 =	simm.s32 $0x2  }
0x8: {  	[tilespmem:s2], [sflag:$0x2] =	stream.linear.gather [hbm4b:s4+s2], $0x190, $0x38;
	[tilespmem:$0xCA00] =	vst v63  }
0x9: {  	_ =	swait.ge [sflag:s3], $0x190  }
0xa: {  	s6 =	simm.s32 $0x190;
	s7 =	simm.s32 $0x200;
	[sflag:s3] =	ssyncset.done $0x0  }
0xb: {  	s8 =	simm.s32 $0x1;
	s5 =	sadd.s32 $0x33000, s10;
	[sflag:s3] =	ssyncadd.s32 $0xFFFFFE70  }
0xc: {  	[tilespmem:s7], [sflag:$0x1] =	stream.indirect.gather [hbm4b:s5+s6], $0x80, s2, s6, $0xb8;
	[tilespmem:$0xCA00] =	vst v63  }
0xd: {  	s9 =	smul.u32 $0x7D00, s9;
	_ =	swait.ge [sflag:s8], $0xC800  }
0xe: {  	s19 =	sadd.s32 $0x107A00, s10;
	[sflag:s8] =	ssyncset.done $0x0  }
0xf: {  	s9 =	sadd.s32 s19, s9;
	[sflag:s8] =	ssyncadd.s32 $0xFFFF3800  }
0x10: {  	[hbm4b:s9+s2] =	stream.linear.scatter [tilespmem:s7], [sflag:$0x2], $0xC800, $0x38;
	[tilespmem:$0xCA00] =	vst v63  }
0x11: {  	s11 =	sadd.s32 $0x190, s18;
	_ =	swait.ge [sflag:s3], $0xC800  }
0x12: {  	s28 =	sshrl.u32 s11, $0x3;
	[sflag:s3] =	ssyncset.done $0x0  }
0x13: {  	s10 =	sadd.s32 s16, s28;
	[sflag:s3] =	ssyncadd.s32 $0xFFFF3800  }
0x14: {  	[tilespmem:s2], [sflag:$0x2] =	stream.linear.gather [hbm4b:s10+s2], $0x190, $0x38;
	[tilespmem:$0xCA00] =	vst v63  }
0x15: {  	_ =	swait.ge [sflag:s3], $0x190  }
0x16: {  	[sflag:s3] =	ssyncset.done $0x0  }
0x17: {  	[sflag:s3] =	ssyncadd.s32 $0xFFFFFE70  }
0x18: {  	[tilespmem:s7], [sflag:$0x1] =	stream.indirect.gather [hbm4b:s5+s6], $0x80, s2, s6, $0xb8;
	[tilespmem:$0xCA00] =	vst v63  }
0x19: {  	_ =	swait.ge [sflag:s8], $0xC800  }
0x1a: {  	s11 =	sshll.u32 s11, $0x4;
	[sflag:s8] =	ssyncset.done $0x0  }
0x1b: {  	s11 =	sadd.s32 s19, s11;
	[sflag:s8] =	ssyncadd.s32 $0xFFFF3800  }
0x1c: {  	[hbm4b:s11+s2] =	stream.linear.scatter [tilespmem:s7], [sflag:$0x2], $0xC800, $0x38;
	[tilespmem:$0xCA00] =	vst v63  }
0x1d: {  	s13 =	sadd.s32 $0x320, s18;
	_ =	swait.ge [sflag:s3], $0xC800  }
0x1e: {  	s12 =	sshrl.u32 s13, $0x3;
	[sflag:s3] =	ssyncset.done $0x0  }
0x1f: {  	s12 =	sadd.s32 s16, s12;
	[sflag:s3] =	ssyncadd.s32 $0xFFFF3800  }
0x20: {  	[tilespmem:s2], [sflag:$0x2] =	stream.linear.gather [hbm4b:s12+s2], $0x190, $0x38;
	[tilespmem:$0xCA00] =	vst v63  }
0x21: {  	_ =	swait.ge [sflag:s3], $0x190  }
0x22: {  	[sflag:s3] =	ssyncset.done $0x0  }
0x23: {  	[sflag:s3] =	ssyncadd.s32 $0xFFFFFE70  }
0x24: {  	[tilespmem:s7], [sflag:$0x1] =	stream.indirect.gather [hbm4b:s5+s6], $0x80, s2, s6, $0xb8;
	[tilespmem:$0xCA00] =	vst v63  }
0x25: {  	_ =	swait.ge [sflag:s8], $0xC800  }
0x26: {  	s13 =	sshll.u32 s13, $0x4;
	[sflag:s8] =	ssyncset.done $0x0  }
0x27: {  	s13 =	sadd.s32 s19, s13;
	[sflag:s8] =	ssyncadd.s32 $0xFFFF3800  }
0x28: {  	[hbm4b:s13+s2] =	stream.linear.scatter [tilespmem:s7], [sflag:$0x2], $0xC800, $0x38;
	[tilespmem:$0xCA00] =	vst v63  }
0x29: {  	s15 =	sadd.s32 $0x4B0, s18;
	_ =	swait.ge [sflag:s3], $0xC800  }
0x2a: {  	s14 =	sshrl.u32 s15, $0x3;
	[sflag:s3] =	ssyncset.done $0x0  }
0x2b: {  	s14 =	sadd.s32 s16, s14;
	[sflag:s3] =	ssyncadd.s32 $0xFFFF3800  }
0x2c: {  	[tilespmem:s2], [sflag:$0x2] =	stream.linear.gather [hbm4b:s14+s2], $0x190, $0x38;
	[tilespmem:$0xCA00] =	vst v63  }
0x2d: {  	_ =	swait.ge [sflag:s3], $0x190  }
0x2e: {  	[sflag:s3] =	ssyncset.done $0x0  }
0x2f: {  	[sflag:s3] =	ssyncadd.s32 $0xFFFFFE70  }
0x30: {  	[tilespmem:s7], [sflag:$0x1] =	stream.indirect.gather [hbm4b:s5+s6], $0x80, s2, s6, $0xb8;
	[tilespmem:$0xCA00] =	vst v63  }
0x31: {  	_ =	swait.ge [sflag:s8], $0xC800  }
0x32: {  	s15 =	sshll.u32 s15, $0x4;
	[sflag:s8] =	ssyncset.done $0x0  }
0x33: {  	s15 =	sadd.s32 s19, s15;
	[sflag:s8] =	ssyncadd.s32 $0xFFFF3800  }
0x34: {  	[hbm4b:s15+s2] =	stream.linear.scatter [tilespmem:s7], [sflag:$0x2], $0xC800, $0x38;
	[tilespmem:$0xCA00] =	vst v63  }
0x35: {  	s18 =	sadd.s32 $0x640, s18;
	_ =	swait.ge [sflag:s3], $0xC800  }
0x36: {  	s20 =	sshrl.u32 s18, $0x3;
	[sflag:s3] =	ssyncset.done $0x0  }
0x37: {  	s17 =	ssub.s32 $0x2, s17;
	s16 =	sadd.s32 s16, s20;
	[sflag:s3] =	ssyncadd.s32 $0xFFFF3800  }
0x38: {  	[tilespmem:s2], [sflag:$0x2] =	stream.linear.gather [hbm4b:s16+s2], $0x190, $0x38;
	[tilespmem:$0xCA00] =	vst v63  }
0x39: {  	s29 =	sshrl.u32 s17, $0x1;
	_ =	swait.ge [sflag:s3], $0x190  }
0x3a: {  	s20 =	ssub.s32 s17, s29;
	[sflag:s3] =	ssyncset.done $0x0  }
0x3b: {  	s31 =	smax.u32 s20, $0x1;
	[sflag:s3] =	ssyncadd.s32 $0xFFFFFE70  }
0x3c: {  	[tilespmem:s7], [sflag:$0x1] =	stream.indirect.gather [hbm4b:s5+s6], $0x80, s2, s6, $0xb8;
	[tilespmem:$0xCA00] =	vst v63  }
0x3d: {  	p0 =	sne.s32 s31, $0x1;
	_ =	swait.ge [sflag:s8], $0xC800  }
.Ltmp0:
0x3e: {  	s30 =	sshll.u32 s18, $0x4;
	[sflag:s8] =	ssyncset.done $0x0;
	(pc) =	sbr.rel @!p0 .LBB2_2-.Ltmp0, $4  }
0x3f: {  	s17 =	sadd.s32 s19, s30;
	[sflag:s8] =	ssyncadd.s32 $0xFFFF3800  }
0x40: {  	[hbm4b:s17+s2] =	stream.linear.scatter [tilespmem:s7], [sflag:$0x2], $0xC800, $0x38;
	[tilespmem:$0xCA00] =	vst v63  }
0x41: {  	_ =	swait.ge [sflag:s3], $0xC800  }
0x42: {  	s18 =	sadd.s32 $0xFFFFFFFF, s31;
	[sflag:s3] =	ssyncset.done $0x0  }
.LBB2_1:
0x43: {  	p0 =	sne.s32 s18, $0x1;
	s18 =	sadd.s32 $0xFFFFFFFF, s18;
	[sflag:s3] =	ssyncadd.s32 $0xFFFF3800  }
0x44: {  	[tilespmem:s2], [sflag:$0x2] =	stream.linear.gather [hbm4b:s4+s2], $0x190, $0x38;
	[tilespmem:$0xCA00] =	vst v63  }
0x45: {  	_ =	swait.ge [sflag:s3], $0x190  }
0x46: {  	[sflag:s3] =	ssyncset.done $0x0  }
0x47: {  	[sflag:s3] =	ssyncadd.s32 $0xFFFFFE70  }
0x48: {  	[tilespmem:s7], [sflag:$0x1] =	stream.indirect.gather [hbm4b:s5+s6], $0x80, s2, s6, $0xb8;
	[tilespmem:$0xCA00] =	vst v63  }
0x49: {  	_ =	swait.ge [sflag:s8], $0xC800  }
0x4a: {  	[sflag:s8] =	ssyncset.done $0x0  }
0x4b: {  	[sflag:s8] =	ssyncadd.s32 $0xFFFF3800  }
0x4c: {  	[hbm4b:s9+s2] =	stream.linear.scatter [tilespmem:s7], [sflag:$0x2], $0xC800, $0x38;
	[tilespmem:$0xCA00] =	vst v63  }
0x4d: {  	_ =	swait.ge [sflag:s3], $0xC800  }
0x4e: {  	[sflag:s3] =	ssyncset.done $0x0  }
0x4f: {  	[sflag:s3] =	ssyncadd.s32 $0xFFFF3800  }
0x50: {  	[tilespmem:s2], [sflag:$0x2] =	stream.linear.gather [hbm4b:s10+s2], $0x190, $0x38;
	[tilespmem:$0xCA00] =	vst v63  }
0x51: {  	_ =	swait.ge [sflag:s3], $0x190  }
0x52: {  	[sflag:s3] =	ssyncset.done $0x0  }
0x53: {  	[sflag:s3] =	ssyncadd.s32 $0xFFFFFE70  }
0x54: {  	[tilespmem:s7], [sflag:$0x1] =	stream.indirect.gather [hbm4b:s5+s6], $0x80, s2, s6, $0xb8;
	[tilespmem:$0xCA00] =	vst v63  }
0x55: {  	_ =	swait.ge [sflag:s8], $0xC800  }
0x56: {  	[sflag:s8] =	ssyncset.done $0x0  }
0x57: {  	[sflag:s8] =	ssyncadd.s32 $0xFFFF3800  }
0x58: {  	[hbm4b:s11+s2] =	stream.linear.scatter [tilespmem:s7], [sflag:$0x2], $0xC800, $0x38;
	[tilespmem:$0xCA00] =	vst v63  }
0x59: {  	_ =	swait.ge [sflag:s3], $0xC800  }
0x5a: {  	[sflag:s3] =	ssyncset.done $0x0  }
0x5b: {  	[sflag:s3] =	ssyncadd.s32 $0xFFFF3800  }
0x5c: {  	[tilespmem:s2], [sflag:$0x2] =	stream.linear.gather [hbm4b:s12+s2], $0x190, $0x38;
	[tilespmem:$0xCA00] =	vst v63  }
0x5d: {  	_ =	swait.ge [sflag:s3], $0x190  }
0x5e: {  	[sflag:s3] =	ssyncset.done $0x0  }
0x5f: {  	[sflag:s3] =	ssyncadd.s32 $0xFFFFFE70  }
0x60: {  	[tilespmem:s7], [sflag:$0x1] =	stream.indirect.gather [hbm4b:s5+s6], $0x80, s2, s6, $0xb8;
	[tilespmem:$0xCA00] =	vst v63  }
0x61: {  	_ =	swait.ge [sflag:s8], $0xC800  }
0x62: {  	[sflag:s8] =	ssyncset.done $0x0  }
0x63: {  	[sflag:s8] =	ssyncadd.s32 $0xFFFF3800  }
0x64: {  	[hbm4b:s13+s2] =	stream.linear.scatter [tilespmem:s7], [sflag:$0x2], $0xC800, $0x38;
	[tilespmem:$0xCA00] =	vst v63  }
0x65: {  	_ =	swait.ge [sflag:s3], $0xC800  }
0x66: {  	[sflag:s3] =	ssyncset.done $0x0  }
0x67: {  	[sflag:s3] =	ssyncadd.s32 $0xFFFF3800  }
0x68: {  	[tilespmem:s2], [sflag:$0x2] =	stream.linear.gather [hbm4b:s14+s2], $0x190, $0x38;
	[tilespmem:$0xCA00] =	vst v63  }
0x69: {  	_ =	swait.ge [sflag:s3], $0x190  }
0x6a: {  	[sflag:s3] =	ssyncset.done $0x0  }
0x6b: {  	[sflag:s3] =	ssyncadd.s32 $0xFFFFFE70  }
0x6c: {  	[tilespmem:s7], [sflag:$0x1] =	stream.indirect.gather [hbm4b:s5+s6], $0x80, s2, s6, $0xb8;
	[tilespmem:$0xCA00] =	vst v63  }
0x6d: {  	_ =	swait.ge [sflag:s8], $0xC800  }
0x6e: {  	[sflag:s8] =	ssyncset.done $0x0  }
0x6f: {  	[sflag:s8] =	ssyncadd.s32 $0xFFFF3800  }
0x70: {  	[hbm4b:s15+s2] =	stream.linear.scatter [tilespmem:s7], [sflag:$0x2], $0xC800, $0x38;
	[tilespmem:$0xCA00] =	vst v63  }
0x71: {  	_ =	swait.ge [sflag:s3], $0xC800  }
0x72: {  	[sflag:s3] =	ssyncset.done $0x0  }
0x73: {  	[sflag:s3] =	ssyncadd.s32 $0xFFFF3800  }
0x74: {  	[tilespmem:s2], [sflag:$0x2] =	stream.linear.gather [hbm4b:s16+s2], $0x190, $0x38;
	[tilespmem:$0xCA00] =	vst v63  }
0x75: {  	_ =	swait.ge [sflag:s3], $0x190  }
0x76: {  	[sflag:s3] =	ssyncset.done $0x0  }
0x77: {  	[sflag:s3] =	ssyncadd.s32 $0xFFFFFE70  }
0x78: {  	[tilespmem:s7], [sflag:$0x1] =	stream.indirect.gather [hbm4b:s5+s6], $0x80, s2, s6, $0xb8;
	[tilespmem:$0xCA00] =	vst v63  }
0x79: {  	_ =	swait.ge [sflag:s8], $0xC800  }
.Ltmp1:
0x7a: {  	[sflag:s8] =	ssyncset.done $0x0;
	(pc) =	sbr.rel @p0 .LBB2_1-.Ltmp1, $4  }
0x7b: {  	[sflag:s8] =	ssyncadd.s32 $0xFFFF3800  }
0x7c: {  	[hbm4b:s17+s2] =	stream.linear.scatter [tilespmem:s7], [sflag:$0x2], $0xC800, $0x38;
	[tilespmem:$0xCA00] =	vst v63  }
0x7d: {  	_ =	swait.ge [sflag:s3], $0xC800  }
0x7e: {  	[sflag:s3] =	ssyncset.done $0x0  }
.LBB2_2:
0x7f: {  	[sflag:s3] =	ssyncadd.s32 $0xFFFF3800  }
0x80: {  	_ =	sfence.sel $0x180000  }
0x81: {  	[bflag:$0x0] =	sbarrier.arrive $0xFFFF  }
0x82: {  	p0 =	sne.s32 s0, $0x0;
	_ =	strace $0x90000056  }
0x83: {  	s0 =	sadd.s32 @!p0 $0x100000, s1;
	[bflag:$0x2] =	sbarrier.arrive $0xFFFF  }
0x84: {  	[sflag:s0] =	ssyncadd.tile.s32 @!p0 $0x1;
	_ =	shalt  }
.Lfunc_end2:
_tile_overlayer_lowered:
.L_overlay_start_2:
0x85: {  	(tag) =	ssettag $0x2  }
0x86: {  	s0 =	rddreg [dreg:$0x0];
	s2 =	stileid.u32  }
0x87: {  	s1 =	rddreg [dreg:$0x1];
	p0 =	sne.s32 s2, $0x0  }
0x88: {  	s3 =	rddreg [dreg:$0x2];
	[bflag:$0x3] =	sbarrier.arrive $0xFFFF;
	s2 =	simm.s32 @!p0 $0x1C02  }
0x89: {  	[timem:s3], [sflag:s2] =	dma.local @!p0 [hbm:s0], s1  }
0x8a: {  	s0 =	simm.s32 @!p0 $0x2  }
0x8b: {  	_ =	swait.ge @!p0 [sflag:s0], s1  }
0x8c: {  	s1 =	ssub.s32 @!p0 $0x0, s1;
	[sflag:s0] =	ssyncset.done @!p0 $0x0  }
0x8d: {  	[sflag:s0] =	ssyncadd.s32 @!p0 s1  }
0x8e: {  	[bflag:$0x3] =	sbarrier.arrive $0xFFFF  }
0x8f: {  	_ =	shalt  }

</sc_bundles>
